<compile_context>
chip_gen: v7x
topology: tpu7x:2x2x1
jax: 0.10.2.dev20260603
libtpu: 0.0.44.dev20260713+nightly
codegen_flags: <defaults>
</compile_context>

<pallas_src>
import functools

import jax
import jax.numpy as jnp
from jax import lax
from jax.experimental import pallas as pl
from jax.experimental.pallas import tpu as pltpu
from jax.experimental.pallas import tpu_sc as plsc

N_SEG = 64
LANES = 16
NC, NS = 2, 16
NW = NC * NS
ROWS = 16384
COLS = 2048
R_CHUNK = 16
N_CHUNK = ROWS // R_CHUNK // NW
CPG = 1024 // R_CHUNK
W_TILE = 128
NT = COLS // W_TILE


def _round_idx(num):
    q = num >> 6
    rem = num & 63
    tie_up = (rem == 32) & ((q & 1) == 0)
    inc = jnp.where((rem > 32) | tie_up, 1, 0)
    return q + inc


def _make_sc_kernel():
    mesh = plsc.VectorSubcoreMesh(core_axis_name="c", subcore_axis_name="s")

    @functools.partial(
        pl.kernel,
        mesh=mesh,
        compiler_params=pltpu.CompilerParams(needs_layout_passes=False),
        out_type=jax.ShapeDtypeStruct((ROWS, N_SEG), jnp.float32),
        scratch_types=[
            pltpu.VMEM((LANES,), jnp.int32),
            pltpu.VMEM((R_CHUNK, COLS), jnp.float32),
            pltpu.VMEM((R_CHUNK, COLS), jnp.float32),
            pltpu.VMEM((R_CHUNK, COLS), jnp.float32),
            pltpu.VMEM((R_CHUNK, N_SEG), jnp.float32),
            pltpu.VMEM((R_CHUNK, N_SEG), jnp.float32),
            pltpu.VMEM((R_CHUNK, N_SEG), jnp.float32),
            pltpu.SMEM((LANES,), jnp.int32),
            pltpu.SMEM((LANES,), jnp.int32),
            pltpu.SemaphoreType.DMA,
            pltpu.SemaphoreType.DMA,
            pltpu.SemaphoreType.DMA,
            pltpu.SemaphoreType.DMA,
            pltpu.SemaphoreType.DMA,
            pltpu.SemaphoreType.DMA,
        ],
    )
    def k(inp_hbm, len_hbm, out_hbm, len_v,
          in0, in1, in2, ob0, ob1, ob2, t_tab, nt_tab,
          is0, is1, is2, os0, os1, os2):
        wid = lax.axis_index("s") * NC + lax.axis_index("c")

        pltpu.sync_copy(len_hbm, len_v)
        lane = lax.iota(jnp.int32, LANES)

        ins = [in0, in1, in2]
        obs = [ob0, ob1, ob2]
        isems = [is0, is1, is2]
        osems = [os0, os1, os2]

        def fill_tab(g, carry):
            T0 = jnp.max(jnp.where(lane == g, len_v[...], 0))
            T = jnp.where(T0 < 2 * N_SEG, (2 * N_SEG // T0 + 1) * T0, T0)
            idx_max = _round_idx((T - 1) * (N_SEG - 1))
            t_tab[g] = T
            nt_tab[g] = (idx_max >> 7) + 1
            return carry
        lax.fori_loop(0, LANES, fill_tab, 0)

        def chunk_len(c):
            cid = wid + NW * c
            return cid, t_tab[cid // CPG]

        def start_in(c, b):
            cid = wid + NW * c
            ntiles = nt_tab[cid // CPG]
            full = ntiles >= NT
            row = cid * R_CHUNK

            @pl.when(full)
            def _full():
                pltpu.async_copy(inp_hbm.at[pl.ds(row, R_CHUNK)],
                                 ins[b], isems[b])

            @pl.when(~full)
            def _prefix():
                def t_body(t, carry):
                    pltpu.async_copy(
                        inp_hbm.at[pl.ds(row, R_CHUNK),
                                   pl.ds(t * W_TILE, W_TILE)],
                        ins[b].at[:, pl.ds(t * W_TILE, W_TILE)], isems[b])
                    return carry
                lax.fori_loop(0, ntiles, t_body, 0)

        def wait_in(c, b):
            ntiles = nt_tab[(wid + NW * c) // CPG]
            full = ntiles >= NT

            @pl.when(full)
            def _full():
                pltpu.make_async_copy(
                    inp_hbm.at[pl.ds(0, R_CHUNK)], ins[b], isems[b]).wait()

            @pl.when(~full)
            def _prefix():
                def t_body(t, carry):
                    pltpu.make_async_copy(
                        inp_hbm.at[pl.ds(0, R_CHUNK), pl.ds(0, W_TILE)],
                        ins[b].at[:, pl.ds(0, W_TILE)], isems[b]).wait()
                    return carry
                lax.fori_loop(0, ntiles, t_body, 0)

        def start_out(c, b):
            cid = wid + NW * c
            pltpu.async_copy(
                obs[b], out_hbm.at[pl.ds(cid * R_CHUNK, R_CHUNK)], osems[b])

        def wait_out(b):
            pltpu.make_async_copy(
                obs[b], out_hbm.at[pl.ds(0, R_CHUNK)], osems[b]).wait()

        def compute(c, b):
            _, T = chunk_len(c)
            cols = [_round_idx((T - 1) * (lane + v * LANES))
                    for v in range(N_SEG // LANES)]
            buf, ob = ins[b], obs[b]
            for r in range(R_CHUNK):
                rsp = jnp.full((LANES,), r, jnp.int32)
                vecs = [plsc.load_gather(buf, [rsp, cols[v]])
                        for v in range(N_SEG // LANES)]
                for v, vec in enumerate(vecs):
                    ob[r, pl.ds(v * LANES, LANES)] = vec

        start_in(0, 0)
        start_in(1, 1)

        def body(i, carry):
            c = 3 * i
            start_in(c + 2, 2)

            wait_in(c, 0)
            @pl.when(i > 0)
            def _w0():
                wait_out(0)
            compute(c, 0)
            start_out(c, 0)
            start_in(c + 3, 0)

            wait_in(c + 1, 1)
            @pl.when(i > 0)
            def _w1():
                wait_out(1)
            compute(c + 1, 1)
            start_out(c + 1, 1)
            start_in(c + 4, 1)

            wait_in(c + 2, 2)
            @pl.when(i > 0)
            def _w2():
                wait_out(2)
            compute(c + 2, 2)
            start_out(c + 2, 2)
            return carry

        NI = N_CHUNK // 3
        lax.fori_loop(0, NI, body, 0)

        wait_in(N_CHUNK - 2, 0)
        wait_out(0)
        compute(N_CHUNK - 2, 0)
        start_out(N_CHUNK - 2, 0)

        wait_in(N_CHUNK - 1, 1)
        wait_out(1)
        compute(N_CHUNK - 1, 1)
        start_out(N_CHUNK - 1, 1)

        wait_out(2)
        wait_out(0)
        wait_out(1)

    return k


_sc_kernel = _make_sc_kernel()


def kernel(inp, length, n_batchs):
    del n_batchs
    return _sc_kernel(inp, length.astype(jnp.int32))

# --- scband reference (transcript-rebuilt; emitter-appended) ---
"""Pipeline reference for scband-sp-var-5111011082841 (READ-ONLY COPY).

The authoritative reference and input builder live on the scoring server;
editing this copy changes nothing except your own understanding.
"""

import jax, jax.numpy as jnp
import numpy as np

N_SEGMENTS = 64


def setup_inputs(seed: int = 0) -> dict:
    key = jax.random.key(seed)
    k1, k2 = jax.random.split(key)
    inp = jax.random.normal(k1, (16384, 2048), dtype=jnp.float32)
    length = jax.random.randint(k2, (16,), 0, 2048, dtype=jnp.int64)
    # lengths must be >= 1 (module divides by length[i] when enlarging)
    length = jnp.maximum(length, 1)
    n_batchs = 16
    return {"inp": inp, "length": length, "n_batchs": n_batchs}


def _segment_indices(tmp_fm, n_segments: int):
    tmpenlarge = n_segments * 2 // tmp_fm + 1
    tmp_fm = jnp.where(tmp_fm < n_segments * 2, tmpenlarge * tmp_fm, tmp_fm)
    i = jnp.arange(n_segments, dtype=jnp.float32)
    t_vec = 1.0 + (tmp_fm.astype(jnp.float32) - 1.0) * i / jnp.float32(n_segments)
    return jnp.round(t_vec).astype(jnp.int32) - 1


def reference(inp, length, n_batchs):
    n_b = length.shape[0]
    batch_size = inp.shape[0] // n_b
    batch_size_traced = inp.shape[0] // n_batchs
    out = []
    for i in range(n_b):
        idx = _segment_indices(length[i], N_SEGMENTS)
        start = i * batch_size_traced
        chunk = jax.lax.dynamic_slice(inp, (start, 0), (batch_size, inp.shape[1]))
        out.append(jnp.take(chunk, idx, axis=1))
    return jnp.concatenate(out, axis=0)

if __name__ == "__main__":
    import jax
    _d = setup_inputs()
    print(jax.jit(kernel)(*tuple(_d.values())))

</pallas_src>

<mosaic_0001>
#map = affine_map<(d0, d1) -> (0, 0)>
#map1 = affine_map<(d0, d1) -> (0)>
module attributes {stable_mosaic.version = 14 : i64} {
  func.func @k(%arg0: i32, %arg1: i32, %arg2: memref<16384x2048xf32, #tpu.memory_space<hbm>>, %arg3: memref<16xi32, #tpu.memory_space<hbm>>, %arg4: memref<16384x64xf32, #tpu.memory_space<hbm>>, %arg5: memref<16xi32, #tpu.memory_space<vmem>>, %arg6: memref<16x2048xf32, #tpu.memory_space<vmem>>, %arg7: memref<16x2048xf32, #tpu.memory_space<vmem>>, %arg8: memref<16x2048xf32, #tpu.memory_space<vmem>>, %arg9: memref<16x64xf32, #tpu.memory_space<vmem>>, %arg10: memref<16x64xf32, #tpu.memory_space<vmem>>, %arg11: memref<16x64xf32, #tpu.memory_space<vmem>>, %arg12: memref<16xi32, #tpu.memory_space<smem>>, %arg13: memref<16xi32, #tpu.memory_space<smem>>, %arg14: memref<!tpu.dma_semaphore, #tpu.memory_space<semaphore_mem>>, %arg15: memref<!tpu.dma_semaphore, #tpu.memory_space<semaphore_mem>>, %arg16: memref<!tpu.dma_semaphore, #tpu.memory_space<semaphore_mem>>, %arg17: memref<!tpu.dma_semaphore, #tpu.memory_space<semaphore_mem>>, %arg18: memref<!tpu.dma_semaphore, #tpu.memory_space<semaphore_mem>>, %arg19: memref<!tpu.dma_semaphore, #tpu.memory_space<semaphore_mem>>) attributes {dimension_semantics = [#tpu.dimension_semantics<core_parallel>, #tpu.dimension_semantics<subcore_parallel>], iteration_bounds = array<i64: 2, 16>, scalar_prefetch = 0 : i64, scratch_operands = 15 : i64, tpu.core_type = #tpu.core_type<sc_vector_subcore>, window_params = [{transform_indices = #map}, {transform_indices = #map1}, {transform_indices = #map}]} {
    %mul3A = arith.constant 2 : i32
    %mul3A_0 = arith.muli %arg1, %mul3A : i32
    %add3A = arith.addi %mul3A_0, %arg0 : i32
    "tpu.region"() ({
      %run_scoped3A = tpu.sem_alloc : memref<!tpu.dma_semaphore, #tpu.memory_space<semaphore_mem>>
      tpu.enqueue_dma source(%arg3 : memref<16xi32, #tpu.memory_space<hbm>>) target(%arg5 : memref<16xi32, #tpu.memory_space<vmem>>) target_semaphore(%run_scoped3A : memref<!tpu.dma_semaphore, #tpu.memory_space<semaphore_mem>>)
      tpu.wait_dma2 semaphore(%run_scoped3A : memref<!tpu.dma_semaphore, #tpu.memory_space<semaphore_mem>>) src(%arg3 : memref<16xi32, #tpu.memory_space<hbm>>) dst(%arg5 : memref<16xi32, #tpu.memory_space<vmem>>)
      tpu.yield
    }) : () -> ()
    %iota3A = tpu.iota {dimensions = array<i32: 0>} : vector<16xi32>
    %scan3A = arith.constant 0 : i32
    %scan3A_1 = arith.constant 0 : i32
    %scan3A_2 = arith.constant 16 : i32
    %scan3A_3 = arith.addi %scan3A_1, %scan3A_2 : i32
    %scan3A_4 = arith.constant 1 : i32
    scf.for %scan3A_1216 = %scan3A_1 to %scan3A_3 step %scan3A_4  : i32 {
      %eq3A_1217 = vector.broadcast %scan3A_1216 : i32 to vector<16xi32>
      %eq3A_1218 = arith.cmpi eq, %iota3A, %eq3A_1217 : vector<16xi32>
      %get3A_1219 = arith.constant 0 : index
      %get3A_1220 = tpu.vector_load %arg5[%get3A_1219] {strides = array<i32>} : memref<16xi32, #tpu.memory_space<vmem>>, vector<16xi32>,
      %jit3A_1221 = arith.constant 0 : i32
      %broadcast_in_dim3A_1222 = vector.broadcast %jit3A_1221 : i32 to vector<16xi32>
      %select_n3A_1223 = arith.select %eq3A_1218, %get3A_1220, %broadcast_in_dim3A_1222 : vector<16xi1>, vector<16xi32>
      %reduce_max3A = arith.constant true
      %reduce_max3A_1224 = vector.broadcast %reduce_max3A : i1 to vector<16xi1>
      %reduce_max3A_1225 = arith.constant -2147483648 : i32
      %reduce_max3A_1226 = vector.broadcast %reduce_max3A_1225 : i32 to vector<16xi32>
      %reduce_max3A_1227 = arith.xori %select_n3A_1223, %reduce_max3A_1226 : vector<16xi32>
      %reduce_max3A_1228 = tpu.scan <max>, %reduce_max3A_1227 masked %reduce_max3A_1224 : vector<16xi32>, vector<16xi1> -> vector<16xi32>
      %reduce_max3A_1229 = arith.xori %reduce_max3A_1228, %reduce_max3A_1226 : vector<16xi32>
      %reduce_max3A_1230 = vector.extract %reduce_max3A_1229[15] : i32 from vector<16xi32>
      %lt3A = arith.constant 128 : i32
      %lt3A_1231 = arith.cmpi slt, %reduce_max3A_1230, %lt3A : i32
      %jit3A_1232 = arith.constant 128 : i32
      %div3A_1233 = arith.divsi %jit3A_1232, %reduce_max3A_1230 : i32
      %sign3A_1234 = arith.constant 0 : i32
      %sign3A_1235 = arith.cmpi sgt, %jit3A_1232, %sign3A_1234 : i32
      %sign3A_1236 = arith.extui %sign3A_1235 : i1 to i32
      %sign3A_1237 = arith.constant 0 : i32
      %sign3A_1238 = arith.cmpi slt, %jit3A_1232, %sign3A_1237 : i32
      %sign3A_1239 = arith.extui %sign3A_1238 : i1 to i32
      %sign3A_1240 = arith.subi %sign3A_1236, %sign3A_1239 : i32
      %sign3A_1241 = arith.constant 0 : i32
      %sign3A_1242 = arith.cmpi sgt, %reduce_max3A_1230, %sign3A_1241 : i32
      %sign3A_1243 = arith.extui %sign3A_1242 : i1 to i32
      %sign3A_1244 = arith.constant 0 : i32
      %sign3A_1245 = arith.cmpi slt, %reduce_max3A_1230, %sign3A_1244 : i32
      %sign3A_1246 = arith.extui %sign3A_1245 : i1 to i32
      %sign3A_1247 = arith.subi %sign3A_1243, %sign3A_1246 : i32
      %ne3A_1248 = arith.cmpi ne, %sign3A_1240, %sign3A_1247 : i32
      %rem3A_1249 = arith.remsi %jit3A_1232, %reduce_max3A_1230 : i32
      %ne3A_1250 = arith.constant 0 : i32
      %ne3A_1251 = arith.cmpi ne, %rem3A_1249, %ne3A_1250 : i32
      %and3A_1252 = arith.andi %ne3A_1248, %ne3A_1251 : i1
      %sub3A_1253 = arith.constant 1 : i32
      %sub3A_1254 = arith.subi %div3A_1233, %sub3A_1253 : i32
      %select_n3A_1255 = arith.select %and3A_1252, %sub3A_1254, %div3A_1233 : i32
      %add3A_1256 = arith.constant 1 : i32
      %add3A_1257 = arith.addi %select_n3A_1255, %add3A_1256 : i32
      %mul3A_1258 = arith.muli %add3A_1257, %reduce_max3A_1230 : i32
      %select_n3A_1259 = arith.select %lt3A_1231, %mul3A_1258, %reduce_max3A_1230 : i32
      %sub3A_1260 = arith.constant 1 : i32
      %sub3A_1261 = arith.subi %select_n3A_1259, %sub3A_1260 : i32
      %mul3A_1262 = arith.constant 63 : i32
      %mul3A_1263 = arith.muli %sub3A_1261, %mul3A_1262 : i32
      %shift_right_arithmetic3A_1264 = arith.constant 6 : i32
      %shift_right_arithmetic3A_1265 = arith.shrsi %mul3A_1263, %shift_right_arithmetic3A_1264 : i32
      %and3A_1266 = arith.constant 63 : i32
      %and3A_1267 = arith.andi %mul3A_1263, %and3A_1266 : i32
      %eq3A_1268 = arith.constant 32 : i32
      %eq3A_1269 = arith.cmpi eq, %and3A_1267, %eq3A_1268 : i32
      %and3A_1270 = arith.constant 1 : i32
      %and3A_1271 = arith.andi %shift_right_arithmetic3A_1265, %and3A_1270 : i32
      %eq3A_1272 = arith.constant 0 : i32
      %eq3A_1273 = arith.cmpi eq, %and3A_1271, %eq3A_1272 : i32
      %and3A_1274 = arith.andi %eq3A_1269, %eq3A_1273 : i1
      %gt3A_1275 = arith.constant 32 : i32
      %gt3A_1276 = arith.cmpi sgt, %and3A_1267, %gt3A_1275 : i32
      %or3A_1277 = arith.ori %gt3A_1276, %and3A_1274 : i1
      %jit3A_1278 = arith.constant 1 : i32
      %jit3A_1279 = arith.constant 0 : i32
      %select_n3A_1280 = arith.select %or3A_1277, %jit3A_1278, %jit3A_1279 : i32
      %add3A_1281 = arith.addi %shift_right_arithmetic3A_1265, %select_n3A_1280 : i32
      %swap3A_1282 = arith.index_cast %scan3A_1216 : i32 to index
      %swap3A_1283 = memref.load %arg12[%swap3A_1282] : memref<16xi32, #tpu.memory_space<smem>>
      memref.store %select_n3A_1259, %arg12[%swap3A_1282] : memref<16xi32, #tpu.memory_space<smem>>
      %shift_right_arithmetic3A_1284 = arith.constant 7 : i32
      %shift_right_arithmetic3A_1285 = arith.shrsi %add3A_1281, %shift_right_arithmetic3A_1284 : i32
      %add3A_1286 = arith.constant 1 : i32
      %add3A_1287 = arith.addi %shift_right_arithmetic3A_1285, %add3A_1286 : i32
      %swap3A_1288 = arith.index_cast %scan3A_1216 : i32 to index
      %swap3A_1289 = memref.load %arg13[%swap3A_1288] : memref<16xi32, #tpu.memory_space<smem>>
      memref.store %add3A_1287, %arg13[%swap3A_1288] : memref<16xi32, #tpu.memory_space<smem>>
    }
    %scan3A_5 = arith.constant 16 : i32
    %add3A_6 = arith.constant 0 : i32
    %add3A_7 = arith.addi %add3A, %add3A_6 : i32
    %jit3A = arith.constant 64 : i32
    %div3A = arith.divsi %add3A_7, %jit3A : i32
    %sign3A = arith.constant 0 : i32
    %sign3A_8 = arith.cmpi sgt, %add3A_7, %sign3A : i32
    %sign3A_9 = arith.extui %sign3A_8 : i1 to i32
    %sign3A_10 = arith.constant 0 : i32
    %sign3A_11 = arith.cmpi slt, %add3A_7, %sign3A_10 : i32
    %sign3A_12 = arith.extui %sign3A_11 : i1 to i32
    %sign3A_13 = arith.subi %sign3A_9, %sign3A_12 : i32
    %sign3A_14 = arith.constant 0 : i32
    %sign3A_15 = arith.cmpi sgt, %jit3A, %sign3A_14 : i32
    %sign3A_16 = arith.extui %sign3A_15 : i1 to i32
    %sign3A_17 = arith.constant 0 : i32
    %sign3A_18 = arith.cmpi slt, %jit3A, %sign3A_17 : i32
    %sign3A_19 = arith.extui %sign3A_18 : i1 to i32
    %sign3A_20 = arith.subi %sign3A_16, %sign3A_19 : i32
    %ne3A = arith.cmpi ne, %sign3A_13, %sign3A_20 : i32
    %rem3A = arith.remsi %add3A_7, %jit3A : i32
    %ne3A_21 = arith.constant 0 : i32
    %ne3A_22 = arith.cmpi ne, %rem3A, %ne3A_21 : i32
    %and3A = arith.andi %ne3A, %ne3A_22 : i1
    %sub3A = arith.constant 1 : i32
    %sub3A_23 = arith.subi %div3A, %sub3A : i32
    %select_n3A = arith.select %and3A, %sub3A_23, %div3A : i32
    %get3A = arith.index_cast %select_n3A : i32 to index
    %get3A_24 = memref.load %arg13[%get3A] : memref<16xi32, #tpu.memory_space<smem>>
    %ge3A = arith.constant 16 : i32
    %ge3A_25 = arith.cmpi sge, %get3A_24, %ge3A : i32
    %mul3A_26 = arith.constant 16 : i32
    %mul3A_27 = arith.muli %add3A_7, %mul3A_26 : i32
    %convert_element_type3A = arith.extui %ge3A_25 : i1 to i32
    %cond3A = arith.constant 0 : i32
    %cond3A_28 = arith.cmpi ne, %convert_element_type3A, %cond3A : i32
    scf.if %cond3A_28 {
      %dma_start3A_1216 = arith.constant 0 : i32
      %dma_start3A_1217 = tpu.memref_slice %arg2[%mul3A_27, %dma_start3A_1216] : memref<16384x2048xf32, #tpu.memory_space<hbm>> -> memref<16x2048xf32, #tpu.memory_space<hbm>>
      %dma_start3A_1218 = arith.constant 0 : i32
      %dma_start3A_1219 = tpu.memref_slice %arg2[%mul3A_27, %dma_start3A_1218] : memref<16384x2048xf32, #tpu.memory_space<hbm>> -> memref<16x2048xf32, #tpu.memory_space<hbm>>
      tpu.enqueue_dma source(%dma_start3A_1219 : memref<16x2048xf32, #tpu.memory_space<hbm>>) target(%arg6 : memref<16x2048xf32, #tpu.memory_space<vmem>>) target_semaphore(%arg14 : memref<!tpu.dma_semaphore, #tpu.memory_space<semaphore_mem>>)
    } else {
    }
    %not3A = arith.constant true
    %not3A_29 = arith.xori %ge3A_25, %not3A : i1
    %convert_element_type3A_30 = arith.extui %not3A_29 : i1 to i32
    %cond3A_31 = arith.constant 0 : i32
    %cond3A_32 = arith.cmpi ne, %convert_element_type3A_30, %cond3A_31 : i32
    scf.if %cond3A_32 {
      %while3A = arith.constant 0 : i32
      %while3A_1216 = arith.constant 0 : i32
      %while3A_1217 = arith.subi %get3A_24, %while3A_1216 : i32
      %while3A_1218 = arith.addi %while3A_1216, %while3A_1217 : i32
      %while3A_1219 = arith.constant 1 : i32
      %while3A_1220 = arith.divsi %while3A_1217, %while3A_1219 : i32
      %while3A_1221 = arith.muli %while3A_1220, %while3A_1219 : i32
      %while3A_1222 = arith.addi %while3A_1216, %while3A_1221 : i32
      %while3A_1223 = arith.constant 1 : i32
      scf.for %while3A_1225 = %while3A_1216 to %while3A_1222 step %while3A_1223  : i32 {
        %mul3A_1226 = arith.constant 128 : i32
        %mul3A_1227 = arith.muli %while3A_1225, %mul3A_1226 : i32
        %mul3A_1228 = arith.constant 128 : i32
        %mul3A_1229 = arith.muli %while3A_1225, %mul3A_1228 : i32
        %dma_start3A_1230 = arith.constant 0 : i32
        %dma_start3A_1231 = tpu.memref_slice %arg6[%dma_start3A_1230, %mul3A_1229] : memref<16x2048xf32, #tpu.memory_space<vmem>> -> memref<16x128xf32, #tpu.memory_space<vmem>>
        %dma_start3A_1232 = tpu.memref_slice %arg2[%mul3A_27, %mul3A_1227] : memref<16384x2048xf32, #tpu.memory_space<hbm>> -> memref<16x128xf32, #tpu.memory_space<hbm>>
        %dma_start3A_1233 = arith.constant 0 : i32
        %dma_start3A_1234 = tpu.memref_slice %arg6[%dma_start3A_1233, %mul3A_1229] : memref<16x2048xf32, #tpu.memory_space<vmem>> -> memref<16x128xf32, #tpu.memory_space<vmem>>
        %dma_start3A_1235 = tpu.memref_slice %arg2[%mul3A_27, %mul3A_1227] : memref<16384x2048xf32, #tpu.memory_space<hbm>> -> memref<16x128xf32, #tpu.memory_space<hbm>>
        tpu.enqueue_dma source(%dma_start3A_1235 : memref<16x128xf32, #tpu.memory_space<hbm>>) target(%dma_start3A_1234 : memref<16x128xf32, #tpu.memory_space<vmem>>) target_semaphore(%arg14 : memref<!tpu.dma_semaphore, #tpu.memory_space<semaphore_mem>>)
      }
      %while3A_1224 = arith.constant 1 : i32
      scf.for %while3A_1225 = %while3A_1222 to %while3A_1218 step %while3A_1224  : i32 {
        %mul3A_1226 = arith.constant 128 : i32
        %mul3A_1227 = arith.muli %while3A_1225, %mul3A_1226 : i32
        %mul3A_1228 = arith.constant 128 : i32
        %mul3A_1229 = arith.muli %while3A_1225, %mul3A_1228 : i32
        %dma_start3A_1230 = arith.constant 0 : i32
        %dma_start3A_1231 = tpu.memref_slice %arg6[%dma_start3A_1230, %mul3A_1229] : memref<16x2048xf32, #tpu.memory_space<vmem>> -> memref<16x128xf32, #tpu.memory_space<vmem>>
        %dma_start3A_1232 = tpu.memref_slice %arg2[%mul3A_27, %mul3A_1227] : memref<16384x2048xf32, #tpu.memory_space<hbm>> -> memref<16x128xf32, #tpu.memory_space<hbm>>
        %dma_start3A_1233 = arith.constant 0 : i32
        %dma_start3A_1234 = tpu.memref_slice %arg6[%dma_start3A_1233, %mul3A_1229] : memref<16x2048xf32, #tpu.memory_space<vmem>> -> memref<16x128xf32, #tpu.memory_space<vmem>>
        %dma_start3A_1235 = tpu.memref_slice %arg2[%mul3A_27, %mul3A_1227] : memref<16384x2048xf32, #tpu.memory_space<hbm>> -> memref<16x128xf32, #tpu.memory_space<hbm>>
        tpu.enqueue_dma source(%dma_start3A_1235 : memref<16x128xf32, #tpu.memory_space<hbm>>) target(%dma_start3A_1234 : memref<16x128xf32, #tpu.memory_space<vmem>>) target_semaphore(%arg14 : memref<!tpu.dma_semaphore, #tpu.memory_space<semaphore_mem>>)
      }
    } else {
    }
    %add3A_33 = arith.constant 32 : i32
    %add3A_34 = arith.addi %add3A, %add3A_33 : i32
    %jit3A_35 = arith.constant 64 : i32
    %div3A_36 = arith.divsi %add3A_34, %jit3A_35 : i32
    %sign3A_37 = arith.constant 0 : i32
    %sign3A_38 = arith.cmpi sgt, %add3A_34, %sign3A_37 : i32
    %sign3A_39 = arith.extui %sign3A_38 : i1 to i32
    %sign3A_40 = arith.constant 0 : i32
    %sign3A_41 = arith.cmpi slt, %add3A_34, %sign3A_40 : i32
    %sign3A_42 = arith.extui %sign3A_41 : i1 to i32
    %sign3A_43 = arith.subi %sign3A_39, %sign3A_42 : i32
    %sign3A_44 = arith.constant 0 : i32
    %sign3A_45 = arith.cmpi sgt, %jit3A_35, %sign3A_44 : i32
    %sign3A_46 = arith.extui %sign3A_45 : i1 to i32
    %sign3A_47 = arith.constant 0 : i32
    %sign3A_48 = arith.cmpi slt, %jit3A_35, %sign3A_47 : i32
    %sign3A_49 = arith.extui %sign3A_48 : i1 to i32
    %sign3A_50 = arith.subi %sign3A_46, %sign3A_49 : i32
    %ne3A_51 = arith.cmpi ne, %sign3A_43, %sign3A_50 : i32
    %rem3A_52 = arith.remsi %add3A_34, %jit3A_35 : i32
    %ne3A_53 = arith.constant 0 : i32
    %ne3A_54 = arith.cmpi ne, %rem3A_52, %ne3A_53 : i32
    %and3A_55 = arith.andi %ne3A_51, %ne3A_54 : i1
    %sub3A_56 = arith.constant 1 : i32
    %sub3A_57 = arith.subi %div3A_36, %sub3A_56 : i32
    %select_n3A_58 = arith.select %and3A_55, %sub3A_57, %div3A_36 : i32
    %get3A_59 = arith.index_cast %select_n3A_58 : i32 to index
    %get3A_60 = memref.load %arg13[%get3A_59] : memref<16xi32, #tpu.memory_space<smem>>
    %ge3A_61 = arith.constant 16 : i32
    %ge3A_62 = arith.cmpi sge, %get3A_60, %ge3A_61 : i32
    %mul3A_63 = arith.constant 16 : i32
    %mul3A_64 = arith.muli %add3A_34, %mul3A_63 : i32
    %convert_element_type3A_65 = arith.extui %ge3A_62 : i1 to i32
    %cond3A_66 = arith.constant 0 : i32
    %cond3A_67 = arith.cmpi ne, %convert_element_type3A_65, %cond3A_66 : i32
    scf.if %cond3A_67 {
      %dma_start3A_1216 = arith.constant 0 : i32
      %dma_start3A_1217 = tpu.memref_slice %arg2[%mul3A_64, %dma_start3A_1216] : memref<16384x2048xf32, #tpu.memory_space<hbm>> -> memref<16x2048xf32, #tpu.memory_space<hbm>>
      %dma_start3A_1218 = arith.constant 0 : i32
      %dma_start3A_1219 = tpu.memref_slice %arg2[%mul3A_64, %dma_start3A_1218] : memref<16384x2048xf32, #tpu.memory_space<hbm>> -> memref<16x2048xf32, #tpu.memory_space<hbm>>
      tpu.enqueue_dma source(%dma_start3A_1219 : memref<16x2048xf32, #tpu.memory_space<hbm>>) target(%arg7 : memref<16x2048xf32, #tpu.memory_space<vmem>>) target_semaphore(%arg15 : memref<!tpu.dma_semaphore, #tpu.memory_space<semaphore_mem>>)
    } else {
    }
    %not3A_68 = arith.constant true
    %not3A_69 = arith.xori %ge3A_62, %not3A_68 : i1
    %convert_element_type3A_70 = arith.extui %not3A_69 : i1 to i32
    %cond3A_71 = arith.constant 0 : i32
    %cond3A_72 = arith.cmpi ne, %convert_element_type3A_70, %cond3A_71 : i32
    scf.if %cond3A_72 {
      %while3A = arith.constant 0 : i32
      %while3A_1216 = arith.constant 0 : i32
      %while3A_1217 = arith.subi %get3A_60, %while3A_1216 : i32
      %while3A_1218 = arith.addi %while3A_1216, %while3A_1217 : i32
      %while3A_1219 = arith.constant 1 : i32
      %while3A_1220 = arith.divsi %while3A_1217, %while3A_1219 : i32
      %while3A_1221 = arith.muli %while3A_1220, %while3A_1219 : i32
      %while3A_1222 = arith.addi %while3A_1216, %while3A_1221 : i32
      %while3A_1223 = arith.constant 1 : i32
      scf.for %while3A_1225 = %while3A_1216 to %while3A_1222 step %while3A_1223  : i32 {
        %mul3A_1226 = arith.constant 128 : i32
        %mul3A_1227 = arith.muli %while3A_1225, %mul3A_1226 : i32
        %mul3A_1228 = arith.constant 128 : i32
        %mul3A_1229 = arith.muli %while3A_1225, %mul3A_1228 : i32
        %dma_start3A_1230 = arith.constant 0 : i32
        %dma_start3A_1231 = tpu.memref_slice %arg7[%dma_start3A_1230, %mul3A_1229] : memref<16x2048xf32, #tpu.memory_space<vmem>> -> memref<16x128xf32, #tpu.memory_space<vmem>>
        %dma_start3A_1232 = tpu.memref_slice %arg2[%mul3A_64, %mul3A_1227] : memref<16384x2048xf32, #tpu.memory_space<hbm>> -> memref<16x128xf32, #tpu.memory_space<hbm>>
        %dma_start3A_1233 = arith.constant 0 : i32
        %dma_start3A_1234 = tpu.memref_slice %arg7[%dma_start3A_1233, %mul3A_1229] : memref<16x2048xf32, #tpu.memory_space<vmem>> -> memref<16x128xf32, #tpu.memory_space<vmem>>
        %dma_start3A_1235 = tpu.memref_slice %arg2[%mul3A_64, %mul3A_1227] : memref<16384x2048xf32, #tpu.memory_space<hbm>> -> memref<16x128xf32, #tpu.memory_space<hbm>>
        tpu.enqueue_dma source(%dma_start3A_1235 : memref<16x128xf32, #tpu.memory_space<hbm>>) target(%dma_start3A_1234 : memref<16x128xf32, #tpu.memory_space<vmem>>) target_semaphore(%arg15 : memref<!tpu.dma_semaphore, #tpu.memory_space<semaphore_mem>>)
      }
      %while3A_1224 = arith.constant 1 : i32
      scf.for %while3A_1225 = %while3A_1222 to %while3A_1218 step %while3A_1224  : i32 {
        %mul3A_1226 = arith.constant 128 : i32
        %mul3A_1227 = arith.muli %while3A_1225, %mul3A_1226 : i32
        %mul3A_1228 = arith.constant 128 : i32
        %mul3A_1229 = arith.muli %while3A_1225, %mul3A_1228 : i32
        %dma_start3A_1230 = arith.constant 0 : i32
        %dma_start3A_1231 = tpu.memref_slice %arg7[%dma_start3A_1230, %mul3A_1229] : memref<16x2048xf32, #tpu.memory_space<vmem>> -> memref<16x128xf32, #tpu.memory_space<vmem>>
        %dma_start3A_1232 = tpu.memref_slice %arg2[%mul3A_64, %mul3A_1227] : memref<16384x2048xf32, #tpu.memory_space<hbm>> -> memref<16x128xf32, #tpu.memory_space<hbm>>
        %dma_start3A_1233 = arith.constant 0 : i32
        %dma_start3A_1234 = tpu.memref_slice %arg7[%dma_start3A_1233, %mul3A_1229] : memref<16x2048xf32, #tpu.memory_space<vmem>> -> memref<16x128xf32, #tpu.memory_space<vmem>>
        %dma_start3A_1235 = tpu.memref_slice %arg2[%mul3A_64, %mul3A_1227] : memref<16384x2048xf32, #tpu.memory_space<hbm>> -> memref<16x128xf32, #tpu.memory_space<hbm>>
        tpu.enqueue_dma source(%dma_start3A_1235 : memref<16x128xf32, #tpu.memory_space<hbm>>) target(%dma_start3A_1234 : memref<16x128xf32, #tpu.memory_space<vmem>>) target_semaphore(%arg15 : memref<!tpu.dma_semaphore, #tpu.memory_space<semaphore_mem>>)
      }
    } else {
    }
    %scan3A_73 = arith.constant 0 : i32
    %scan3A_74 = arith.constant 0 : i32
    %scan3A_75 = arith.constant 10 : i32
    %scan3A_76 = arith.addi %scan3A_74, %scan3A_75 : i32
    %scan3A_77 = arith.constant 1 : i32
    scf.for %scan3A_1216 = %scan3A_74 to %scan3A_76 step %scan3A_77  : i32 {
      %mul3A_1217 = arith.constant 3 : i32
      %mul3A_1218 = arith.muli %mul3A_1217, %scan3A_1216 : i32
      %add3A_1219 = arith.constant 2 : i32
      %add3A_1220 = arith.addi %mul3A_1218, %add3A_1219 : i32
      %mul3A_1221 = arith.constant 32 : i32
      %mul3A_1222 = arith.muli %mul3A_1221, %add3A_1220 : i32
      %add3A_1223 = arith.addi %add3A, %mul3A_1222 : i32
      %jit3A_1224 = arith.constant 64 : i32
      %div3A_1225 = arith.divsi %add3A_1223, %jit3A_1224 : i32
      %sign3A_1226 = arith.constant 0 : i32
      %sign3A_1227 = arith.cmpi sgt, %add3A_1223, %sign3A_1226 : i32
      %sign3A_1228 = arith.extui %sign3A_1227 : i1 to i32
      %sign3A_1229 = arith.constant 0 : i32
      %sign3A_1230 = arith.cmpi slt, %add3A_1223, %sign3A_1229 : i32
      %sign3A_1231 = arith.extui %sign3A_1230 : i1 to i32
      %sign3A_1232 = arith.subi %sign3A_1228, %sign3A_1231 : i32
      %sign3A_1233 = arith.constant 0 : i32
      %sign3A_1234 = arith.cmpi sgt, %jit3A_1224, %sign3A_1233 : i32
      %sign3A_1235 = arith.extui %sign3A_1234 : i1 to i32
      %sign3A_1236 = arith.constant 0 : i32
      %sign3A_1237 = arith.cmpi slt, %jit3A_1224, %sign3A_1236 : i32
      %sign3A_1238 = arith.extui %sign3A_1237 : i1 to i32
      %sign3A_1239 = arith.subi %sign3A_1235, %sign3A_1238 : i32
      %ne3A_1240 = arith.cmpi ne, %sign3A_1232, %sign3A_1239 : i32
      %rem3A_1241 = arith.remsi %add3A_1223, %jit3A_1224 : i32
      %ne3A_1242 = arith.constant 0 : i32
      %ne3A_1243 = arith.cmpi ne, %rem3A_1241, %ne3A_1242 : i32
      %and3A_1244 = arith.andi %ne3A_1240, %ne3A_1243 : i1
      %sub3A_1245 = arith.constant 1 : i32
      %sub3A_1246 = arith.subi %div3A_1225, %sub3A_1245 : i32
      %select_n3A_1247 = arith.select %and3A_1244, %sub3A_1246, %div3A_1225 : i32
      %get3A_1248 = arith.index_cast %select_n3A_1247 : i32 to index
      %get3A_1249 = memref.load %arg13[%get3A_1248] : memref<16xi32, #tpu.memory_space<smem>>
      %ge3A_1250 = arith.constant 16 : i32
      %ge3A_1251 = arith.cmpi sge, %get3A_1249, %ge3A_1250 : i32
      %mul3A_1252 = arith.constant 16 : i32
      %mul3A_1253 = arith.muli %add3A_1223, %mul3A_1252 : i32
      %convert_element_type3A_1254 = arith.extui %ge3A_1251 : i1 to i32
      %cond3A_1255 = arith.constant 0 : i32
      %cond3A_1256 = arith.cmpi ne, %convert_element_type3A_1254, %cond3A_1255 : i32
      scf.if %cond3A_1256 {
        %dma_start3A_3058 = arith.constant 0 : i32
        %dma_start3A_3059 = tpu.memref_slice %arg2[%mul3A_1253, %dma_start3A_3058] : memref<16384x2048xf32, #tpu.memory_space<hbm>> -> memref<16x2048xf32, #tpu.memory_space<hbm>>
        %dma_start3A_3060 = arith.constant 0 : i32
        %dma_start3A_3061 = tpu.memref_slice %arg2[%mul3A_1253, %dma_start3A_3060] : memref<16384x2048xf32, #tpu.memory_space<hbm>> -> memref<16x2048xf32, #tpu.memory_space<hbm>>
        tpu.enqueue_dma source(%dma_start3A_3061 : memref<16x2048xf32, #tpu.memory_space<hbm>>) target(%arg8 : memref<16x2048xf32, #tpu.memory_space<vmem>>) target_semaphore(%arg16 : memref<!tpu.dma_semaphore, #tpu.memory_space<semaphore_mem>>)
      } else {
      }
      %not3A_1257 = arith.constant true
      %not3A_1258 = arith.xori %ge3A_1251, %not3A_1257 : i1
      %convert_element_type3A_1259 = arith.extui %not3A_1258 : i1 to i32
      %cond3A_1260 = arith.constant 0 : i32
      %cond3A_1261 = arith.cmpi ne, %convert_element_type3A_1259, %cond3A_1260 : i32
      scf.if %cond3A_1261 {
        %while3A = arith.constant 0 : i32
        %while3A_3058 = arith.constant 0 : i32
        %while3A_3059 = arith.subi %get3A_1249, %while3A_3058 : i32
        %while3A_3060 = arith.addi %while3A_3058, %while3A_3059 : i32
        %while3A_3061 = arith.constant 1 : i32
        %while3A_3062 = arith.divsi %while3A_3059, %while3A_3061 : i32
        %while3A_3063 = arith.muli %while3A_3062, %while3A_3061 : i32
        %while3A_3064 = arith.addi %while3A_3058, %while3A_3063 : i32
        %while3A_3065 = arith.constant 1 : i32
        scf.for %while3A_3067 = %while3A_3058 to %while3A_3064 step %while3A_3065  : i32 {
          %mul3A_3068 = arith.constant 128 : i32
          %mul3A_3069 = arith.muli %while3A_3067, %mul3A_3068 : i32
          %mul3A_3070 = arith.constant 128 : i32
          %mul3A_3071 = arith.muli %while3A_3067, %mul3A_3070 : i32
          %dma_start3A_3072 = arith.constant 0 : i32
          %dma_start3A_3073 = tpu.memref_slice %arg8[%dma_start3A_3072, %mul3A_3071] : memref<16x2048xf32, #tpu.memory_space<vmem>> -> memref<16x128xf32, #tpu.memory_space<vmem>>
          %dma_start3A_3074 = tpu.memref_slice %arg2[%mul3A_1253, %mul3A_3069] : memref<16384x2048xf32, #tpu.memory_space<hbm>> -> memref<16x128xf32, #tpu.memory_space<hbm>>
          %dma_start3A_3075 = arith.constant 0 : i32
          %dma_start3A_3076 = tpu.memref_slice %arg8[%dma_start3A_3075, %mul3A_3071] : memref<16x2048xf32, #tpu.memory_space<vmem>> -> memref<16x128xf32, #tpu.memory_space<vmem>>
          %dma_start3A_3077 = tpu.memref_slice %arg2[%mul3A_1253, %mul3A_3069] : memref<16384x2048xf32, #tpu.memory_space<hbm>> -> memref<16x128xf32, #tpu.memory_space<hbm>>
          tpu.enqueue_dma source(%dma_start3A_3077 : memref<16x128xf32, #tpu.memory_space<hbm>>) target(%dma_start3A_3076 : memref<16x128xf32, #tpu.memory_space<vmem>>) target_semaphore(%arg16 : memref<!tpu.dma_semaphore, #tpu.memory_space<semaphore_mem>>)
        }
        %while3A_3066 = arith.constant 1 : i32
        scf.for %while3A_3067 = %while3A_3064 to %while3A_3060 step %while3A_3066  : i32 {
          %mul3A_3068 = arith.constant 128 : i32
          %mul3A_3069 = arith.muli %while3A_3067, %mul3A_3068 : i32
          %mul3A_3070 = arith.constant 128 : i32
          %mul3A_3071 = arith.muli %while3A_3067, %mul3A_3070 : i32
          %dma_start3A_3072 = arith.constant 0 : i32
          %dma_start3A_3073 = tpu.memref_slice %arg8[%dma_start3A_3072, %mul3A_3071] : memref<16x2048xf32, #tpu.memory_space<vmem>> -> memref<16x128xf32, #tpu.memory_space<vmem>>
          %dma_start3A_3074 = tpu.memref_slice %arg2[%mul3A_1253, %mul3A_3069] : memref<16384x2048xf32, #tpu.memory_space<hbm>> -> memref<16x128xf32, #tpu.memory_space<hbm>>
          %dma_start3A_3075 = arith.constant 0 : i32
          %dma_start3A_3076 = tpu.memref_slice %arg8[%dma_start3A_3075, %mul3A_3071] : memref<16x2048xf32, #tpu.memory_space<vmem>> -> memref<16x128xf32, #tpu.memory_space<vmem>>
          %dma_start3A_3077 = tpu.memref_slice %arg2[%mul3A_1253, %mul3A_3069] : memref<16384x2048xf32, #tpu.memory_space<hbm>> -> memref<16x128xf32, #tpu.memory_space<hbm>>
          tpu.enqueue_dma source(%dma_start3A_3077 : memref<16x128xf32, #tpu.memory_space<hbm>>) target(%dma_start3A_3076 : memref<16x128xf32, #tpu.memory_space<vmem>>) target_semaphore(%arg16 : memref<!tpu.dma_semaphore, #tpu.memory_space<semaphore_mem>>)
        }
      } else {
      }
      %mul3A_1262 = arith.constant 32 : i32
      %mul3A_1263 = arith.muli %mul3A_1262, %mul3A_1218 : i32
      %add3A_1264 = arith.addi %add3A, %mul3A_1263 : i32
      %jit3A_1265 = arith.constant 64 : i32
      %div3A_1266 = arith.divsi %add3A_1264, %jit3A_1265 : i32
      %sign3A_1267 = arith.constant 0 : i32
      %sign3A_1268 = arith.cmpi sgt, %add3A_1264, %sign3A_1267 : i32
      %sign3A_1269 = arith.extui %sign3A_1268 : i1 to i32
      %sign3A_1270 = arith.constant 0 : i32
      %sign3A_1271 = arith.cmpi slt, %add3A_1264, %sign3A_1270 : i32
      %sign3A_1272 = arith.extui %sign3A_1271 : i1 to i32
      %sign3A_1273 = arith.subi %sign3A_1269, %sign3A_1272 : i32
      %sign3A_1274 = arith.constant 0 : i32
      %sign3A_1275 = arith.cmpi sgt, %jit3A_1265, %sign3A_1274 : i32
      %sign3A_1276 = arith.extui %sign3A_1275 : i1 to i32
      %sign3A_1277 = arith.constant 0 : i32
      %sign3A_1278 = arith.cmpi slt, %jit3A_1265, %sign3A_1277 : i32
      %sign3A_1279 = arith.extui %sign3A_1278 : i1 to i32
      %sign3A_1280 = arith.subi %sign3A_1276, %sign3A_1279 : i32
      %ne3A_1281 = arith.cmpi ne, %sign3A_1273, %sign3A_1280 : i32
      %rem3A_1282 = arith.remsi %add3A_1264, %jit3A_1265 : i32
      %ne3A_1283 = arith.constant 0 : i32
      %ne3A_1284 = arith.cmpi ne, %rem3A_1282, %ne3A_1283 : i32
      %and3A_1285 = arith.andi %ne3A_1281, %ne3A_1284 : i1
      %sub3A_1286 = arith.constant 1 : i32
      %sub3A_1287 = arith.subi %div3A_1266, %sub3A_1286 : i32
      %select_n3A_1288 = arith.select %and3A_1285, %sub3A_1287, %div3A_1266 : i32
      %get3A_1289 = arith.index_cast %select_n3A_1288 : i32 to index
      %get3A_1290 = memref.load %arg13[%get3A_1289] : memref<16xi32, #tpu.memory_space<smem>>
      %ge3A_1291 = arith.constant 16 : i32
      %ge3A_1292 = arith.cmpi sge, %get3A_1290, %ge3A_1291 : i32
      %convert_element_type3A_1293 = arith.extui %ge3A_1292 : i1 to i32
      %cond3A_1294 = arith.constant 0 : i32
      %cond3A_1295 = arith.cmpi ne, %convert_element_type3A_1293, %cond3A_1294 : i32
      scf.if %cond3A_1295 {
        %dma_wait3A_3058 = arith.constant 0 : i32
        %dma_wait3A_3059 = arith.constant 0 : i32
        %dma_wait3A_3060 = tpu.memref_slice %arg2[%dma_wait3A_3058, %dma_wait3A_3059] : memref<16384x2048xf32, #tpu.memory_space<hbm>> -> memref<16x2048xf32, #tpu.memory_space<hbm>>
        %dma_wait3A_3061 = arith.constant 0 : i32
        %dma_wait3A_3062 = arith.constant 0 : i32
        %dma_wait3A_3063 = tpu.memref_slice %arg2[%dma_wait3A_3061, %dma_wait3A_3062] : memref<16384x2048xf32, #tpu.memory_space<hbm>> -> memref<16x2048xf32, #tpu.memory_space<hbm>>
        tpu.wait_dma2 semaphore(%arg14 : memref<!tpu.dma_semaphore, #tpu.memory_space<semaphore_mem>>) src(%dma_wait3A_3063 : memref<16x2048xf32, #tpu.memory_space<hbm>>) dst(%arg6 : memref<16x2048xf32, #tpu.memory_space<vmem>>)
      } else {
      }
      %not3A_1296 = arith.constant true
      %not3A_1297 = arith.xori %ge3A_1292, %not3A_1296 : i1
      %convert_element_type3A_1298 = arith.extui %not3A_1297 : i1 to i32
      %cond3A_1299 = arith.constant 0 : i32
      %cond3A_1300 = arith.cmpi ne, %convert_element_type3A_1298, %cond3A_1299 : i32
      scf.if %cond3A_1300 {
        %while3A = arith.constant 0 : i32
        %while3A_3058 = arith.constant 0 : i32
        %while3A_3059 = arith.subi %get3A_1290, %while3A_3058 : i32
        %while3A_3060 = arith.addi %while3A_3058, %while3A_3059 : i32
        %while3A_3061 = arith.constant 1 : i32
        %while3A_3062 = arith.divsi %while3A_3059, %while3A_3061 : i32
        %while3A_3063 = arith.muli %while3A_3062, %while3A_3061 : i32
        %while3A_3064 = arith.addi %while3A_3058, %while3A_3063 : i32
        %while3A_3065 = arith.constant 1 : i32
        scf.for %while3A_3067 = %while3A_3058 to %while3A_3064 step %while3A_3065  : i32 {
          %dma_wait3A_3068 = arith.constant 0 : i32
          %dma_wait3A_3069 = arith.constant 0 : i32
          %dma_wait3A_3070 = tpu.memref_slice %arg6[%dma_wait3A_3068, %dma_wait3A_3069] : memref<16x2048xf32, #tpu.memory_space<vmem>> -> memref<16x128xf32, #tpu.memory_space<vmem>>
          %dma_wait3A_3071 = arith.constant 0 : i32
          %dma_wait3A_3072 = arith.constant 0 : i32
          %dma_wait3A_3073 = tpu.memref_slice %arg2[%dma_wait3A_3071, %dma_wait3A_3072] : memref<16384x2048xf32, #tpu.memory_space<hbm>> -> memref<16x128xf32, #tpu.memory_space<hbm>>
          %dma_wait3A_3074 = arith.constant 0 : i32
          %dma_wait3A_3075 = arith.constant 0 : i32
          %dma_wait3A_3076 = tpu.memref_slice %arg6[%dma_wait3A_3074, %dma_wait3A_3075] : memref<16x2048xf32, #tpu.memory_space<vmem>> -> memref<16x128xf32, #tpu.memory_space<vmem>>
          %dma_wait3A_3077 = arith.constant 0 : i32
          %dma_wait3A_3078 = arith.constant 0 : i32
          %dma_wait3A_3079 = tpu.memref_slice %arg2[%dma_wait3A_3077, %dma_wait3A_3078] : memref<16384x2048xf32, #tpu.memory_space<hbm>> -> memref<16x128xf32, #tpu.memory_space<hbm>>
          tpu.wait_dma2 semaphore(%arg14 : memref<!tpu.dma_semaphore, #tpu.memory_space<semaphore_mem>>) src(%dma_wait3A_3079 : memref<16x128xf32, #tpu.memory_space<hbm>>) dst(%dma_wait3A_3076 : memref<16x128xf32, #tpu.memory_space<vmem>>)
        }
        %while3A_3066 = arith.constant 1 : i32
        scf.for %while3A_3067 = %while3A_3064 to %while3A_3060 step %while3A_3066  : i32 {
          %dma_wait3A_3068 = arith.constant 0 : i32
          %dma_wait3A_3069 = arith.constant 0 : i32
          %dma_wait3A_3070 = tpu.memref_slice %arg6[%dma_wait3A_3068, %dma_wait3A_3069] : memref<16x2048xf32, #tpu.memory_space<vmem>> -> memref<16x128xf32, #tpu.memory_space<vmem>>
          %dma_wait3A_3071 = arith.constant 0 : i32
          %dma_wait3A_3072 = arith.constant 0 : i32
          %dma_wait3A_3073 = tpu.memref_slice %arg2[%dma_wait3A_3071, %dma_wait3A_3072] : memref<16384x2048xf32, #tpu.memory_space<hbm>> -> memref<16x128xf32, #tpu.memory_space<hbm>>
          %dma_wait3A_3074 = arith.constant 0 : i32
          %dma_wait3A_3075 = arith.constant 0 : i32
          %dma_wait3A_3076 = tpu.memref_slice %arg6[%dma_wait3A_3074, %dma_wait3A_3075] : memref<16x2048xf32, #tpu.memory_space<vmem>> -> memref<16x128xf32, #tpu.memory_space<vmem>>
          %dma_wait3A_3077 = arith.constant 0 : i32
          %dma_wait3A_3078 = arith.constant 0 : i32
          %dma_wait3A_3079 = tpu.memref_slice %arg2[%dma_wait3A_3077, %dma_wait3A_3078] : memref<16384x2048xf32, #tpu.memory_space<hbm>> -> memref<16x128xf32, #tpu.memory_space<hbm>>
          tpu.wait_dma2 semaphore(%arg14 : memref<!tpu.dma_semaphore, #tpu.memory_space<semaphore_mem>>) src(%dma_wait3A_3079 : memref<16x128xf32, #tpu.memory_space<hbm>>) dst(%dma_wait3A_3076 : memref<16x128xf32, #tpu.memory_space<vmem>>)
        }
      } else {
      }
      %gt3A_1301 = arith.constant 0 : i32
      %gt3A_1302 = arith.cmpi sgt, %scan3A_1216, %gt3A_1301 : i32
      %convert_element_type3A_1303 = arith.extui %gt3A_1302 : i1 to i32
      %cond3A_1304 = arith.constant 0 : i32
      %cond3A_1305 = arith.cmpi ne, %convert_element_type3A_1303, %cond3A_1304 : i32
      scf.if %cond3A_1305 {
        %dma_wait3A_3058 = arith.constant 0 : i32
        %dma_wait3A_3059 = arith.constant 0 : i32
        %dma_wait3A_3060 = tpu.memref_slice %arg4[%dma_wait3A_3058, %dma_wait3A_3059] : memref<16384x64xf32, #tpu.memory_space<hbm>> -> memref<16x64xf32, #tpu.memory_space<hbm>>
        %dma_wait3A_3061 = arith.constant 0 : i32
        %dma_wait3A_3062 = arith.constant 0 : i32
        %dma_wait3A_3063 = tpu.memref_slice %arg4[%dma_wait3A_3061, %dma_wait3A_3062] : memref<16384x64xf32, #tpu.memory_space<hbm>> -> memref<16x64xf32, #tpu.memory_space<hbm>>
        tpu.wait_dma2 semaphore(%arg17 : memref<!tpu.dma_semaphore, #tpu.memory_space<semaphore_mem>>) src(%arg9 : memref<16x64xf32, #tpu.memory_space<vmem>>) dst(%dma_wait3A_3063 : memref<16x64xf32, #tpu.memory_space<hbm>>)
      } else {
      }
      %mul3A_1306 = arith.constant 32 : i32
      %mul3A_1307 = arith.muli %mul3A_1306, %mul3A_1218 : i32
      %add3A_1308 = arith.addi %add3A, %mul3A_1307 : i32
      %jit3A_1309 = arith.constant 64 : i32
      %div3A_1310 = arith.divsi %add3A_1308, %jit3A_1309 : i32
      %sign3A_1311 = arith.constant 0 : i32
      %sign3A_1312 = arith.cmpi sgt, %add3A_1308, %sign3A_1311 : i32
      %sign3A_1313 = arith.extui %sign3A_1312 : i1 to i32
      %sign3A_1314 = arith.constant 0 : i32
      %sign3A_1315 = arith.cmpi slt, %add3A_1308, %sign3A_1314 : i32
      %sign3A_1316 = arith.extui %sign3A_1315 : i1 to i32
      %sign3A_1317 = arith.subi %sign3A_1313, %sign3A_1316 : i32
      %sign3A_1318 = arith.constant 0 : i32
      %sign3A_1319 = arith.cmpi sgt, %jit3A_1309, %sign3A_1318 : i32
      %sign3A_1320 = arith.extui %sign3A_1319 : i1 to i32
      %sign3A_1321 = arith.constant 0 : i32
      %sign3A_1322 = arith.cmpi slt, %jit3A_1309, %sign3A_1321 : i32
      %sign3A_1323 = arith.extui %sign3A_1322 : i1 to i32
      %sign3A_1324 = arith.subi %sign3A_1320, %sign3A_1323 : i32
      %ne3A_1325 = arith.cmpi ne, %sign3A_1317, %sign3A_1324 : i32
      %rem3A_1326 = arith.remsi %add3A_1308, %jit3A_1309 : i32
      %ne3A_1327 = arith.constant 0 : i32
      %ne3A_1328 = arith.cmpi ne, %rem3A_1326, %ne3A_1327 : i32
      %and3A_1329 = arith.andi %ne3A_1325, %ne3A_1328 : i1
      %sub3A_1330 = arith.constant 1 : i32
      %sub3A_1331 = arith.subi %div3A_1310, %sub3A_1330 : i32
      %select_n3A_1332 = arith.select %and3A_1329, %sub3A_1331, %div3A_1310 : i32
      %get3A_1333 = arith.index_cast %select_n3A_1332 : i32 to index
      %get3A_1334 = memref.load %arg12[%get3A_1333] : memref<16xi32, #tpu.memory_space<smem>>
      %sub3A_1335 = arith.constant 1 : i32
      %sub3A_1336 = arith.subi %get3A_1334, %sub3A_1335 : i32
      %add3A_1337 = arith.constant 0 : i32
      %add3A_1338 = vector.broadcast %add3A_1337 : i32 to vector<16xi32>
      %add3A_1339 = arith.addi %iota3A, %add3A_1338 : vector<16xi32>
      %mul3A_1340 = vector.broadcast %sub3A_1336 : i32 to vector<16xi32>
      %mul3A_1341 = arith.muli %mul3A_1340, %add3A_1339 : vector<16xi32>
      %shift_right_arithmetic3A_1342 = arith.constant 6 : i32
      %shift_right_arithmetic3A_1343 = vector.broadcast %shift_right_arithmetic3A_1342 : i32 to vector<16xi32>
      %shift_right_arithmetic3A_1344 = arith.shrsi %mul3A_1341, %shift_right_arithmetic3A_1343 : vector<16xi32>
      %and3A_1345 = arith.constant 63 : i32
      %and3A_1346 = vector.broadcast %and3A_1345 : i32 to vector<16xi32>
      %and3A_1347 = arith.andi %mul3A_1341, %and3A_1346 : vector<16xi32>
      %eq3A_1348 = arith.constant 32 : i32
      %eq3A_1349 = vector.broadcast %eq3A_1348 : i32 to vector<16xi32>
      %eq3A_1350 = arith.cmpi eq, %and3A_1347, %eq3A_1349 : vector<16xi32>
      %and3A_1351 = arith.constant 1 : i32
      %and3A_1352 = vector.broadcast %and3A_1351 : i32 to vector<16xi32>
      %and3A_1353 = arith.andi %shift_right_arithmetic3A_1344, %and3A_1352 : vector<16xi32>
      %eq3A_1354 = arith.constant 0 : i32
      %eq3A_1355 = vector.broadcast %eq3A_1354 : i32 to vector<16xi32>
      %eq3A_1356 = arith.cmpi eq, %and3A_1353, %eq3A_1355 : vector<16xi32>
      %and3A_1357 = arith.andi %eq3A_1350, %eq3A_1356 : vector<16xi1>
      %gt3A_1358 = arith.constant 32 : i32
      %gt3A_1359 = vector.broadcast %gt3A_1358 : i32 to vector<16xi32>
      %gt3A_1360 = arith.cmpi sgt, %and3A_1347, %gt3A_1359 : vector<16xi32>
      %or3A_1361 = arith.ori %gt3A_1360, %and3A_1357 : vector<16xi1>
      %jit3A_1362 = arith.constant 1 : i32
      %jit3A_1363 = arith.constant 0 : i32
      %broadcast_in_dim3A_1364 = vector.broadcast %jit3A_1362 : i32 to vector<16xi32>
      %broadcast_in_dim3A_1365 = vector.broadcast %jit3A_1363 : i32 to vector<16xi32>
      %select_n3A_1366 = arith.select %or3A_1361, %broadcast_in_dim3A_1364, %broadcast_in_dim3A_1365 : vector<16xi1>, vector<16xi32>
      %add3A_1367 = arith.addi %shift_right_arithmetic3A_1344, %select_n3A_1366 : vector<16xi32>
      %sub3A_1368 = arith.constant 1 : i32
      %sub3A_1369 = arith.subi %get3A_1334, %sub3A_1368 : i32
      %add3A_1370 = arith.constant 16 : i32
      %add3A_1371 = vector.broadcast %add3A_1370 : i32 to vector<16xi32>
      %add3A_1372 = arith.addi %iota3A, %add3A_1371 : vector<16xi32>
      %mul3A_1373 = vector.broadcast %sub3A_1369 : i32 to vector<16xi32>
      %mul3A_1374 = arith.muli %mul3A_1373, %add3A_1372 : vector<16xi32>
      %shift_right_arithmetic3A_1375 = arith.constant 6 : i32
      %shift_right_arithmetic3A_1376 = vector.broadcast %shift_right_arithmetic3A_1375 : i32 to vector<16xi32>
      %shift_right_arithmetic3A_1377 = arith.shrsi %mul3A_1374, %shift_right_arithmetic3A_1376 : vector<16xi32>
      %and3A_1378 = arith.constant 63 : i32
      %and3A_1379 = vector.broadcast %and3A_1378 : i32 to vector<16xi32>
      %and3A_1380 = arith.andi %mul3A_1374, %and3A_1379 : vector<16xi32>
      %eq3A_1381 = arith.constant 32 : i32
      %eq3A_1382 = vector.broadcast %eq3A_1381 : i32 to vector<16xi32>
      %eq3A_1383 = arith.cmpi eq, %and3A_1380, %eq3A_1382 : vector<16xi32>
      %and3A_1384 = arith.constant 1 : i32
      %and3A_1385 = vector.broadcast %and3A_1384 : i32 to vector<16xi32>
      %and3A_1386 = arith.andi %shift_right_arithmetic3A_1377, %and3A_1385 : vector<16xi32>
      %eq3A_1387 = arith.constant 0 : i32
      %eq3A_1388 = vector.broadcast %eq3A_1387 : i32 to vector<16xi32>
      %eq3A_1389 = arith.cmpi eq, %and3A_1386, %eq3A_1388 : vector<16xi32>
      %and3A_1390 = arith.andi %eq3A_1383, %eq3A_1389 : vector<16xi1>
      %gt3A_1391 = arith.constant 32 : i32
      %gt3A_1392 = vector.broadcast %gt3A_1391 : i32 to vector<16xi32>
      %gt3A_1393 = arith.cmpi sgt, %and3A_1380, %gt3A_1392 : vector<16xi32>
      %or3A_1394 = arith.ori %gt3A_1393, %and3A_1390 : vector<16xi1>
      %jit3A_1395 = arith.constant 1 : i32
      %jit3A_1396 = arith.constant 0 : i32
      %broadcast_in_dim3A_1397 = vector.broadcast %jit3A_1395 : i32 to vector<16xi32>
      %broadcast_in_dim3A_1398 = vector.broadcast %jit3A_1396 : i32 to vector<16xi32>
      %select_n3A_1399 = arith.select %or3A_1394, %broadcast_in_dim3A_1397, %broadcast_in_dim3A_1398 : vector<16xi1>, vector<16xi32>
      %add3A_1400 = arith.addi %shift_right_arithmetic3A_1377, %select_n3A_1399 : vector<16xi32>
      %sub3A_1401 = arith.constant 1 : i32
      %sub3A_1402 = arith.subi %get3A_1334, %sub3A_1401 : i32
      %add3A_1403 = arith.constant 32 : i32
      %add3A_1404 = vector.broadcast %add3A_1403 : i32 to vector<16xi32>
      %add3A_1405 = arith.addi %iota3A, %add3A_1404 : vector<16xi32>
      %mul3A_1406 = vector.broadcast %sub3A_1402 : i32 to vector<16xi32>
      %mul3A_1407 = arith.muli %mul3A_1406, %add3A_1405 : vector<16xi32>
      %shift_right_arithmetic3A_1408 = arith.constant 6 : i32
      %shift_right_arithmetic3A_1409 = vector.broadcast %shift_right_arithmetic3A_1408 : i32 to vector<16xi32>
      %shift_right_arithmetic3A_1410 = arith.shrsi %mul3A_1407, %shift_right_arithmetic3A_1409 : vector<16xi32>
      %and3A_1411 = arith.constant 63 : i32
      %and3A_1412 = vector.broadcast %and3A_1411 : i32 to vector<16xi32>
      %and3A_1413 = arith.andi %mul3A_1407, %and3A_1412 : vector<16xi32>
      %eq3A_1414 = arith.constant 32 : i32
      %eq3A_1415 = vector.broadcast %eq3A_1414 : i32 to vector<16xi32>
      %eq3A_1416 = arith.cmpi eq, %and3A_1413, %eq3A_1415 : vector<16xi32>
      %and3A_1417 = arith.constant 1 : i32
      %and3A_1418 = vector.broadcast %and3A_1417 : i32 to vector<16xi32>
      %and3A_1419 = arith.andi %shift_right_arithmetic3A_1410, %and3A_1418 : vector<16xi32>
      %eq3A_1420 = arith.constant 0 : i32
      %eq3A_1421 = vector.broadcast %eq3A_1420 : i32 to vector<16xi32>
      %eq3A_1422 = arith.cmpi eq, %and3A_1419, %eq3A_1421 : vector<16xi32>
      %and3A_1423 = arith.andi %eq3A_1416, %eq3A_1422 : vector<16xi1>
      %gt3A_1424 = arith.constant 32 : i32
      %gt3A_1425 = vector.broadcast %gt3A_1424 : i32 to vector<16xi32>
      %gt3A_1426 = arith.cmpi sgt, %and3A_1413, %gt3A_1425 : vector<16xi32>
      %or3A_1427 = arith.ori %gt3A_1426, %and3A_1423 : vector<16xi1>
      %jit3A_1428 = arith.constant 1 : i32
      %jit3A_1429 = arith.constant 0 : i32
      %broadcast_in_dim3A_1430 = vector.broadcast %jit3A_1428 : i32 to vector<16xi32>
      %broadcast_in_dim3A_1431 = vector.broadcast %jit3A_1429 : i32 to vector<16xi32>
      %select_n3A_1432 = arith.select %or3A_1427, %broadcast_in_dim3A_1430, %broadcast_in_dim3A_1431 : vector<16xi1>, vector<16xi32>
      %add3A_1433 = arith.addi %shift_right_arithmetic3A_1410, %select_n3A_1432 : vector<16xi32>
      %sub3A_1434 = arith.constant 1 : i32
      %sub3A_1435 = arith.subi %get3A_1334, %sub3A_1434 : i32
      %add3A_1436 = arith.constant 48 : i32
      %add3A_1437 = vector.broadcast %add3A_1436 : i32 to vector<16xi32>
      %add3A_1438 = arith.addi %iota3A, %add3A_1437 : vector<16xi32>
      %mul3A_1439 = vector.broadcast %sub3A_1435 : i32 to vector<16xi32>
      %mul3A_1440 = arith.muli %mul3A_1439, %add3A_1438 : vector<16xi32>
      %shift_right_arithmetic3A_1441 = arith.constant 6 : i32
      %shift_right_arithmetic3A_1442 = vector.broadcast %shift_right_arithmetic3A_1441 : i32 to vector<16xi32>
      %shift_right_arithmetic3A_1443 = arith.shrsi %mul3A_1440, %shift_right_arithmetic3A_1442 : vector<16xi32>
      %and3A_1444 = arith.constant 63 : i32
      %and3A_1445 = vector.broadcast %and3A_1444 : i32 to vector<16xi32>
      %and3A_1446 = arith.andi %mul3A_1440, %and3A_1445 : vector<16xi32>
      %eq3A_1447 = arith.constant 32 : i32
      %eq3A_1448 = vector.broadcast %eq3A_1447 : i32 to vector<16xi32>
      %eq3A_1449 = arith.cmpi eq, %and3A_1446, %eq3A_1448 : vector<16xi32>
      %and3A_1450 = arith.constant 1 : i32
      %and3A_1451 = vector.broadcast %and3A_1450 : i32 to vector<16xi32>
      %and3A_1452 = arith.andi %shift_right_arithmetic3A_1443, %and3A_1451 : vector<16xi32>
      %eq3A_1453 = arith.constant 0 : i32
      %eq3A_1454 = vector.broadcast %eq3A_1453 : i32 to vector<16xi32>
      %eq3A_1455 = arith.cmpi eq, %and3A_1452, %eq3A_1454 : vector<16xi32>
      %and3A_1456 = arith.andi %eq3A_1449, %eq3A_1455 : vector<16xi1>
      %gt3A_1457 = arith.constant 32 : i32
      %gt3A_1458 = vector.broadcast %gt3A_1457 : i32 to vector<16xi32>
      %gt3A_1459 = arith.cmpi sgt, %and3A_1446, %gt3A_1458 : vector<16xi32>
      %or3A_1460 = arith.ori %gt3A_1459, %and3A_1456 : vector<16xi1>
      %jit3A_1461 = arith.constant 1 : i32
      %jit3A_1462 = arith.constant 0 : i32
      %broadcast_in_dim3A_1463 = vector.broadcast %jit3A_1461 : i32 to vector<16xi32>
      %broadcast_in_dim3A_1464 = vector.broadcast %jit3A_1462 : i32 to vector<16xi32>
      %select_n3A_1465 = arith.select %or3A_1460, %broadcast_in_dim3A_1463, %broadcast_in_dim3A_1464 : vector<16xi1>, vector<16xi32>
      %add3A_1466 = arith.addi %shift_right_arithmetic3A_1443, %select_n3A_1465 : vector<16xi32>
      %broadcast_in_dim3A_1467 = arith.constant 0 : i32
      %broadcast_in_dim3A_1468 = vector.broadcast %broadcast_in_dim3A_1467 : i32 to vector<16xi32>
      %gather3A_1469 = tpu.vector_load_idx %arg6[%broadcast_in_dim3A_1468, %add3A_1367] : memref<16x2048xf32, #tpu.memory_space<vmem>>[vector<16xi32>, vector<16xi32>], vector<16xf32>,
      %gather3A_1470 = tpu.vector_load_idx %arg6[%broadcast_in_dim3A_1468, %add3A_1400] : memref<16x2048xf32, #tpu.memory_space<vmem>>[vector<16xi32>, vector<16xi32>], vector<16xf32>,
      %gather3A_1471 = tpu.vector_load_idx %arg6[%broadcast_in_dim3A_1468, %add3A_1433] : memref<16x2048xf32, #tpu.memory_space<vmem>>[vector<16xi32>, vector<16xi32>], vector<16xf32>,
      %gather3A_1472 = tpu.vector_load_idx %arg6[%broadcast_in_dim3A_1468, %add3A_1466] : memref<16x2048xf32, #tpu.memory_space<vmem>>[vector<16xi32>, vector<16xi32>], vector<16xf32>,
      %swap3A_1473 = arith.constant 0 : i32
      %swap3A_1474 = arith.index_cast %swap3A_1473 : i32 to index
      %swap3A_1475 = arith.constant 0 : index
      %swap3A_1476 = tpu.vector_load %arg9[%swap3A_1474, %swap3A_1475] {strides = array<i32>} : memref<16x64xf32, #tpu.memory_space<vmem>>, vector<16xf32>,
      tpu.vector_store %arg9[%swap3A_1474, %swap3A_1475], %gather3A_1469 {strides = array<i32>} : memref<16x64xf32, #tpu.memory_space<vmem>>, vector<16xf32>,
      %swap3A_1477 = arith.constant 0 : i32
      %swap3A_1478 = arith.index_cast %swap3A_1477 : i32 to index
      %swap3A_1479 = arith.constant 16 : index
      %swap3A_1480 = tpu.vector_load %arg9[%swap3A_1478, %swap3A_1479] {strides = array<i32>} : memref<16x64xf32, #tpu.memory_space<vmem>>, vector<16xf32>,
      tpu.vector_store %arg9[%swap3A_1478, %swap3A_1479], %gather3A_1470 {strides = array<i32>} : memref<16x64xf32, #tpu.memory_space<vmem>>, vector<16xf32>,
      %swap3A_1481 = arith.constant 0 : i32
      %swap3A_1482 = arith.index_cast %swap3A_1481 : i32 to index
      %swap3A_1483 = arith.constant 32 : index
      %swap3A_1484 = tpu.vector_load %arg9[%swap3A_1482, %swap3A_1483] {strides = array<i32>} : memref<16x64xf32, #tpu.memory_space<vmem>>, vector<16xf32>,
      tpu.vector_store %arg9[%swap3A_1482, %swap3A_1483], %gather3A_1471 {strides = array<i32>} : memref<16x64xf32, #tpu.memory_space<vmem>>, vector<16xf32>,
      %swap3A_1485 = arith.constant 0 : i32
      %swap3A_1486 = arith.index_cast %swap3A_1485 : i32 to index
      %swap3A_1487 = arith.constant 48 : index
      %swap3A_1488 = tpu.vector_load %arg9[%swap3A_1486, %swap3A_1487] {strides = array<i32>} : memref<16x64xf32, #tpu.memory_space<vmem>>, vector<16xf32>,
      tpu.vector_store %arg9[%swap3A_1486, %swap3A_1487], %gather3A_1472 {strides = array<i32>} : memref<16x64xf32, #tpu.memory_space<vmem>>, vector<16xf32>,
      %broadcast_in_dim3A_1489 = arith.constant 1 : i32
      %broadcast_in_dim3A_1490 = vector.broadcast %broadcast_in_dim3A_1489 : i32 to vector<16xi32>
      %gather3A_1491 = tpu.vector_load_idx %arg6[%broadcast_in_dim3A_1490, %add3A_1367] : memref<16x2048xf32, #tpu.memory_space<vmem>>[vector<16xi32>, vector<16xi32>], vector<16xf32>,
      %gather3A_1492 = tpu.vector_load_idx %arg6[%broadcast_in_dim3A_1490, %add3A_1400] : memref<16x2048xf32, #tpu.memory_space<vmem>>[vector<16xi32>, vector<16xi32>], vector<16xf32>,
      %gather3A_1493 = tpu.vector_load_idx %arg6[%broadcast_in_dim3A_1490, %add3A_1433] : memref<16x2048xf32, #tpu.memory_space<vmem>>[vector<16xi32>, vector<16xi32>], vector<16xf32>,
      %gather3A_1494 = tpu.vector_load_idx %arg6[%broadcast_in_dim3A_1490, %add3A_1466] : memref<16x2048xf32, #tpu.memory_space<vmem>>[vector<16xi32>, vector<16xi32>], vector<16xf32>,
      %swap3A_1495 = arith.constant 1 : i32
      %swap3A_1496 = arith.index_cast %swap3A_1495 : i32 to index
      %swap3A_1497 = arith.constant 0 : index
      %swap3A_1498 = tpu.vector_load %arg9[%swap3A_1496, %swap3A_1497] {strides = array<i32>} : memref<16x64xf32, #tpu.memory_space<vmem>>, vector<16xf32>,
      tpu.vector_store %arg9[%swap3A_1496, %swap3A_1497], %gather3A_1491 {strides = array<i32>} : memref<16x64xf32, #tpu.memory_space<vmem>>, vector<16xf32>,
      %swap3A_1499 = arith.constant 1 : i32
      %swap3A_1500 = arith.index_cast %swap3A_1499 : i32 to index
      %swap3A_1501 = arith.constant 16 : index
      %swap3A_1502 = tpu.vector_load %arg9[%swap3A_1500, %swap3A_1501] {strides = array<i32>} : memref<16x64xf32, #tpu.memory_space<vmem>>, vector<16xf32>,
      tpu.vector_store %arg9[%swap3A_1500, %swap3A_1501], %gather3A_1492 {strides = array<i32>} : memref<16x64xf32, #tpu.memory_space<vmem>>, vector<16xf32>,
      %swap3A_1503 = arith.constant 1 : i32
      %swap3A_1504 = arith.index_cast %swap3A_1503 : i32 to index
      %swap3A_1505 = arith.constant 32 : index
      %swap3A_1506 = tpu.vector_load %arg9[%swap3A_1504, %swap3A_1505] {strides = array<i32>} : memref<16x64xf32, #tpu.memory_space<vmem>>, vector<16xf32>,
      tpu.vector_store %arg9[%swap3A_1504, %swap3A_1505], %gather3A_1493 {strides = array<i32>} : memref<16x64xf32, #tpu.memory_space<vmem>>, vector<16xf32>,
      %swap3A_1507 = arith.constant 1 : i32
      %swap3A_1508 = arith.index_cast %swap3A_1507 : i32 to index
      %swap3A_1509 = arith.constant 48 : index
      %swap3A_1510 = tpu.vector_load %arg9[%swap3A_1508, %swap3A_1509] {strides = array<i32>} : memref<16x64xf32, #tpu.memory_space<vmem>>, vector<16xf32>,
      tpu.vector_store %arg9[%swap3A_1508, %swap3A_1509], %gather3A_1494 {strides = array<i32>} : memref<16x64xf32, #tpu.memory_space<vmem>>, vector<16xf32>,
      %broadcast_in_dim3A_1511 = arith.constant 2 : i32
      %broadcast_in_dim3A_1512 = vector.broadcast %broadcast_in_dim3A_1511 : i32 to vector<16xi32>
      %gather3A_1513 = tpu.vector_load_idx %arg6[%broadcast_in_dim3A_1512, %add3A_1367] : memref<16x2048xf32, #tpu.memory_space<vmem>>[vector<16xi32>, vector<16xi32>], vector<16xf32>,
      %gather3A_1514 = tpu.vector_load_idx %arg6[%broadcast_in_dim3A_1512, %add3A_1400] : memref<16x2048xf32, #tpu.memory_space<vmem>>[vector<16xi32>, vector<16xi32>], vector<16xf32>,
      %gather3A_1515 = tpu.vector_load_idx %arg6[%broadcast_in_dim3A_1512, %add3A_1433] : memref<16x2048xf32, #tpu.memory_space<vmem>>[vector<16xi32>, vector<16xi32>], vector<16xf32>,
      %gather3A_1516 = tpu.vector_load_idx %arg6[%broadcast_in_dim3A_1512, %add3A_1466] : memref<16x2048xf32, #tpu.memory_space<vmem>>[vector<16xi32>, vector<16xi32>], vector<16xf32>,
      %swap3A_1517 = arith.constant 2 : i32
      %swap3A_1518 = arith.index_cast %swap3A_1517 : i32 to index
      %swap3A_1519 = arith.constant 0 : index
      %swap3A_1520 = tpu.vector_load %arg9[%swap3A_1518, %swap3A_1519] {strides = array<i32>} : memref<16x64xf32, #tpu.memory_space<vmem>>, vector<16xf32>,
      tpu.vector_store %arg9[%swap3A_1518, %swap3A_1519], %gather3A_1513 {strides = array<i32>} : memref<16x64xf32, #tpu.memory_space<vmem>>, vector<16xf32>,
      %swap3A_1521 = arith.constant 2 : i32
      %swap3A_1522 = arith.index_cast %swap3A_1521 : i32 to index
      %swap3A_1523 = arith.constant 16 : index
      %swap3A_1524 = tpu.vector_load %arg9[%swap3A_1522, %swap3A_1523] {strides = array<i32>} : memref<16x64xf32, #tpu.memory_space<vmem>>, vector<16xf32>,
      tpu.vector_store %arg9[%swap3A_1522, %swap3A_1523], %gather3A_1514 {strides = array<i32>} : memref<16x64xf32, #tpu.memory_space<vmem>>, vector<16xf32>,
      %swap3A_1525 = arith.constant 2 : i32
      %swap3A_1526 = arith.index_cast %swap3A_1525 : i32 to index
      %swap3A_1527 = arith.constant 32 : index
      %swap3A_1528 = tpu.vector_load %arg9[%swap3A_1526, %swap3A_1527] {strides = array<i32>} : memref<16x64xf32, #tpu.memory_space<vmem>>, vector<16xf32>,
      tpu.vector_store %arg9[%swap3A_1526, %swap3A_1527], %gather3A_1515 {strides = array<i32>} : memref<16x64xf32, #tpu.memory_space<vmem>>, vector<16xf32>,
      %swap3A_1529 = arith.constant 2 : i32
      %swap3A_1530 = arith.index_cast %swap3A_1529 : i32 to index
      %swap3A_1531 = arith.constant 48 : index
      %swap3A_1532 = tpu.vector_load %arg9[%swap3A_1530, %swap3A_1531] {strides = array<i32>} : memref<16x64xf32, #tpu.memory_space<vmem>>, vector<16xf32>,
      tpu.vector_store %arg9[%swap3A_1530, %swap3A_1531], %gather3A_1516 {strides = array<i32>} : memref<16x64xf32, #tpu.memory_space<vmem>>, vector<16xf32>,
      %broadcast_in_dim3A_1533 = arith.constant 3 : i32
      %broadcast_in_dim3A_1534 = vector.broadcast %broadcast_in_dim3A_1533 : i32 to vector<16xi32>
      %gather3A_1535 = tpu.vector_load_idx %arg6[%broadcast_in_dim3A_1534, %add3A_1367] : memref<16x2048xf32, #tpu.memory_space<vmem>>[vector<16xi32>, vector<16xi32>], vector<16xf32>,
      %gather3A_1536 = tpu.vector_load_idx %arg6[%broadcast_in_dim3A_1534, %add3A_1400] : memref<16x2048xf32, #tpu.memory_space<vmem>>[vector<16xi32>, vector<16xi32>], vector<16xf32>,
      %gather3A_1537 = tpu.vector_load_idx %arg6[%broadcast_in_dim3A_1534, %add3A_1433] : memref<16x2048xf32, #tpu.memory_space<vmem>>[vector<16xi32>, vector<16xi32>], vector<16xf32>,
      %gather3A_1538 = tpu.vector_load_idx %arg6[%broadcast_in_dim3A_1534, %add3A_1466] : memref<16x2048xf32, #tpu.memory_space<vmem>>[vector<16xi32>, vector<16xi32>], vector<16xf32>,
      %swap3A_1539 = arith.constant 3 : i32
      %swap3A_1540 = arith.index_cast %swap3A_1539 : i32 to index
      %swap3A_1541 = arith.constant 0 : index
      %swap3A_1542 = tpu.vector_load %arg9[%swap3A_1540, %swap3A_1541] {strides = array<i32>} : memref<16x64xf32, #tpu.memory_space<vmem>>, vector<16xf32>,
      tpu.vector_store %arg9[%swap3A_1540, %swap3A_1541], %gather3A_1535 {strides = array<i32>} : memref<16x64xf32, #tpu.memory_space<vmem>>, vector<16xf32>,
      %swap3A_1543 = arith.constant 3 : i32
      %swap3A_1544 = arith.index_cast %swap3A_1543 : i32 to index
      %swap3A_1545 = arith.constant 16 : index
      %swap3A_1546 = tpu.vector_load %arg9[%swap3A_1544, %swap3A_1545] {strides = array<i32>} : memref<16x64xf32, #tpu.memory_space<vmem>>, vector<16xf32>,
      tpu.vector_store %arg9[%swap3A_1544, %swap3A_1545], %gather3A_1536 {strides = array<i32>} : memref<16x64xf32, #tpu.memory_space<vmem>>, vector<16xf32>,
      %swap3A_1547 = arith.constant 3 : i32
      %swap3A_1548 = arith.index_cast %swap3A_1547 : i32 to index
      %swap3A_1549 = arith.constant 32 : index
      %swap3A_1550 = tpu.vector_load %arg9[%swap3A_1548, %swap3A_1549] {strides = array<i32>} : memref<16x64xf32, #tpu.memory_space<vmem>>, vector<16xf32>,
      tpu.vector_store %arg9[%swap3A_1548, %swap3A_1549], %gather3A_1537 {strides = array<i32>} : memref<16x64xf32, #tpu.memory_space<vmem>>, vector<16xf32>,
      %swap3A_1551 = arith.constant 3 : i32
      %swap3A_1552 = arith.index_cast %swap3A_1551 : i32 to index
      %swap3A_1553 = arith.constant 48 : index
      %swap3A_1554 = tpu.vector_load %arg9[%swap3A_1552, %swap3A_1553] {strides = array<i32>} : memref<16x64xf32, #tpu.memory_space<vmem>>, vector<16xf32>,
      tpu.vector_store %arg9[%swap3A_1552, %swap3A_1553], %gather3A_1538 {strides = array<i32>} : memref<16x64xf32, #tpu.memory_space<vmem>>, vector<16xf32>,
      %broadcast_in_dim3A_1555 = arith.constant 4 : i32
      %broadcast_in_dim3A_1556 = vector.broadcast %broadcast_in_dim3A_1555 : i32 to vector<16xi32>
      %gather3A_1557 = tpu.vector_load_idx %arg6[%broadcast_in_dim3A_1556, %add3A_1367] : memref<16x2048xf32, #tpu.memory_space<vmem>>[vector<16xi32>, vector<16xi32>], vector<16xf32>,
      %gather3A_1558 = tpu.vector_load_idx %arg6[%broadcast_in_dim3A_1556, %add3A_1400] : memref<16x2048xf32, #tpu.memory_space<vmem>>[vector<16xi32>, vector<16xi32>], vector<16xf32>,
      %gather3A_1559 = tpu.vector_load_idx %arg6[%broadcast_in_dim3A_1556, %add3A_1433] : memref<16x2048xf32, #tpu.memory_space<vmem>>[vector<16xi32>, vector<16xi32>], vector<16xf32>,
      %gather3A_1560 = tpu.vector_load_idx %arg6[%broadcast_in_dim3A_1556, %add3A_1466] : memref<16x2048xf32, #tpu.memory_space<vmem>>[vector<16xi32>, vector<16xi32>], vector<16xf32>,
      %swap3A_1561 = arith.constant 4 : i32
      %swap3A_1562 = arith.index_cast %swap3A_1561 : i32 to index
      %swap3A_1563 = arith.constant 0 : index
      %swap3A_1564 = tpu.vector_load %arg9[%swap3A_1562, %swap3A_1563] {strides = array<i32>} : memref<16x64xf32, #tpu.memory_space<vmem>>, vector<16xf32>,
      tpu.vector_store %arg9[%swap3A_1562, %swap3A_1563], %gather3A_1557 {strides = array<i32>} : memref<16x64xf32, #tpu.memory_space<vmem>>, vector<16xf32>,
      %swap3A_1565 = arith.constant 4 : i32
      %swap3A_1566 = arith.index_cast %swap3A_1565 : i32 to index
      %swap3A_1567 = arith.constant 16 : index
      %swap3A_1568 = tpu.vector_load %arg9[%swap3A_1566, %swap3A_1567] {strides = array<i32>} : memref<16x64xf32, #tpu.memory_space<vmem>>, vector<16xf32>,
      tpu.vector_store %arg9[%swap3A_1566, %swap3A_1567], %gather3A_1558 {strides = array<i32>} : memref<16x64xf32, #tpu.memory_space<vmem>>, vector<16xf32>,
      %swap3A_1569 = arith.constant 4 : i32
      %swap3A_1570 = arith.index_cast %swap3A_1569 : i32 to index
      %swap3A_1571 = arith.constant 32 : index
      %swap3A_1572 = tpu.vector_load %arg9[%swap3A_1570, %swap3A_1571] {strides = array<i32>} : memref<16x64xf32, #tpu.memory_space<vmem>>, vector<16xf32>,
      tpu.vector_store %arg9[%swap3A_1570, %swap3A_1571], %gather3A_1559 {strides = array<i32>} : memref<16x64xf32, #tpu.memory_space<vmem>>, vector<16xf32>,
      %swap3A_1573 = arith.constant 4 : i32
      %swap3A_1574 = arith.index_cast %swap3A_1573 : i32 to index
      %swap3A_1575 = arith.constant 48 : index
      %swap3A_1576 = tpu.vector_load %arg9[%swap3A_1574, %swap3A_1575] {strides = array<i32>} : memref<16x64xf32, #tpu.memory_space<vmem>>, vector<16xf32>,
      tpu.vector_store %arg9[%swap3A_1574, %swap3A_1575], %gather3A_1560 {strides = array<i32>} : memref<16x64xf32, #tpu.memory_space<vmem>>, vector<16xf32>,
      %broadcast_in_dim3A_1577 = arith.constant 5 : i32
      %broadcast_in_dim3A_1578 = vector.broadcast %broadcast_in_dim3A_1577 : i32 to vector<16xi32>
      %gather3A_1579 = tpu.vector_load_idx %arg6[%broadcast_in_dim3A_1578, %add3A_1367] : memref<16x2048xf32, #tpu.memory_space<vmem>>[vector<16xi32>, vector<16xi32>], vector<16xf32>,
      %gather3A_1580 = tpu.vector_load_idx %arg6[%broadcast_in_dim3A_1578, %add3A_1400] : memref<16x2048xf32, #tpu.memory_space<vmem>>[vector<16xi32>, vector<16xi32>], vector<16xf32>,
      %gather3A_1581 = tpu.vector_load_idx %arg6[%broadcast_in_dim3A_1578, %add3A_1433] : memref<16x2048xf32, #tpu.memory_space<vmem>>[vector<16xi32>, vector<16xi32>], vector<16xf32>,
      %gather3A_1582 = tpu.vector_load_idx %arg6[%broadcast_in_dim3A_1578, %add3A_1466] : memref<16x2048xf32, #tpu.memory_space<vmem>>[vector<16xi32>, vector<16xi32>], vector<16xf32>,
      %swap3A_1583 = arith.constant 5 : i32
      %swap3A_1584 = arith.index_cast %swap3A_1583 : i32 to index
      %swap3A_1585 = arith.constant 0 : index
      %swap3A_1586 = tpu.vector_load %arg9[%swap3A_1584, %swap3A_1585] {strides = array<i32>} : memref<16x64xf32, #tpu.memory_space<vmem>>, vector<16xf32>,
      tpu.vector_store %arg9[%swap3A_1584, %swap3A_1585], %gather3A_1579 {strides = array<i32>} : memref<16x64xf32, #tpu.memory_space<vmem>>, vector<16xf32>,
      %swap3A_1587 = arith.constant 5 : i32
      %swap3A_1588 = arith.index_cast %swap3A_1587 : i32 to index
      %swap3A_1589 = arith.constant 16 : index
      %swap3A_1590 = tpu.vector_load %arg9[%swap3A_1588, %swap3A_1589] {strides = array<i32>} : memref<16x64xf32, #tpu.memory_space<vmem>>, vector<16xf32>,
      tpu.vector_store %arg9[%swap3A_1588, %swap3A_1589], %gather3A_1580 {strides = array<i32>} : memref<16x64xf32, #tpu.memory_space<vmem>>, vector<16xf32>,
      %swap3A_1591 = arith.constant 5 : i32
      %swap3A_1592 = arith.index_cast %swap3A_1591 : i32 to index
      %swap3A_1593 = arith.constant 32 : index
      %swap3A_1594 = tpu.vector_load %arg9[%swap3A_1592, %swap3A_1593] {strides = array<i32>} : memref<16x64xf32, #tpu.memory_space<vmem>>, vector<16xf32>,
      tpu.vector_store %arg9[%swap3A_1592, %swap3A_1593], %gather3A_1581 {strides = array<i32>} : memref<16x64xf32, #tpu.memory_space<vmem>>, vector<16xf32>,
      %swap3A_1595 = arith.constant 5 : i32
      %swap3A_1596 = arith.index_cast %swap3A_1595 : i32 to index
      %swap3A_1597 = arith.constant 48 : index
      %swap3A_1598 = tpu.vector_load %arg9[%swap3A_1596, %swap3A_1597] {strides = array<i32>} : memref<16x64xf32, #tpu.memory_space<vmem>>, vector<16xf32>,
      tpu.vector_store %arg9[%swap3A_1596, %swap3A_1597], %gather3A_1582 {strides = array<i32>} : memref<16x64xf32, #tpu.memory_space<vmem>>, vector<16xf32>,
      %broadcast_in_dim3A_1599 = arith.constant 6 : i32
      %broadcast_in_dim3A_1600 = vector.broadcast %broadcast_in_dim3A_1599 : i32 to vector<16xi32>
      %gather3A_1601 = tpu.vector_load_idx %arg6[%broadcast_in_dim3A_1600, %add3A_1367] : memref<16x2048xf32, #tpu.memory_space<vmem>>[vector<16xi32>, vector<16xi32>], vector<16xf32>,
      %gather3A_1602 = tpu.vector_load_idx %arg6[%broadcast_in_dim3A_1600, %add3A_1400] : memref<16x2048xf32, #tpu.memory_space<vmem>>[vector<16xi32>, vector<16xi32>], vector<16xf32>,
      %gather3A_1603 = tpu.vector_load_idx %arg6[%broadcast_in_dim3A_1600, %add3A_1433] : memref<16x2048xf32, #tpu.memory_space<vmem>>[vector<16xi32>, vector<16xi32>], vector<16xf32>,
      %gather3A_1604 = tpu.vector_load_idx %arg6[%broadcast_in_dim3A_1600, %add3A_1466] : memref<16x2048xf32, #tpu.memory_space<vmem>>[vector<16xi32>, vector<16xi32>], vector<16xf32>,
      %swap3A_1605 = arith.constant 6 : i32
      %swap3A_1606 = arith.index_cast %swap3A_1605 : i32 to index
      %swap3A_1607 = arith.constant 0 : index
      %swap3A_1608 = tpu.vector_load %arg9[%swap3A_1606, %swap3A_1607] {strides = array<i32>} : memref<16x64xf32, #tpu.memory_space<vmem>>, vector<16xf32>,
      tpu.vector_store %arg9[%swap3A_1606, %swap3A_1607], %gather3A_1601 {strides = array<i32>} : memref<16x64xf32, #tpu.memory_space<vmem>>, vector<16xf32>,
      %swap3A_1609 = arith.constant 6 : i32
      %swap3A_1610 = arith.index_cast %swap3A_1609 : i32 to index
      %swap3A_1611 = arith.constant 16 : index
      %swap3A_1612 = tpu.vector_load %arg9[%swap3A_1610, %swap3A_1611] {strides = array<i32>} : memref<16x64xf32, #tpu.memory_space<vmem>>, vector<16xf32>,
      tpu.vector_store %arg9[%swap3A_1610, %swap3A_1611], %gather3A_1602 {strides = array<i32>} : memref<16x64xf32, #tpu.memory_space<vmem>>, vector<16xf32>,
      %swap3A_1613 = arith.constant 6 : i32
      %swap3A_1614 = arith.index_cast %swap3A_1613 : i32 to index
      %swap3A_1615 = arith.constant 32 : index
      %swap3A_1616 = tpu.vector_load %arg9[%swap3A_1614, %swap3A_1615] {strides = array<i32>} : memref<16x64xf32, #tpu.memory_space<vmem>>, vector<16xf32>,
      tpu.vector_store %arg9[%swap3A_1614, %swap3A_1615], %gather3A_1603 {strides = array<i32>} : memref<16x64xf32, #tpu.memory_space<vmem>>, vector<16xf32>,
      %swap3A_1617 = arith.constant 6 : i32
      %swap3A_1618 = arith.index_cast %swap3A_1617 : i32 to index
      %swap3A_1619 = arith.constant 48 : index
      %swap3A_1620 = tpu.vector_load %arg9[%swap3A_1618, %swap3A_1619] {strides = array<i32>} : memref<16x64xf32, #tpu.memory_space<vmem>>, vector<16xf32>,
      tpu.vector_store %arg9[%swap3A_1618, %swap3A_1619], %gather3A_1604 {strides = array<i32>} : memref<16x64xf32, #tpu.memory_space<vmem>>, vector<16xf32>,
      %broadcast_in_dim3A_1621 = arith.constant 7 : i32
      %broadcast_in_dim3A_1622 = vector.broadcast %broadcast_in_dim3A_1621 : i32 to vector<16xi32>
      %gather3A_1623 = tpu.vector_load_idx %arg6[%broadcast_in_dim3A_1622, %add3A_1367] : memref<16x2048xf32, #tpu.memory_space<vmem>>[vector<16xi32>, vector<16xi32>], vector<16xf32>,
      %gather3A_1624 = tpu.vector_load_idx %arg6[%broadcast_in_dim3A_1622, %add3A_1400] : memref<16x2048xf32, #tpu.memory_space<vmem>>[vector<16xi32>, vector<16xi32>], vector<16xf32>,
      %gather3A_1625 = tpu.vector_load_idx %arg6[%broadcast_in_dim3A_1622, %add3A_1433] : memref<16x2048xf32, #tpu.memory_space<vmem>>[vector<16xi32>, vector<16xi32>], vector<16xf32>,
      %gather3A_1626 = tpu.vector_load_idx %arg6[%broadcast_in_dim3A_1622, %add3A_1466] : memref<16x2048xf32, #tpu.memory_space<vmem>>[vector<16xi32>, vector<16xi32>], vector<16xf32>,
      %swap3A_1627 = arith.constant 7 : i32
      %swap3A_1628 = arith.index_cast %swap3A_1627 : i32 to index
      %swap3A_1629 = arith.constant 0 : index
      %swap3A_1630 = tpu.vector_load %arg9[%swap3A_1628, %swap3A_1629] {strides = array<i32>} : memref<16x64xf32, #tpu.memory_space<vmem>>, vector<16xf32>,
      tpu.vector_store %arg9[%swap3A_1628, %swap3A_1629], %gather3A_1623 {strides = array<i32>} : memref<16x64xf32, #tpu.memory_space<vmem>>, vector<16xf32>,
      %swap3A_1631 = arith.constant 7 : i32
      %swap3A_1632 = arith.index_cast %swap3A_1631 : i32 to index
      %swap3A_1633 = arith.constant 16 : index
      %swap3A_1634 = tpu.vector_load %arg9[%swap3A_1632, %swap3A_1633] {strides = array<i32>} : memref<16x64xf32, #tpu.memory_space<vmem>>, vector<16xf32>,
      tpu.vector_store %arg9[%swap3A_1632, %swap3A_1633], %gather3A_1624 {strides = array<i32>} : memref<16x64xf32, #tpu.memory_space<vmem>>, vector<16xf32>,
      %swap3A_1635 = arith.constant 7 : i32
      %swap3A_1636 = arith.index_cast %swap3A_1635 : i32 to index
      %swap3A_1637 = arith.constant 32 : index
      %swap3A_1638 = tpu.vector_load %arg9[%swap3A_1636, %swap3A_1637] {strides = array<i32>} : memref<16x64xf32, #tpu.memory_space<vmem>>, vector<16xf32>,
      tpu.vector_store %arg9[%swap3A_1636, %swap3A_1637], %gather3A_1625 {strides = array<i32>} : memref<16x64xf32, #tpu.memory_space<vmem>>, vector<16xf32>,
      %swap3A_1639 = arith.constant 7 : i32
      %swap3A_1640 = arith.index_cast %swap3A_1639 : i32 to index
      %swap3A_1641 = arith.constant 48 : index
      %swap3A_1642 = tpu.vector_load %arg9[%swap3A_1640, %swap3A_1641] {strides = array<i32>} : memref<16x64xf32, #tpu.memory_space<vmem>>, vector<16xf32>,
      tpu.vector_store %arg9[%swap3A_1640, %swap3A_1641], %gather3A_1626 {strides = array<i32>} : memref<16x64xf32, #tpu.memory_space<vmem>>, vector<16xf32>,
      %broadcast_in_dim3A_1643 = arith.constant 8 : i32
      %broadcast_in_dim3A_1644 = vector.broadcast %broadcast_in_dim3A_1643 : i32 to vector<16xi32>
      %gather3A_1645 = tpu.vector_load_idx %arg6[%broadcast_in_dim3A_1644, %add3A_1367] : memref<16x2048xf32, #tpu.memory_space<vmem>>[vector<16xi32>, vector<16xi32>], vector<16xf32>,
      %gather3A_1646 = tpu.vector_load_idx %arg6[%broadcast_in_dim3A_1644, %add3A_1400] : memref<16x2048xf32, #tpu.memory_space<vmem>>[vector<16xi32>, vector<16xi32>], vector<16xf32>,
      %gather3A_1647 = tpu.vector_load_idx %arg6[%broadcast_in_dim3A_1644, %add3A_1433] : memref<16x2048xf32, #tpu.memory_space<vmem>>[vector<16xi32>, vector<16xi32>], vector<16xf32>,
      %gather3A_1648 = tpu.vector_load_idx %arg6[%broadcast_in_dim3A_1644, %add3A_1466] : memref<16x2048xf32, #tpu.memory_space<vmem>>[vector<16xi32>, vector<16xi32>], vector<16xf32>,
      %swap3A_1649 = arith.constant 8 : i32
      %swap3A_1650 = arith.index_cast %swap3A_1649 : i32 to index
      %swap3A_1651 = arith.constant 0 : index
      %swap3A_1652 = tpu.vector_load %arg9[%swap3A_1650, %swap3A_1651] {strides = array<i32>} : memref<16x64xf32, #tpu.memory_space<vmem>>, vector<16xf32>,
      tpu.vector_store %arg9[%swap3A_1650, %swap3A_1651], %gather3A_1645 {strides = array<i32>} : memref<16x64xf32, #tpu.memory_space<vmem>>, vector<16xf32>,
      %swap3A_1653 = arith.constant 8 : i32
      %swap3A_1654 = arith.index_cast %swap3A_1653 : i32 to index
      %swap3A_1655 = arith.constant 16 : index
      %swap3A_1656 = tpu.vector_load %arg9[%swap3A_1654, %swap3A_1655] {strides = array<i32>} : memref<16x64xf32, #tpu.memory_space<vmem>>, vector<16xf32>,
      tpu.vector_store %arg9[%swap3A_1654, %swap3A_1655], %gather3A_1646 {strides = array<i32>} : memref<16x64xf32, #tpu.memory_space<vmem>>, vector<16xf32>,
      %swap3A_1657 = arith.constant 8 : i32
      %swap3A_1658 = arith.index_cast %swap3A_1657 : i32 to index
      %swap3A_1659 = arith.constant 32 : index
      %swap3A_1660 = tpu.vector_load %arg9[%swap3A_1658, %swap3A_1659] {strides = array<i32>} : memref<16x64xf32, #tpu.memory_space<vmem>>, vector<16xf32>,
      tpu.vector_store %arg9[%swap3A_1658, %swap3A_1659], %gather3A_1647 {strides = array<i32>} : memref<16x64xf32, #tpu.memory_space<vmem>>, vector<16xf32>,
      %swap3A_1661 = arith.constant 8 : i32
      %swap3A_1662 = arith.index_cast %swap3A_1661 : i32 to index
      %swap3A_1663 = arith.constant 48 : index
      %swap3A_1664 = tpu.vector_load %arg9[%swap3A_1662, %swap3A_1663] {strides = array<i32>} : memref<16x64xf32, #tpu.memory_space<vmem>>, vector<16xf32>,
      tpu.vector_store %arg9[%swap3A_1662, %swap3A_1663], %gather3A_1648 {strides = array<i32>} : memref<16x64xf32, #tpu.memory_space<vmem>>, vector<16xf32>,
      %broadcast_in_dim3A_1665 = arith.constant 9 : i32
      %broadcast_in_dim3A_1666 = vector.broadcast %broadcast_in_dim3A_1665 : i32 to vector<16xi32>
      %gather3A_1667 = tpu.vector_load_idx %arg6[%broadcast_in_dim3A_1666, %add3A_1367] : memref<16x2048xf32, #tpu.memory_space<vmem>>[vector<16xi32>, vector<16xi32>], vector<16xf32>,
      %gather3A_1668 = tpu.vector_load_idx %arg6[%broadcast_in_dim3A_1666, %add3A_1400] : memref<16x2048xf32, #tpu.memory_space<vmem>>[vector<16xi32>, vector<16xi32>], vector<16xf32>,
      %gather3A_1669 = tpu.vector_load_idx %arg6[%broadcast_in_dim3A_1666, %add3A_1433] : memref<16x2048xf32, #tpu.memory_space<vmem>>[vector<16xi32>, vector<16xi32>], vector<16xf32>,
      %gather3A_1670 = tpu.vector_load_idx %arg6[%broadcast_in_dim3A_1666, %add3A_1466] : memref<16x2048xf32, #tpu.memory_space<vmem>>[vector<16xi32>, vector<16xi32>], vector<16xf32>,
      %swap3A_1671 = arith.constant 9 : i32
      %swap3A_1672 = arith.index_cast %swap3A_1671 : i32 to index
      %swap3A_1673 = arith.constant 0 : index
      %swap3A_1674 = tpu.vector_load %arg9[%swap3A_1672, %swap3A_1673] {strides = array<i32>} : memref<16x64xf32, #tpu.memory_space<vmem>>, vector<16xf32>,
      tpu.vector_store %arg9[%swap3A_1672, %swap3A_1673], %gather3A_1667 {strides = array<i32>} : memref<16x64xf32, #tpu.memory_space<vmem>>, vector<16xf32>,
      %swap3A_1675 = arith.constant 9 : i32
      %swap3A_1676 = arith.index_cast %swap3A_1675 : i32 to index
      %swap3A_1677 = arith.constant 16 : index
      %swap3A_1678 = tpu.vector_load %arg9[%swap3A_1676, %swap3A_1677] {strides = array<i32>} : memref<16x64xf32, #tpu.memory_space<vmem>>, vector<16xf32>,
      tpu.vector_store %arg9[%swap3A_1676, %swap3A_1677], %gather3A_1668 {strides = array<i32>} : memref<16x64xf32, #tpu.memory_space<vmem>>, vector<16xf32>,
      %swap3A_1679 = arith.constant 9 : i32
      %swap3A_1680 = arith.index_cast %swap3A_1679 : i32 to index
      %swap3A_1681 = arith.constant 32 : index
      %swap3A_1682 = tpu.vector_load %arg9[%swap3A_1680, %swap3A_1681] {strides = array<i32>} : memref<16x64xf32, #tpu.memory_space<vmem>>, vector<16xf32>,
      tpu.vector_store %arg9[%swap3A_1680, %swap3A_1681], %gather3A_1669 {strides = array<i32>} : memref<16x64xf32, #tpu.memory_space<vmem>>, vector<16xf32>,
      %swap3A_1683 = arith.constant 9 : i32
      %swap3A_1684 = arith.index_cast %swap3A_1683 : i32 to index
      %swap3A_1685 = arith.constant 48 : index
      %swap3A_1686 = tpu.vector_load %arg9[%swap3A_1684, %swap3A_1685] {strides = array<i32>} : memref<16x64xf32, #tpu.memory_space<vmem>>, vector<16xf32>,
      tpu.vector_store %arg9[%swap3A_1684, %swap3A_1685], %gather3A_1670 {strides = array<i32>} : memref<16x64xf32, #tpu.memory_space<vmem>>, vector<16xf32>,
      %broadcast_in_dim3A_1687 = arith.constant 10 : i32
      %broadcast_in_dim3A_1688 = vector.broadcast %broadcast_in_dim3A_1687 : i32 to vector<16xi32>
      %gather3A_1689 = tpu.vector_load_idx %arg6[%broadcast_in_dim3A_1688, %add3A_1367] : memref<16x2048xf32, #tpu.memory_space<vmem>>[vector<16xi32>, vector<16xi32>], vector<16xf32>,
      %gather3A_1690 = tpu.vector_load_idx %arg6[%broadcast_in_dim3A_1688, %add3A_1400] : memref<16x2048xf32, #tpu.memory_space<vmem>>[vector<16xi32>, vector<16xi32>], vector<16xf32>,
      %gather3A_1691 = tpu.vector_load_idx %arg6[%broadcast_in_dim3A_1688, %add3A_1433] : memref<16x2048xf32, #tpu.memory_space<vmem>>[vector<16xi32>, vector<16xi32>], vector<16xf32>,
      %gather3A_1692 = tpu.vector_load_idx %arg6[%broadcast_in_dim3A_1688, %add3A_1466] : memref<16x2048xf32, #tpu.memory_space<vmem>>[vector<16xi32>, vector<16xi32>], vector<16xf32>,
      %swap3A_1693 = arith.constant 10 : i32
      %swap3A_1694 = arith.index_cast %swap3A_1693 : i32 to index
      %swap3A_1695 = arith.constant 0 : index
      %swap3A_1696 = tpu.vector_load %arg9[%swap3A_1694, %swap3A_1695] {strides = array<i32>} : memref<16x64xf32, #tpu.memory_space<vmem>>, vector<16xf32>,
      tpu.vector_store %arg9[%swap3A_1694, %swap3A_1695], %gather3A_1689 {strides = array<i32>} : memref<16x64xf32, #tpu.memory_space<vmem>>, vector<16xf32>,
      %swap3A_1697 = arith.constant 10 : i32
      %swap3A_1698 = arith.index_cast %swap3A_1697 : i32 to index
      %swap3A_1699 = arith.constant 16 : index
      %swap3A_1700 = tpu.vector_load %arg9[%swap3A_1698, %swap3A_1699] {strides = array<i32>} : memref<16x64xf32, #tpu.memory_space<vmem>>, vector<16xf32>,
      tpu.vector_store %arg9[%swap3A_1698, %swap3A_1699], %gather3A_1690 {strides = array<i32>} : memref<16x64xf32, #tpu.memory_space<vmem>>, vector<16xf32>,
      %swap3A_1701 = arith.constant 10 : i32
      %swap3A_1702 = arith.index_cast %swap3A_1701 : i32 to index
      %swap3A_1703 = arith.constant 32 : index
      %swap3A_1704 = tpu.vector_load %arg9[%swap3A_1702, %swap3A_1703] {strides = array<i32>} : memref<16x64xf32, #tpu.memory_space<vmem>>, vector<16xf32>,
      tpu.vector_store %arg9[%swap3A_1702, %swap3A_1703], %gather3A_1691 {strides = array<i32>} : memref<16x64xf32, #tpu.memory_space<vmem>>, vector<16xf32>,
      %swap3A_1705 = arith.constant 10 : i32
      %swap3A_1706 = arith.index_cast %swap3A_1705 : i32 to index
      %swap3A_1707 = arith.constant 48 : index
      %swap3A_1708 = tpu.vector_load %arg9[%swap3A_1706, %swap3A_1707] {strides = array<i32>} : memref<16x64xf32, #tpu.memory_space<vmem>>, vector<16xf32>,
      tpu.vector_store %arg9[%swap3A_1706, %swap3A_1707], %gather3A_1692 {strides = array<i32>} : memref<16x64xf32, #tpu.memory_space<vmem>>, vector<16xf32>,
      %broadcast_in_dim3A_1709 = arith.constant 11 : i32
      %broadcast_in_dim3A_1710 = vector.broadcast %broadcast_in_dim3A_1709 : i32 to vector<16xi32>
      %gather3A_1711 = tpu.vector_load_idx %arg6[%broadcast_in_dim3A_1710, %add3A_1367] : memref<16x2048xf32, #tpu.memory_space<vmem>>[vector<16xi32>, vector<16xi32>], vector<16xf32>,
      %gather3A_1712 = tpu.vector_load_idx %arg6[%broadcast_in_dim3A_1710, %add3A_1400] : memref<16x2048xf32, #tpu.memory_space<vmem>>[vector<16xi32>, vector<16xi32>], vector<16xf32>,
      %gather3A_1713 = tpu.vector_load_idx %arg6[%broadcast_in_dim3A_1710, %add3A_1433] : memref<16x2048xf32, #tpu.memory_space<vmem>>[vector<16xi32>, vector<16xi32>], vector<16xf32>,
      %gather3A_1714 = tpu.vector_load_idx %arg6[%broadcast_in_dim3A_1710, %add3A_1466] : memref<16x2048xf32, #tpu.memory_space<vmem>>[vector<16xi32>, vector<16xi32>], vector<16xf32>,
      %swap3A_1715 = arith.constant 11 : i32
      %swap3A_1716 = arith.index_cast %swap3A_1715 : i32 to index
      %swap3A_1717 = arith.constant 0 : index
      %swap3A_1718 = tpu.vector_load %arg9[%swap3A_1716, %swap3A_1717] {strides = array<i32>} : memref<16x64xf32, #tpu.memory_space<vmem>>, vector<16xf32>,
      tpu.vector_store %arg9[%swap3A_1716, %swap3A_1717], %gather3A_1711 {strides = array<i32>} : memref<16x64xf32, #tpu.memory_space<vmem>>, vector<16xf32>,
      %swap3A_1719 = arith.constant 11 : i32
      %swap3A_1720 = arith.index_cast %swap3A_1719 : i32 to index
      %swap3A_1721 = arith.constant 16 : index
      %swap3A_1722 = tpu.vector_load %arg9[%swap3A_1720, %swap3A_1721] {strides = array<i32>} : memref<16x64xf32, #tpu.memory_space<vmem>>, vector<16xf32>,
      tpu.vector_store %arg9[%swap3A_1720, %swap3A_1721], %gather3A_1712 {strides = array<i32>} : memref<16x64xf32, #tpu.memory_space<vmem>>, vector<16xf32>,
      %swap3A_1723 = arith.constant 11 : i32
      %swap3A_1724 = arith.index_cast %swap3A_1723 : i32 to index
      %swap3A_1725 = arith.constant 32 : index
      %swap3A_1726 = tpu.vector_load %arg9[%swap3A_1724, %swap3A_1725] {strides = array<i32>} : memref<16x64xf32, #tpu.memory_space<vmem>>, vector<16xf32>,
      tpu.vector_store %arg9[%swap3A_1724, %swap3A_1725], %gather3A_1713 {strides = array<i32>} : memref<16x64xf32, #tpu.memory_space<vmem>>, vector<16xf32>,
      %swap3A_1727 = arith.constant 11 : i32
      %swap3A_1728 = arith.index_cast %swap3A_1727 : i32 to index
      %swap3A_1729 = arith.constant 48 : index
      %swap3A_1730 = tpu.vector_load %arg9[%swap3A_1728, %swap3A_1729] {strides = array<i32>} : memref<16x64xf32, #tpu.memory_space<vmem>>, vector<16xf32>,
      tpu.vector_store %arg9[%swap3A_1728, %swap3A_1729], %gather3A_1714 {strides = array<i32>} : memref<16x64xf32, #tpu.memory_space<vmem>>, vector<16xf32>,
      %broadcast_in_dim3A_1731 = arith.constant 12 : i32
      %broadcast_in_dim3A_1732 = vector.broadcast %broadcast_in_dim3A_1731 : i32 to vector<16xi32>
      %gather3A_1733 = tpu.vector_load_idx %arg6[%broadcast_in_dim3A_1732, %add3A_1367] : memref<16x2048xf32, #tpu.memory_space<vmem>>[vector<16xi32>, vector<16xi32>], vector<16xf32>,
      %gather3A_1734 = tpu.vector_load_idx %arg6[%broadcast_in_dim3A_1732, %add3A_1400] : memref<16x2048xf32, #tpu.memory_space<vmem>>[vector<16xi32>, vector<16xi32>], vector<16xf32>,
      %gather3A_1735 = tpu.vector_load_idx %arg6[%broadcast_in_dim3A_1732, %add3A_1433] : memref<16x2048xf32, #tpu.memory_space<vmem>>[vector<16xi32>, vector<16xi32>], vector<16xf32>,
      %gather3A_1736 = tpu.vector_load_idx %arg6[%broadcast_in_dim3A_1732, %add3A_1466] : memref<16x2048xf32, #tpu.memory_space<vmem>>[vector<16xi32>, vector<16xi32>], vector<16xf32>,
      %swap3A_1737 = arith.constant 12 : i32
      %swap3A_1738 = arith.index_cast %swap3A_1737 : i32 to index
      %swap3A_1739 = arith.constant 0 : index
      %swap3A_1740 = tpu.vector_load %arg9[%swap3A_1738, %swap3A_1739] {strides = array<i32>} : memref<16x64xf32, #tpu.memory_space<vmem>>, vector<16xf32>,
      tpu.vector_store %arg9[%swap3A_1738, %swap3A_1739], %gather3A_1733 {strides = array<i32>} : memref<16x64xf32, #tpu.memory_space<vmem>>, vector<16xf32>,
      %swap3A_1741 = arith.constant 12 : i32
      %swap3A_1742 = arith.index_cast %swap3A_1741 : i32 to index
      %swap3A_1743 = arith.constant 16 : index
      %swap3A_1744 = tpu.vector_load %arg9[%swap3A_1742, %swap3A_1743] {strides = array<i32>} : memref<16x64xf32, #tpu.memory_space<vmem>>, vector<16xf32>,
      tpu.vector_store %arg9[%swap3A_1742, %swap3A_1743], %gather3A_1734 {strides = array<i32>} : memref<16x64xf32, #tpu.memory_space<vmem>>, vector<16xf32>,
      %swap3A_1745 = arith.constant 12 : i32
      %swap3A_1746 = arith.index_cast %swap3A_1745 : i32 to index
      %swap3A_1747 = arith.constant 32 : index
      %swap3A_1748 = tpu.vector_load %arg9[%swap3A_1746, %swap3A_1747] {strides = array<i32>} : memref<16x64xf32, #tpu.memory_space<vmem>>, vector<16xf32>,
      tpu.vector_store %arg9[%swap3A_1746, %swap3A_1747], %gather3A_1735 {strides = array<i32>} : memref<16x64xf32, #tpu.memory_space<vmem>>, vector<16xf32>,
      %swap3A_1749 = arith.constant 12 : i32
      %swap3A_1750 = arith.index_cast %swap3A_1749 : i32 to index
      %swap3A_1751 = arith.constant 48 : index
      %swap3A_1752 = tpu.vector_load %arg9[%swap3A_1750, %swap3A_1751] {strides = array<i32>} : memref<16x64xf32, #tpu.memory_space<vmem>>, vector<16xf32>,
      tpu.vector_store %arg9[%swap3A_1750, %swap3A_1751], %gather3A_1736 {strides = array<i32>} : memref<16x64xf32, #tpu.memory_space<vmem>>, vector<16xf32>,
      %broadcast_in_dim3A_1753 = arith.constant 13 : i32
      %broadcast_in_dim3A_1754 = vector.broadcast %broadcast_in_dim3A_1753 : i32 to vector<16xi32>
      %gather3A_1755 = tpu.vector_load_idx %arg6[%broadcast_in_dim3A_1754, %add3A_1367] : memref<16x2048xf32, #tpu.memory_space<vmem>>[vector<16xi32>, vector<16xi32>], vector<16xf32>,
      %gather3A_1756 = tpu.vector_load_idx %arg6[%broadcast_in_dim3A_1754, %add3A_1400] : memref<16x2048xf32, #tpu.memory_space<vmem>>[vector<16xi32>, vector<16xi32>], vector<16xf32>,
      %gather3A_1757 = tpu.vector_load_idx %arg6[%broadcast_in_dim3A_1754, %add3A_1433] : memref<16x2048xf32, #tpu.memory_space<vmem>>[vector<16xi32>, vector<16xi32>], vector<16xf32>,
      %gather3A_1758 = tpu.vector_load_idx %arg6[%broadcast_in_dim3A_1754, %add3A_1466] : memref<16x2048xf32, #tpu.memory_space<vmem>>[vector<16xi32>, vector<16xi32>], vector<16xf32>,
      %swap3A_1759 = arith.constant 13 : i32
      %swap3A_1760 = arith.index_cast %swap3A_1759 : i32 to index
      %swap3A_1761 = arith.constant 0 : index
      %swap3A_1762 = tpu.vector_load %arg9[%swap3A_1760, %swap3A_1761] {strides = array<i32>} : memref<16x64xf32, #tpu.memory_space<vmem>>, vector<16xf32>,
      tpu.vector_store %arg9[%swap3A_1760, %swap3A_1761], %gather3A_1755 {strides = array<i32>} : memref<16x64xf32, #tpu.memory_space<vmem>>, vector<16xf32>,
      %swap3A_1763 = arith.constant 13 : i32
      %swap3A_1764 = arith.index_cast %swap3A_1763 : i32 to index
      %swap3A_1765 = arith.constant 16 : index
      %swap3A_1766 = tpu.vector_load %arg9[%swap3A_1764, %swap3A_1765] {strides = array<i32>} : memref<16x64xf32, #tpu.memory_space<vmem>>, vector<16xf32>,
      tpu.vector_store %arg9[%swap3A_1764, %swap3A_1765], %gather3A_1756 {strides = array<i32>} : memref<16x64xf32, #tpu.memory_space<vmem>>, vector<16xf32>,
      %swap3A_1767 = arith.constant 13 : i32
      %swap3A_1768 = arith.index_cast %swap3A_1767 : i32 to index
      %swap3A_1769 = arith.constant 32 : index
      %swap3A_1770 = tpu.vector_load %arg9[%swap3A_1768, %swap3A_1769] {strides = array<i32>} : memref<16x64xf32, #tpu.memory_space<vmem>>, vector<16xf32>,
      tpu.vector_store %arg9[%swap3A_1768, %swap3A_1769], %gather3A_1757 {strides = array<i32>} : memref<16x64xf32, #tpu.memory_space<vmem>>, vector<16xf32>,
      %swap3A_1771 = arith.constant 13 : i32
      %swap3A_1772 = arith.index_cast %swap3A_1771 : i32 to index
      %swap3A_1773 = arith.constant 48 : index
      %swap3A_1774 = tpu.vector_load %arg9[%swap3A_1772, %swap3A_1773] {strides = array<i32>} : memref<16x64xf32, #tpu.memory_space<vmem>>, vector<16xf32>,
      tpu.vector_store %arg9[%swap3A_1772, %swap3A_1773], %gather3A_1758 {strides = array<i32>} : memref<16x64xf32, #tpu.memory_space<vmem>>, vector<16xf32>,
      %broadcast_in_dim3A_1775 = arith.constant 14 : i32
      %broadcast_in_dim3A_1776 = vector.broadcast %broadcast_in_dim3A_1775 : i32 to vector<16xi32>
      %gather3A_1777 = tpu.vector_load_idx %arg6[%broadcast_in_dim3A_1776, %add3A_1367] : memref<16x2048xf32, #tpu.memory_space<vmem>>[vector<16xi32>, vector<16xi32>], vector<16xf32>,
      %gather3A_1778 = tpu.vector_load_idx %arg6[%broadcast_in_dim3A_1776, %add3A_1400] : memref<16x2048xf32, #tpu.memory_space<vmem>>[vector<16xi32>, vector<16xi32>], vector<16xf32>,
      %gather3A_1779 = tpu.vector_load_idx %arg6[%broadcast_in_dim3A_1776, %add3A_1433] : memref<16x2048xf32, #tpu.memory_space<vmem>>[vector<16xi32>, vector<16xi32>], vector<16xf32>,
      %gather3A_1780 = tpu.vector_load_idx %arg6[%broadcast_in_dim3A_1776, %add3A_1466] : memref<16x2048xf32, #tpu.memory_space<vmem>>[vector<16xi32>, vector<16xi32>], vector<16xf32>,
      %swap3A_1781 = arith.constant 14 : i32
      %swap3A_1782 = arith.index_cast %swap3A_1781 : i32 to index
      %swap3A_1783 = arith.constant 0 : index
      %swap3A_1784 = tpu.vector_load %arg9[%swap3A_1782, %swap3A_1783] {strides = array<i32>} : memref<16x64xf32, #tpu.memory_space<vmem>>, vector<16xf32>,
      tpu.vector_store %arg9[%swap3A_1782, %swap3A_1783], %gather3A_1777 {strides = array<i32>} : memref<16x64xf32, #tpu.memory_space<vmem>>, vector<16xf32>,
      %swap3A_1785 = arith.constant 14 : i32
      %swap3A_1786 = arith.index_cast %swap3A_1785 : i32 to index
      %swap3A_1787 = arith.constant 16 : index
      %swap3A_1788 = tpu.vector_load %arg9[%swap3A_1786, %swap3A_1787] {strides = array<i32>} : memref<16x64xf32, #tpu.memory_space<vmem>>, vector<16xf32>,
      tpu.vector_store %arg9[%swap3A_1786, %swap3A_1787], %gather3A_1778 {strides = array<i32>} : memref<16x64xf32, #tpu.memory_space<vmem>>, vector<16xf32>,
      %swap3A_1789 = arith.constant 14 : i32
      %swap3A_1790 = arith.index_cast %swap3A_1789 : i32 to index
      %swap3A_1791 = arith.constant 32 : index
      %swap3A_1792 = tpu.vector_load %arg9[%swap3A_1790, %swap3A_1791] {strides = array<i32>} : memref<16x64xf32, #tpu.memory_space<vmem>>, vector<16xf32>,
      tpu.vector_store %arg9[%swap3A_1790, %swap3A_1791], %gather3A_1779 {strides = array<i32>} : memref<16x64xf32, #tpu.memory_space<vmem>>, vector<16xf32>,
      %swap3A_1793 = arith.constant 14 : i32
      %swap3A_1794 = arith.index_cast %swap3A_1793 : i32 to index
      %swap3A_1795 = arith.constant 48 : index
      %swap3A_1796 = tpu.vector_load %arg9[%swap3A_1794, %swap3A_1795] {strides = array<i32>} : memref<16x64xf32, #tpu.memory_space<vmem>>, vector<16xf32>,
      tpu.vector_store %arg9[%swap3A_1794, %swap3A_1795], %gather3A_1780 {strides = array<i32>} : memref<16x64xf32, #tpu.memory_space<vmem>>, vector<16xf32>,
      %broadcast_in_dim3A_1797 = arith.constant 15 : i32
      %broadcast_in_dim3A_1798 = vector.broadcast %broadcast_in_dim3A_1797 : i32 to vector<16xi32>
      %gather3A_1799 = tpu.vector_load_idx %arg6[%broadcast_in_dim3A_1798, %add3A_1367] : memref<16x2048xf32, #tpu.memory_space<vmem>>[vector<16xi32>, vector<16xi32>], vector<16xf32>,
      %gather3A_1800 = tpu.vector_load_idx %arg6[%broadcast_in_dim3A_1798, %add3A_1400] : memref<16x2048xf32, #tpu.memory_space<vmem>>[vector<16xi32>, vector<16xi32>], vector<16xf32>,
      %gather3A_1801 = tpu.vector_load_idx %arg6[%broadcast_in_dim3A_1798, %add3A_1433] : memref<16x2048xf32, #tpu.memory_space<vmem>>[vector<16xi32>, vector<16xi32>], vector<16xf32>,
      %gather3A_1802 = tpu.vector_load_idx %arg6[%broadcast_in_dim3A_1798, %add3A_1466] : memref<16x2048xf32, #tpu.memory_space<vmem>>[vector<16xi32>, vector<16xi32>], vector<16xf32>,
      %swap3A_1803 = arith.constant 15 : i32
      %swap3A_1804 = arith.index_cast %swap3A_1803 : i32 to index
      %swap3A_1805 = arith.constant 0 : index
      %swap3A_1806 = tpu.vector_load %arg9[%swap3A_1804, %swap3A_1805] {strides = array<i32>} : memref<16x64xf32, #tpu.memory_space<vmem>>, vector<16xf32>,
      tpu.vector_store %arg9[%swap3A_1804, %swap3A_1805], %gather3A_1799 {strides = array<i32>} : memref<16x64xf32, #tpu.memory_space<vmem>>, vector<16xf32>,
      %swap3A_1807 = arith.constant 15 : i32
      %swap3A_1808 = arith.index_cast %swap3A_1807 : i32 to index
      %swap3A_1809 = arith.constant 16 : index
      %swap3A_1810 = tpu.vector_load %arg9[%swap3A_1808, %swap3A_1809] {strides = array<i32>} : memref<16x64xf32, #tpu.memory_space<vmem>>, vector<16xf32>,
      tpu.vector_store %arg9[%swap3A_1808, %swap3A_1809], %gather3A_1800 {strides = array<i32>} : memref<16x64xf32, #tpu.memory_space<vmem>>, vector<16xf32>,
      %swap3A_1811 = arith.constant 15 : i32
      %swap3A_1812 = arith.index_cast %swap3A_1811 : i32 to index
      %swap3A_1813 = arith.constant 32 : index
      %swap3A_1814 = tpu.vector_load %arg9[%swap3A_1812, %swap3A_1813] {strides = array<i32>} : memref<16x64xf32, #tpu.memory_space<vmem>>, vector<16xf32>,
      tpu.vector_store %arg9[%swap3A_1812, %swap3A_1813], %gather3A_1801 {strides = array<i32>} : memref<16x64xf32, #tpu.memory_space<vmem>>, vector<16xf32>,
      %swap3A_1815 = arith.constant 15 : i32
      %swap3A_1816 = arith.index_cast %swap3A_1815 : i32 to index
      %swap3A_1817 = arith.constant 48 : index
      %swap3A_1818 = tpu.vector_load %arg9[%swap3A_1816, %swap3A_1817] {strides = array<i32>} : memref<16x64xf32, #tpu.memory_space<vmem>>, vector<16xf32>,
      tpu.vector_store %arg9[%swap3A_1816, %swap3A_1817], %gather3A_1802 {strides = array<i32>} : memref<16x64xf32, #tpu.memory_space<vmem>>, vector<16xf32>,
      %mul3A_1819 = arith.constant 32 : i32
      %mul3A_1820 = arith.muli %mul3A_1819, %mul3A_1218 : i32
      %add3A_1821 = arith.addi %add3A, %mul3A_1820 : i32
      %mul3A_1822 = arith.constant 16 : i32
      %mul3A_1823 = arith.muli %add3A_1821, %mul3A_1822 : i32
      %dma_start3A_1824 = arith.constant 0 : i32
      %dma_start3A_1825 = tpu.memref_slice %arg4[%mul3A_1823, %dma_start3A_1824] : memref<16384x64xf32, #tpu.memory_space<hbm>> -> memref<16x64xf32, #tpu.memory_space<hbm>>
      %dma_start3A_1826 = arith.constant 0 : i32
      %dma_start3A_1827 = tpu.memref_slice %arg4[%mul3A_1823, %dma_start3A_1826] : memref<16384x64xf32, #tpu.memory_space<hbm>> -> memref<16x64xf32, #tpu.memory_space<hbm>>
      tpu.enqueue_dma source(%arg9 : memref<16x64xf32, #tpu.memory_space<vmem>>) target(%dma_start3A_1827 : memref<16x64xf32, #tpu.memory_space<hbm>>) target_semaphore(%arg17 : memref<!tpu.dma_semaphore, #tpu.memory_space<semaphore_mem>>)
      %add3A_1828 = arith.constant 3 : i32
      %add3A_1829 = arith.addi %mul3A_1218, %add3A_1828 : i32
      %mul3A_1830 = arith.constant 32 : i32
      %mul3A_1831 = arith.muli %mul3A_1830, %add3A_1829 : i32
      %add3A_1832 = arith.addi %add3A, %mul3A_1831 : i32
      %jit3A_1833 = arith.constant 64 : i32
      %div3A_1834 = arith.divsi %add3A_1832, %jit3A_1833 : i32
      %sign3A_1835 = arith.constant 0 : i32
      %sign3A_1836 = arith.cmpi sgt, %add3A_1832, %sign3A_1835 : i32
      %sign3A_1837 = arith.extui %sign3A_1836 : i1 to i32
      %sign3A_1838 = arith.constant 0 : i32
      %sign3A_1839 = arith.cmpi slt, %add3A_1832, %sign3A_1838 : i32
      %sign3A_1840 = arith.extui %sign3A_1839 : i1 to i32
      %sign3A_1841 = arith.subi %sign3A_1837, %sign3A_1840 : i32
      %sign3A_1842 = arith.constant 0 : i32
      %sign3A_1843 = arith.cmpi sgt, %jit3A_1833, %sign3A_1842 : i32
      %sign3A_1844 = arith.extui %sign3A_1843 : i1 to i32
      %sign3A_1845 = arith.constant 0 : i32
      %sign3A_1846 = arith.cmpi slt, %jit3A_1833, %sign3A_1845 : i32
      %sign3A_1847 = arith.extui %sign3A_1846 : i1 to i32
      %sign3A_1848 = arith.subi %sign3A_1844, %sign3A_1847 : i32
      %ne3A_1849 = arith.cmpi ne, %sign3A_1841, %sign3A_1848 : i32
      %rem3A_1850 = arith.remsi %add3A_1832, %jit3A_1833 : i32
      %ne3A_1851 = arith.constant 0 : i32
      %ne3A_1852 = arith.cmpi ne, %rem3A_1850, %ne3A_1851 : i32
      %and3A_1853 = arith.andi %ne3A_1849, %ne3A_1852 : i1
      %sub3A_1854 = arith.constant 1 : i32
      %sub3A_1855 = arith.subi %div3A_1834, %sub3A_1854 : i32
      %select_n3A_1856 = arith.select %and3A_1853, %sub3A_1855, %div3A_1834 : i32
      %get3A_1857 = arith.index_cast %select_n3A_1856 : i32 to index
      %get3A_1858 = memref.load %arg13[%get3A_1857] : memref<16xi32, #tpu.memory_space<smem>>
      %ge3A_1859 = arith.constant 16 : i32
      %ge3A_1860 = arith.cmpi sge, %get3A_1858, %ge3A_1859 : i32
      %mul3A_1861 = arith.constant 16 : i32
      %mul3A_1862 = arith.muli %add3A_1832, %mul3A_1861 : i32
      %convert_element_type3A_1863 = arith.extui %ge3A_1860 : i1 to i32
      %cond3A_1864 = arith.constant 0 : i32
      %cond3A_1865 = arith.cmpi ne, %convert_element_type3A_1863, %cond3A_1864 : i32
      scf.if %cond3A_1865 {
        %dma_start3A_3058 = arith.constant 0 : i32
        %dma_start3A_3059 = tpu.memref_slice %arg2[%mul3A_1862, %dma_start3A_3058] : memref<16384x2048xf32, #tpu.memory_space<hbm>> -> memref<16x2048xf32, #tpu.memory_space<hbm>>
        %dma_start3A_3060 = arith.constant 0 : i32
        %dma_start3A_3061 = tpu.memref_slice %arg2[%mul3A_1862, %dma_start3A_3060] : memref<16384x2048xf32, #tpu.memory_space<hbm>> -> memref<16x2048xf32, #tpu.memory_space<hbm>>
        tpu.enqueue_dma source(%dma_start3A_3061 : memref<16x2048xf32, #tpu.memory_space<hbm>>) target(%arg6 : memref<16x2048xf32, #tpu.memory_space<vmem>>) target_semaphore(%arg14 : memref<!tpu.dma_semaphore, #tpu.memory_space<semaphore_mem>>)
      } else {
      }
      %not3A_1866 = arith.constant true
      %not3A_1867 = arith.xori %ge3A_1860, %not3A_1866 : i1
      %convert_element_type3A_1868 = arith.extui %not3A_1867 : i1 to i32
      %cond3A_1869 = arith.constant 0 : i32
      %cond3A_1870 = arith.cmpi ne, %convert_element_type3A_1868, %cond3A_1869 : i32
      scf.if %cond3A_1870 {
        %while3A = arith.constant 0 : i32
        %while3A_3058 = arith.constant 0 : i32
        %while3A_3059 = arith.subi %get3A_1858, %while3A_3058 : i32
        %while3A_3060 = arith.addi %while3A_3058, %while3A_3059 : i32
        %while3A_3061 = arith.constant 1 : i32
        %while3A_3062 = arith.divsi %while3A_3059, %while3A_3061 : i32
        %while3A_3063 = arith.muli %while3A_3062, %while3A_3061 : i32
        %while3A_3064 = arith.addi %while3A_3058, %while3A_3063 : i32
        %while3A_3065 = arith.constant 1 : i32
        scf.for %while3A_3067 = %while3A_3058 to %while3A_3064 step %while3A_3065  : i32 {
          %mul3A_3068 = arith.constant 128 : i32
          %mul3A_3069 = arith.muli %while3A_3067, %mul3A_3068 : i32
          %mul3A_3070 = arith.constant 128 : i32
          %mul3A_3071 = arith.muli %while3A_3067, %mul3A_3070 : i32
          %dma_start3A_3072 = arith.constant 0 : i32
          %dma_start3A_3073 = tpu.memref_slice %arg6[%dma_start3A_3072, %mul3A_3071] : memref<16x2048xf32, #tpu.memory_space<vmem>> -> memref<16x128xf32, #tpu.memory_space<vmem>>
          %dma_start3A_3074 = tpu.memref_slice %arg2[%mul3A_1862, %mul3A_3069] : memref<16384x2048xf32, #tpu.memory_space<hbm>> -> memref<16x128xf32, #tpu.memory_space<hbm>>
          %dma_start3A_3075 = arith.constant 0 : i32
          %dma_start3A_3076 = tpu.memref_slice %arg6[%dma_start3A_3075, %mul3A_3071] : memref<16x2048xf32, #tpu.memory_space<vmem>> -> memref<16x128xf32, #tpu.memory_space<vmem>>
          %dma_start3A_3077 = tpu.memref_slice %arg2[%mul3A_1862, %mul3A_3069] : memref<16384x2048xf32, #tpu.memory_space<hbm>> -> memref<16x128xf32, #tpu.memory_space<hbm>>
          tpu.enqueue_dma source(%dma_start3A_3077 : memref<16x128xf32, #tpu.memory_space<hbm>>) target(%dma_start3A_3076 : memref<16x128xf32, #tpu.memory_space<vmem>>) target_semaphore(%arg14 : memref<!tpu.dma_semaphore, #tpu.memory_space<semaphore_mem>>)
        }
        %while3A_3066 = arith.constant 1 : i32
        scf.for %while3A_3067 = %while3A_3064 to %while3A_3060 step %while3A_3066  : i32 {
          %mul3A_3068 = arith.constant 128 : i32
          %mul3A_3069 = arith.muli %while3A_3067, %mul3A_3068 : i32
          %mul3A_3070 = arith.constant 128 : i32
          %mul3A_3071 = arith.muli %while3A_3067, %mul3A_3070 : i32
          %dma_start3A_3072 = arith.constant 0 : i32
          %dma_start3A_3073 = tpu.memref_slice %arg6[%dma_start3A_3072, %mul3A_3071] : memref<16x2048xf32, #tpu.memory_space<vmem>> -> memref<16x128xf32, #tpu.memory_space<vmem>>
          %dma_start3A_3074 = tpu.memref_slice %arg2[%mul3A_1862, %mul3A_3069] : memref<16384x2048xf32, #tpu.memory_space<hbm>> -> memref<16x128xf32, #tpu.memory_space<hbm>>
          %dma_start3A_3075 = arith.constant 0 : i32
          %dma_start3A_3076 = tpu.memref_slice %arg6[%dma_start3A_3075, %mul3A_3071] : memref<16x2048xf32, #tpu.memory_space<vmem>> -> memref<16x128xf32, #tpu.memory_space<vmem>>
          %dma_start3A_3077 = tpu.memref_slice %arg2[%mul3A_1862, %mul3A_3069] : memref<16384x2048xf32, #tpu.memory_space<hbm>> -> memref<16x128xf32, #tpu.memory_space<hbm>>
          tpu.enqueue_dma source(%dma_start3A_3077 : memref<16x128xf32, #tpu.memory_space<hbm>>) target(%dma_start3A_3076 : memref<16x128xf32, #tpu.memory_space<vmem>>) target_semaphore(%arg14 : memref<!tpu.dma_semaphore, #tpu.memory_space<semaphore_mem>>)
        }
      } else {
      }
      %add3A_1871 = arith.constant 1 : i32
      %add3A_1872 = arith.addi %mul3A_1218, %add3A_1871 : i32
      %mul3A_1873 = arith.constant 32 : i32
      %mul3A_1874 = arith.muli %mul3A_1873, %add3A_1872 : i32
      %add3A_1875 = arith.addi %add3A, %mul3A_1874 : i32
      %jit3A_1876 = arith.constant 64 : i32
      %div3A_1877 = arith.divsi %add3A_1875, %jit3A_1876 : i32
      %sign3A_1878 = arith.constant 0 : i32
      %sign3A_1879 = arith.cmpi sgt, %add3A_1875, %sign3A_1878 : i32
      %sign3A_1880 = arith.extui %sign3A_1879 : i1 to i32
      %sign3A_1881 = arith.constant 0 : i32
      %sign3A_1882 = arith.cmpi slt, %add3A_1875, %sign3A_1881 : i32
      %sign3A_1883 = arith.extui %sign3A_1882 : i1 to i32
      %sign3A_1884 = arith.subi %sign3A_1880, %sign3A_1883 : i32
      %sign3A_1885 = arith.constant 0 : i32
      %sign3A_1886 = arith.cmpi sgt, %jit3A_1876, %sign3A_1885 : i32
      %sign3A_1887 = arith.extui %sign3A_1886 : i1 to i32
      %sign3A_1888 = arith.constant 0 : i32
      %sign3A_1889 = arith.cmpi slt, %jit3A_1876, %sign3A_1888 : i32
      %sign3A_1890 = arith.extui %sign3A_1889 : i1 to i32
      %sign3A_1891 = arith.subi %sign3A_1887, %sign3A_1890 : i32
      %ne3A_1892 = arith.cmpi ne, %sign3A_1884, %sign3A_1891 : i32
      %rem3A_1893 = arith.remsi %add3A_1875, %jit3A_1876 : i32
      %ne3A_1894 = arith.constant 0 : i32
      %ne3A_1895 = arith.cmpi ne, %rem3A_1893, %ne3A_1894 : i32
      %and3A_1896 = arith.andi %ne3A_1892, %ne3A_1895 : i1
      %sub3A_1897 = arith.constant 1 : i32
      %sub3A_1898 = arith.subi %div3A_1877, %sub3A_1897 : i32
      %select_n3A_1899 = arith.select %and3A_1896, %sub3A_1898, %div3A_1877 : i32
      %get3A_1900 = arith.index_cast %select_n3A_1899 : i32 to index
      %get3A_1901 = memref.load %arg13[%get3A_1900] : memref<16xi32, #tpu.memory_space<smem>>
      %ge3A_1902 = arith.constant 16 : i32
      %ge3A_1903 = arith.cmpi sge, %get3A_1901, %ge3A_1902 : i32
      %convert_element_type3A_1904 = arith.extui %ge3A_1903 : i1 to i32
      %cond3A_1905 = arith.constant 0 : i32
      %cond3A_1906 = arith.cmpi ne, %convert_element_type3A_1904, %cond3A_1905 : i32
      scf.if %cond3A_1906 {
        %dma_wait3A_3058 = arith.constant 0 : i32
        %dma_wait3A_3059 = arith.constant 0 : i32
        %dma_wait3A_3060 = tpu.memref_slice %arg2[%dma_wait3A_3058, %dma_wait3A_3059] : memref<16384x2048xf32, #tpu.memory_space<hbm>> -> memref<16x2048xf32, #tpu.memory_space<hbm>>
        %dma_wait3A_3061 = arith.constant 0 : i32
        %dma_wait3A_3062 = arith.constant 0 : i32
        %dma_wait3A_3063 = tpu.memref_slice %arg2[%dma_wait3A_3061, %dma_wait3A_3062] : memref<16384x2048xf32, #tpu.memory_space<hbm>> -> memref<16x2048xf32, #tpu.memory_space<hbm>>
        tpu.wait_dma2 semaphore(%arg15 : memref<!tpu.dma_semaphore, #tpu.memory_space<semaphore_mem>>) src(%dma_wait3A_3063 : memref<16x2048xf32, #tpu.memory_space<hbm>>) dst(%arg7 : memref<16x2048xf32, #tpu.memory_space<vmem>>)
      } else {
      }
      %not3A_1907 = arith.constant true
      %not3A_1908 = arith.xori %ge3A_1903, %not3A_1907 : i1
      %convert_element_type3A_1909 = arith.extui %not3A_1908 : i1 to i32
      %cond3A_1910 = arith.constant 0 : i32
      %cond3A_1911 = arith.cmpi ne, %convert_element_type3A_1909, %cond3A_1910 : i32
      scf.if %cond3A_1911 {
        %while3A = arith.constant 0 : i32
        %while3A_3058 = arith.constant 0 : i32
        %while3A_3059 = arith.subi %get3A_1901, %while3A_3058 : i32
        %while3A_3060 = arith.addi %while3A_3058, %while3A_3059 : i32
        %while3A_3061 = arith.constant 1 : i32
        %while3A_3062 = arith.divsi %while3A_3059, %while3A_3061 : i32
        %while3A_3063 = arith.muli %while3A_3062, %while3A_3061 : i32
        %while3A_3064 = arith.addi %while3A_3058, %while3A_3063 : i32
        %while3A_3065 = arith.constant 1 : i32
        scf.for %while3A_3067 = %while3A_3058 to %while3A_3064 step %while3A_3065  : i32 {
          %dma_wait3A_3068 = arith.constant 0 : i32
          %dma_wait3A_3069 = arith.constant 0 : i32
          %dma_wait3A_3070 = tpu.memref_slice %arg7[%dma_wait3A_3068, %dma_wait3A_3069] : memref<16x2048xf32, #tpu.memory_space<vmem>> -> memref<16x128xf32, #tpu.memory_space<vmem>>
          %dma_wait3A_3071 = arith.constant 0 : i32
          %dma_wait3A_3072 = arith.constant 0 : i32
          %dma_wait3A_3073 = tpu.memref_slice %arg2[%dma_wait3A_3071, %dma_wait3A_3072] : memref<16384x2048xf32, #tpu.memory_space<hbm>> -> memref<16x128xf32, #tpu.memory_space<hbm>>
          %dma_wait3A_3074 = arith.constant 0 : i32
          %dma_wait3A_3075 = arith.constant 0 : i32
          %dma_wait3A_3076 = tpu.memref_slice %arg7[%dma_wait3A_3074, %dma_wait3A_3075] : memref<16x2048xf32, #tpu.memory_space<vmem>> -> memref<16x128xf32, #tpu.memory_space<vmem>>
          %dma_wait3A_3077 = arith.constant 0 : i32
          %dma_wait3A_3078 = arith.constant 0 : i32
          %dma_wait3A_3079 = tpu.memref_slice %arg2[%dma_wait3A_3077, %dma_wait3A_3078] : memref<16384x2048xf32, #tpu.memory_space<hbm>> -> memref<16x128xf32, #tpu.memory_space<hbm>>
          tpu.wait_dma2 semaphore(%arg15 : memref<!tpu.dma_semaphore, #tpu.memory_space<semaphore_mem>>) src(%dma_wait3A_3079 : memref<16x128xf32, #tpu.memory_space<hbm>>) dst(%dma_wait3A_3076 : memref<16x128xf32, #tpu.memory_space<vmem>>)
        }
        %while3A_3066 = arith.constant 1 : i32
        scf.for %while3A_3067 = %while3A_3064 to %while3A_3060 step %while3A_3066  : i32 {
          %dma_wait3A_3068 = arith.constant 0 : i32
          %dma_wait3A_3069 = arith.constant 0 : i32
          %dma_wait3A_3070 = tpu.memref_slice %arg7[%dma_wait3A_3068, %dma_wait3A_3069] : memref<16x2048xf32, #tpu.memory_space<vmem>> -> memref<16x128xf32, #tpu.memory_space<vmem>>
          %dma_wait3A_3071 = arith.constant 0 : i32
          %dma_wait3A_3072 = arith.constant 0 : i32
          %dma_wait3A_3073 = tpu.memref_slice %arg2[%dma_wait3A_3071, %dma_wait3A_3072] : memref<16384x2048xf32, #tpu.memory_space<hbm>> -> memref<16x128xf32, #tpu.memory_space<hbm>>
          %dma_wait3A_3074 = arith.constant 0 : i32
          %dma_wait3A_3075 = arith.constant 0 : i32
          %dma_wait3A_3076 = tpu.memref_slice %arg7[%dma_wait3A_3074, %dma_wait3A_3075] : memref<16x2048xf32, #tpu.memory_space<vmem>> -> memref<16x128xf32, #tpu.memory_space<vmem>>
          %dma_wait3A_3077 = arith.constant 0 : i32
          %dma_wait3A_3078 = arith.constant 0 : i32
          %dma_wait3A_3079 = tpu.memref_slice %arg2[%dma_wait3A_3077, %dma_wait3A_3078] : memref<16384x2048xf32, #tpu.memory_space<hbm>> -> memref<16x128xf32, #tpu.memory_space<hbm>>
          tpu.wait_dma2 semaphore(%arg15 : memref<!tpu.dma_semaphore, #tpu.memory_space<semaphore_mem>>) src(%dma_wait3A_3079 : memref<16x128xf32, #tpu.memory_space<hbm>>) dst(%dma_wait3A_3076 : memref<16x128xf32, #tpu.memory_space<vmem>>)
        }
      } else {
      }
      %gt3A_1912 = arith.constant 0 : i32
      %gt3A_1913 = arith.cmpi sgt, %scan3A_1216, %gt3A_1912 : i32
      %convert_element_type3A_1914 = arith.extui %gt3A_1913 : i1 to i32
      %cond3A_1915 = arith.constant 0 : i32
      %cond3A_1916 = arith.cmpi ne, %convert_element_type3A_1914, %cond3A_1915 : i32
      scf.if %cond3A_1916 {
        %dma_wait3A_3058 = arith.constant 0 : i32
        %dma_wait3A_3059 = arith.constant 0 : i32
        %dma_wait3A_3060 = tpu.memref_slice %arg4[%dma_wait3A_3058, %dma_wait3A_3059] : memref<16384x64xf32, #tpu.memory_space<hbm>> -> memref<16x64xf32, #tpu.memory_space<hbm>>
        %dma_wait3A_3061 = arith.constant 0 : i32
        %dma_wait3A_3062 = arith.constant 0 : i32
        %dma_wait3A_3063 = tpu.memref_slice %arg4[%dma_wait3A_3061, %dma_wait3A_3062] : memref<16384x64xf32, #tpu.memory_space<hbm>> -> memref<16x64xf32, #tpu.memory_space<hbm>>
        tpu.wait_dma2 semaphore(%arg18 : memref<!tpu.dma_semaphore, #tpu.memory_space<semaphore_mem>>) src(%arg10 : memref<16x64xf32, #tpu.memory_space<vmem>>) dst(%dma_wait3A_3063 : memref<16x64xf32, #tpu.memory_space<hbm>>)
      } else {
      }
      %add3A_1917 = arith.constant 1 : i32
      %add3A_1918 = arith.addi %mul3A_1218, %add3A_1917 : i32
      %mul3A_1919 = arith.constant 32 : i32
      %mul3A_1920 = arith.muli %mul3A_1919, %add3A_1918 : i32
      %add3A_1921 = arith.addi %add3A, %mul3A_1920 : i32
      %jit3A_1922 = arith.constant 64 : i32
      %div3A_1923 = arith.divsi %add3A_1921, %jit3A_1922 : i32
      %sign3A_1924 = arith.constant 0 : i32
      %sign3A_1925 = arith.cmpi sgt, %add3A_1921, %sign3A_1924 : i32
      %sign3A_1926 = arith.extui %sign3A_1925 : i1 to i32
      %sign3A_1927 = arith.constant 0 : i32
      %sign3A_1928 = arith.cmpi slt, %add3A_1921, %sign3A_1927 : i32
      %sign3A_1929 = arith.extui %sign3A_1928 : i1 to i32
      %sign3A_1930 = arith.subi %sign3A_1926, %sign3A_1929 : i32
      %sign3A_1931 = arith.constant 0 : i32
      %sign3A_1932 = arith.cmpi sgt, %jit3A_1922, %sign3A_1931 : i32
      %sign3A_1933 = arith.extui %sign3A_1932 : i1 to i32
      %sign3A_1934 = arith.constant 0 : i32
      %sign3A_1935 = arith.cmpi slt, %jit3A_1922, %sign3A_1934 : i32
      %sign3A_1936 = arith.extui %sign3A_1935 : i1 to i32
      %sign3A_1937 = arith.subi %sign3A_1933, %sign3A_1936 : i32
      %ne3A_1938 = arith.cmpi ne, %sign3A_1930, %sign3A_1937 : i32
      %rem3A_1939 = arith.remsi %add3A_1921, %jit3A_1922 : i32
      %ne3A_1940 = arith.constant 0 : i32
      %ne3A_1941 = arith.cmpi ne, %rem3A_1939, %ne3A_1940 : i32
      %and3A_1942 = arith.andi %ne3A_1938, %ne3A_1941 : i1
      %sub3A_1943 = arith.constant 1 : i32
      %sub3A_1944 = arith.subi %div3A_1923, %sub3A_1943 : i32
      %select_n3A_1945 = arith.select %and3A_1942, %sub3A_1944, %div3A_1923 : i32
      %get3A_1946 = arith.index_cast %select_n3A_1945 : i32 to index
      %get3A_1947 = memref.load %arg12[%get3A_1946] : memref<16xi32, #tpu.memory_space<smem>>
      %sub3A_1948 = arith.constant 1 : i32
      %sub3A_1949 = arith.subi %get3A_1947, %sub3A_1948 : i32
      %add3A_1950 = arith.constant 0 : i32
      %add3A_1951 = vector.broadcast %add3A_1950 : i32 to vector<16xi32>
      %add3A_1952 = arith.addi %iota3A, %add3A_1951 : vector<16xi32>
      %mul3A_1953 = vector.broadcast %sub3A_1949 : i32 to vector<16xi32>
      %mul3A_1954 = arith.muli %mul3A_1953, %add3A_1952 : vector<16xi32>
      %shift_right_arithmetic3A_1955 = arith.constant 6 : i32
      %shift_right_arithmetic3A_1956 = vector.broadcast %shift_right_arithmetic3A_1955 : i32 to vector<16xi32>
      %shift_right_arithmetic3A_1957 = arith.shrsi %mul3A_1954, %shift_right_arithmetic3A_1956 : vector<16xi32>
      %and3A_1958 = arith.constant 63 : i32
      %and3A_1959 = vector.broadcast %and3A_1958 : i32 to vector<16xi32>
      %and3A_1960 = arith.andi %mul3A_1954, %and3A_1959 : vector<16xi32>
      %eq3A_1961 = arith.constant 32 : i32
      %eq3A_1962 = vector.broadcast %eq3A_1961 : i32 to vector<16xi32>
      %eq3A_1963 = arith.cmpi eq, %and3A_1960, %eq3A_1962 : vector<16xi32>
      %and3A_1964 = arith.constant 1 : i32
      %and3A_1965 = vector.broadcast %and3A_1964 : i32 to vector<16xi32>
      %and3A_1966 = arith.andi %shift_right_arithmetic3A_1957, %and3A_1965 : vector<16xi32>
      %eq3A_1967 = arith.constant 0 : i32
      %eq3A_1968 = vector.broadcast %eq3A_1967 : i32 to vector<16xi32>
      %eq3A_1969 = arith.cmpi eq, %and3A_1966, %eq3A_1968 : vector<16xi32>
      %and3A_1970 = arith.andi %eq3A_1963, %eq3A_1969 : vector<16xi1>
      %gt3A_1971 = arith.constant 32 : i32
      %gt3A_1972 = vector.broadcast %gt3A_1971 : i32 to vector<16xi32>
      %gt3A_1973 = arith.cmpi sgt, %and3A_1960, %gt3A_1972 : vector<16xi32>
      %or3A_1974 = arith.ori %gt3A_1973, %and3A_1970 : vector<16xi1>
      %jit3A_1975 = arith.constant 1 : i32
      %jit3A_1976 = arith.constant 0 : i32
      %broadcast_in_dim3A_1977 = vector.broadcast %jit3A_1975 : i32 to vector<16xi32>
      %broadcast_in_dim3A_1978 = vector.broadcast %jit3A_1976 : i32 to vector<16xi32>
      %select_n3A_1979 = arith.select %or3A_1974, %broadcast_in_dim3A_1977, %broadcast_in_dim3A_1978 : vector<16xi1>, vector<16xi32>
      %add3A_1980 = arith.addi %shift_right_arithmetic3A_1957, %select_n3A_1979 : vector<16xi32>
      %sub3A_1981 = arith.constant 1 : i32
      %sub3A_1982 = arith.subi %get3A_1947, %sub3A_1981 : i32
      %add3A_1983 = arith.constant 16 : i32
      %add3A_1984 = vector.broadcast %add3A_1983 : i32 to vector<16xi32>
      %add3A_1985 = arith.addi %iota3A, %add3A_1984 : vector<16xi32>
      %mul3A_1986 = vector.broadcast %sub3A_1982 : i32 to vector<16xi32>
      %mul3A_1987 = arith.muli %mul3A_1986, %add3A_1985 : vector<16xi32>
      %shift_right_arithmetic3A_1988 = arith.constant 6 : i32
      %shift_right_arithmetic3A_1989 = vector.broadcast %shift_right_arithmetic3A_1988 : i32 to vector<16xi32>
      %shift_right_arithmetic3A_1990 = arith.shrsi %mul3A_1987, %shift_right_arithmetic3A_1989 : vector<16xi32>
      %and3A_1991 = arith.constant 63 : i32
      %and3A_1992 = vector.broadcast %and3A_1991 : i32 to vector<16xi32>
      %and3A_1993 = arith.andi %mul3A_1987, %and3A_1992 : vector<16xi32>
      %eq3A_1994 = arith.constant 32 : i32
      %eq3A_1995 = vector.broadcast %eq3A_1994 : i32 to vector<16xi32>
      %eq3A_1996 = arith.cmpi eq, %and3A_1993, %eq3A_1995 : vector<16xi32>
      %and3A_1997 = arith.constant 1 : i32
      %and3A_1998 = vector.broadcast %and3A_1997 : i32 to vector<16xi32>
      %and3A_1999 = arith.andi %shift_right_arithmetic3A_1990, %and3A_1998 : vector<16xi32>
      %eq3A_2000 = arith.constant 0 : i32
      %eq3A_2001 = vector.broadcast %eq3A_2000 : i32 to vector<16xi32>
      %eq3A_2002 = arith.cmpi eq, %and3A_1999, %eq3A_2001 : vector<16xi32>
      %and3A_2003 = arith.andi %eq3A_1996, %eq3A_2002 : vector<16xi1>
      %gt3A_2004 = arith.constant 32 : i32
      %gt3A_2005 = vector.broadcast %gt3A_2004 : i32 to vector<16xi32>
      %gt3A_2006 = arith.cmpi sgt, %and3A_1993, %gt3A_2005 : vector<16xi32>
      %or3A_2007 = arith.ori %gt3A_2006, %and3A_2003 : vector<16xi1>
      %jit3A_2008 = arith.constant 1 : i32
      %jit3A_2009 = arith.constant 0 : i32
      %broadcast_in_dim3A_2010 = vector.broadcast %jit3A_2008 : i32 to vector<16xi32>
      %broadcast_in_dim3A_2011 = vector.broadcast %jit3A_2009 : i32 to vector<16xi32>
      %select_n3A_2012 = arith.select %or3A_2007, %broadcast_in_dim3A_2010, %broadcast_in_dim3A_2011 : vector<16xi1>, vector<16xi32>
      %add3A_2013 = arith.addi %shift_right_arithmetic3A_1990, %select_n3A_2012 : vector<16xi32>
      %sub3A_2014 = arith.constant 1 : i32
      %sub3A_2015 = arith.subi %get3A_1947, %sub3A_2014 : i32
      %add3A_2016 = arith.constant 32 : i32
      %add3A_2017 = vector.broadcast %add3A_2016 : i32 to vector<16xi32>
      %add3A_2018 = arith.addi %iota3A, %add3A_2017 : vector<16xi32>
      %mul3A_2019 = vector.broadcast %sub3A_2015 : i32 to vector<16xi32>
      %mul3A_2020 = arith.muli %mul3A_2019, %add3A_2018 : vector<16xi32>
      %shift_right_arithmetic3A_2021 = arith.constant 6 : i32
      %shift_right_arithmetic3A_2022 = vector.broadcast %shift_right_arithmetic3A_2021 : i32 to vector<16xi32>
      %shift_right_arithmetic3A_2023 = arith.shrsi %mul3A_2020, %shift_right_arithmetic3A_2022 : vector<16xi32>
      %and3A_2024 = arith.constant 63 : i32
      %and3A_2025 = vector.broadcast %and3A_2024 : i32 to vector<16xi32>
      %and3A_2026 = arith.andi %mul3A_2020, %and3A_2025 : vector<16xi32>
      %eq3A_2027 = arith.constant 32 : i32
      %eq3A_2028 = vector.broadcast %eq3A_2027 : i32 to vector<16xi32>
      %eq3A_2029 = arith.cmpi eq, %and3A_2026, %eq3A_2028 : vector<16xi32>
      %and3A_2030 = arith.constant 1 : i32
      %and3A_2031 = vector.broadcast %and3A_2030 : i32 to vector<16xi32>
      %and3A_2032 = arith.andi %shift_right_arithmetic3A_2023, %and3A_2031 : vector<16xi32>
      %eq3A_2033 = arith.constant 0 : i32
      %eq3A_2034 = vector.broadcast %eq3A_2033 : i32 to vector<16xi32>
      %eq3A_2035 = arith.cmpi eq, %and3A_2032, %eq3A_2034 : vector<16xi32>
      %and3A_2036 = arith.andi %eq3A_2029, %eq3A_2035 : vector<16xi1>
      %gt3A_2037 = arith.constant 32 : i32
      %gt3A_2038 = vector.broadcast %gt3A_2037 : i32 to vector<16xi32>
      %gt3A_2039 = arith.cmpi sgt, %and3A_2026, %gt3A_2038 : vector<16xi32>
      %or3A_2040 = arith.ori %gt3A_2039, %and3A_2036 : vector<16xi1>
      %jit3A_2041 = arith.constant 1 : i32
      %jit3A_2042 = arith.constant 0 : i32
      %broadcast_in_dim3A_2043 = vector.broadcast %jit3A_2041 : i32 to vector<16xi32>
      %broadcast_in_dim3A_2044 = vector.broadcast %jit3A_2042 : i32 to vector<16xi32>
      %select_n3A_2045 = arith.select %or3A_2040, %broadcast_in_dim3A_2043, %broadcast_in_dim3A_2044 : vector<16xi1>, vector<16xi32>
      %add3A_2046 = arith.addi %shift_right_arithmetic3A_2023, %select_n3A_2045 : vector<16xi32>
      %sub3A_2047 = arith.constant 1 : i32
      %sub3A_2048 = arith.subi %get3A_1947, %sub3A_2047 : i32
      %add3A_2049 = arith.constant 48 : i32
      %add3A_2050 = vector.broadcast %add3A_2049 : i32 to vector<16xi32>
      %add3A_2051 = arith.addi %iota3A, %add3A_2050 : vector<16xi32>
      %mul3A_2052 = vector.broadcast %sub3A_2048 : i32 to vector<16xi32>
      %mul3A_2053 = arith.muli %mul3A_2052, %add3A_2051 : vector<16xi32>
      %shift_right_arithmetic3A_2054 = arith.constant 6 : i32
      %shift_right_arithmetic3A_2055 = vector.broadcast %shift_right_arithmetic3A_2054 : i32 to vector<16xi32>
      %shift_right_arithmetic3A_2056 = arith.shrsi %mul3A_2053, %shift_right_arithmetic3A_2055 : vector<16xi32>
      %and3A_2057 = arith.constant 63 : i32
      %and3A_2058 = vector.broadcast %and3A_2057 : i32 to vector<16xi32>
      %and3A_2059 = arith.andi %mul3A_2053, %and3A_2058 : vector<16xi32>
      %eq3A_2060 = arith.constant 32 : i32
      %eq3A_2061 = vector.broadcast %eq3A_2060 : i32 to vector<16xi32>
      %eq3A_2062 = arith.cmpi eq, %and3A_2059, %eq3A_2061 : vector<16xi32>
      %and3A_2063 = arith.constant 1 : i32
      %and3A_2064 = vector.broadcast %and3A_2063 : i32 to vector<16xi32>
      %and3A_2065 = arith.andi %shift_right_arithmetic3A_2056, %and3A_2064 : vector<16xi32>
      %eq3A_2066 = arith.constant 0 : i32
      %eq3A_2067 = vector.broadcast %eq3A_2066 : i32 to vector<16xi32>
      %eq3A_2068 = arith.cmpi eq, %and3A_2065, %eq3A_2067 : vector<16xi32>
      %and3A_2069 = arith.andi %eq3A_2062, %eq3A_2068 : vector<16xi1>
      %gt3A_2070 = arith.constant 32 : i32
      %gt3A_2071 = vector.broadcast %gt3A_2070 : i32 to vector<16xi32>
      %gt3A_2072 = arith.cmpi sgt, %and3A_2059, %gt3A_2071 : vector<16xi32>
      %or3A_2073 = arith.ori %gt3A_2072, %and3A_2069 : vector<16xi1>
      %jit3A_2074 = arith.constant 1 : i32
      %jit3A_2075 = arith.constant 0 : i32
      %broadcast_in_dim3A_2076 = vector.broadcast %jit3A_2074 : i32 to vector<16xi32>
      %broadcast_in_dim3A_2077 = vector.broadcast %jit3A_2075 : i32 to vector<16xi32>
      %select_n3A_2078 = arith.select %or3A_2073, %broadcast_in_dim3A_2076, %broadcast_in_dim3A_2077 : vector<16xi1>, vector<16xi32>
      %add3A_2079 = arith.addi %shift_right_arithmetic3A_2056, %select_n3A_2078 : vector<16xi32>
      %broadcast_in_dim3A_2080 = arith.constant 0 : i32
      %broadcast_in_dim3A_2081 = vector.broadcast %broadcast_in_dim3A_2080 : i32 to vector<16xi32>
      %gather3A_2082 = tpu.vector_load_idx %arg7[%broadcast_in_dim3A_2081, %add3A_1980] : memref<16x2048xf32, #tpu.memory_space<vmem>>[vector<16xi32>, vector<16xi32>], vector<16xf32>,
      %gather3A_2083 = tpu.vector_load_idx %arg7[%broadcast_in_dim3A_2081, %add3A_2013] : memref<16x2048xf32, #tpu.memory_space<vmem>>[vector<16xi32>, vector<16xi32>], vector<16xf32>,
      %gather3A_2084 = tpu.vector_load_idx %arg7[%broadcast_in_dim3A_2081, %add3A_2046] : memref<16x2048xf32, #tpu.memory_space<vmem>>[vector<16xi32>, vector<16xi32>], vector<16xf32>,
      %gather3A_2085 = tpu.vector_load_idx %arg7[%broadcast_in_dim3A_2081, %add3A_2079] : memref<16x2048xf32, #tpu.memory_space<vmem>>[vector<16xi32>, vector<16xi32>], vector<16xf32>,
      %swap3A_2086 = arith.constant 0 : i32
      %swap3A_2087 = arith.index_cast %swap3A_2086 : i32 to index
      %swap3A_2088 = arith.constant 0 : index
      %swap3A_2089 = tpu.vector_load %arg10[%swap3A_2087, %swap3A_2088] {strides = array<i32>} : memref<16x64xf32, #tpu.memory_space<vmem>>, vector<16xf32>,
      tpu.vector_store %arg10[%swap3A_2087, %swap3A_2088], %gather3A_2082 {strides = array<i32>} : memref<16x64xf32, #tpu.memory_space<vmem>>, vector<16xf32>,
      %swap3A_2090 = arith.constant 0 : i32
      %swap3A_2091 = arith.index_cast %swap3A_2090 : i32 to index
      %swap3A_2092 = arith.constant 16 : index
      %swap3A_2093 = tpu.vector_load %arg10[%swap3A_2091, %swap3A_2092] {strides = array<i32>} : memref<16x64xf32, #tpu.memory_space<vmem>>, vector<16xf32>,
      tpu.vector_store %arg10[%swap3A_2091, %swap3A_2092], %gather3A_2083 {strides = array<i32>} : memref<16x64xf32, #tpu.memory_space<vmem>>, vector<16xf32>,
      %swap3A_2094 = arith.constant 0 : i32
      %swap3A_2095 = arith.index_cast %swap3A_2094 : i32 to index
      %swap3A_2096 = arith.constant 32 : index
      %swap3A_2097 = tpu.vector_load %arg10[%swap3A_2095, %swap3A_2096] {strides = array<i32>} : memref<16x64xf32, #tpu.memory_space<vmem>>, vector<16xf32>,
      tpu.vector_store %arg10[%swap3A_2095, %swap3A_2096], %gather3A_2084 {strides = array<i32>} : memref<16x64xf32, #tpu.memory_space<vmem>>, vector<16xf32>,
      %swap3A_2098 = arith.constant 0 : i32
      %swap3A_2099 = arith.index_cast %swap3A_2098 : i32 to index
      %swap3A_2100 = arith.constant 48 : index
      %swap3A_2101 = tpu.vector_load %arg10[%swap3A_2099, %swap3A_2100] {strides = array<i32>} : memref<16x64xf32, #tpu.memory_space<vmem>>, vector<16xf32>,
      tpu.vector_store %arg10[%swap3A_2099, %swap3A_2100], %gather3A_2085 {strides = array<i32>} : memref<16x64xf32, #tpu.memory_space<vmem>>, vector<16xf32>,
      %broadcast_in_dim3A_2102 = arith.constant 1 : i32
      %broadcast_in_dim3A_2103 = vector.broadcast %broadcast_in_dim3A_2102 : i32 to vector<16xi32>
      %gather3A_2104 = tpu.vector_load_idx %arg7[%broadcast_in_dim3A_2103, %add3A_1980] : memref<16x2048xf32, #tpu.memory_space<vmem>>[vector<16xi32>, vector<16xi32>], vector<16xf32>,
      %gather3A_2105 = tpu.vector_load_idx %arg7[%broadcast_in_dim3A_2103, %add3A_2013] : memref<16x2048xf32, #tpu.memory_space<vmem>>[vector<16xi32>, vector<16xi32>], vector<16xf32>,
      %gather3A_2106 = tpu.vector_load_idx %arg7[%broadcast_in_dim3A_2103, %add3A_2046] : memref<16x2048xf32, #tpu.memory_space<vmem>>[vector<16xi32>, vector<16xi32>], vector<16xf32>,
      %gather3A_2107 = tpu.vector_load_idx %arg7[%broadcast_in_dim3A_2103, %add3A_2079] : memref<16x2048xf32, #tpu.memory_space<vmem>>[vector<16xi32>, vector<16xi32>], vector<16xf32>,
      %swap3A_2108 = arith.constant 1 : i32
      %swap3A_2109 = arith.index_cast %swap3A_2108 : i32 to index
      %swap3A_2110 = arith.constant 0 : index
      %swap3A_2111 = tpu.vector_load %arg10[%swap3A_2109, %swap3A_2110] {strides = array<i32>} : memref<16x64xf32, #tpu.memory_space<vmem>>, vector<16xf32>,
      tpu.vector_store %arg10[%swap3A_2109, %swap3A_2110], %gather3A_2104 {strides = array<i32>} : memref<16x64xf32, #tpu.memory_space<vmem>>, vector<16xf32>,
      %swap3A_2112 = arith.constant 1 : i32
      %swap3A_2113 = arith.index_cast %swap3A_2112 : i32 to index
      %swap3A_2114 = arith.constant 16 : index
      %swap3A_2115 = tpu.vector_load %arg10[%swap3A_2113, %swap3A_2114] {strides = array<i32>} : memref<16x64xf32, #tpu.memory_space<vmem>>, vector<16xf32>,
      tpu.vector_store %arg10[%swap3A_2113, %swap3A_2114], %gather3A_2105 {strides = array<i32>} : memref<16x64xf32, #tpu.memory_space<vmem>>, vector<16xf32>,
      %swap3A_2116 = arith.constant 1 : i32
      %swap3A_2117 = arith.index_cast %swap3A_2116 : i32 to index
      %swap3A_2118 = arith.constant 32 : index
      %swap3A_2119 = tpu.vector_load %arg10[%swap3A_2117, %swap3A_2118] {strides = array<i32>} : memref<16x64xf32, #tpu.memory_space<vmem>>, vector<16xf32>,
      tpu.vector_store %arg10[%swap3A_2117, %swap3A_2118], %gather3A_2106 {strides = array<i32>} : memref<16x64xf32, #tpu.memory_space<vmem>>, vector<16xf32>,
      %swap3A_2120 = arith.constant 1 : i32
      %swap3A_2121 = arith.index_cast %swap3A_2120 : i32 to index
      %swap3A_2122 = arith.constant 48 : index
      %swap3A_2123 = tpu.vector_load %arg10[%swap3A_2121, %swap3A_2122] {strides = array<i32>} : memref<16x64xf32, #tpu.memory_space<vmem>>, vector<16xf32>,
      tpu.vector_store %arg10[%swap3A_2121, %swap3A_2122], %gather3A_2107 {strides = array<i32>} : memref<16x64xf32, #tpu.memory_space<vmem>>, vector<16xf32>,
      %broadcast_in_dim3A_2124 = arith.constant 2 : i32
      %broadcast_in_dim3A_2125 = vector.broadcast %broadcast_in_dim3A_2124 : i32 to vector<16xi32>
      %gather3A_2126 = tpu.vector_load_idx %arg7[%broadcast_in_dim3A_2125, %add3A_1980] : memref<16x2048xf32, #tpu.memory_space<vmem>>[vector<16xi32>, vector<16xi32>], vector<16xf32>,
      %gather3A_2127 = tpu.vector_load_idx %arg7[%broadcast_in_dim3A_2125, %add3A_2013] : memref<16x2048xf32, #tpu.memory_space<vmem>>[vector<16xi32>, vector<16xi32>], vector<16xf32>,
      %gather3A_2128 = tpu.vector_load_idx %arg7[%broadcast_in_dim3A_2125, %add3A_2046] : memref<16x2048xf32, #tpu.memory_space<vmem>>[vector<16xi32>, vector<16xi32>], vector<16xf32>,
      %gather3A_2129 = tpu.vector_load_idx %arg7[%broadcast_in_dim3A_2125, %add3A_2079] : memref<16x2048xf32, #tpu.memory_space<vmem>>[vector<16xi32>, vector<16xi32>], vector<16xf32>,
      %swap3A_2130 = arith.constant 2 : i32
      %swap3A_2131 = arith.index_cast %swap3A_2130 : i32 to index
      %swap3A_2132 = arith.constant 0 : index
      %swap3A_2133 = tpu.vector_load %arg10[%swap3A_2131, %swap3A_2132] {strides = array<i32>} : memref<16x64xf32, #tpu.memory_space<vmem>>, vector<16xf32>,
      tpu.vector_store %arg10[%swap3A_2131, %swap3A_2132], %gather3A_2126 {strides = array<i32>} : memref<16x64xf32, #tpu.memory_space<vmem>>, vector<16xf32>,
      %swap3A_2134 = arith.constant 2 : i32
      %swap3A_2135 = arith.index_cast %swap3A_2134 : i32 to index
      %swap3A_2136 = arith.constant 16 : index
      %swap3A_2137 = tpu.vector_load %arg10[%swap3A_2135, %swap3A_2136] {strides = array<i32>} : memref<16x64xf32, #tpu.memory_space<vmem>>, vector<16xf32>,
      tpu.vector_store %arg10[%swap3A_2135, %swap3A_2136], %gather3A_2127 {strides = array<i32>} : memref<16x64xf32, #tpu.memory_space<vmem>>, vector<16xf32>,
      %swap3A_2138 = arith.constant 2 : i32
      %swap3A_2139 = arith.index_cast %swap3A_2138 : i32 to index
      %swap3A_2140 = arith.constant 32 : index
      %swap3A_2141 = tpu.vector_load %arg10[%swap3A_2139, %swap3A_2140] {strides = array<i32>} : memref<16x64xf32, #tpu.memory_space<vmem>>, vector<16xf32>,
      tpu.vector_store %arg10[%swap3A_2139, %swap3A_2140], %gather3A_2128 {strides = array<i32>} : memref<16x64xf32, #tpu.memory_space<vmem>>, vector<16xf32>,
      %swap3A_2142 = arith.constant 2 : i32
      %swap3A_2143 = arith.index_cast %swap3A_2142 : i32 to index
      %swap3A_2144 = arith.constant 48 : index
      %swap3A_2145 = tpu.vector_load %arg10[%swap3A_2143, %swap3A_2144] {strides = array<i32>} : memref<16x64xf32, #tpu.memory_space<vmem>>, vector<16xf32>,
      tpu.vector_store %arg10[%swap3A_2143, %swap3A_2144], %gather3A_2129 {strides = array<i32>} : memref<16x64xf32, #tpu.memory_space<vmem>>, vector<16xf32>,
      %broadcast_in_dim3A_2146 = arith.constant 3 : i32
      %broadcast_in_dim3A_2147 = vector.broadcast %broadcast_in_dim3A_2146 : i32 to vector<16xi32>
      %gather3A_2148 = tpu.vector_load_idx %arg7[%broadcast_in_dim3A_2147, %add3A_1980] : memref<16x2048xf32, #tpu.memory_space<vmem>>[vector<16xi32>, vector<16xi32>], vector<16xf32>,
      %gather3A_2149 = tpu.vector_load_idx %arg7[%broadcast_in_dim3A_2147, %add3A_2013] : memref<16x2048xf32, #tpu.memory_space<vmem>>[vector<16xi32>, vector<16xi32>], vector<16xf32>,
      %gather3A_2150 = tpu.vector_load_idx %arg7[%broadcast_in_dim3A_2147, %add3A_2046] : memref<16x2048xf32, #tpu.memory_space<vmem>>[vector<16xi32>, vector<16xi32>], vector<16xf32>,
      %gather3A_2151 = tpu.vector_load_idx %arg7[%broadcast_in_dim3A_2147, %add3A_2079] : memref<16x2048xf32, #tpu.memory_space<vmem>>[vector<16xi32>, vector<16xi32>], vector<16xf32>,
      %swap3A_2152 = arith.constant 3 : i32
      %swap3A_2153 = arith.index_cast %swap3A_2152 : i32 to index
      %swap3A_2154 = arith.constant 0 : index
      %swap3A_2155 = tpu.vector_load %arg10[%swap3A_2153, %swap3A_2154] {strides = array<i32>} : memref<16x64xf32, #tpu.memory_space<vmem>>, vector<16xf32>,
      tpu.vector_store %arg10[%swap3A_2153, %swap3A_2154], %gather3A_2148 {strides = array<i32>} : memref<16x64xf32, #tpu.memory_space<vmem>>, vector<16xf32>,
      %swap3A_2156 = arith.constant 3 : i32
      %swap3A_2157 = arith.index_cast %swap3A_2156 : i32 to index
      %swap3A_2158 = arith.constant 16 : index
      %swap3A_2159 = tpu.vector_load %arg10[%swap3A_2157, %swap3A_2158] {strides = array<i32>} : memref<16x64xf32, #tpu.memory_space<vmem>>, vector<16xf32>,
      tpu.vector_store %arg10[%swap3A_2157, %swap3A_2158], %gather3A_2149 {strides = array<i32>} : memref<16x64xf32, #tpu.memory_space<vmem>>, vector<16xf32>,
      %swap3A_2160 = arith.constant 3 : i32
      %swap3A_2161 = arith.index_cast %swap3A_2160 : i32 to index
      %swap3A_2162 = arith.constant 32 : index
      %swap3A_2163 = tpu.vector_load %arg10[%swap3A_2161, %swap3A_2162] {strides = array<i32>} : memref<16x64xf32, #tpu.memory_space<vmem>>, vector<16xf32>,
      tpu.vector_store %arg10[%swap3A_2161, %swap3A_2162], %gather3A_2150 {strides = array<i32>} : memref<16x64xf32, #tpu.memory_space<vmem>>, vector<16xf32>,
      %swap3A_2164 = arith.constant 3 : i32
      %swap3A_2165 = arith.index_cast %swap3A_2164 : i32 to index
      %swap3A_2166 = arith.constant 48 : index
      %swap3A_2167 = tpu.vector_load %arg10[%swap3A_2165, %swap3A_2166] {strides = array<i32>} : memref<16x64xf32, #tpu.memory_space<vmem>>, vector<16xf32>,
      tpu.vector_store %arg10[%swap3A_2165, %swap3A_2166], %gather3A_2151 {strides = array<i32>} : memref<16x64xf32, #tpu.memory_space<vmem>>, vector<16xf32>,
      %broadcast_in_dim3A_2168 = arith.constant 4 : i32
      %broadcast_in_dim3A_2169 = vector.broadcast %broadcast_in_dim3A_2168 : i32 to vector<16xi32>
      %gather3A_2170 = tpu.vector_load_idx %arg7[%broadcast_in_dim3A_2169, %add3A_1980] : memref<16x2048xf32, #tpu.memory_space<vmem>>[vector<16xi32>, vector<16xi32>], vector<16xf32>,
      %gather3A_2171 = tpu.vector_load_idx %arg7[%broadcast_in_dim3A_2169, %add3A_2013] : memref<16x2048xf32, #tpu.memory_space<vmem>>[vector<16xi32>, vector<16xi32>], vector<16xf32>,
      %gather3A_2172 = tpu.vector_load_idx %arg7[%broadcast_in_dim3A_2169, %add3A_2046] : memref<16x2048xf32, #tpu.memory_space<vmem>>[vector<16xi32>, vector<16xi32>], vector<16xf32>,
      %gather3A_2173 = tpu.vector_load_idx %arg7[%broadcast_in_dim3A_2169, %add3A_2079] : memref<16x2048xf32, #tpu.memory_space<vmem>>[vector<16xi32>, vector<16xi32>], vector<16xf32>,
      %swap3A_2174 = arith.constant 4 : i32
      %swap3A_2175 = arith.index_cast %swap3A_2174 : i32 to index
      %swap3A_2176 = arith.constant 0 : index
      %swap3A_2177 = tpu.vector_load %arg10[%swap3A_2175, %swap3A_2176] {strides = array<i32>} : memref<16x64xf32, #tpu.memory_space<vmem>>, vector<16xf32>,
      tpu.vector_store %arg10[%swap3A_2175, %swap3A_2176], %gather3A_2170 {strides = array<i32>} : memref<16x64xf32, #tpu.memory_space<vmem>>, vector<16xf32>,
      %swap3A_2178 = arith.constant 4 : i32
      %swap3A_2179 = arith.index_cast %swap3A_2178 : i32 to index
      %swap3A_2180 = arith.constant 16 : index
      %swap3A_2181 = tpu.vector_load %arg10[%swap3A_2179, %swap3A_2180] {strides = array<i32>} : memref<16x64xf32, #tpu.memory_space<vmem>>, vector<16xf32>,
      tpu.vector_store %arg10[%swap3A_2179, %swap3A_2180], %gather3A_2171 {strides = array<i32>} : memref<16x64xf32, #tpu.memory_space<vmem>>, vector<16xf32>,
      %swap3A_2182 = arith.constant 4 : i32
      %swap3A_2183 = arith.index_cast %swap3A_2182 : i32 to index
      %swap3A_2184 = arith.constant 32 : index
      %swap3A_2185 = tpu.vector_load %arg10[%swap3A_2183, %swap3A_2184] {strides = array<i32>} : memref<16x64xf32, #tpu.memory_space<vmem>>, vector<16xf32>,
      tpu.vector_store %arg10[%swap3A_2183, %swap3A_2184], %gather3A_2172 {strides = array<i32>} : memref<16x64xf32, #tpu.memory_space<vmem>>, vector<16xf32>,
      %swap3A_2186 = arith.constant 4 : i32
      %swap3A_2187 = arith.index_cast %swap3A_2186 : i32 to index
      %swap3A_2188 = arith.constant 48 : index
      %swap3A_2189 = tpu.vector_load %arg10[%swap3A_2187, %swap3A_2188] {strides = array<i32>} : memref<16x64xf32, #tpu.memory_space<vmem>>, vector<16xf32>,
      tpu.vector_store %arg10[%swap3A_2187, %swap3A_2188], %gather3A_2173 {strides = array<i32>} : memref<16x64xf32, #tpu.memory_space<vmem>>, vector<16xf32>,
      %broadcast_in_dim3A_2190 = arith.constant 5 : i32
      %broadcast_in_dim3A_2191 = vector.broadcast %broadcast_in_dim3A_2190 : i32 to vector<16xi32>
      %gather3A_2192 = tpu.vector_load_idx %arg7[%broadcast_in_dim3A_2191, %add3A_1980] : memref<16x2048xf32, #tpu.memory_space<vmem>>[vector<16xi32>, vector<16xi32>], vector<16xf32>,
      %gather3A_2193 = tpu.vector_load_idx %arg7[%broadcast_in_dim3A_2191, %add3A_2013] : memref<16x2048xf32, #tpu.memory_space<vmem>>[vector<16xi32>, vector<16xi32>], vector<16xf32>,
      %gather3A_2194 = tpu.vector_load_idx %arg7[%broadcast_in_dim3A_2191, %add3A_2046] : memref<16x2048xf32, #tpu.memory_space<vmem>>[vector<16xi32>, vector<16xi32>], vector<16xf32>,
      %gather3A_2195 = tpu.vector_load_idx %arg7[%broadcast_in_dim3A_2191, %add3A_2079] : memref<16x2048xf32, #tpu.memory_space<vmem>>[vector<16xi32>, vector<16xi32>], vector<16xf32>,
      %swap3A_2196 = arith.constant 5 : i32
      %swap3A_2197 = arith.index_cast %swap3A_2196 : i32 to index
      %swap3A_2198 = arith.constant 0 : index
      %swap3A_2199 = tpu.vector_load %arg10[%swap3A_2197, %swap3A_2198] {strides = array<i32>} : memref<16x64xf32, #tpu.memory_space<vmem>>, vector<16xf32>,
      tpu.vector_store %arg10[%swap3A_2197, %swap3A_2198], %gather3A_2192 {strides = array<i32>} : memref<16x64xf32, #tpu.memory_space<vmem>>, vector<16xf32>,
      %swap3A_2200 = arith.constant 5 : i32
      %swap3A_2201 = arith.index_cast %swap3A_2200 : i32 to index
      %swap3A_2202 = arith.constant 16 : index
      %swap3A_2203 = tpu.vector_load %arg10[%swap3A_2201, %swap3A_2202] {strides = array<i32>} : memref<16x64xf32, #tpu.memory_space<vmem>>, vector<16xf32>,
      tpu.vector_store %arg10[%swap3A_2201, %swap3A_2202], %gather3A_2193 {strides = array<i32>} : memref<16x64xf32, #tpu.memory_space<vmem>>, vector<16xf32>,
      %swap3A_2204 = arith.constant 5 : i32
      %swap3A_2205 = arith.index_cast %swap3A_2204 : i32 to index
      %swap3A_2206 = arith.constant 32 : index
      %swap3A_2207 = tpu.vector_load %arg10[%swap3A_2205, %swap3A_2206] {strides = array<i32>} : memref<16x64xf32, #tpu.memory_space<vmem>>, vector<16xf32>,
      tpu.vector_store %arg10[%swap3A_2205, %swap3A_2206], %gather3A_2194 {strides = array<i32>} : memref<16x64xf32, #tpu.memory_space<vmem>>, vector<16xf32>,
      %swap3A_2208 = arith.constant 5 : i32
      %swap3A_2209 = arith.index_cast %swap3A_2208 : i32 to index
      %swap3A_2210 = arith.constant 48 : index
      %swap3A_2211 = tpu.vector_load %arg10[%swap3A_2209, %swap3A_2210] {strides = array<i32>} : memref<16x64xf32, #tpu.memory_space<vmem>>, vector<16xf32>,
      tpu.vector_store %arg10[%swap3A_2209, %swap3A_2210], %gather3A_2195 {strides = array<i32>} : memref<16x64xf32, #tpu.memory_space<vmem>>, vector<16xf32>,
      %broadcast_in_dim3A_2212 = arith.constant 6 : i32
      %broadcast_in_dim3A_2213 = vector.broadcast %broadcast_in_dim3A_2212 : i32 to vector<16xi32>
      %gather3A_2214 = tpu.vector_load_idx %arg7[%broadcast_in_dim3A_2213, %add3A_1980] : memref<16x2048xf32, #tpu.memory_space<vmem>>[vector<16xi32>, vector<16xi32>], vector<16xf32>,
      %gather3A_2215 = tpu.vector_load_idx %arg7[%broadcast_in_dim3A_2213, %add3A_2013] : memref<16x2048xf32, #tpu.memory_space<vmem>>[vector<16xi32>, vector<16xi32>], vector<16xf32>,
      %gather3A_2216 = tpu.vector_load_idx %arg7[%broadcast_in_dim3A_2213, %add3A_2046] : memref<16x2048xf32, #tpu.memory_space<vmem>>[vector<16xi32>, vector<16xi32>], vector<16xf32>,
      %gather3A_2217 = tpu.vector_load_idx %arg7[%broadcast_in_dim3A_2213, %add3A_2079] : memref<16x2048xf32, #tpu.memory_space<vmem>>[vector<16xi32>, vector<16xi32>], vector<16xf32>,
      %swap3A_2218 = arith.constant 6 : i32
      %swap3A_2219 = arith.index_cast %swap3A_2218 : i32 to index
      %swap3A_2220 = arith.constant 0 : index
      %swap3A_2221 = tpu.vector_load %arg10[%swap3A_2219, %swap3A_2220] {strides = array<i32>} : memref<16x64xf32, #tpu.memory_space<vmem>>, vector<16xf32>,
      tpu.vector_store %arg10[%swap3A_2219, %swap3A_2220], %gather3A_2214 {strides = array<i32>} : memref<16x64xf32, #tpu.memory_space<vmem>>, vector<16xf32>,
      %swap3A_2222 = arith.constant 6 : i32
      %swap3A_2223 = arith.index_cast %swap3A_2222 : i32 to index
      %swap3A_2224 = arith.constant 16 : index
      %swap3A_2225 = tpu.vector_load %arg10[%swap3A_2223, %swap3A_2224] {strides = array<i32>} : memref<16x64xf32, #tpu.memory_space<vmem>>, vector<16xf32>,
      tpu.vector_store %arg10[%swap3A_2223, %swap3A_2224], %gather3A_2215 {strides = array<i32>} : memref<16x64xf32, #tpu.memory_space<vmem>>, vector<16xf32>,
      %swap3A_2226 = arith.constant 6 : i32
      %swap3A_2227 = arith.index_cast %swap3A_2226 : i32 to index
      %swap3A_2228 = arith.constant 32 : index
      %swap3A_2229 = tpu.vector_load %arg10[%swap3A_2227, %swap3A_2228] {strides = array<i32>} : memref<16x64xf32, #tpu.memory_space<vmem>>, vector<16xf32>,
      tpu.vector_store %arg10[%swap3A_2227, %swap3A_2228], %gather3A_2216 {strides = array<i32>} : memref<16x64xf32, #tpu.memory_space<vmem>>, vector<16xf32>,
      %swap3A_2230 = arith.constant 6 : i32
      %swap3A_2231 = arith.index_cast %swap3A_2230 : i32 to index
      %swap3A_2232 = arith.constant 48 : index
      %swap3A_2233 = tpu.vector_load %arg10[%swap3A_2231, %swap3A_2232] {strides = array<i32>} : memref<16x64xf32, #tpu.memory_space<vmem>>, vector<16xf32>,
      tpu.vector_store %arg10[%swap3A_2231, %swap3A_2232], %gather3A_2217 {strides = array<i32>} : memref<16x64xf32, #tpu.memory_space<vmem>>, vector<16xf32>,
      %broadcast_in_dim3A_2234 = arith.constant 7 : i32
      %broadcast_in_dim3A_2235 = vector.broadcast %broadcast_in_dim3A_2234 : i32 to vector<16xi32>
      %gather3A_2236 = tpu.vector_load_idx %arg7[%broadcast_in_dim3A_2235, %add3A_1980] : memref<16x2048xf32, #tpu.memory_space<vmem>>[vector<16xi32>, vector<16xi32>], vector<16xf32>,
      %gather3A_2237 = tpu.vector_load_idx %arg7[%broadcast_in_dim3A_2235, %add3A_2013] : memref<16x2048xf32, #tpu.memory_space<vmem>>[vector<16xi32>, vector<16xi32>], vector<16xf32>,
      %gather3A_2238 = tpu.vector_load_idx %arg7[%broadcast_in_dim3A_2235, %add3A_2046] : memref<16x2048xf32, #tpu.memory_space<vmem>>[vector<16xi32>, vector<16xi32>], vector<16xf32>,
      %gather3A_2239 = tpu.vector_load_idx %arg7[%broadcast_in_dim3A_2235, %add3A_2079] : memref<16x2048xf32, #tpu.memory_space<vmem>>[vector<16xi32>, vector<16xi32>], vector<16xf32>,
      %swap3A_2240 = arith.constant 7 : i32
      %swap3A_2241 = arith.index_cast %swap3A_2240 : i32 to index
      %swap3A_2242 = arith.constant 0 : index
      %swap3A_2243 = tpu.vector_load %arg10[%swap3A_2241, %swap3A_2242] {strides = array<i32>} : memref<16x64xf32, #tpu.memory_space<vmem>>, vector<16xf32>,
      tpu.vector_store %arg10[%swap3A_2241, %swap3A_2242], %gather3A_2236 {strides = array<i32>} : memref<16x64xf32, #tpu.memory_space<vmem>>, vector<16xf32>,
      %swap3A_2244 = arith.constant 7 : i32
      %swap3A_2245 = arith.index_cast %swap3A_2244 : i32 to index
      %swap3A_2246 = arith.constant 16 : index
      %swap3A_2247 = tpu.vector_load %arg10[%swap3A_2245, %swap3A_2246] {strides = array<i32>} : memref<16x64xf32, #tpu.memory_space<vmem>>, vector<16xf32>,
      tpu.vector_store %arg10[%swap3A_2245, %swap3A_2246], %gather3A_2237 {strides = array<i32>} : memref<16x64xf32, #tpu.memory_space<vmem>>, vector<16xf32>,
      %swap3A_2248 = arith.constant 7 : i32
      %swap3A_2249 = arith.index_cast %swap3A_2248 : i32 to index
      %swap3A_2250 = arith.constant 32 : index
      %swap3A_2251 = tpu.vector_load %arg10[%swap3A_2249, %swap3A_2250] {strides = array<i32>} : memref<16x64xf32, #tpu.memory_space<vmem>>, vector<16xf32>,
      tpu.vector_store %arg10[%swap3A_2249, %swap3A_2250], %gather3A_2238 {strides = array<i32>} : memref<16x64xf32, #tpu.memory_space<vmem>>, vector<16xf32>,
      %swap3A_2252 = arith.constant 7 : i32
      %swap3A_2253 = arith.index_cast %swap3A_2252 : i32 to index
      %swap3A_2254 = arith.constant 48 : index
      %swap3A_2255 = tpu.vector_load %arg10[%swap3A_2253, %swap3A_2254] {strides = array<i32>} : memref<16x64xf32, #tpu.memory_space<vmem>>, vector<16xf32>,
      tpu.vector_store %arg10[%swap3A_2253, %swap3A_2254], %gather3A_2239 {strides = array<i32>} : memref<16x64xf32, #tpu.memory_space<vmem>>, vector<16xf32>,
      %broadcast_in_dim3A_2256 = arith.constant 8 : i32
      %broadcast_in_dim3A_2257 = vector.broadcast %broadcast_in_dim3A_2256 : i32 to vector<16xi32>
      %gather3A_2258 = tpu.vector_load_idx %arg7[%broadcast_in_dim3A_2257, %add3A_1980] : memref<16x2048xf32, #tpu.memory_space<vmem>>[vector<16xi32>, vector<16xi32>], vector<16xf32>,
      %gather3A_2259 = tpu.vector_load_idx %arg7[%broadcast_in_dim3A_2257, %add3A_2013] : memref<16x2048xf32, #tpu.memory_space<vmem>>[vector<16xi32>, vector<16xi32>], vector<16xf32>,
      %gather3A_2260 = tpu.vector_load_idx %arg7[%broadcast_in_dim3A_2257, %add3A_2046] : memref<16x2048xf32, #tpu.memory_space<vmem>>[vector<16xi32>, vector<16xi32>], vector<16xf32>,
      %gather3A_2261 = tpu.vector_load_idx %arg7[%broadcast_in_dim3A_2257, %add3A_2079] : memref<16x2048xf32, #tpu.memory_space<vmem>>[vector<16xi32>, vector<16xi32>], vector<16xf32>,
      %swap3A_2262 = arith.constant 8 : i32
      %swap3A_2263 = arith.index_cast %swap3A_2262 : i32 to index
      %swap3A_2264 = arith.constant 0 : index
      %swap3A_2265 = tpu.vector_load %arg10[%swap3A_2263, %swap3A_2264] {strides = array<i32>} : memref<16x64xf32, #tpu.memory_space<vmem>>, vector<16xf32>,
      tpu.vector_store %arg10[%swap3A_2263, %swap3A_2264], %gather3A_2258 {strides = array<i32>} : memref<16x64xf32, #tpu.memory_space<vmem>>, vector<16xf32>,
      %swap3A_2266 = arith.constant 8 : i32
      %swap3A_2267 = arith.index_cast %swap3A_2266 : i32 to index
      %swap3A_2268 = arith.constant 16 : index
      %swap3A_2269 = tpu.vector_load %arg10[%swap3A_2267, %swap3A_2268] {strides = array<i32>} : memref<16x64xf32, #tpu.memory_space<vmem>>, vector<16xf32>,
      tpu.vector_store %arg10[%swap3A_2267, %swap3A_2268], %gather3A_2259 {strides = array<i32>} : memref<16x64xf32, #tpu.memory_space<vmem>>, vector<16xf32>,
      %swap3A_2270 = arith.constant 8 : i32
      %swap3A_2271 = arith.index_cast %swap3A_2270 : i32 to index
      %swap3A_2272 = arith.constant 32 : index
      %swap3A_2273 = tpu.vector_load %arg10[%swap3A_2271, %swap3A_2272] {strides = array<i32>} : memref<16x64xf32, #tpu.memory_space<vmem>>, vector<16xf32>,
      tpu.vector_store %arg10[%swap3A_2271, %swap3A_2272], %gather3A_2260 {strides = array<i32>} : memref<16x64xf32, #tpu.memory_space<vmem>>, vector<16xf32>,
      %swap3A_2274 = arith.constant 8 : i32
      %swap3A_2275 = arith.index_cast %swap3A_2274 : i32 to index
      %swap3A_2276 = arith.constant 48 : index
      %swap3A_2277 = tpu.vector_load %arg10[%swap3A_2275, %swap3A_2276] {strides = array<i32>} : memref<16x64xf32, #tpu.memory_space<vmem>>, vector<16xf32>,
      tpu.vector_store %arg10[%swap3A_2275, %swap3A_2276], %gather3A_2261 {strides = array<i32>} : memref<16x64xf32, #tpu.memory_space<vmem>>, vector<16xf32>,
      %broadcast_in_dim3A_2278 = arith.constant 9 : i32
      %broadcast_in_dim3A_2279 = vector.broadcast %broadcast_in_dim3A_2278 : i32 to vector<16xi32>
      %gather3A_2280 = tpu.vector_load_idx %arg7[%broadcast_in_dim3A_2279, %add3A_1980] : memref<16x2048xf32, #tpu.memory_space<vmem>>[vector<16xi32>, vector<16xi32>], vector<16xf32>,
      %gather3A_2281 = tpu.vector_load_idx %arg7[%broadcast_in_dim3A_2279, %add3A_2013] : memref<16x2048xf32, #tpu.memory_space<vmem>>[vector<16xi32>, vector<16xi32>], vector<16xf32>,
      %gather3A_2282 = tpu.vector_load_idx %arg7[%broadcast_in_dim3A_2279, %add3A_2046] : memref<16x2048xf32, #tpu.memory_space<vmem>>[vector<16xi32>, vector<16xi32>], vector<16xf32>,
      %gather3A_2283 = tpu.vector_load_idx %arg7[%broadcast_in_dim3A_2279, %add3A_2079] : memref<16x2048xf32, #tpu.memory_space<vmem>>[vector<16xi32>, vector<16xi32>], vector<16xf32>,
      %swap3A_2284 = arith.constant 9 : i32
      %swap3A_2285 = arith.index_cast %swap3A_2284 : i32 to index
      %swap3A_2286 = arith.constant 0 : index
      %swap3A_2287 = tpu.vector_load %arg10[%swap3A_2285, %swap3A_2286] {strides = array<i32>} : memref<16x64xf32, #tpu.memory_space<vmem>>, vector<16xf32>,
      tpu.vector_store %arg10[%swap3A_2285, %swap3A_2286], %gather3A_2280 {strides = array<i32>} : memref<16x64xf32, #tpu.memory_space<vmem>>, vector<16xf32>,
      %swap3A_2288 = arith.constant 9 : i32
      %swap3A_2289 = arith.index_cast %swap3A_2288 : i32 to index
      %swap3A_2290 = arith.constant 16 : index
      %swap3A_2291 = tpu.vector_load %arg10[%swap3A_2289, %swap3A_2290] {strides = array<i32>} : memref<16x64xf32, #tpu.memory_space<vmem>>, vector<16xf32>,
      tpu.vector_store %arg10[%swap3A_2289, %swap3A_2290], %gather3A_2281 {strides = array<i32>} : memref<16x64xf32, #tpu.memory_space<vmem>>, vector<16xf32>,
      %swap3A_2292 = arith.constant 9 : i32
      %swap3A_2293 = arith.index_cast %swap3A_2292 : i32 to index
      %swap3A_2294 = arith.constant 32 : index
      %swap3A_2295 = tpu.vector_load %arg10[%swap3A_2293, %swap3A_2294] {strides = array<i32>} : memref<16x64xf32, #tpu.memory_space<vmem>>, vector<16xf32>,
      tpu.vector_store %arg10[%swap3A_2293, %swap3A_2294], %gather3A_2282 {strides = array<i32>} : memref<16x64xf32, #tpu.memory_space<vmem>>, vector<16xf32>,
      %swap3A_2296 = arith.constant 9 : i32
      %swap3A_2297 = arith.index_cast %swap3A_2296 : i32 to index
      %swap3A_2298 = arith.constant 48 : index
      %swap3A_2299 = tpu.vector_load %arg10[%swap3A_2297, %swap3A_2298] {strides = array<i32>} : memref<16x64xf32, #tpu.memory_space<vmem>>, vector<16xf32>,
      tpu.vector_store %arg10[%swap3A_2297, %swap3A_2298], %gather3A_2283 {strides = array<i32>} : memref<16x64xf32, #tpu.memory_space<vmem>>, vector<16xf32>,
      %broadcast_in_dim3A_2300 = arith.constant 10 : i32
      %broadcast_in_dim3A_2301 = vector.broadcast %broadcast_in_dim3A_2300 : i32 to vector<16xi32>
      %gather3A_2302 = tpu.vector_load_idx %arg7[%broadcast_in_dim3A_2301, %add3A_1980] : memref<16x2048xf32, #tpu.memory_space<vmem>>[vector<16xi32>, vector<16xi32>], vector<16xf32>,
      %gather3A_2303 = tpu.vector_load_idx %arg7[%broadcast_in_dim3A_2301, %add3A_2013] : memref<16x2048xf32, #tpu.memory_space<vmem>>[vector<16xi32>, vector<16xi32>], vector<16xf32>,
      %gather3A_2304 = tpu.vector_load_idx %arg7[%broadcast_in_dim3A_2301, %add3A_2046] : memref<16x2048xf32, #tpu.memory_space<vmem>>[vector<16xi32>, vector<16xi32>], vector<16xf32>,
      %gather3A_2305 = tpu.vector_load_idx %arg7[%broadcast_in_dim3A_2301, %add3A_2079] : memref<16x2048xf32, #tpu.memory_space<vmem>>[vector<16xi32>, vector<16xi32>], vector<16xf32>,
      %swap3A_2306 = arith.constant 10 : i32
      %swap3A_2307 = arith.index_cast %swap3A_2306 : i32 to index
      %swap3A_2308 = arith.constant 0 : index
      %swap3A_2309 = tpu.vector_load %arg10[%swap3A_2307, %swap3A_2308] {strides = array<i32>} : memref<16x64xf32, #tpu.memory_space<vmem>>, vector<16xf32>,
      tpu.vector_store %arg10[%swap3A_2307, %swap3A_2308], %gather3A_2302 {strides = array<i32>} : memref<16x64xf32, #tpu.memory_space<vmem>>, vector<16xf32>,
      %swap3A_2310 = arith.constant 10 : i32
      %swap3A_2311 = arith.index_cast %swap3A_2310 : i32 to index
      %swap3A_2312 = arith.constant 16 : index
      %swap3A_2313 = tpu.vector_load %arg10[%swap3A_2311, %swap3A_2312] {strides = array<i32>} : memref<16x64xf32, #tpu.memory_space<vmem>>, vector<16xf32>,
      tpu.vector_store %arg10[%swap3A_2311, %swap3A_2312], %gather3A_2303 {strides = array<i32>} : memref<16x64xf32, #tpu.memory_space<vmem>>, vector<16xf32>,
      %swap3A_2314 = arith.constant 10 : i32
      %swap3A_2315 = arith.index_cast %swap3A_2314 : i32 to index
      %swap3A_2316 = arith.constant 32 : index
      %swap3A_2317 = tpu.vector_load %arg10[%swap3A_2315, %swap3A_2316] {strides = array<i32>} : memref<16x64xf32, #tpu.memory_space<vmem>>, vector<16xf32>,
      tpu.vector_store %arg10[%swap3A_2315, %swap3A_2316], %gather3A_2304 {strides = array<i32>} : memref<16x64xf32, #tpu.memory_space<vmem>>, vector<16xf32>,
      %swap3A_2318 = arith.constant 10 : i32
      %swap3A_2319 = arith.index_cast %swap3A_2318 : i32 to index
      %swap3A_2320 = arith.constant 48 : index
      %swap3A_2321 = tpu.vector_load %arg10[%swap3A_2319, %swap3A_2320] {strides = array<i32>} : memref<16x64xf32, #tpu.memory_space<vmem>>, vector<16xf32>,
      tpu.vector_store %arg10[%swap3A_2319, %swap3A_2320], %gather3A_2305 {strides = array<i32>} : memref<16x64xf32, #tpu.memory_space<vmem>>, vector<16xf32>,
      %broadcast_in_dim3A_2322 = arith.constant 11 : i32
      %broadcast_in_dim3A_2323 = vector.broadcast %broadcast_in_dim3A_2322 : i32 to vector<16xi32>
      %gather3A_2324 = tpu.vector_load_idx %arg7[%broadcast_in_dim3A_2323, %add3A_1980] : memref<16x2048xf32, #tpu.memory_space<vmem>>[vector<16xi32>, vector<16xi32>], vector<16xf32>,
      %gather3A_2325 = tpu.vector_load_idx %arg7[%broadcast_in_dim3A_2323, %add3A_2013] : memref<16x2048xf32, #tpu.memory_space<vmem>>[vector<16xi32>, vector<16xi32>], vector<16xf32>,
      %gather3A_2326 = tpu.vector_load_idx %arg7[%broadcast_in_dim3A_2323, %add3A_2046] : memref<16x2048xf32, #tpu.memory_space<vmem>>[vector<16xi32>, vector<16xi32>], vector<16xf32>,
      %gather3A_2327 = tpu.vector_load_idx %arg7[%broadcast_in_dim3A_2323, %add3A_2079] : memref<16x2048xf32, #tpu.memory_space<vmem>>[vector<16xi32>, vector<16xi32>], vector<16xf32>,
      %swap3A_2328 = arith.constant 11 : i32
      %swap3A_2329 = arith.index_cast %swap3A_2328 : i32 to index
      %swap3A_2330 = arith.constant 0 : index
      %swap3A_2331 = tpu.vector_load %arg10[%swap3A_2329, %swap3A_2330] {strides = array<i32>} : memref<16x64xf32, #tpu.memory_space<vmem>>, vector<16xf32>,
      tpu.vector_store %arg10[%swap3A_2329, %swap3A_2330], %gather3A_2324 {strides = array<i32>} : memref<16x64xf32, #tpu.memory_space<vmem>>, vector<16xf32>,
      %swap3A_2332 = arith.constant 11 : i32
      %swap3A_2333 = arith.index_cast %swap3A_2332 : i32 to index
      %swap3A_2334 = arith.constant 16 : index
      %swap3A_2335 = tpu.vector_load %arg10[%swap3A_2333, %swap3A_2334] {strides = array<i32>} : memref<16x64xf32, #tpu.memory_space<vmem>>, vector<16xf32>,
      tpu.vector_store %arg10[%swap3A_2333, %swap3A_2334], %gather3A_2325 {strides = array<i32>} : memref<16x64xf32, #tpu.memory_space<vmem>>, vector<16xf32>,
      %swap3A_2336 = arith.constant 11 : i32
      %swap3A_2337 = arith.index_cast %swap3A_2336 : i32 to index
      %swap3A_2338 = arith.constant 32 : index
      %swap3A_2339 = tpu.vector_load %arg10[%swap3A_2337, %swap3A_2338] {strides = array<i32>} : memref<16x64xf32, #tpu.memory_space<vmem>>, vector<16xf32>,
      tpu.vector_store %arg10[%swap3A_2337, %swap3A_2338], %gather3A_2326 {strides = array<i32>} : memref<16x64xf32, #tpu.memory_space<vmem>>, vector<16xf32>,
      %swap3A_2340 = arith.constant 11 : i32
      %swap3A_2341 = arith.index_cast %swap3A_2340 : i32 to index
      %swap3A_2342 = arith.constant 48 : index
      %swap3A_2343 = tpu.vector_load %arg10[%swap3A_2341, %swap3A_2342] {strides = array<i32>} : memref<16x64xf32, #tpu.memory_space<vmem>>, vector<16xf32>,
      tpu.vector_store %arg10[%swap3A_2341, %swap3A_2342], %gather3A_2327 {strides = array<i32>} : memref<16x64xf32, #tpu.memory_space<vmem>>, vector<16xf32>,
      %broadcast_in_dim3A_2344 = arith.constant 12 : i32
      %broadcast_in_dim3A_2345 = vector.broadcast %broadcast_in_dim3A_2344 : i32 to vector<16xi32>
      %gather3A_2346 = tpu.vector_load_idx %arg7[%broadcast_in_dim3A_2345, %add3A_1980] : memref<16x2048xf32, #tpu.memory_space<vmem>>[vector<16xi32>, vector<16xi32>], vector<16xf32>,
      %gather3A_2347 = tpu.vector_load_idx %arg7[%broadcast_in_dim3A_2345, %add3A_2013] : memref<16x2048xf32, #tpu.memory_space<vmem>>[vector<16xi32>, vector<16xi32>], vector<16xf32>,
      %gather3A_2348 = tpu.vector_load_idx %arg7[%broadcast_in_dim3A_2345, %add3A_2046] : memref<16x2048xf32, #tpu.memory_space<vmem>>[vector<16xi32>, vector<16xi32>], vector<16xf32>,
      %gather3A_2349 = tpu.vector_load_idx %arg7[%broadcast_in_dim3A_2345, %add3A_2079] : memref<16x2048xf32, #tpu.memory_space<vmem>>[vector<16xi32>, vector<16xi32>], vector<16xf32>,
      %swap3A_2350 = arith.constant 12 : i32
      %swap3A_2351 = arith.index_cast %swap3A_2350 : i32 to index
      %swap3A_2352 = arith.constant 0 : index
      %swap3A_2353 = tpu.vector_load %arg10[%swap3A_2351, %swap3A_2352] {strides = array<i32>} : memref<16x64xf32, #tpu.memory_space<vmem>>, vector<16xf32>,
      tpu.vector_store %arg10[%swap3A_2351, %swap3A_2352], %gather3A_2346 {strides = array<i32>} : memref<16x64xf32, #tpu.memory_space<vmem>>, vector<16xf32>,
      %swap3A_2354 = arith.constant 12 : i32
      %swap3A_2355 = arith.index_cast %swap3A_2354 : i32 to index
      %swap3A_2356 = arith.constant 16 : index
      %swap3A_2357 = tpu.vector_load %arg10[%swap3A_2355, %swap3A_2356] {strides = array<i32>} : memref<16x64xf32, #tpu.memory_space<vmem>>, vector<16xf32>,
      tpu.vector_store %arg10[%swap3A_2355, %swap3A_2356], %gather3A_2347 {strides = array<i32>} : memref<16x64xf32, #tpu.memory_space<vmem>>, vector<16xf32>,
      %swap3A_2358 = arith.constant 12 : i32
      %swap3A_2359 = arith.index_cast %swap3A_2358 : i32 to index
      %swap3A_2360 = arith.constant 32 : index
      %swap3A_2361 = tpu.vector_load %arg10[%swap3A_2359, %swap3A_2360] {strides = array<i32>} : memref<16x64xf32, #tpu.memory_space<vmem>>, vector<16xf32>,
      tpu.vector_store %arg10[%swap3A_2359, %swap3A_2360], %gather3A_2348 {strides = array<i32>} : memref<16x64xf32, #tpu.memory_space<vmem>>, vector<16xf32>,
      %swap3A_2362 = arith.constant 12 : i32
      %swap3A_2363 = arith.index_cast %swap3A_2362 : i32 to index
      %swap3A_2364 = arith.constant 48 : index
      %swap3A_2365 = tpu.vector_load %arg10[%swap3A_2363, %swap3A_2364] {strides = array<i32>} : memref<16x64xf32, #tpu.memory_space<vmem>>, vector<16xf32>,
      tpu.vector_store %arg10[%swap3A_2363, %swap3A_2364], %gather3A_2349 {strides = array<i32>} : memref<16x64xf32, #tpu.memory_space<vmem>>, vector<16xf32>,
      %broadcast_in_dim3A_2366 = arith.constant 13 : i32
      %broadcast_in_dim3A_2367 = vector.broadcast %broadcast_in_dim3A_2366 : i32 to vector<16xi32>
      %gather3A_2368 = tpu.vector_load_idx %arg7[%broadcast_in_dim3A_2367, %add3A_1980] : memref<16x2048xf32, #tpu.memory_space<vmem>>[vector<16xi32>, vector<16xi32>], vector<16xf32>,
      %gather3A_2369 = tpu.vector_load_idx %arg7[%broadcast_in_dim3A_2367, %add3A_2013] : memref<16x2048xf32, #tpu.memory_space<vmem>>[vector<16xi32>, vector<16xi32>], vector<16xf32>,
      %gather3A_2370 = tpu.vector_load_idx %arg7[%broadcast_in_dim3A_2367, %add3A_2046] : memref<16x2048xf32, #tpu.memory_space<vmem>>[vector<16xi32>, vector<16xi32>], vector<16xf32>,
      %gather3A_2371 = tpu.vector_load_idx %arg7[%broadcast_in_dim3A_2367, %add3A_2079] : memref<16x2048xf32, #tpu.memory_space<vmem>>[vector<16xi32>, vector<16xi32>], vector<16xf32>,
      %swap3A_2372 = arith.constant 13 : i32
      %swap3A_2373 = arith.index_cast %swap3A_2372 : i32 to index
      %swap3A_2374 = arith.constant 0 : index
      %swap3A_2375 = tpu.vector_load %arg10[%swap3A_2373, %swap3A_2374] {strides = array<i32>} : memref<16x64xf32, #tpu.memory_space<vmem>>, vector<16xf32>,
      tpu.vector_store %arg10[%swap3A_2373, %swap3A_2374], %gather3A_2368 {strides = array<i32>} : memref<16x64xf32, #tpu.memory_space<vmem>>, vector<16xf32>,
      %swap3A_2376 = arith.constant 13 : i32
      %swap3A_2377 = arith.index_cast %swap3A_2376 : i32 to index
      %swap3A_2378 = arith.constant 16 : index
      %swap3A_2379 = tpu.vector_load %arg10[%swap3A_2377, %swap3A_2378] {strides = array<i32>} : memref<16x64xf32, #tpu.memory_space<vmem>>, vector<16xf32>,
      tpu.vector_store %arg10[%swap3A_2377, %swap3A_2378], %gather3A_2369 {strides = array<i32>} : memref<16x64xf32, #tpu.memory_space<vmem>>, vector<16xf32>,
      %swap3A_2380 = arith.constant 13 : i32
      %swap3A_2381 = arith.index_cast %swap3A_2380 : i32 to index
      %swap3A_2382 = arith.constant 32 : index
      %swap3A_2383 = tpu.vector_load %arg10[%swap3A_2381, %swap3A_2382] {strides = array<i32>} : memref<16x64xf32, #tpu.memory_space<vmem>>, vector<16xf32>,
      tpu.vector_store %arg10[%swap3A_2381, %swap3A_2382], %gather3A_2370 {strides = array<i32>} : memref<16x64xf32, #tpu.memory_space<vmem>>, vector<16xf32>,
      %swap3A_2384 = arith.constant 13 : i32
      %swap3A_2385 = arith.index_cast %swap3A_2384 : i32 to index
      %swap3A_2386 = arith.constant 48 : index
      %swap3A_2387 = tpu.vector_load %arg10[%swap3A_2385, %swap3A_2386] {strides = array<i32>} : memref<16x64xf32, #tpu.memory_space<vmem>>, vector<16xf32>,
      tpu.vector_store %arg10[%swap3A_2385, %swap3A_2386], %gather3A_2371 {strides = array<i32>} : memref<16x64xf32, #tpu.memory_space<vmem>>, vector<16xf32>,
      %broadcast_in_dim3A_2388 = arith.constant 14 : i32
      %broadcast_in_dim3A_2389 = vector.broadcast %broadcast_in_dim3A_2388 : i32 to vector<16xi32>
      %gather3A_2390 = tpu.vector_load_idx %arg7[%broadcast_in_dim3A_2389, %add3A_1980] : memref<16x2048xf32, #tpu.memory_space<vmem>>[vector<16xi32>, vector<16xi32>], vector<16xf32>,
      %gather3A_2391 = tpu.vector_load_idx %arg7[%broadcast_in_dim3A_2389, %add3A_2013] : memref<16x2048xf32, #tpu.memory_space<vmem>>[vector<16xi32>, vector<16xi32>], vector<16xf32>,
      %gather3A_2392 = tpu.vector_load_idx %arg7[%broadcast_in_dim3A_2389, %add3A_2046] : memref<16x2048xf32, #tpu.memory_space<vmem>>[vector<16xi32>, vector<16xi32>], vector<16xf32>,
      %gather3A_2393 = tpu.vector_load_idx %arg7[%broadcast_in_dim3A_2389, %add3A_2079] : memref<16x2048xf32, #tpu.memory_space<vmem>>[vector<16xi32>, vector<16xi32>], vector<16xf32>,
      %swap3A_2394 = arith.constant 14 : i32
      %swap3A_2395 = arith.index_cast %swap3A_2394 : i32 to index
      %swap3A_2396 = arith.constant 0 : index
      %swap3A_2397 = tpu.vector_load %arg10[%swap3A_2395, %swap3A_2396] {strides = array<i32>} : memref<16x64xf32, #tpu.memory_space<vmem>>, vector<16xf32>,
      tpu.vector_store %arg10[%swap3A_2395, %swap3A_2396], %gather3A_2390 {strides = array<i32>} : memref<16x64xf32, #tpu.memory_space<vmem>>, vector<16xf32>,
      %swap3A_2398 = arith.constant 14 : i32
      %swap3A_2399 = arith.index_cast %swap3A_2398 : i32 to index
      %swap3A_2400 = arith.constant 16 : index
      %swap3A_2401 = tpu.vector_load %arg10[%swap3A_2399, %swap3A_2400] {strides = array<i32>} : memref<16x64xf32, #tpu.memory_space<vmem>>, vector<16xf32>,
      tpu.vector_store %arg10[%swap3A_2399, %swap3A_2400], %gather3A_2391 {strides = array<i32>} : memref<16x64xf32, #tpu.memory_space<vmem>>, vector<16xf32>,
      %swap3A_2402 = arith.constant 14 : i32
      %swap3A_2403 = arith.index_cast %swap3A_2402 : i32 to index
      %swap3A_2404 = arith.constant 32 : index
      %swap3A_2405 = tpu.vector_load %arg10[%swap3A_2403, %swap3A_2404] {strides = array<i32>} : memref<16x64xf32, #tpu.memory_space<vmem>>, vector<16xf32>,
      tpu.vector_store %arg10[%swap3A_2403, %swap3A_2404], %gather3A_2392 {strides = array<i32>} : memref<16x64xf32, #tpu.memory_space<vmem>>, vector<16xf32>,
      %swap3A_2406 = arith.constant 14 : i32
      %swap3A_2407 = arith.index_cast %swap3A_2406 : i32 to index
      %swap3A_2408 = arith.constant 48 : index
      %swap3A_2409 = tpu.vector_load %arg10[%swap3A_2407, %swap3A_2408] {strides = array<i32>} : memref<16x64xf32, #tpu.memory_space<vmem>>, vector<16xf32>,
      tpu.vector_store %arg10[%swap3A_2407, %swap3A_2408], %gather3A_2393 {strides = array<i32>} : memref<16x64xf32, #tpu.memory_space<vmem>>, vector<16xf32>,
      %broadcast_in_dim3A_2410 = arith.constant 15 : i32
      %broadcast_in_dim3A_2411 = vector.broadcast %broadcast_in_dim3A_2410 : i32 to vector<16xi32>
      %gather3A_2412 = tpu.vector_load_idx %arg7[%broadcast_in_dim3A_2411, %add3A_1980] : memref<16x2048xf32, #tpu.memory_space<vmem>>[vector<16xi32>, vector<16xi32>], vector<16xf32>,
      %gather3A_2413 = tpu.vector_load_idx %arg7[%broadcast_in_dim3A_2411, %add3A_2013] : memref<16x2048xf32, #tpu.memory_space<vmem>>[vector<16xi32>, vector<16xi32>], vector<16xf32>,
      %gather3A_2414 = tpu.vector_load_idx %arg7[%broadcast_in_dim3A_2411, %add3A_2046] : memref<16x2048xf32, #tpu.memory_space<vmem>>[vector<16xi32>, vector<16xi32>], vector<16xf32>,
      %gather3A_2415 = tpu.vector_load_idx %arg7[%broadcast_in_dim3A_2411, %add3A_2079] : memref<16x2048xf32, #tpu.memory_space<vmem>>[vector<16xi32>, vector<16xi32>], vector<16xf32>,
      %swap3A_2416 = arith.constant 15 : i32
      %swap3A_2417 = arith.index_cast %swap3A_2416 : i32 to index
      %swap3A_2418 = arith.constant 0 : index
      %swap3A_2419 = tpu.vector_load %arg10[%swap3A_2417, %swap3A_2418] {strides = array<i32>} : memref<16x64xf32, #tpu.memory_space<vmem>>, vector<16xf32>,
      tpu.vector_store %arg10[%swap3A_2417, %swap3A_2418], %gather3A_2412 {strides = array<i32>} : memref<16x64xf32, #tpu.memory_space<vmem>>, vector<16xf32>,
      %swap3A_2420 = arith.constant 15 : i32
      %swap3A_2421 = arith.index_cast %swap3A_2420 : i32 to index
      %swap3A_2422 = arith.constant 16 : index
      %swap3A_2423 = tpu.vector_load %arg10[%swap3A_2421, %swap3A_2422] {strides = array<i32>} : memref<16x64xf32, #tpu.memory_space<vmem>>, vector<16xf32>,
      tpu.vector_store %arg10[%swap3A_2421, %swap3A_2422], %gather3A_2413 {strides = array<i32>} : memref<16x64xf32, #tpu.memory_space<vmem>>, vector<16xf32>,
      %swap3A_2424 = arith.constant 15 : i32
      %swap3A_2425 = arith.index_cast %swap3A_2424 : i32 to index
      %swap3A_2426 = arith.constant 32 : index
      %swap3A_2427 = tpu.vector_load %arg10[%swap3A_2425, %swap3A_2426] {strides = array<i32>} : memref<16x64xf32, #tpu.memory_space<vmem>>, vector<16xf32>,
      tpu.vector_store %arg10[%swap3A_2425, %swap3A_2426], %gather3A_2414 {strides = array<i32>} : memref<16x64xf32, #tpu.memory_space<vmem>>, vector<16xf32>,
      %swap3A_2428 = arith.constant 15 : i32
      %swap3A_2429 = arith.index_cast %swap3A_2428 : i32 to index
      %swap3A_2430 = arith.constant 48 : index
      %swap3A_2431 = tpu.vector_load %arg10[%swap3A_2429, %swap3A_2430] {strides = array<i32>} : memref<16x64xf32, #tpu.memory_space<vmem>>, vector<16xf32>,
      tpu.vector_store %arg10[%swap3A_2429, %swap3A_2430], %gather3A_2415 {strides = array<i32>} : memref<16x64xf32, #tpu.memory_space<vmem>>, vector<16xf32>,
      %add3A_2432 = arith.constant 1 : i32
      %add3A_2433 = arith.addi %mul3A_1218, %add3A_2432 : i32
      %mul3A_2434 = arith.constant 32 : i32
      %mul3A_2435 = arith.muli %mul3A_2434, %add3A_2433 : i32
      %add3A_2436 = arith.addi %add3A, %mul3A_2435 : i32
      %mul3A_2437 = arith.constant 16 : i32
      %mul3A_2438 = arith.muli %add3A_2436, %mul3A_2437 : i32
      %dma_start3A_2439 = arith.constant 0 : i32
      %dma_start3A_2440 = tpu.memref_slice %arg4[%mul3A_2438, %dma_start3A_2439] : memref<16384x64xf32, #tpu.memory_space<hbm>> -> memref<16x64xf32, #tpu.memory_space<hbm>>
      %dma_start3A_2441 = arith.constant 0 : i32
      %dma_start3A_2442 = tpu.memref_slice %arg4[%mul3A_2438, %dma_start3A_2441] : memref<16384x64xf32, #tpu.memory_space<hbm>> -> memref<16x64xf32, #tpu.memory_space<hbm>>
      tpu.enqueue_dma source(%arg10 : memref<16x64xf32, #tpu.memory_space<vmem>>) target(%dma_start3A_2442 : memref<16x64xf32, #tpu.memory_space<hbm>>) target_semaphore(%arg18 : memref<!tpu.dma_semaphore, #tpu.memory_space<semaphore_mem>>)
      %add3A_2443 = arith.constant 4 : i32
      %add3A_2444 = arith.addi %mul3A_1218, %add3A_2443 : i32
      %mul3A_2445 = arith.constant 32 : i32
      %mul3A_2446 = arith.muli %mul3A_2445, %add3A_2444 : i32
      %add3A_2447 = arith.addi %add3A, %mul3A_2446 : i32
      %jit3A_2448 = arith.constant 64 : i32
      %div3A_2449 = arith.divsi %add3A_2447, %jit3A_2448 : i32
      %sign3A_2450 = arith.constant 0 : i32
      %sign3A_2451 = arith.cmpi sgt, %add3A_2447, %sign3A_2450 : i32
      %sign3A_2452 = arith.extui %sign3A_2451 : i1 to i32
      %sign3A_2453 = arith.constant 0 : i32
      %sign3A_2454 = arith.cmpi slt, %add3A_2447, %sign3A_2453 : i32
      %sign3A_2455 = arith.extui %sign3A_2454 : i1 to i32
      %sign3A_2456 = arith.subi %sign3A_2452, %sign3A_2455 : i32
      %sign3A_2457 = arith.constant 0 : i32
      %sign3A_2458 = arith.cmpi sgt, %jit3A_2448, %sign3A_2457 : i32
      %sign3A_2459 = arith.extui %sign3A_2458 : i1 to i32
      %sign3A_2460 = arith.constant 0 : i32
      %sign3A_2461 = arith.cmpi slt, %jit3A_2448, %sign3A_2460 : i32
      %sign3A_2462 = arith.extui %sign3A_2461 : i1 to i32
      %sign3A_2463 = arith.subi %sign3A_2459, %sign3A_2462 : i32
      %ne3A_2464 = arith.cmpi ne, %sign3A_2456, %sign3A_2463 : i32
      %rem3A_2465 = arith.remsi %add3A_2447, %jit3A_2448 : i32
      %ne3A_2466 = arith.constant 0 : i32
      %ne3A_2467 = arith.cmpi ne, %rem3A_2465, %ne3A_2466 : i32
      %and3A_2468 = arith.andi %ne3A_2464, %ne3A_2467 : i1
      %sub3A_2469 = arith.constant 1 : i32
      %sub3A_2470 = arith.subi %div3A_2449, %sub3A_2469 : i32
      %select_n3A_2471 = arith.select %and3A_2468, %sub3A_2470, %div3A_2449 : i32
      %get3A_2472 = arith.index_cast %select_n3A_2471 : i32 to index
      %get3A_2473 = memref.load %arg13[%get3A_2472] : memref<16xi32, #tpu.memory_space<smem>>
      %ge3A_2474 = arith.constant 16 : i32
      %ge3A_2475 = arith.cmpi sge, %get3A_2473, %ge3A_2474 : i32
      %mul3A_2476 = arith.constant 16 : i32
      %mul3A_2477 = arith.muli %add3A_2447, %mul3A_2476 : i32
      %convert_element_type3A_2478 = arith.extui %ge3A_2475 : i1 to i32
      %cond3A_2479 = arith.constant 0 : i32
      %cond3A_2480 = arith.cmpi ne, %convert_element_type3A_2478, %cond3A_2479 : i32
      scf.if %cond3A_2480 {
        %dma_start3A_3058 = arith.constant 0 : i32
        %dma_start3A_3059 = tpu.memref_slice %arg2[%mul3A_2477, %dma_start3A_3058] : memref<16384x2048xf32, #tpu.memory_space<hbm>> -> memref<16x2048xf32, #tpu.memory_space<hbm>>
        %dma_start3A_3060 = arith.constant 0 : i32
        %dma_start3A_3061 = tpu.memref_slice %arg2[%mul3A_2477, %dma_start3A_3060] : memref<16384x2048xf32, #tpu.memory_space<hbm>> -> memref<16x2048xf32, #tpu.memory_space<hbm>>
        tpu.enqueue_dma source(%dma_start3A_3061 : memref<16x2048xf32, #tpu.memory_space<hbm>>) target(%arg7 : memref<16x2048xf32, #tpu.memory_space<vmem>>) target_semaphore(%arg15 : memref<!tpu.dma_semaphore, #tpu.memory_space<semaphore_mem>>)
      } else {
      }
      %not3A_2481 = arith.constant true
      %not3A_2482 = arith.xori %ge3A_2475, %not3A_2481 : i1
      %convert_element_type3A_2483 = arith.extui %not3A_2482 : i1 to i32
      %cond3A_2484 = arith.constant 0 : i32
      %cond3A_2485 = arith.cmpi ne, %convert_element_type3A_2483, %cond3A_2484 : i32
      scf.if %cond3A_2485 {
        %while3A = arith.constant 0 : i32
        %while3A_3058 = arith.constant 0 : i32
        %while3A_3059 = arith.subi %get3A_2473, %while3A_3058 : i32
        %while3A_3060 = arith.addi %while3A_3058, %while3A_3059 : i32
        %while3A_3061 = arith.constant 1 : i32
        %while3A_3062 = arith.divsi %while3A_3059, %while3A_3061 : i32
        %while3A_3063 = arith.muli %while3A_3062, %while3A_3061 : i32
        %while3A_3064 = arith.addi %while3A_3058, %while3A_3063 : i32
        %while3A_3065 = arith.constant 1 : i32
        scf.for %while3A_3067 = %while3A_3058 to %while3A_3064 step %while3A_3065  : i32 {
          %mul3A_3068 = arith.constant 128 : i32
          %mul3A_3069 = arith.muli %while3A_3067, %mul3A_3068 : i32
          %mul3A_3070 = arith.constant 128 : i32
          %mul3A_3071 = arith.muli %while3A_3067, %mul3A_3070 : i32
          %dma_start3A_3072 = arith.constant 0 : i32
          %dma_start3A_3073 = tpu.memref_slice %arg7[%dma_start3A_3072, %mul3A_3071] : memref<16x2048xf32, #tpu.memory_space<vmem>> -> memref<16x128xf32, #tpu.memory_space<vmem>>
          %dma_start3A_3074 = tpu.memref_slice %arg2[%mul3A_2477, %mul3A_3069] : memref<16384x2048xf32, #tpu.memory_space<hbm>> -> memref<16x128xf32, #tpu.memory_space<hbm>>
          %dma_start3A_3075 = arith.constant 0 : i32
          %dma_start3A_3076 = tpu.memref_slice %arg7[%dma_start3A_3075, %mul3A_3071] : memref<16x2048xf32, #tpu.memory_space<vmem>> -> memref<16x128xf32, #tpu.memory_space<vmem>>
          %dma_start3A_3077 = tpu.memref_slice %arg2[%mul3A_2477, %mul3A_3069] : memref<16384x2048xf32, #tpu.memory_space<hbm>> -> memref<16x128xf32, #tpu.memory_space<hbm>>
          tpu.enqueue_dma source(%dma_start3A_3077 : memref<16x128xf32, #tpu.memory_space<hbm>>) target(%dma_start3A_3076 : memref<16x128xf32, #tpu.memory_space<vmem>>) target_semaphore(%arg15 : memref<!tpu.dma_semaphore, #tpu.memory_space<semaphore_mem>>)
        }
        %while3A_3066 = arith.constant 1 : i32
        scf.for %while3A_3067 = %while3A_3064 to %while3A_3060 step %while3A_3066  : i32 {
          %mul3A_3068 = arith.constant 128 : i32
          %mul3A_3069 = arith.muli %while3A_3067, %mul3A_3068 : i32
          %mul3A_3070 = arith.constant 128 : i32
          %mul3A_3071 = arith.muli %while3A_3067, %mul3A_3070 : i32
          %dma_start3A_3072 = arith.constant 0 : i32
          %dma_start3A_3073 = tpu.memref_slice %arg7[%dma_start3A_3072, %mul3A_3071] : memref<16x2048xf32, #tpu.memory_space<vmem>> -> memref<16x128xf32, #tpu.memory_space<vmem>>
          %dma_start3A_3074 = tpu.memref_slice %arg2[%mul3A_2477, %mul3A_3069] : memref<16384x2048xf32, #tpu.memory_space<hbm>> -> memref<16x128xf32, #tpu.memory_space<hbm>>
          %dma_start3A_3075 = arith.constant 0 : i32
          %dma_start3A_3076 = tpu.memref_slice %arg7[%dma_start3A_3075, %mul3A_3071] : memref<16x2048xf32, #tpu.memory_space<vmem>> -> memref<16x128xf32, #tpu.memory_space<vmem>>
          %dma_start3A_3077 = tpu.memref_slice %arg2[%mul3A_2477, %mul3A_3069] : memref<16384x2048xf32, #tpu.memory_space<hbm>> -> memref<16x128xf32, #tpu.memory_space<hbm>>
          tpu.enqueue_dma source(%dma_start3A_3077 : memref<16x128xf32, #tpu.memory_space<hbm>>) target(%dma_start3A_3076 : memref<16x128xf32, #tpu.memory_space<vmem>>) target_semaphore(%arg15 : memref<!tpu.dma_semaphore, #tpu.memory_space<semaphore_mem>>)
        }
      } else {
      }
      %add3A_2486 = arith.constant 2 : i32
      %add3A_2487 = arith.addi %mul3A_1218, %add3A_2486 : i32
      %mul3A_2488 = arith.constant 32 : i32
      %mul3A_2489 = arith.muli %mul3A_2488, %add3A_2487 : i32
      %add3A_2490 = arith.addi %add3A, %mul3A_2489 : i32
      %jit3A_2491 = arith.constant 64 : i32
      %div3A_2492 = arith.divsi %add3A_2490, %jit3A_2491 : i32
      %sign3A_2493 = arith.constant 0 : i32
      %sign3A_2494 = arith.cmpi sgt, %add3A_2490, %sign3A_2493 : i32
      %sign3A_2495 = arith.extui %sign3A_2494 : i1 to i32
      %sign3A_2496 = arith.constant 0 : i32
      %sign3A_2497 = arith.cmpi slt, %add3A_2490, %sign3A_2496 : i32
      %sign3A_2498 = arith.extui %sign3A_2497 : i1 to i32
      %sign3A_2499 = arith.subi %sign3A_2495, %sign3A_2498 : i32
      %sign3A_2500 = arith.constant 0 : i32
      %sign3A_2501 = arith.cmpi sgt, %jit3A_2491, %sign3A_2500 : i32
      %sign3A_2502 = arith.extui %sign3A_2501 : i1 to i32
      %sign3A_2503 = arith.constant 0 : i32
      %sign3A_2504 = arith.cmpi slt, %jit3A_2491, %sign3A_2503 : i32
      %sign3A_2505 = arith.extui %sign3A_2504 : i1 to i32
      %sign3A_2506 = arith.subi %sign3A_2502, %sign3A_2505 : i32
      %ne3A_2507 = arith.cmpi ne, %sign3A_2499, %sign3A_2506 : i32
      %rem3A_2508 = arith.remsi %add3A_2490, %jit3A_2491 : i32
      %ne3A_2509 = arith.constant 0 : i32
      %ne3A_2510 = arith.cmpi ne, %rem3A_2508, %ne3A_2509 : i32
      %and3A_2511 = arith.andi %ne3A_2507, %ne3A_2510 : i1
      %sub3A_2512 = arith.constant 1 : i32
      %sub3A_2513 = arith.subi %div3A_2492, %sub3A_2512 : i32
      %select_n3A_2514 = arith.select %and3A_2511, %sub3A_2513, %div3A_2492 : i32
      %get3A_2515 = arith.index_cast %select_n3A_2514 : i32 to index
      %get3A_2516 = memref.load %arg13[%get3A_2515] : memref<16xi32, #tpu.memory_space<smem>>
      %ge3A_2517 = arith.constant 16 : i32
      %ge3A_2518 = arith.cmpi sge, %get3A_2516, %ge3A_2517 : i32
      %convert_element_type3A_2519 = arith.extui %ge3A_2518 : i1 to i32
      %cond3A_2520 = arith.constant 0 : i32
      %cond3A_2521 = arith.cmpi ne, %convert_element_type3A_2519, %cond3A_2520 : i32
      scf.if %cond3A_2521 {
        %dma_wait3A_3058 = arith.constant 0 : i32
        %dma_wait3A_3059 = arith.constant 0 : i32
        %dma_wait3A_3060 = tpu.memref_slice %arg2[%dma_wait3A_3058, %dma_wait3A_3059] : memref<16384x2048xf32, #tpu.memory_space<hbm>> -> memref<16x2048xf32, #tpu.memory_space<hbm>>
        %dma_wait3A_3061 = arith.constant 0 : i32
        %dma_wait3A_3062 = arith.constant 0 : i32
        %dma_wait3A_3063 = tpu.memref_slice %arg2[%dma_wait3A_3061, %dma_wait3A_3062] : memref<16384x2048xf32, #tpu.memory_space<hbm>> -> memref<16x2048xf32, #tpu.memory_space<hbm>>
        tpu.wait_dma2 semaphore(%arg16 : memref<!tpu.dma_semaphore, #tpu.memory_space<semaphore_mem>>) src(%dma_wait3A_3063 : memref<16x2048xf32, #tpu.memory_space<hbm>>) dst(%arg8 : memref<16x2048xf32, #tpu.memory_space<vmem>>)
      } else {
      }
      %not3A_2522 = arith.constant true
      %not3A_2523 = arith.xori %ge3A_2518, %not3A_2522 : i1
      %convert_element_type3A_2524 = arith.extui %not3A_2523 : i1 to i32
      %cond3A_2525 = arith.constant 0 : i32
      %cond3A_2526 = arith.cmpi ne, %convert_element_type3A_2524, %cond3A_2525 : i32
      scf.if %cond3A_2526 {
        %while3A = arith.constant 0 : i32
        %while3A_3058 = arith.constant 0 : i32
        %while3A_3059 = arith.subi %get3A_2516, %while3A_3058 : i32
        %while3A_3060 = arith.addi %while3A_3058, %while3A_3059 : i32
        %while3A_3061 = arith.constant 1 : i32
        %while3A_3062 = arith.divsi %while3A_3059, %while3A_3061 : i32
        %while3A_3063 = arith.muli %while3A_3062, %while3A_3061 : i32
        %while3A_3064 = arith.addi %while3A_3058, %while3A_3063 : i32
        %while3A_3065 = arith.constant 1 : i32
        scf.for %while3A_3067 = %while3A_3058 to %while3A_3064 step %while3A_3065  : i32 {
          %dma_wait3A_3068 = arith.constant 0 : i32
          %dma_wait3A_3069 = arith.constant 0 : i32
          %dma_wait3A_3070 = tpu.memref_slice %arg8[%dma_wait3A_3068, %dma_wait3A_3069] : memref<16x2048xf32, #tpu.memory_space<vmem>> -> memref<16x128xf32, #tpu.memory_space<vmem>>
          %dma_wait3A_3071 = arith.constant 0 : i32
          %dma_wait3A_3072 = arith.constant 0 : i32
          %dma_wait3A_3073 = tpu.memref_slice %arg2[%dma_wait3A_3071, %dma_wait3A_3072] : memref<16384x2048xf32, #tpu.memory_space<hbm>> -> memref<16x128xf32, #tpu.memory_space<hbm>>
          %dma_wait3A_3074 = arith.constant 0 : i32
          %dma_wait3A_3075 = arith.constant 0 : i32
          %dma_wait3A_3076 = tpu.memref_slice %arg8[%dma_wait3A_3074, %dma_wait3A_3075] : memref<16x2048xf32, #tpu.memory_space<vmem>> -> memref<16x128xf32, #tpu.memory_space<vmem>>
          %dma_wait3A_3077 = arith.constant 0 : i32
          %dma_wait3A_3078 = arith.constant 0 : i32
          %dma_wait3A_3079 = tpu.memref_slice %arg2[%dma_wait3A_3077, %dma_wait3A_3078] : memref<16384x2048xf32, #tpu.memory_space<hbm>> -> memref<16x128xf32, #tpu.memory_space<hbm>>
          tpu.wait_dma2 semaphore(%arg16 : memref<!tpu.dma_semaphore, #tpu.memory_space<semaphore_mem>>) src(%dma_wait3A_3079 : memref<16x128xf32, #tpu.memory_space<hbm>>) dst(%dma_wait3A_3076 : memref<16x128xf32, #tpu.memory_space<vmem>>)
        }
        %while3A_3066 = arith.constant 1 : i32
        scf.for %while3A_3067 = %while3A_3064 to %while3A_3060 step %while3A_3066  : i32 {
          %dma_wait3A_3068 = arith.constant 0 : i32
          %dma_wait3A_3069 = arith.constant 0 : i32
          %dma_wait3A_3070 = tpu.memref_slice %arg8[%dma_wait3A_3068, %dma_wait3A_3069] : memref<16x2048xf32, #tpu.memory_space<vmem>> -> memref<16x128xf32, #tpu.memory_space<vmem>>
          %dma_wait3A_3071 = arith.constant 0 : i32
          %dma_wait3A_3072 = arith.constant 0 : i32
          %dma_wait3A_3073 = tpu.memref_slice %arg2[%dma_wait3A_3071, %dma_wait3A_3072] : memref<16384x2048xf32, #tpu.memory_space<hbm>> -> memref<16x128xf32, #tpu.memory_space<hbm>>
          %dma_wait3A_3074 = arith.constant 0 : i32
          %dma_wait3A_3075 = arith.constant 0 : i32
          %dma_wait3A_3076 = tpu.memref_slice %arg8[%dma_wait3A_3074, %dma_wait3A_3075] : memref<16x2048xf32, #tpu.memory_space<vmem>> -> memref<16x128xf32, #tpu.memory_space<vmem>>
          %dma_wait3A_3077 = arith.constant 0 : i32
          %dma_wait3A_3078 = arith.constant 0 : i32
          %dma_wait3A_3079 = tpu.memref_slice %arg2[%dma_wait3A_3077, %dma_wait3A_3078] : memref<16384x2048xf32, #tpu.memory_space<hbm>> -> memref<16x128xf32, #tpu.memory_space<hbm>>
          tpu.wait_dma2 semaphore(%arg16 : memref<!tpu.dma_semaphore, #tpu.memory_space<semaphore_mem>>) src(%dma_wait3A_3079 : memref<16x128xf32, #tpu.memory_space<hbm>>) dst(%dma_wait3A_3076 : memref<16x128xf32, #tpu.memory_space<vmem>>)
        }
      } else {
      }
      %gt3A_2527 = arith.constant 0 : i32
      %gt3A_2528 = arith.cmpi sgt, %scan3A_1216, %gt3A_2527 : i32
      %convert_element_type3A_2529 = arith.extui %gt3A_2528 : i1 to i32
      %cond3A_2530 = arith.constant 0 : i32
      %cond3A_2531 = arith.cmpi ne, %convert_element_type3A_2529, %cond3A_2530 : i32
      scf.if %cond3A_2531 {
        %dma_wait3A_3058 = arith.constant 0 : i32
        %dma_wait3A_3059 = arith.constant 0 : i32
        %dma_wait3A_3060 = tpu.memref_slice %arg4[%dma_wait3A_3058, %dma_wait3A_3059] : memref<16384x64xf32, #tpu.memory_space<hbm>> -> memref<16x64xf32, #tpu.memory_space<hbm>>
        %dma_wait3A_3061 = arith.constant 0 : i32
        %dma_wait3A_3062 = arith.constant 0 : i32
        %dma_wait3A_3063 = tpu.memref_slice %arg4[%dma_wait3A_3061, %dma_wait3A_3062] : memref<16384x64xf32, #tpu.memory_space<hbm>> -> memref<16x64xf32, #tpu.memory_space<hbm>>
        tpu.wait_dma2 semaphore(%arg19 : memref<!tpu.dma_semaphore, #tpu.memory_space<semaphore_mem>>) src(%arg11 : memref<16x64xf32, #tpu.memory_space<vmem>>) dst(%dma_wait3A_3063 : memref<16x64xf32, #tpu.memory_space<hbm>>)
      } else {
      }
      %add3A_2532 = arith.constant 2 : i32
      %add3A_2533 = arith.addi %mul3A_1218, %add3A_2532 : i32
      %mul3A_2534 = arith.constant 32 : i32
      %mul3A_2535 = arith.muli %mul3A_2534, %add3A_2533 : i32
      %add3A_2536 = arith.addi %add3A, %mul3A_2535 : i32
      %jit3A_2537 = arith.constant 64 : i32
      %div3A_2538 = arith.divsi %add3A_2536, %jit3A_2537 : i32
      %sign3A_2539 = arith.constant 0 : i32
      %sign3A_2540 = arith.cmpi sgt, %add3A_2536, %sign3A_2539 : i32
      %sign3A_2541 = arith.extui %sign3A_2540 : i1 to i32
      %sign3A_2542 = arith.constant 0 : i32
      %sign3A_2543 = arith.cmpi slt, %add3A_2536, %sign3A_2542 : i32
      %sign3A_2544 = arith.extui %sign3A_2543 : i1 to i32
      %sign3A_2545 = arith.subi %sign3A_2541, %sign3A_2544 : i32
      %sign3A_2546 = arith.constant 0 : i32
      %sign3A_2547 = arith.cmpi sgt, %jit3A_2537, %sign3A_2546 : i32
      %sign3A_2548 = arith.extui %sign3A_2547 : i1 to i32
      %sign3A_2549 = arith.constant 0 : i32
      %sign3A_2550 = arith.cmpi slt, %jit3A_2537, %sign3A_2549 : i32
      %sign3A_2551 = arith.extui %sign3A_2550 : i1 to i32
      %sign3A_2552 = arith.subi %sign3A_2548, %sign3A_2551 : i32
      %ne3A_2553 = arith.cmpi ne, %sign3A_2545, %sign3A_2552 : i32
      %rem3A_2554 = arith.remsi %add3A_2536, %jit3A_2537 : i32
      %ne3A_2555 = arith.constant 0 : i32
      %ne3A_2556 = arith.cmpi ne, %rem3A_2554, %ne3A_2555 : i32
      %and3A_2557 = arith.andi %ne3A_2553, %ne3A_2556 : i1
      %sub3A_2558 = arith.constant 1 : i32
      %sub3A_2559 = arith.subi %div3A_2538, %sub3A_2558 : i32
      %select_n3A_2560 = arith.select %and3A_2557, %sub3A_2559, %div3A_2538 : i32
      %get3A_2561 = arith.index_cast %select_n3A_2560 : i32 to index
      %get3A_2562 = memref.load %arg12[%get3A_2561] : memref<16xi32, #tpu.memory_space<smem>>
      %sub3A_2563 = arith.constant 1 : i32
      %sub3A_2564 = arith.subi %get3A_2562, %sub3A_2563 : i32
      %add3A_2565 = arith.constant 0 : i32
      %add3A_2566 = vector.broadcast %add3A_2565 : i32 to vector<16xi32>
      %add3A_2567 = arith.addi %iota3A, %add3A_2566 : vector<16xi32>
      %mul3A_2568 = vector.broadcast %sub3A_2564 : i32 to vector<16xi32>
      %mul3A_2569 = arith.muli %mul3A_2568, %add3A_2567 : vector<16xi32>
      %shift_right_arithmetic3A_2570 = arith.constant 6 : i32
      %shift_right_arithmetic3A_2571 = vector.broadcast %shift_right_arithmetic3A_2570 : i32 to vector<16xi32>
      %shift_right_arithmetic3A_2572 = arith.shrsi %mul3A_2569, %shift_right_arithmetic3A_2571 : vector<16xi32>
      %and3A_2573 = arith.constant 63 : i32
      %and3A_2574 = vector.broadcast %and3A_2573 : i32 to vector<16xi32>
      %and3A_2575 = arith.andi %mul3A_2569, %and3A_2574 : vector<16xi32>
      %eq3A_2576 = arith.constant 32 : i32
      %eq3A_2577 = vector.broadcast %eq3A_2576 : i32 to vector<16xi32>
      %eq3A_2578 = arith.cmpi eq, %and3A_2575, %eq3A_2577 : vector<16xi32>
      %and3A_2579 = arith.constant 1 : i32
      %and3A_2580 = vector.broadcast %and3A_2579 : i32 to vector<16xi32>
      %and3A_2581 = arith.andi %shift_right_arithmetic3A_2572, %and3A_2580 : vector<16xi32>
      %eq3A_2582 = arith.constant 0 : i32
      %eq3A_2583 = vector.broadcast %eq3A_2582 : i32 to vector<16xi32>
      %eq3A_2584 = arith.cmpi eq, %and3A_2581, %eq3A_2583 : vector<16xi32>
      %and3A_2585 = arith.andi %eq3A_2578, %eq3A_2584 : vector<16xi1>
      %gt3A_2586 = arith.constant 32 : i32
      %gt3A_2587 = vector.broadcast %gt3A_2586 : i32 to vector<16xi32>
      %gt3A_2588 = arith.cmpi sgt, %and3A_2575, %gt3A_2587 : vector<16xi32>
      %or3A_2589 = arith.ori %gt3A_2588, %and3A_2585 : vector<16xi1>
      %jit3A_2590 = arith.constant 1 : i32
      %jit3A_2591 = arith.constant 0 : i32
      %broadcast_in_dim3A_2592 = vector.broadcast %jit3A_2590 : i32 to vector<16xi32>
      %broadcast_in_dim3A_2593 = vector.broadcast %jit3A_2591 : i32 to vector<16xi32>
      %select_n3A_2594 = arith.select %or3A_2589, %broadcast_in_dim3A_2592, %broadcast_in_dim3A_2593 : vector<16xi1>, vector<16xi32>
      %add3A_2595 = arith.addi %shift_right_arithmetic3A_2572, %select_n3A_2594 : vector<16xi32>
      %sub3A_2596 = arith.constant 1 : i32
      %sub3A_2597 = arith.subi %get3A_2562, %sub3A_2596 : i32
      %add3A_2598 = arith.constant 16 : i32
      %add3A_2599 = vector.broadcast %add3A_2598 : i32 to vector<16xi32>
      %add3A_2600 = arith.addi %iota3A, %add3A_2599 : vector<16xi32>
      %mul3A_2601 = vector.broadcast %sub3A_2597 : i32 to vector<16xi32>
      %mul3A_2602 = arith.muli %mul3A_2601, %add3A_2600 : vector<16xi32>
      %shift_right_arithmetic3A_2603 = arith.constant 6 : i32
      %shift_right_arithmetic3A_2604 = vector.broadcast %shift_right_arithmetic3A_2603 : i32 to vector<16xi32>
      %shift_right_arithmetic3A_2605 = arith.shrsi %mul3A_2602, %shift_right_arithmetic3A_2604 : vector<16xi32>
      %and3A_2606 = arith.constant 63 : i32
      %and3A_2607 = vector.broadcast %and3A_2606 : i32 to vector<16xi32>
      %and3A_2608 = arith.andi %mul3A_2602, %and3A_2607 : vector<16xi32>
      %eq3A_2609 = arith.constant 32 : i32
      %eq3A_2610 = vector.broadcast %eq3A_2609 : i32 to vector<16xi32>
      %eq3A_2611 = arith.cmpi eq, %and3A_2608, %eq3A_2610 : vector<16xi32>
      %and3A_2612 = arith.constant 1 : i32
      %and3A_2613 = vector.broadcast %and3A_2612 : i32 to vector<16xi32>
      %and3A_2614 = arith.andi %shift_right_arithmetic3A_2605, %and3A_2613 : vector<16xi32>
      %eq3A_2615 = arith.constant 0 : i32
      %eq3A_2616 = vector.broadcast %eq3A_2615 : i32 to vector<16xi32>
      %eq3A_2617 = arith.cmpi eq, %and3A_2614, %eq3A_2616 : vector<16xi32>
      %and3A_2618 = arith.andi %eq3A_2611, %eq3A_2617 : vector<16xi1>
      %gt3A_2619 = arith.constant 32 : i32
      %gt3A_2620 = vector.broadcast %gt3A_2619 : i32 to vector<16xi32>
      %gt3A_2621 = arith.cmpi sgt, %and3A_2608, %gt3A_2620 : vector<16xi32>
      %or3A_2622 = arith.ori %gt3A_2621, %and3A_2618 : vector<16xi1>
      %jit3A_2623 = arith.constant 1 : i32
      %jit3A_2624 = arith.constant 0 : i32
      %broadcast_in_dim3A_2625 = vector.broadcast %jit3A_2623 : i32 to vector<16xi32>
      %broadcast_in_dim3A_2626 = vector.broadcast %jit3A_2624 : i32 to vector<16xi32>
      %select_n3A_2627 = arith.select %or3A_2622, %broadcast_in_dim3A_2625, %broadcast_in_dim3A_2626 : vector<16xi1>, vector<16xi32>
      %add3A_2628 = arith.addi %shift_right_arithmetic3A_2605, %select_n3A_2627 : vector<16xi32>
      %sub3A_2629 = arith.constant 1 : i32
      %sub3A_2630 = arith.subi %get3A_2562, %sub3A_2629 : i32
      %add3A_2631 = arith.constant 32 : i32
      %add3A_2632 = vector.broadcast %add3A_2631 : i32 to vector<16xi32>
      %add3A_2633 = arith.addi %iota3A, %add3A_2632 : vector<16xi32>
      %mul3A_2634 = vector.broadcast %sub3A_2630 : i32 to vector<16xi32>
      %mul3A_2635 = arith.muli %mul3A_2634, %add3A_2633 : vector<16xi32>
      %shift_right_arithmetic3A_2636 = arith.constant 6 : i32
      %shift_right_arithmetic3A_2637 = vector.broadcast %shift_right_arithmetic3A_2636 : i32 to vector<16xi32>
      %shift_right_arithmetic3A_2638 = arith.shrsi %mul3A_2635, %shift_right_arithmetic3A_2637 : vector<16xi32>
      %and3A_2639 = arith.constant 63 : i32
      %and3A_2640 = vector.broadcast %and3A_2639 : i32 to vector<16xi32>
      %and3A_2641 = arith.andi %mul3A_2635, %and3A_2640 : vector<16xi32>
      %eq3A_2642 = arith.constant 32 : i32
      %eq3A_2643 = vector.broadcast %eq3A_2642 : i32 to vector<16xi32>
      %eq3A_2644 = arith.cmpi eq, %and3A_2641, %eq3A_2643 : vector<16xi32>
      %and3A_2645 = arith.constant 1 : i32
      %and3A_2646 = vector.broadcast %and3A_2645 : i32 to vector<16xi32>
      %and3A_2647 = arith.andi %shift_right_arithmetic3A_2638, %and3A_2646 : vector<16xi32>
      %eq3A_2648 = arith.constant 0 : i32
      %eq3A_2649 = vector.broadcast %eq3A_2648 : i32 to vector<16xi32>
      %eq3A_2650 = arith.cmpi eq, %and3A_2647, %eq3A_2649 : vector<16xi32>
      %and3A_2651 = arith.andi %eq3A_2644, %eq3A_2650 : vector<16xi1>
      %gt3A_2652 = arith.constant 32 : i32
      %gt3A_2653 = vector.broadcast %gt3A_2652 : i32 to vector<16xi32>
      %gt3A_2654 = arith.cmpi sgt, %and3A_2641, %gt3A_2653 : vector<16xi32>
      %or3A_2655 = arith.ori %gt3A_2654, %and3A_2651 : vector<16xi1>
      %jit3A_2656 = arith.constant 1 : i32
      %jit3A_2657 = arith.constant 0 : i32
      %broadcast_in_dim3A_2658 = vector.broadcast %jit3A_2656 : i32 to vector<16xi32>
      %broadcast_in_dim3A_2659 = vector.broadcast %jit3A_2657 : i32 to vector<16xi32>
      %select_n3A_2660 = arith.select %or3A_2655, %broadcast_in_dim3A_2658, %broadcast_in_dim3A_2659 : vector<16xi1>, vector<16xi32>
      %add3A_2661 = arith.addi %shift_right_arithmetic3A_2638, %select_n3A_2660 : vector<16xi32>
      %sub3A_2662 = arith.constant 1 : i32
      %sub3A_2663 = arith.subi %get3A_2562, %sub3A_2662 : i32
      %add3A_2664 = arith.constant 48 : i32
      %add3A_2665 = vector.broadcast %add3A_2664 : i32 to vector<16xi32>
      %add3A_2666 = arith.addi %iota3A, %add3A_2665 : vector<16xi32>
      %mul3A_2667 = vector.broadcast %sub3A_2663 : i32 to vector<16xi32>
      %mul3A_2668 = arith.muli %mul3A_2667, %add3A_2666 : vector<16xi32>
      %shift_right_arithmetic3A_2669 = arith.constant 6 : i32
      %shift_right_arithmetic3A_2670 = vector.broadcast %shift_right_arithmetic3A_2669 : i32 to vector<16xi32>
      %shift_right_arithmetic3A_2671 = arith.shrsi %mul3A_2668, %shift_right_arithmetic3A_2670 : vector<16xi32>
      %and3A_2672 = arith.constant 63 : i32
      %and3A_2673 = vector.broadcast %and3A_2672 : i32 to vector<16xi32>
      %and3A_2674 = arith.andi %mul3A_2668, %and3A_2673 : vector<16xi32>
      %eq3A_2675 = arith.constant 32 : i32
      %eq3A_2676 = vector.broadcast %eq3A_2675 : i32 to vector<16xi32>
      %eq3A_2677 = arith.cmpi eq, %and3A_2674, %eq3A_2676 : vector<16xi32>
      %and3A_2678 = arith.constant 1 : i32
      %and3A_2679 = vector.broadcast %and3A_2678 : i32 to vector<16xi32>
      %and3A_2680 = arith.andi %shift_right_arithmetic3A_2671, %and3A_2679 : vector<16xi32>
      %eq3A_2681 = arith.constant 0 : i32
      %eq3A_2682 = vector.broadcast %eq3A_2681 : i32 to vector<16xi32>
      %eq3A_2683 = arith.cmpi eq, %and3A_2680, %eq3A_2682 : vector<16xi32>
      %and3A_2684 = arith.andi %eq3A_2677, %eq3A_2683 : vector<16xi1>
      %gt3A_2685 = arith.constant 32 : i32
      %gt3A_2686 = vector.broadcast %gt3A_2685 : i32 to vector<16xi32>
      %gt3A_2687 = arith.cmpi sgt, %and3A_2674, %gt3A_2686 : vector<16xi32>
      %or3A_2688 = arith.ori %gt3A_2687, %and3A_2684 : vector<16xi1>
      %jit3A_2689 = arith.constant 1 : i32
      %jit3A_2690 = arith.constant 0 : i32
      %broadcast_in_dim3A_2691 = vector.broadcast %jit3A_2689 : i32 to vector<16xi32>
      %broadcast_in_dim3A_2692 = vector.broadcast %jit3A_2690 : i32 to vector<16xi32>
      %select_n3A_2693 = arith.select %or3A_2688, %broadcast_in_dim3A_2691, %broadcast_in_dim3A_2692 : vector<16xi1>, vector<16xi32>
      %add3A_2694 = arith.addi %shift_right_arithmetic3A_2671, %select_n3A_2693 : vector<16xi32>
      %broadcast_in_dim3A_2695 = arith.constant 0 : i32
      %broadcast_in_dim3A_2696 = vector.broadcast %broadcast_in_dim3A_2695 : i32 to vector<16xi32>
      %gather3A_2697 = tpu.vector_load_idx %arg8[%broadcast_in_dim3A_2696, %add3A_2595] : memref<16x2048xf32, #tpu.memory_space<vmem>>[vector<16xi32>, vector<16xi32>], vector<16xf32>,
      %gather3A_2698 = tpu.vector_load_idx %arg8[%broadcast_in_dim3A_2696, %add3A_2628] : memref<16x2048xf32, #tpu.memory_space<vmem>>[vector<16xi32>, vector<16xi32>], vector<16xf32>,
      %gather3A_2699 = tpu.vector_load_idx %arg8[%broadcast_in_dim3A_2696, %add3A_2661] : memref<16x2048xf32, #tpu.memory_space<vmem>>[vector<16xi32>, vector<16xi32>], vector<16xf32>,
      %gather3A_2700 = tpu.vector_load_idx %arg8[%broadcast_in_dim3A_2696, %add3A_2694] : memref<16x2048xf32, #tpu.memory_space<vmem>>[vector<16xi32>, vector<16xi32>], vector<16xf32>,
      %swap3A_2701 = arith.constant 0 : i32
      %swap3A_2702 = arith.index_cast %swap3A_2701 : i32 to index
      %swap3A_2703 = arith.constant 0 : index
      %swap3A_2704 = tpu.vector_load %arg11[%swap3A_2702, %swap3A_2703] {strides = array<i32>} : memref<16x64xf32, #tpu.memory_space<vmem>>, vector<16xf32>,
      tpu.vector_store %arg11[%swap3A_2702, %swap3A_2703], %gather3A_2697 {strides = array<i32>} : memref<16x64xf32, #tpu.memory_space<vmem>>, vector<16xf32>,
      %swap3A_2705 = arith.constant 0 : i32
      %swap3A_2706 = arith.index_cast %swap3A_2705 : i32 to index
      %swap3A_2707 = arith.constant 16 : index
      %swap3A_2708 = tpu.vector_load %arg11[%swap3A_2706, %swap3A_2707] {strides = array<i32>} : memref<16x64xf32, #tpu.memory_space<vmem>>, vector<16xf32>,
      tpu.vector_store %arg11[%swap3A_2706, %swap3A_2707], %gather3A_2698 {strides = array<i32>} : memref<16x64xf32, #tpu.memory_space<vmem>>, vector<16xf32>,
      %swap3A_2709 = arith.constant 0 : i32
      %swap3A_2710 = arith.index_cast %swap3A_2709 : i32 to index
      %swap3A_2711 = arith.constant 32 : index
      %swap3A_2712 = tpu.vector_load %arg11[%swap3A_2710, %swap3A_2711] {strides = array<i32>} : memref<16x64xf32, #tpu.memory_space<vmem>>, vector<16xf32>,
      tpu.vector_store %arg11[%swap3A_2710, %swap3A_2711], %gather3A_2699 {strides = array<i32>} : memref<16x64xf32, #tpu.memory_space<vmem>>, vector<16xf32>,
      %swap3A_2713 = arith.constant 0 : i32
      %swap3A_2714 = arith.index_cast %swap3A_2713 : i32 to index
      %swap3A_2715 = arith.constant 48 : index
      %swap3A_2716 = tpu.vector_load %arg11[%swap3A_2714, %swap3A_2715] {strides = array<i32>} : memref<16x64xf32, #tpu.memory_space<vmem>>, vector<16xf32>,
      tpu.vector_store %arg11[%swap3A_2714, %swap3A_2715], %gather3A_2700 {strides = array<i32>} : memref<16x64xf32, #tpu.memory_space<vmem>>, vector<16xf32>,
      %broadcast_in_dim3A_2717 = arith.constant 1 : i32
      %broadcast_in_dim3A_2718 = vector.broadcast %broadcast_in_dim3A_2717 : i32 to vector<16xi32>
      %gather3A_2719 = tpu.vector_load_idx %arg8[%broadcast_in_dim3A_2718, %add3A_2595] : memref<16x2048xf32, #tpu.memory_space<vmem>>[vector<16xi32>, vector<16xi32>], vector<16xf32>,
      %gather3A_2720 = tpu.vector_load_idx %arg8[%broadcast_in_dim3A_2718, %add3A_2628] : memref<16x2048xf32, #tpu.memory_space<vmem>>[vector<16xi32>, vector<16xi32>], vector<16xf32>,
      %gather3A_2721 = tpu.vector_load_idx %arg8[%broadcast_in_dim3A_2718, %add3A_2661] : memref<16x2048xf32, #tpu.memory_space<vmem>>[vector<16xi32>, vector<16xi32>], vector<16xf32>,
      %gather3A_2722 = tpu.vector_load_idx %arg8[%broadcast_in_dim3A_2718, %add3A_2694] : memref<16x2048xf32, #tpu.memory_space<vmem>>[vector<16xi32>, vector<16xi32>], vector<16xf32>,
      %swap3A_2723 = arith.constant 1 : i32
      %swap3A_2724 = arith.index_cast %swap3A_2723 : i32 to index
      %swap3A_2725 = arith.constant 0 : index
      %swap3A_2726 = tpu.vector_load %arg11[%swap3A_2724, %swap3A_2725] {strides = array<i32>} : memref<16x64xf32, #tpu.memory_space<vmem>>, vector<16xf32>,
      tpu.vector_store %arg11[%swap3A_2724, %swap3A_2725], %gather3A_2719 {strides = array<i32>} : memref<16x64xf32, #tpu.memory_space<vmem>>, vector<16xf32>,
      %swap3A_2727 = arith.constant 1 : i32
      %swap3A_2728 = arith.index_cast %swap3A_2727 : i32 to index
      %swap3A_2729 = arith.constant 16 : index
      %swap3A_2730 = tpu.vector_load %arg11[%swap3A_2728, %swap3A_2729] {strides = array<i32>} : memref<16x64xf32, #tpu.memory_space<vmem>>, vector<16xf32>,
      tpu.vector_store %arg11[%swap3A_2728, %swap3A_2729], %gather3A_2720 {strides = array<i32>} : memref<16x64xf32, #tpu.memory_space<vmem>>, vector<16xf32>,
      %swap3A_2731 = arith.constant 1 : i32
      %swap3A_2732 = arith.index_cast %swap3A_2731 : i32 to index
      %swap3A_2733 = arith.constant 32 : index
      %swap3A_2734 = tpu.vector_load %arg11[%swap3A_2732, %swap3A_2733] {strides = array<i32>} : memref<16x64xf32, #tpu.memory_space<vmem>>, vector<16xf32>,
      tpu.vector_store %arg11[%swap3A_2732, %swap3A_2733], %gather3A_2721 {strides = array<i32>} : memref<16x64xf32, #tpu.memory_space<vmem>>, vector<16xf32>,
      %swap3A_2735 = arith.constant 1 : i32
      %swap3A_2736 = arith.index_cast %swap3A_2735 : i32 to index
      %swap3A_2737 = arith.constant 48 : index
      %swap3A_2738 = tpu.vector_load %arg11[%swap3A_2736, %swap3A_2737] {strides = array<i32>} : memref<16x64xf32, #tpu.memory_space<vmem>>, vector<16xf32>,
      tpu.vector_store %arg11[%swap3A_2736, %swap3A_2737], %gather3A_2722 {strides = array<i32>} : memref<16x64xf32, #tpu.memory_space<vmem>>, vector<16xf32>,
      %broadcast_in_dim3A_2739 = arith.constant 2 : i32
      %broadcast_in_dim3A_2740 = vector.broadcast %broadcast_in_dim3A_2739 : i32 to vector<16xi32>
      %gather3A_2741 = tpu.vector_load_idx %arg8[%broadcast_in_dim3A_2740, %add3A_2595] : memref<16x2048xf32, #tpu.memory_space<vmem>>[vector<16xi32>, vector<16xi32>], vector<16xf32>,
      %gather3A_2742 = tpu.vector_load_idx %arg8[%broadcast_in_dim3A_2740, %add3A_2628] : memref<16x2048xf32, #tpu.memory_space<vmem>>[vector<16xi32>, vector<16xi32>], vector<16xf32>,
      %gather3A_2743 = tpu.vector_load_idx %arg8[%broadcast_in_dim3A_2740, %add3A_2661] : memref<16x2048xf32, #tpu.memory_space<vmem>>[vector<16xi32>, vector<16xi32>], vector<16xf32>,
      %gather3A_2744 = tpu.vector_load_idx %arg8[%broadcast_in_dim3A_2740, %add3A_2694] : memref<16x2048xf32, #tpu.memory_space<vmem>>[vector<16xi32>, vector<16xi32>], vector<16xf32>,
      %swap3A_2745 = arith.constant 2 : i32
      %swap3A_2746 = arith.index_cast %swap3A_2745 : i32 to index
      %swap3A_2747 = arith.constant 0 : index
      %swap3A_2748 = tpu.vector_load %arg11[%swap3A_2746, %swap3A_2747] {strides = array<i32>} : memref<16x64xf32, #tpu.memory_space<vmem>>, vector<16xf32>,
      tpu.vector_store %arg11[%swap3A_2746, %swap3A_2747], %gather3A_2741 {strides = array<i32>} : memref<16x64xf32, #tpu.memory_space<vmem>>, vector<16xf32>,
      %swap3A_2749 = arith.constant 2 : i32
      %swap3A_2750 = arith.index_cast %swap3A_2749 : i32 to index
      %swap3A_2751 = arith.constant 16 : index
      %swap3A_2752 = tpu.vector_load %arg11[%swap3A_2750, %swap3A_2751] {strides = array<i32>} : memref<16x64xf32, #tpu.memory_space<vmem>>, vector<16xf32>,
      tpu.vector_store %arg11[%swap3A_2750, %swap3A_2751], %gather3A_2742 {strides = array<i32>} : memref<16x64xf32, #tpu.memory_space<vmem>>, vector<16xf32>,
      %swap3A_2753 = arith.constant 2 : i32
      %swap3A_2754 = arith.index_cast %swap3A_2753 : i32 to index
      %swap3A_2755 = arith.constant 32 : index
      %swap3A_2756 = tpu.vector_load %arg11[%swap3A_2754, %swap3A_2755] {strides = array<i32>} : memref<16x64xf32, #tpu.memory_space<vmem>>, vector<16xf32>,
      tpu.vector_store %arg11[%swap3A_2754, %swap3A_2755], %gather3A_2743 {strides = array<i32>} : memref<16x64xf32, #tpu.memory_space<vmem>>, vector<16xf32>,
      %swap3A_2757 = arith.constant 2 : i32
      %swap3A_2758 = arith.index_cast %swap3A_2757 : i32 to index
      %swap3A_2759 = arith.constant 48 : index
      %swap3A_2760 = tpu.vector_load %arg11[%swap3A_2758, %swap3A_2759] {strides = array<i32>} : memref<16x64xf32, #tpu.memory_space<vmem>>, vector<16xf32>,
      tpu.vector_store %arg11[%swap3A_2758, %swap3A_2759], %gather3A_2744 {strides = array<i32>} : memref<16x64xf32, #tpu.memory_space<vmem>>, vector<16xf32>,
      %broadcast_in_dim3A_2761 = arith.constant 3 : i32
      %broadcast_in_dim3A_2762 = vector.broadcast %broadcast_in_dim3A_2761 : i32 to vector<16xi32>
      %gather3A_2763 = tpu.vector_load_idx %arg8[%broadcast_in_dim3A_2762, %add3A_2595] : memref<16x2048xf32, #tpu.memory_space<vmem>>[vector<16xi32>, vector<16xi32>], vector<16xf32>,
      %gather3A_2764 = tpu.vector_load_idx %arg8[%broadcast_in_dim3A_2762, %add3A_2628] : memref<16x2048xf32, #tpu.memory_space<vmem>>[vector<16xi32>, vector<16xi32>], vector<16xf32>,
      %gather3A_2765 = tpu.vector_load_idx %arg8[%broadcast_in_dim3A_2762, %add3A_2661] : memref<16x2048xf32, #tpu.memory_space<vmem>>[vector<16xi32>, vector<16xi32>], vector<16xf32>,
      %gather3A_2766 = tpu.vector_load_idx %arg8[%broadcast_in_dim3A_2762, %add3A_2694] : memref<16x2048xf32, #tpu.memory_space<vmem>>[vector<16xi32>, vector<16xi32>], vector<16xf32>,
      %swap3A_2767 = arith.constant 3 : i32
      %swap3A_2768 = arith.index_cast %swap3A_2767 : i32 to index
      %swap3A_2769 = arith.constant 0 : index
      %swap3A_2770 = tpu.vector_load %arg11[%swap3A_2768, %swap3A_2769] {strides = array<i32>} : memref<16x64xf32, #tpu.memory_space<vmem>>, vector<16xf32>,
      tpu.vector_store %arg11[%swap3A_2768, %swap3A_2769], %gather3A_2763 {strides = array<i32>} : memref<16x64xf32, #tpu.memory_space<vmem>>, vector<16xf32>,
      %swap3A_2771 = arith.constant 3 : i32
      %swap3A_2772 = arith.index_cast %swap3A_2771 : i32 to index
      %swap3A_2773 = arith.constant 16 : index
      %swap3A_2774 = tpu.vector_load %arg11[%swap3A_2772, %swap3A_2773] {strides = array<i32>} : memref<16x64xf32, #tpu.memory_space<vmem>>, vector<16xf32>,
      tpu.vector_store %arg11[%swap3A_2772, %swap3A_2773], %gather3A_2764 {strides = array<i32>} : memref<16x64xf32, #tpu.memory_space<vmem>>, vector<16xf32>,
      %swap3A_2775 = arith.constant 3 : i32
      %swap3A_2776 = arith.index_cast %swap3A_2775 : i32 to index
      %swap3A_2777 = arith.constant 32 : index
      %swap3A_2778 = tpu.vector_load %arg11[%swap3A_2776, %swap3A_2777] {strides = array<i32>} : memref<16x64xf32, #tpu.memory_space<vmem>>, vector<16xf32>,
      tpu.vector_store %arg11[%swap3A_2776, %swap3A_2777], %gather3A_2765 {strides = array<i32>} : memref<16x64xf32, #tpu.memory_space<vmem>>, vector<16xf32>,
      %swap3A_2779 = arith.constant 3 : i32
      %swap3A_2780 = arith.index_cast %swap3A_2779 : i32 to index
      %swap3A_2781 = arith.constant 48 : index
      %swap3A_2782 = tpu.vector_load %arg11[%swap3A_2780, %swap3A_2781] {strides = array<i32>} : memref<16x64xf32, #tpu.memory_space<vmem>>, vector<16xf32>,
      tpu.vector_store %arg11[%swap3A_2780, %swap3A_2781], %gather3A_2766 {strides = array<i32>} : memref<16x64xf32, #tpu.memory_space<vmem>>, vector<16xf32>,
      %broadcast_in_dim3A_2783 = arith.constant 4 : i32
      %broadcast_in_dim3A_2784 = vector.broadcast %broadcast_in_dim3A_2783 : i32 to vector<16xi32>
      %gather3A_2785 = tpu.vector_load_idx %arg8[%broadcast_in_dim3A_2784, %add3A_2595] : memref<16x2048xf32, #tpu.memory_space<vmem>>[vector<16xi32>, vector<16xi32>], vector<16xf32>,
      %gather3A_2786 = tpu.vector_load_idx %arg8[%broadcast_in_dim3A_2784, %add3A_2628] : memref<16x2048xf32, #tpu.memory_space<vmem>>[vector<16xi32>, vector<16xi32>], vector<16xf32>,
      %gather3A_2787 = tpu.vector_load_idx %arg8[%broadcast_in_dim3A_2784, %add3A_2661] : memref<16x2048xf32, #tpu.memory_space<vmem>>[vector<16xi32>, vector<16xi32>], vector<16xf32>,
      %gather3A_2788 = tpu.vector_load_idx %arg8[%broadcast_in_dim3A_2784, %add3A_2694] : memref<16x2048xf32, #tpu.memory_space<vmem>>[vector<16xi32>, vector<16xi32>], vector<16xf32>,
      %swap3A_2789 = arith.constant 4 : i32
      %swap3A_2790 = arith.index_cast %swap3A_2789 : i32 to index
      %swap3A_2791 = arith.constant 0 : index
      %swap3A_2792 = tpu.vector_load %arg11[%swap3A_2790, %swap3A_2791] {strides = array<i32>} : memref<16x64xf32, #tpu.memory_space<vmem>>, vector<16xf32>,
      tpu.vector_store %arg11[%swap3A_2790, %swap3A_2791], %gather3A_2785 {strides = array<i32>} : memref<16x64xf32, #tpu.memory_space<vmem>>, vector<16xf32>,
      %swap3A_2793 = arith.constant 4 : i32
      %swap3A_2794 = arith.index_cast %swap3A_2793 : i32 to index
      %swap3A_2795 = arith.constant 16 : index
      %swap3A_2796 = tpu.vector_load %arg11[%swap3A_2794, %swap3A_2795] {strides = array<i32>} : memref<16x64xf32, #tpu.memory_space<vmem>>, vector<16xf32>,
      tpu.vector_store %arg11[%swap3A_2794, %swap3A_2795], %gather3A_2786 {strides = array<i32>} : memref<16x64xf32, #tpu.memory_space<vmem>>, vector<16xf32>,
      %swap3A_2797 = arith.constant 4 : i32
      %swap3A_2798 = arith.index_cast %swap3A_2797 : i32 to index
      %swap3A_2799 = arith.constant 32 : index
      %swap3A_2800 = tpu.vector_load %arg11[%swap3A_2798, %swap3A_2799] {strides = array<i32>} : memref<16x64xf32, #tpu.memory_space<vmem>>, vector<16xf32>,
      tpu.vector_store %arg11[%swap3A_2798, %swap3A_2799], %gather3A_2787 {strides = array<i32>} : memref<16x64xf32, #tpu.memory_space<vmem>>, vector<16xf32>,
      %swap3A_2801 = arith.constant 4 : i32
      %swap3A_2802 = arith.index_cast %swap3A_2801 : i32 to index
      %swap3A_2803 = arith.constant 48 : index
      %swap3A_2804 = tpu.vector_load %arg11[%swap3A_2802, %swap3A_2803] {strides = array<i32>} : memref<16x64xf32, #tpu.memory_space<vmem>>, vector<16xf32>,
      tpu.vector_store %arg11[%swap3A_2802, %swap3A_2803], %gather3A_2788 {strides = array<i32>} : memref<16x64xf32, #tpu.memory_space<vmem>>, vector<16xf32>,
      %broadcast_in_dim3A_2805 = arith.constant 5 : i32
      %broadcast_in_dim3A_2806 = vector.broadcast %broadcast_in_dim3A_2805 : i32 to vector<16xi32>
      %gather3A_2807 = tpu.vector_load_idx %arg8[%broadcast_in_dim3A_2806, %add3A_2595] : memref<16x2048xf32, #tpu.memory_space<vmem>>[vector<16xi32>, vector<16xi32>], vector<16xf32>,
      %gather3A_2808 = tpu.vector_load_idx %arg8[%broadcast_in_dim3A_2806, %add3A_2628] : memref<16x2048xf32, #tpu.memory_space<vmem>>[vector<16xi32>, vector<16xi32>], vector<16xf32>,
      %gather3A_2809 = tpu.vector_load_idx %arg8[%broadcast_in_dim3A_2806, %add3A_2661] : memref<16x2048xf32, #tpu.memory_space<vmem>>[vector<16xi32>, vector<16xi32>], vector<16xf32>,
      %gather3A_2810 = tpu.vector_load_idx %arg8[%broadcast_in_dim3A_2806, %add3A_2694] : memref<16x2048xf32, #tpu.memory_space<vmem>>[vector<16xi32>, vector<16xi32>], vector<16xf32>,
      %swap3A_2811 = arith.constant 5 : i32
      %swap3A_2812 = arith.index_cast %swap3A_2811 : i32 to index
      %swap3A_2813 = arith.constant 0 : index
      %swap3A_2814 = tpu.vector_load %arg11[%swap3A_2812, %swap3A_2813] {strides = array<i32>} : memref<16x64xf32, #tpu.memory_space<vmem>>, vector<16xf32>,
      tpu.vector_store %arg11[%swap3A_2812, %swap3A_2813], %gather3A_2807 {strides = array<i32>} : memref<16x64xf32, #tpu.memory_space<vmem>>, vector<16xf32>,
      %swap3A_2815 = arith.constant 5 : i32
      %swap3A_2816 = arith.index_cast %swap3A_2815 : i32 to index
      %swap3A_2817 = arith.constant 16 : index
      %swap3A_2818 = tpu.vector_load %arg11[%swap3A_2816, %swap3A_2817] {strides = array<i32>} : memref<16x64xf32, #tpu.memory_space<vmem>>, vector<16xf32>,
      tpu.vector_store %arg11[%swap3A_2816, %swap3A_2817], %gather3A_2808 {strides = array<i32>} : memref<16x64xf32, #tpu.memory_space<vmem>>, vector<16xf32>,
      %swap3A_2819 = arith.constant 5 : i32
      %swap3A_2820 = arith.index_cast %swap3A_2819 : i32 to index
      %swap3A_2821 = arith.constant 32 : index
      %swap3A_2822 = tpu.vector_load %arg11[%swap3A_2820, %swap3A_2821] {strides = array<i32>} : memref<16x64xf32, #tpu.memory_space<vmem>>, vector<16xf32>,
      tpu.vector_store %arg11[%swap3A_2820, %swap3A_2821], %gather3A_2809 {strides = array<i32>} : memref<16x64xf32, #tpu.memory_space<vmem>>, vector<16xf32>,
      %swap3A_2823 = arith.constant 5 : i32
      %swap3A_2824 = arith.index_cast %swap3A_2823 : i32 to index
      %swap3A_2825 = arith.constant 48 : index
      %swap3A_2826 = tpu.vector_load %arg11[%swap3A_2824, %swap3A_2825] {strides = array<i32>} : memref<16x64xf32, #tpu.memory_space<vmem>>, vector<16xf32>,
      tpu.vector_store %arg11[%swap3A_2824, %swap3A_2825], %gather3A_2810 {strides = array<i32>} : memref<16x64xf32, #tpu.memory_space<vmem>>, vector<16xf32>,
      %broadcast_in_dim3A_2827 = arith.constant 6 : i32
      %broadcast_in_dim3A_2828 = vector.broadcast %broadcast_in_dim3A_2827 : i32 to vector<16xi32>
      %gather3A_2829 = tpu.vector_load_idx %arg8[%broadcast_in_dim3A_2828, %add3A_2595] : memref<16x2048xf32, #tpu.memory_space<vmem>>[vector<16xi32>, vector<16xi32>], vector<16xf32>,
      %gather3A_2830 = tpu.vector_load_idx %arg8[%broadcast_in_dim3A_2828, %add3A_2628] : memref<16x2048xf32, #tpu.memory_space<vmem>>[vector<16xi32>, vector<16xi32>], vector<16xf32>,
      %gather3A_2831 = tpu.vector_load_idx %arg8[%broadcast_in_dim3A_2828, %add3A_2661] : memref<16x2048xf32, #tpu.memory_space<vmem>>[vector<16xi32>, vector<16xi32>], vector<16xf32>,
      %gather3A_2832 = tpu.vector_load_idx %arg8[%broadcast_in_dim3A_2828, %add3A_2694] : memref<16x2048xf32, #tpu.memory_space<vmem>>[vector<16xi32>, vector<16xi32>], vector<16xf32>,
      %swap3A_2833 = arith.constant 6 : i32
      %swap3A_2834 = arith.index_cast %swap3A_2833 : i32 to index
      %swap3A_2835 = arith.constant 0 : index
      %swap3A_2836 = tpu.vector_load %arg11[%swap3A_2834, %swap3A_2835] {strides = array<i32>} : memref<16x64xf32, #tpu.memory_space<vmem>>, vector<16xf32>,
      tpu.vector_store %arg11[%swap3A_2834, %swap3A_2835], %gather3A_2829 {strides = array<i32>} : memref<16x64xf32, #tpu.memory_space<vmem>>, vector<16xf32>,
      %swap3A_2837 = arith.constant 6 : i32
      %swap3A_2838 = arith.index_cast %swap3A_2837 : i32 to index
      %swap3A_2839 = arith.constant 16 : index
      %swap3A_2840 = tpu.vector_load %arg11[%swap3A_2838, %swap3A_2839] {strides = array<i32>} : memref<16x64xf32, #tpu.memory_space<vmem>>, vector<16xf32>,
      tpu.vector_store %arg11[%swap3A_2838, %swap3A_2839], %gather3A_2830 {strides = array<i32>} : memref<16x64xf32, #tpu.memory_space<vmem>>, vector<16xf32>,
      %swap3A_2841 = arith.constant 6 : i32
      %swap3A_2842 = arith.index_cast %swap3A_2841 : i32 to index
      %swap3A_2843 = arith.constant 32 : index
      %swap3A_2844 = tpu.vector_load %arg11[%swap3A_2842, %swap3A_2843] {strides = array<i32>} : memref<16x64xf32, #tpu.memory_space<vmem>>, vector<16xf32>,
      tpu.vector_store %arg11[%swap3A_2842, %swap3A_2843], %gather3A_2831 {strides = array<i32>} : memref<16x64xf32, #tpu.memory_space<vmem>>, vector<16xf32>,
      %swap3A_2845 = arith.constant 6 : i32
      %swap3A_2846 = arith.index_cast %swap3A_2845 : i32 to index
      %swap3A_2847 = arith.constant 48 : index
      %swap3A_2848 = tpu.vector_load %arg11[%swap3A_2846, %swap3A_2847] {strides = array<i32>} : memref<16x64xf32, #tpu.memory_space<vmem>>, vector<16xf32>,
      tpu.vector_store %arg11[%swap3A_2846, %swap3A_2847], %gather3A_2832 {strides = array<i32>} : memref<16x64xf32, #tpu.memory_space<vmem>>, vector<16xf32>,
      %broadcast_in_dim3A_2849 = arith.constant 7 : i32
      %broadcast_in_dim3A_2850 = vector.broadcast %broadcast_in_dim3A_2849 : i32 to vector<16xi32>
      %gather3A_2851 = tpu.vector_load_idx %arg8[%broadcast_in_dim3A_2850, %add3A_2595] : memref<16x2048xf32, #tpu.memory_space<vmem>>[vector<16xi32>, vector<16xi32>], vector<16xf32>,
      %gather3A_2852 = tpu.vector_load_idx %arg8[%broadcast_in_dim3A_2850, %add3A_2628] : memref<16x2048xf32, #tpu.memory_space<vmem>>[vector<16xi32>, vector<16xi32>], vector<16xf32>,
      %gather3A_2853 = tpu.vector_load_idx %arg8[%broadcast_in_dim3A_2850, %add3A_2661] : memref<16x2048xf32, #tpu.memory_space<vmem>>[vector<16xi32>, vector<16xi32>], vector<16xf32>,
      %gather3A_2854 = tpu.vector_load_idx %arg8[%broadcast_in_dim3A_2850, %add3A_2694] : memref<16x2048xf32, #tpu.memory_space<vmem>>[vector<16xi32>, vector<16xi32>], vector<16xf32>,
      %swap3A_2855 = arith.constant 7 : i32
      %swap3A_2856 = arith.index_cast %swap3A_2855 : i32 to index
      %swap3A_2857 = arith.constant 0 : index
      %swap3A_2858 = tpu.vector_load %arg11[%swap3A_2856, %swap3A_2857] {strides = array<i32>} : memref<16x64xf32, #tpu.memory_space<vmem>>, vector<16xf32>,
      tpu.vector_store %arg11[%swap3A_2856, %swap3A_2857], %gather3A_2851 {strides = array<i32>} : memref<16x64xf32, #tpu.memory_space<vmem>>, vector<16xf32>,
      %swap3A_2859 = arith.constant 7 : i32
      %swap3A_2860 = arith.index_cast %swap3A_2859 : i32 to index
      %swap3A_2861 = arith.constant 16 : index
      %swap3A_2862 = tpu.vector_load %arg11[%swap3A_2860, %swap3A_2861] {strides = array<i32>} : memref<16x64xf32, #tpu.memory_space<vmem>>, vector<16xf32>,
      tpu.vector_store %arg11[%swap3A_2860, %swap3A_2861], %gather3A_2852 {strides = array<i32>} : memref<16x64xf32, #tpu.memory_space<vmem>>, vector<16xf32>,
      %swap3A_2863 = arith.constant 7 : i32
      %swap3A_2864 = arith.index_cast %swap3A_2863 : i32 to index
      %swap3A_2865 = arith.constant 32 : index
      %swap3A_2866 = tpu.vector_load %arg11[%swap3A_2864, %swap3A_2865] {strides = array<i32>} : memref<16x64xf32, #tpu.memory_space<vmem>>, vector<16xf32>,
      tpu.vector_store %arg11[%swap3A_2864, %swap3A_2865], %gather3A_2853 {strides = array<i32>} : memref<16x64xf32, #tpu.memory_space<vmem>>, vector<16xf32>,
      %swap3A_2867 = arith.constant 7 : i32
      %swap3A_2868 = arith.index_cast %swap3A_2867 : i32 to index
      %swap3A_2869 = arith.constant 48 : index
      %swap3A_2870 = tpu.vector_load %arg11[%swap3A_2868, %swap3A_2869] {strides = array<i32>} : memref<16x64xf32, #tpu.memory_space<vmem>>, vector<16xf32>,
      tpu.vector_store %arg11[%swap3A_2868, %swap3A_2869], %gather3A_2854 {strides = array<i32>} : memref<16x64xf32, #tpu.memory_space<vmem>>, vector<16xf32>,
      %broadcast_in_dim3A_2871 = arith.constant 8 : i32
      %broadcast_in_dim3A_2872 = vector.broadcast %broadcast_in_dim3A_2871 : i32 to vector<16xi32>
      %gather3A_2873 = tpu.vector_load_idx %arg8[%broadcast_in_dim3A_2872, %add3A_2595] : memref<16x2048xf32, #tpu.memory_space<vmem>>[vector<16xi32>, vector<16xi32>], vector<16xf32>,
      %gather3A_2874 = tpu.vector_load_idx %arg8[%broadcast_in_dim3A_2872, %add3A_2628] : memref<16x2048xf32, #tpu.memory_space<vmem>>[vector<16xi32>, vector<16xi32>], vector<16xf32>,
      %gather3A_2875 = tpu.vector_load_idx %arg8[%broadcast_in_dim3A_2872, %add3A_2661] : memref<16x2048xf32, #tpu.memory_space<vmem>>[vector<16xi32>, vector<16xi32>], vector<16xf32>,
      %gather3A_2876 = tpu.vector_load_idx %arg8[%broadcast_in_dim3A_2872, %add3A_2694] : memref<16x2048xf32, #tpu.memory_space<vmem>>[vector<16xi32>, vector<16xi32>], vector<16xf32>,
      %swap3A_2877 = arith.constant 8 : i32
      %swap3A_2878 = arith.index_cast %swap3A_2877 : i32 to index
      %swap3A_2879 = arith.constant 0 : index
      %swap3A_2880 = tpu.vector_load %arg11[%swap3A_2878, %swap3A_2879] {strides = array<i32>} : memref<16x64xf32, #tpu.memory_space<vmem>>, vector<16xf32>,
      tpu.vector_store %arg11[%swap3A_2878, %swap3A_2879], %gather3A_2873 {strides = array<i32>} : memref<16x64xf32, #tpu.memory_space<vmem>>, vector<16xf32>,
      %swap3A_2881 = arith.constant 8 : i32
      %swap3A_2882 = arith.index_cast %swap3A_2881 : i32 to index
      %swap3A_2883 = arith.constant 16 : index
      %swap3A_2884 = tpu.vector_load %arg11[%swap3A_2882, %swap3A_2883] {strides = array<i32>} : memref<16x64xf32, #tpu.memory_space<vmem>>, vector<16xf32>,
      tpu.vector_store %arg11[%swap3A_2882, %swap3A_2883], %gather3A_2874 {strides = array<i32>} : memref<16x64xf32, #tpu.memory_space<vmem>>, vector<16xf32>,
      %swap3A_2885 = arith.constant 8 : i32
      %swap3A_2886 = arith.index_cast %swap3A_2885 : i32 to index
      %swap3A_2887 = arith.constant 32 : index
      %swap3A_2888 = tpu.vector_load %arg11[%swap3A_2886, %swap3A_2887] {strides = array<i32>} : memref<16x64xf32, #tpu.memory_space<vmem>>, vector<16xf32>,
      tpu.vector_store %arg11[%swap3A_2886, %swap3A_2887], %gather3A_2875 {strides = array<i32>} : memref<16x64xf32, #tpu.memory_space<vmem>>, vector<16xf32>,
      %swap3A_2889 = arith.constant 8 : i32
      %swap3A_2890 = arith.index_cast %swap3A_2889 : i32 to index
      %swap3A_2891 = arith.constant 48 : index
      %swap3A_2892 = tpu.vector_load %arg11[%swap3A_2890, %swap3A_2891] {strides = array<i32>} : memref<16x64xf32, #tpu.memory_space<vmem>>, vector<16xf32>,
      tpu.vector_store %arg11[%swap3A_2890, %swap3A_2891], %gather3A_2876 {strides = array<i32>} : memref<16x64xf32, #tpu.memory_space<vmem>>, vector<16xf32>,
      %broadcast_in_dim3A_2893 = arith.constant 9 : i32
      %broadcast_in_dim3A_2894 = vector.broadcast %broadcast_in_dim3A_2893 : i32 to vector<16xi32>
      %gather3A_2895 = tpu.vector_load_idx %arg8[%broadcast_in_dim3A_2894, %add3A_2595] : memref<16x2048xf32, #tpu.memory_space<vmem>>[vector<16xi32>, vector<16xi32>], vector<16xf32>,
      %gather3A_2896 = tpu.vector_load_idx %arg8[%broadcast_in_dim3A_2894, %add3A_2628] : memref<16x2048xf32, #tpu.memory_space<vmem>>[vector<16xi32>, vector<16xi32>], vector<16xf32>,
      %gather3A_2897 = tpu.vector_load_idx %arg8[%broadcast_in_dim3A_2894, %add3A_2661] : memref<16x2048xf32, #tpu.memory_space<vmem>>[vector<16xi32>, vector<16xi32>], vector<16xf32>,
      %gather3A_2898 = tpu.vector_load_idx %arg8[%broadcast_in_dim3A_2894, %add3A_2694] : memref<16x2048xf32, #tpu.memory_space<vmem>>[vector<16xi32>, vector<16xi32>], vector<16xf32>,
      %swap3A_2899 = arith.constant 9 : i32
      %swap3A_2900 = arith.index_cast %swap3A_2899 : i32 to index
      %swap3A_2901 = arith.constant 0 : index
      %swap3A_2902 = tpu.vector_load %arg11[%swap3A_2900, %swap3A_2901] {strides = array<i32>} : memref<16x64xf32, #tpu.memory_space<vmem>>, vector<16xf32>,
      tpu.vector_store %arg11[%swap3A_2900, %swap3A_2901], %gather3A_2895 {strides = array<i32>} : memref<16x64xf32, #tpu.memory_space<vmem>>, vector<16xf32>,
      %swap3A_2903 = arith.constant 9 : i32
      %swap3A_2904 = arith.index_cast %swap3A_2903 : i32 to index
      %swap3A_2905 = arith.constant 16 : index
      %swap3A_2906 = tpu.vector_load %arg11[%swap3A_2904, %swap3A_2905] {strides = array<i32>} : memref<16x64xf32, #tpu.memory_space<vmem>>, vector<16xf32>,
      tpu.vector_store %arg11[%swap3A_2904, %swap3A_2905], %gather3A_2896 {strides = array<i32>} : memref<16x64xf32, #tpu.memory_space<vmem>>, vector<16xf32>,
      %swap3A_2907 = arith.constant 9 : i32
      %swap3A_2908 = arith.index_cast %swap3A_2907 : i32 to index
      %swap3A_2909 = arith.constant 32 : index
      %swap3A_2910 = tpu.vector_load %arg11[%swap3A_2908, %swap3A_2909] {strides = array<i32>} : memref<16x64xf32, #tpu.memory_space<vmem>>, vector<16xf32>,
      tpu.vector_store %arg11[%swap3A_2908, %swap3A_2909], %gather3A_2897 {strides = array<i32>} : memref<16x64xf32, #tpu.memory_space<vmem>>, vector<16xf32>,
      %swap3A_2911 = arith.constant 9 : i32
      %swap3A_2912 = arith.index_cast %swap3A_2911 : i32 to index
      %swap3A_2913 = arith.constant 48 : index
      %swap3A_2914 = tpu.vector_load %arg11[%swap3A_2912, %swap3A_2913] {strides = array<i32>} : memref<16x64xf32, #tpu.memory_space<vmem>>, vector<16xf32>,
      tpu.vector_store %arg11[%swap3A_2912, %swap3A_2913], %gather3A_2898 {strides = array<i32>} : memref<16x64xf32, #tpu.memory_space<vmem>>, vector<16xf32>,
      %broadcast_in_dim3A_2915 = arith.constant 10 : i32
      %broadcast_in_dim3A_2916 = vector.broadcast %broadcast_in_dim3A_2915 : i32 to vector<16xi32>
      %gather3A_2917 = tpu.vector_load_idx %arg8[%broadcast_in_dim3A_2916, %add3A_2595] : memref<16x2048xf32, #tpu.memory_space<vmem>>[vector<16xi32>, vector<16xi32>], vector<16xf32>,
      %gather3A_2918 = tpu.vector_load_idx %arg8[%broadcast_in_dim3A_2916, %add3A_2628] : memref<16x2048xf32, #tpu.memory_space<vmem>>[vector<16xi32>, vector<16xi32>], vector<16xf32>,
      %gather3A_2919 = tpu.vector_load_idx %arg8[%broadcast_in_dim3A_2916, %add3A_2661] : memref<16x2048xf32, #tpu.memory_space<vmem>>[vector<16xi32>, vector<16xi32>], vector<16xf32>,
      %gather3A_2920 = tpu.vector_load_idx %arg8[%broadcast_in_dim3A_2916, %add3A_2694] : memref<16x2048xf32, #tpu.memory_space<vmem>>[vector<16xi32>, vector<16xi32>], vector<16xf32>,
      %swap3A_2921 = arith.constant 10 : i32
      %swap3A_2922 = arith.index_cast %swap3A_2921 : i32 to index
      %swap3A_2923 = arith.constant 0 : index
      %swap3A_2924 = tpu.vector_load %arg11[%swap3A_2922, %swap3A_2923] {strides = array<i32>} : memref<16x64xf32, #tpu.memory_space<vmem>>, vector<16xf32>,
      tpu.vector_store %arg11[%swap3A_2922, %swap3A_2923], %gather3A_2917 {strides = array<i32>} : memref<16x64xf32, #tpu.memory_space<vmem>>, vector<16xf32>,
      %swap3A_2925 = arith.constant 10 : i32
      %swap3A_2926 = arith.index_cast %swap3A_2925 : i32 to index
      %swap3A_2927 = arith.constant 16 : index
      %swap3A_2928 = tpu.vector_load %arg11[%swap3A_2926, %swap3A_2927] {strides = array<i32>} : memref<16x64xf32, #tpu.memory_space<vmem>>, vector<16xf32>,
      tpu.vector_store %arg11[%swap3A_2926, %swap3A_2927], %gather3A_2918 {strides = array<i32>} : memref<16x64xf32, #tpu.memory_space<vmem>>, vector<16xf32>,
      %swap3A_2929 = arith.constant 10 : i32
      %swap3A_2930 = arith.index_cast %swap3A_2929 : i32 to index
      %swap3A_2931 = arith.constant 32 : index
      %swap3A_2932 = tpu.vector_load %arg11[%swap3A_2930, %swap3A_2931] {strides = array<i32>} : memref<16x64xf32, #tpu.memory_space<vmem>>, vector<16xf32>,
      tpu.vector_store %arg11[%swap3A_2930, %swap3A_2931], %gather3A_2919 {strides = array<i32>} : memref<16x64xf32, #tpu.memory_space<vmem>>, vector<16xf32>,
      %swap3A_2933 = arith.constant 10 : i32
      %swap3A_2934 = arith.index_cast %swap3A_2933 : i32 to index
      %swap3A_2935 = arith.constant 48 : index
      %swap3A_2936 = tpu.vector_load %arg11[%swap3A_2934, %swap3A_2935] {strides = array<i32>} : memref<16x64xf32, #tpu.memory_space<vmem>>, vector<16xf32>,
      tpu.vector_store %arg11[%swap3A_2934, %swap3A_2935], %gather3A_2920 {strides = array<i32>} : memref<16x64xf32, #tpu.memory_space<vmem>>, vector<16xf32>,
      %broadcast_in_dim3A_2937 = arith.constant 11 : i32
      %broadcast_in_dim3A_2938 = vector.broadcast %broadcast_in_dim3A_2937 : i32 to vector<16xi32>
      %gather3A_2939 = tpu.vector_load_idx %arg8[%broadcast_in_dim3A_2938, %add3A_2595] : memref<16x2048xf32, #tpu.memory_space<vmem>>[vector<16xi32>, vector<16xi32>], vector<16xf32>,
      %gather3A_2940 = tpu.vector_load_idx %arg8[%broadcast_in_dim3A_2938, %add3A_2628] : memref<16x2048xf32, #tpu.memory_space<vmem>>[vector<16xi32>, vector<16xi32>], vector<16xf32>,
      %gather3A_2941 = tpu.vector_load_idx %arg8[%broadcast_in_dim3A_2938, %add3A_2661] : memref<16x2048xf32, #tpu.memory_space<vmem>>[vector<16xi32>, vector<16xi32>], vector<16xf32>,
      %gather3A_2942 = tpu.vector_load_idx %arg8[%broadcast_in_dim3A_2938, %add3A_2694] : memref<16x2048xf32, #tpu.memory_space<vmem>>[vector<16xi32>, vector<16xi32>], vector<16xf32>,
      %swap3A_2943 = arith.constant 11 : i32
      %swap3A_2944 = arith.index_cast %swap3A_2943 : i32 to index
      %swap3A_2945 = arith.constant 0 : index
      %swap3A_2946 = tpu.vector_load %arg11[%swap3A_2944, %swap3A_2945] {strides = array<i32>} : memref<16x64xf32, #tpu.memory_space<vmem>>, vector<16xf32>,
      tpu.vector_store %arg11[%swap3A_2944, %swap3A_2945], %gather3A_2939 {strides = array<i32>} : memref<16x64xf32, #tpu.memory_space<vmem>>, vector<16xf32>,
      %swap3A_2947 = arith.constant 11 : i32
      %swap3A_2948 = arith.index_cast %swap3A_2947 : i32 to index
      %swap3A_2949 = arith.constant 16 : index
      %swap3A_2950 = tpu.vector_load %arg11[%swap3A_2948, %swap3A_2949] {strides = array<i32>} : memref<16x64xf32, #tpu.memory_space<vmem>>, vector<16xf32>,
      tpu.vector_store %arg11[%swap3A_2948, %swap3A_2949], %gather3A_2940 {strides = array<i32>} : memref<16x64xf32, #tpu.memory_space<vmem>>, vector<16xf32>,
      %swap3A_2951 = arith.constant 11 : i32
      %swap3A_2952 = arith.index_cast %swap3A_2951 : i32 to index
      %swap3A_2953 = arith.constant 32 : index
      %swap3A_2954 = tpu.vector_load %arg11[%swap3A_2952, %swap3A_2953] {strides = array<i32>} : memref<16x64xf32, #tpu.memory_space<vmem>>, vector<16xf32>,
      tpu.vector_store %arg11[%swap3A_2952, %swap3A_2953], %gather3A_2941 {strides = array<i32>} : memref<16x64xf32, #tpu.memory_space<vmem>>, vector<16xf32>,
      %swap3A_2955 = arith.constant 11 : i32
      %swap3A_2956 = arith.index_cast %swap3A_2955 : i32 to index
      %swap3A_2957 = arith.constant 48 : index
      %swap3A_2958 = tpu.vector_load %arg11[%swap3A_2956, %swap3A_2957] {strides = array<i32>} : memref<16x64xf32, #tpu.memory_space<vmem>>, vector<16xf32>,
      tpu.vector_store %arg11[%swap3A_2956, %swap3A_2957], %gather3A_2942 {strides = array<i32>} : memref<16x64xf32, #tpu.memory_space<vmem>>, vector<16xf32>,
      %broadcast_in_dim3A_2959 = arith.constant 12 : i32
      %broadcast_in_dim3A_2960 = vector.broadcast %broadcast_in_dim3A_2959 : i32 to vector<16xi32>
      %gather3A_2961 = tpu.vector_load_idx %arg8[%broadcast_in_dim3A_2960, %add3A_2595] : memref<16x2048xf32, #tpu.memory_space<vmem>>[vector<16xi32>, vector<16xi32>], vector<16xf32>,
      %gather3A_2962 = tpu.vector_load_idx %arg8[%broadcast_in_dim3A_2960, %add3A_2628] : memref<16x2048xf32, #tpu.memory_space<vmem>>[vector<16xi32>, vector<16xi32>], vector<16xf32>,
      %gather3A_2963 = tpu.vector_load_idx %arg8[%broadcast_in_dim3A_2960, %add3A_2661] : memref<16x2048xf32, #tpu.memory_space<vmem>>[vector<16xi32>, vector<16xi32>], vector<16xf32>,
      %gather3A_2964 = tpu.vector_load_idx %arg8[%broadcast_in_dim3A_2960, %add3A_2694] : memref<16x2048xf32, #tpu.memory_space<vmem>>[vector<16xi32>, vector<16xi32>], vector<16xf32>,
      %swap3A_2965 = arith.constant 12 : i32
      %swap3A_2966 = arith.index_cast %swap3A_2965 : i32 to index
      %swap3A_2967 = arith.constant 0 : index
      %swap3A_2968 = tpu.vector_load %arg11[%swap3A_2966, %swap3A_2967] {strides = array<i32>} : memref<16x64xf32, #tpu.memory_space<vmem>>, vector<16xf32>,
      tpu.vector_store %arg11[%swap3A_2966, %swap3A_2967], %gather3A_2961 {strides = array<i32>} : memref<16x64xf32, #tpu.memory_space<vmem>>, vector<16xf32>,
      %swap3A_2969 = arith.constant 12 : i32
      %swap3A_2970 = arith.index_cast %swap3A_2969 : i32 to index
      %swap3A_2971 = arith.constant 16 : index
      %swap3A_2972 = tpu.vector_load %arg11[%swap3A_2970, %swap3A_2971] {strides = array<i32>} : memref<16x64xf32, #tpu.memory_space<vmem>>, vector<16xf32>,
      tpu.vector_store %arg11[%swap3A_2970, %swap3A_2971], %gather3A_2962 {strides = array<i32>} : memref<16x64xf32, #tpu.memory_space<vmem>>, vector<16xf32>,
      %swap3A_2973 = arith.constant 12 : i32
      %swap3A_2974 = arith.index_cast %swap3A_2973 : i32 to index
      %swap3A_2975 = arith.constant 32 : index
      %swap3A_2976 = tpu.vector_load %arg11[%swap3A_2974, %swap3A_2975] {strides = array<i32>} : memref<16x64xf32, #tpu.memory_space<vmem>>, vector<16xf32>,
      tpu.vector_store %arg11[%swap3A_2974, %swap3A_2975], %gather3A_2963 {strides = array<i32>} : memref<16x64xf32, #tpu.memory_space<vmem>>, vector<16xf32>,
      %swap3A_2977 = arith.constant 12 : i32
      %swap3A_2978 = arith.index_cast %swap3A_2977 : i32 to index
      %swap3A_2979 = arith.constant 48 : index
      %swap3A_2980 = tpu.vector_load %arg11[%swap3A_2978, %swap3A_2979] {strides = array<i32>} : memref<16x64xf32, #tpu.memory_space<vmem>>, vector<16xf32>,
      tpu.vector_store %arg11[%swap3A_2978, %swap3A_2979], %gather3A_2964 {strides = array<i32>} : memref<16x64xf32, #tpu.memory_space<vmem>>, vector<16xf32>,
      %broadcast_in_dim3A_2981 = arith.constant 13 : i32
      %broadcast_in_dim3A_2982 = vector.broadcast %broadcast_in_dim3A_2981 : i32 to vector<16xi32>
      %gather3A_2983 = tpu.vector_load_idx %arg8[%broadcast_in_dim3A_2982, %add3A_2595] : memref<16x2048xf32, #tpu.memory_space<vmem>>[vector<16xi32>, vector<16xi32>], vector<16xf32>,
      %gather3A_2984 = tpu.vector_load_idx %arg8[%broadcast_in_dim3A_2982, %add3A_2628] : memref<16x2048xf32, #tpu.memory_space<vmem>>[vector<16xi32>, vector<16xi32>], vector<16xf32>,
      %gather3A_2985 = tpu.vector_load_idx %arg8[%broadcast_in_dim3A_2982, %add3A_2661] : memref<16x2048xf32, #tpu.memory_space<vmem>>[vector<16xi32>, vector<16xi32>], vector<16xf32>,
      %gather3A_2986 = tpu.vector_load_idx %arg8[%broadcast_in_dim3A_2982, %add3A_2694] : memref<16x2048xf32, #tpu.memory_space<vmem>>[vector<16xi32>, vector<16xi32>], vector<16xf32>,
      %swap3A_2987 = arith.constant 13 : i32
      %swap3A_2988 = arith.index_cast %swap3A_2987 : i32 to index
      %swap3A_2989 = arith.constant 0 : index
      %swap3A_2990 = tpu.vector_load %arg11[%swap3A_2988, %swap3A_2989] {strides = array<i32>} : memref<16x64xf32, #tpu.memory_space<vmem>>, vector<16xf32>,
      tpu.vector_store %arg11[%swap3A_2988, %swap3A_2989], %gather3A_2983 {strides = array<i32>} : memref<16x64xf32, #tpu.memory_space<vmem>>, vector<16xf32>,
      %swap3A_2991 = arith.constant 13 : i32
      %swap3A_2992 = arith.index_cast %swap3A_2991 : i32 to index
      %swap3A_2993 = arith.constant 16 : index
      %swap3A_2994 = tpu.vector_load %arg11[%swap3A_2992, %swap3A_2993] {strides = array<i32>} : memref<16x64xf32, #tpu.memory_space<vmem>>, vector<16xf32>,
      tpu.vector_store %arg11[%swap3A_2992, %swap3A_2993], %gather3A_2984 {strides = array<i32>} : memref<16x64xf32, #tpu.memory_space<vmem>>, vector<16xf32>,
      %swap3A_2995 = arith.constant 13 : i32
      %swap3A_2996 = arith.index_cast %swap3A_2995 : i32 to index
      %swap3A_2997 = arith.constant 32 : index
      %swap3A_2998 = tpu.vector_load %arg11[%swap3A_2996, %swap3A_2997] {strides = array<i32>} : memref<16x64xf32, #tpu.memory_space<vmem>>, vector<16xf32>,
      tpu.vector_store %arg11[%swap3A_2996, %swap3A_2997], %gather3A_2985 {strides = array<i32>} : memref<16x64xf32, #tpu.memory_space<vmem>>, vector<16xf32>,
      %swap3A_2999 = arith.constant 13 : i32
      %swap3A_3000 = arith.index_cast %swap3A_2999 : i32 to index
      %swap3A_3001 = arith.constant 48 : index
      %swap3A_3002 = tpu.vector_load %arg11[%swap3A_3000, %swap3A_3001] {strides = array<i32>} : memref<16x64xf32, #tpu.memory_space<vmem>>, vector<16xf32>,
      tpu.vector_store %arg11[%swap3A_3000, %swap3A_3001], %gather3A_2986 {strides = array<i32>} : memref<16x64xf32, #tpu.memory_space<vmem>>, vector<16xf32>,
      %broadcast_in_dim3A_3003 = arith.constant 14 : i32
      %broadcast_in_dim3A_3004 = vector.broadcast %broadcast_in_dim3A_3003 : i32 to vector<16xi32>
      %gather3A_3005 = tpu.vector_load_idx %arg8[%broadcast_in_dim3A_3004, %add3A_2595] : memref<16x2048xf32, #tpu.memory_space<vmem>>[vector<16xi32>, vector<16xi32>], vector<16xf32>,
      %gather3A_3006 = tpu.vector_load_idx %arg8[%broadcast_in_dim3A_3004, %add3A_2628] : memref<16x2048xf32, #tpu.memory_space<vmem>>[vector<16xi32>, vector<16xi32>], vector<16xf32>,
      %gather3A_3007 = tpu.vector_load_idx %arg8[%broadcast_in_dim3A_3004, %add3A_2661] : memref<16x2048xf32, #tpu.memory_space<vmem>>[vector<16xi32>, vector<16xi32>], vector<16xf32>,
      %gather3A_3008 = tpu.vector_load_idx %arg8[%broadcast_in_dim3A_3004, %add3A_2694] : memref<16x2048xf32, #tpu.memory_space<vmem>>[vector<16xi32>, vector<16xi32>], vector<16xf32>,
      %swap3A_3009 = arith.constant 14 : i32
      %swap3A_3010 = arith.index_cast %swap3A_3009 : i32 to index
      %swap3A_3011 = arith.constant 0 : index
      %swap3A_3012 = tpu.vector_load %arg11[%swap3A_3010, %swap3A_3011] {strides = array<i32>} : memref<16x64xf32, #tpu.memory_space<vmem>>, vector<16xf32>,
      tpu.vector_store %arg11[%swap3A_3010, %swap3A_3011], %gather3A_3005 {strides = array<i32>} : memref<16x64xf32, #tpu.memory_space<vmem>>, vector<16xf32>,
      %swap3A_3013 = arith.constant 14 : i32
      %swap3A_3014 = arith.index_cast %swap3A_3013 : i32 to index
      %swap3A_3015 = arith.constant 16 : index
      %swap3A_3016 = tpu.vector_load %arg11[%swap3A_3014, %swap3A_3015] {strides = array<i32>} : memref<16x64xf32, #tpu.memory_space<vmem>>, vector<16xf32>,
      tpu.vector_store %arg11[%swap3A_3014, %swap3A_3015], %gather3A_3006 {strides = array<i32>} : memref<16x64xf32, #tpu.memory_space<vmem>>, vector<16xf32>,
      %swap3A_3017 = arith.constant 14 : i32
      %swap3A_3018 = arith.index_cast %swap3A_3017 : i32 to index
      %swap3A_3019 = arith.constant 32 : index
      %swap3A_3020 = tpu.vector_load %arg11[%swap3A_3018, %swap3A_3019] {strides = array<i32>} : memref<16x64xf32, #tpu.memory_space<vmem>>, vector<16xf32>,
      tpu.vector_store %arg11[%swap3A_3018, %swap3A_3019], %gather3A_3007 {strides = array<i32>} : memref<16x64xf32, #tpu.memory_space<vmem>>, vector<16xf32>,
      %swap3A_3021 = arith.constant 14 : i32
      %swap3A_3022 = arith.index_cast %swap3A_3021 : i32 to index
      %swap3A_3023 = arith.constant 48 : index
      %swap3A_3024 = tpu.vector_load %arg11[%swap3A_3022, %swap3A_3023] {strides = array<i32>} : memref<16x64xf32, #tpu.memory_space<vmem>>, vector<16xf32>,
      tpu.vector_store %arg11[%swap3A_3022, %swap3A_3023], %gather3A_3008 {strides = array<i32>} : memref<16x64xf32, #tpu.memory_space<vmem>>, vector<16xf32>,
      %broadcast_in_dim3A_3025 = arith.constant 15 : i32
      %broadcast_in_dim3A_3026 = vector.broadcast %broadcast_in_dim3A_3025 : i32 to vector<16xi32>
      %gather3A_3027 = tpu.vector_load_idx %arg8[%broadcast_in_dim3A_3026, %add3A_2595] : memref<16x2048xf32, #tpu.memory_space<vmem>>[vector<16xi32>, vector<16xi32>], vector<16xf32>,
      %gather3A_3028 = tpu.vector_load_idx %arg8[%broadcast_in_dim3A_3026, %add3A_2628] : memref<16x2048xf32, #tpu.memory_space<vmem>>[vector<16xi32>, vector<16xi32>], vector<16xf32>,
      %gather3A_3029 = tpu.vector_load_idx %arg8[%broadcast_in_dim3A_3026, %add3A_2661] : memref<16x2048xf32, #tpu.memory_space<vmem>>[vector<16xi32>, vector<16xi32>], vector<16xf32>,
      %gather3A_3030 = tpu.vector_load_idx %arg8[%broadcast_in_dim3A_3026, %add3A_2694] : memref<16x2048xf32, #tpu.memory_space<vmem>>[vector<16xi32>, vector<16xi32>], vector<16xf32>,
      %swap3A_3031 = arith.constant 15 : i32
      %swap3A_3032 = arith.index_cast %swap3A_3031 : i32 to index
      %swap3A_3033 = arith.constant 0 : index
      %swap3A_3034 = tpu.vector_load %arg11[%swap3A_3032, %swap3A_3033] {strides = array<i32>} : memref<16x64xf32, #tpu.memory_space<vmem>>, vector<16xf32>,
      tpu.vector_store %arg11[%swap3A_3032, %swap3A_3033], %gather3A_3027 {strides = array<i32>} : memref<16x64xf32, #tpu.memory_space<vmem>>, vector<16xf32>,
      %swap3A_3035 = arith.constant 15 : i32
      %swap3A_3036 = arith.index_cast %swap3A_3035 : i32 to index
      %swap3A_3037 = arith.constant 16 : index
      %swap3A_3038 = tpu.vector_load %arg11[%swap3A_3036, %swap3A_3037] {strides = array<i32>} : memref<16x64xf32, #tpu.memory_space<vmem>>, vector<16xf32>,
      tpu.vector_store %arg11[%swap3A_3036, %swap3A_3037], %gather3A_3028 {strides = array<i32>} : memref<16x64xf32, #tpu.memory_space<vmem>>, vector<16xf32>,
      %swap3A_3039 = arith.constant 15 : i32
      %swap3A_3040 = arith.index_cast %swap3A_3039 : i32 to index
      %swap3A_3041 = arith.constant 32 : index
      %swap3A_3042 = tpu.vector_load %arg11[%swap3A_3040, %swap3A_3041] {strides = array<i32>} : memref<16x64xf32, #tpu.memory_space<vmem>>, vector<16xf32>,
      tpu.vector_store %arg11[%swap3A_3040, %swap3A_3041], %gather3A_3029 {strides = array<i32>} : memref<16x64xf32, #tpu.memory_space<vmem>>, vector<16xf32>,
      %swap3A_3043 = arith.constant 15 : i32
      %swap3A_3044 = arith.index_cast %swap3A_3043 : i32 to index
      %swap3A_3045 = arith.constant 48 : index
      %swap3A_3046 = tpu.vector_load %arg11[%swap3A_3044, %swap3A_3045] {strides = array<i32>} : memref<16x64xf32, #tpu.memory_space<vmem>>, vector<16xf32>,
      tpu.vector_store %arg11[%swap3A_3044, %swap3A_3045], %gather3A_3030 {strides = array<i32>} : memref<16x64xf32, #tpu.memory_space<vmem>>, vector<16xf32>,
      %add3A_3047 = arith.constant 2 : i32
      %add3A_3048 = arith.addi %mul3A_1218, %add3A_3047 : i32
      %mul3A_3049 = arith.constant 32 : i32
      %mul3A_3050 = arith.muli %mul3A_3049, %add3A_3048 : i32
      %add3A_3051 = arith.addi %add3A, %mul3A_3050 : i32
      %mul3A_3052 = arith.constant 16 : i32
      %mul3A_3053 = arith.muli %add3A_3051, %mul3A_3052 : i32
      %dma_start3A_3054 = arith.constant 0 : i32
      %dma_start3A_3055 = tpu.memref_slice %arg4[%mul3A_3053, %dma_start3A_3054] : memref<16384x64xf32, #tpu.memory_space<hbm>> -> memref<16x64xf32, #tpu.memory_space<hbm>>
      %dma_start3A_3056 = arith.constant 0 : i32
      %dma_start3A_3057 = tpu.memref_slice %arg4[%mul3A_3053, %dma_start3A_3056] : memref<16384x64xf32, #tpu.memory_space<hbm>> -> memref<16x64xf32, #tpu.memory_space<hbm>>
      tpu.enqueue_dma source(%arg11 : memref<16x64xf32, #tpu.memory_space<vmem>>) target(%dma_start3A_3057 : memref<16x64xf32, #tpu.memory_space<hbm>>) target_semaphore(%arg19 : memref<!tpu.dma_semaphore, #tpu.memory_space<semaphore_mem>>)
    }
    %scan3A_78 = arith.constant 10 : i32
    %add3A_79 = arith.constant 960 : i32
    %add3A_80 = arith.addi %add3A, %add3A_79 : i32
    %jit3A_81 = arith.constant 64 : i32
    %div3A_82 = arith.divsi %add3A_80, %jit3A_81 : i32
    %sign3A_83 = arith.constant 0 : i32
    %sign3A_84 = arith.cmpi sgt, %add3A_80, %sign3A_83 : i32
    %sign3A_85 = arith.extui %sign3A_84 : i1 to i32
    %sign3A_86 = arith.constant 0 : i32
    %sign3A_87 = arith.cmpi slt, %add3A_80, %sign3A_86 : i32
    %sign3A_88 = arith.extui %sign3A_87 : i1 to i32
    %sign3A_89 = arith.subi %sign3A_85, %sign3A_88 : i32
    %sign3A_90 = arith.constant 0 : i32
    %sign3A_91 = arith.cmpi sgt, %jit3A_81, %sign3A_90 : i32
    %sign3A_92 = arith.extui %sign3A_91 : i1 to i32
    %sign3A_93 = arith.constant 0 : i32
    %sign3A_94 = arith.cmpi slt, %jit3A_81, %sign3A_93 : i32
    %sign3A_95 = arith.extui %sign3A_94 : i1 to i32
    %sign3A_96 = arith.subi %sign3A_92, %sign3A_95 : i32
    %ne3A_97 = arith.cmpi ne, %sign3A_89, %sign3A_96 : i32
    %rem3A_98 = arith.remsi %add3A_80, %jit3A_81 : i32
    %ne3A_99 = arith.constant 0 : i32
    %ne3A_100 = arith.cmpi ne, %rem3A_98, %ne3A_99 : i32
    %and3A_101 = arith.andi %ne3A_97, %ne3A_100 : i1
    %sub3A_102 = arith.constant 1 : i32
    %sub3A_103 = arith.subi %div3A_82, %sub3A_102 : i32
    %select_n3A_104 = arith.select %and3A_101, %sub3A_103, %div3A_82 : i32
    %get3A_105 = arith.index_cast %select_n3A_104 : i32 to index
    %get3A_106 = memref.load %arg13[%get3A_105] : memref<16xi32, #tpu.memory_space<smem>>
    %ge3A_107 = arith.constant 16 : i32
    %ge3A_108 = arith.cmpi sge, %get3A_106, %ge3A_107 : i32
    %convert_element_type3A_109 = arith.extui %ge3A_108 : i1 to i32
    %cond3A_110 = arith.constant 0 : i32
    %cond3A_111 = arith.cmpi ne, %convert_element_type3A_109, %cond3A_110 : i32
    scf.if %cond3A_111 {
      %dma_wait3A_1216 = arith.constant 0 : i32
      %dma_wait3A_1217 = arith.constant 0 : i32
      %dma_wait3A_1218 = tpu.memref_slice %arg2[%dma_wait3A_1216, %dma_wait3A_1217] : memref<16384x2048xf32, #tpu.memory_space<hbm>> -> memref<16x2048xf32, #tpu.memory_space<hbm>>
      %dma_wait3A_1219 = arith.constant 0 : i32
      %dma_wait3A_1220 = arith.constant 0 : i32
      %dma_wait3A_1221 = tpu.memref_slice %arg2[%dma_wait3A_1219, %dma_wait3A_1220] : memref<16384x2048xf32, #tpu.memory_space<hbm>> -> memref<16x2048xf32, #tpu.memory_space<hbm>>
      tpu.wait_dma2 semaphore(%arg14 : memref<!tpu.dma_semaphore, #tpu.memory_space<semaphore_mem>>) src(%dma_wait3A_1221 : memref<16x2048xf32, #tpu.memory_space<hbm>>) dst(%arg6 : memref<16x2048xf32, #tpu.memory_space<vmem>>)
    } else {
    }
    %not3A_112 = arith.constant true
    %not3A_113 = arith.xori %ge3A_108, %not3A_112 : i1
    %convert_element_type3A_114 = arith.extui %not3A_113 : i1 to i32
    %cond3A_115 = arith.constant 0 : i32
    %cond3A_116 = arith.cmpi ne, %convert_element_type3A_114, %cond3A_115 : i32
    scf.if %cond3A_116 {
      %while3A = arith.constant 0 : i32
      %while3A_1216 = arith.constant 0 : i32
      %while3A_1217 = arith.subi %get3A_106, %while3A_1216 : i32
      %while3A_1218 = arith.addi %while3A_1216, %while3A_1217 : i32
      %while3A_1219 = arith.constant 1 : i32
      %while3A_1220 = arith.divsi %while3A_1217, %while3A_1219 : i32
      %while3A_1221 = arith.muli %while3A_1220, %while3A_1219 : i32
      %while3A_1222 = arith.addi %while3A_1216, %while3A_1221 : i32
      %while3A_1223 = arith.constant 1 : i32
      scf.for %while3A_1225 = %while3A_1216 to %while3A_1222 step %while3A_1223  : i32 {
        %dma_wait3A_1226 = arith.constant 0 : i32
        %dma_wait3A_1227 = arith.constant 0 : i32
        %dma_wait3A_1228 = tpu.memref_slice %arg6[%dma_wait3A_1226, %dma_wait3A_1227] : memref<16x2048xf32, #tpu.memory_space<vmem>> -> memref<16x128xf32, #tpu.memory_space<vmem>>
        %dma_wait3A_1229 = arith.constant 0 : i32
        %dma_wait3A_1230 = arith.constant 0 : i32
        %dma_wait3A_1231 = tpu.memref_slice %arg2[%dma_wait3A_1229, %dma_wait3A_1230] : memref<16384x2048xf32, #tpu.memory_space<hbm>> -> memref<16x128xf32, #tpu.memory_space<hbm>>
        %dma_wait3A_1232 = arith.constant 0 : i32
        %dma_wait3A_1233 = arith.constant 0 : i32
        %dma_wait3A_1234 = tpu.memref_slice %arg6[%dma_wait3A_1232, %dma_wait3A_1233] : memref<16x2048xf32, #tpu.memory_space<vmem>> -> memref<16x128xf32, #tpu.memory_space<vmem>>
        %dma_wait3A_1235 = arith.constant 0 : i32
        %dma_wait3A_1236 = arith.constant 0 : i32
        %dma_wait3A_1237 = tpu.memref_slice %arg2[%dma_wait3A_1235, %dma_wait3A_1236] : memref<16384x2048xf32, #tpu.memory_space<hbm>> -> memref<16x128xf32, #tpu.memory_space<hbm>>
        tpu.wait_dma2 semaphore(%arg14 : memref<!tpu.dma_semaphore, #tpu.memory_space<semaphore_mem>>) src(%dma_wait3A_1237 : memref<16x128xf32, #tpu.memory_space<hbm>>) dst(%dma_wait3A_1234 : memref<16x128xf32, #tpu.memory_space<vmem>>)
      }
      %while3A_1224 = arith.constant 1 : i32
      scf.for %while3A_1225 = %while3A_1222 to %while3A_1218 step %while3A_1224  : i32 {
        %dma_wait3A_1226 = arith.constant 0 : i32
        %dma_wait3A_1227 = arith.constant 0 : i32
        %dma_wait3A_1228 = tpu.memref_slice %arg6[%dma_wait3A_1226, %dma_wait3A_1227] : memref<16x2048xf32, #tpu.memory_space<vmem>> -> memref<16x128xf32, #tpu.memory_space<vmem>>
        %dma_wait3A_1229 = arith.constant 0 : i32
        %dma_wait3A_1230 = arith.constant 0 : i32
        %dma_wait3A_1231 = tpu.memref_slice %arg2[%dma_wait3A_1229, %dma_wait3A_1230] : memref<16384x2048xf32, #tpu.memory_space<hbm>> -> memref<16x128xf32, #tpu.memory_space<hbm>>
        %dma_wait3A_1232 = arith.constant 0 : i32
        %dma_wait3A_1233 = arith.constant 0 : i32
        %dma_wait3A_1234 = tpu.memref_slice %arg6[%dma_wait3A_1232, %dma_wait3A_1233] : memref<16x2048xf32, #tpu.memory_space<vmem>> -> memref<16x128xf32, #tpu.memory_space<vmem>>
        %dma_wait3A_1235 = arith.constant 0 : i32
        %dma_wait3A_1236 = arith.constant 0 : i32
        %dma_wait3A_1237 = tpu.memref_slice %arg2[%dma_wait3A_1235, %dma_wait3A_1236] : memref<16384x2048xf32, #tpu.memory_space<hbm>> -> memref<16x128xf32, #tpu.memory_space<hbm>>
        tpu.wait_dma2 semaphore(%arg14 : memref<!tpu.dma_semaphore, #tpu.memory_space<semaphore_mem>>) src(%dma_wait3A_1237 : memref<16x128xf32, #tpu.memory_space<hbm>>) dst(%dma_wait3A_1234 : memref<16x128xf32, #tpu.memory_space<vmem>>)
      }
    } else {
    }
    %dma_wait3A = arith.constant 0 : i32
    %dma_wait3A_117 = arith.constant 0 : i32
    %dma_wait3A_118 = tpu.memref_slice %arg4[%dma_wait3A, %dma_wait3A_117] : memref<16384x64xf32, #tpu.memory_space<hbm>> -> memref<16x64xf32, #tpu.memory_space<hbm>>
    %dma_wait3A_119 = arith.constant 0 : i32
    %dma_wait3A_120 = arith.constant 0 : i32
    %dma_wait3A_121 = tpu.memref_slice %arg4[%dma_wait3A_119, %dma_wait3A_120] : memref<16384x64xf32, #tpu.memory_space<hbm>> -> memref<16x64xf32, #tpu.memory_space<hbm>>
    tpu.wait_dma2 semaphore(%arg17 : memref<!tpu.dma_semaphore, #tpu.memory_space<semaphore_mem>>) src(%arg9 : memref<16x64xf32, #tpu.memory_space<vmem>>) dst(%dma_wait3A_121 : memref<16x64xf32, #tpu.memory_space<hbm>>)
    %add3A_122 = arith.constant 960 : i32
    %add3A_123 = arith.addi %add3A, %add3A_122 : i32
    %jit3A_124 = arith.constant 64 : i32
    %div3A_125 = arith.divsi %add3A_123, %jit3A_124 : i32
    %sign3A_126 = arith.constant 0 : i32
    %sign3A_127 = arith.cmpi sgt, %add3A_123, %sign3A_126 : i32
    %sign3A_128 = arith.extui %sign3A_127 : i1 to i32
    %sign3A_129 = arith.constant 0 : i32
    %sign3A_130 = arith.cmpi slt, %add3A_123, %sign3A_129 : i32
    %sign3A_131 = arith.extui %sign3A_130 : i1 to i32
    %sign3A_132 = arith.subi %sign3A_128, %sign3A_131 : i32
    %sign3A_133 = arith.constant 0 : i32
    %sign3A_134 = arith.cmpi sgt, %jit3A_124, %sign3A_133 : i32
    %sign3A_135 = arith.extui %sign3A_134 : i1 to i32
    %sign3A_136 = arith.constant 0 : i32
    %sign3A_137 = arith.cmpi slt, %jit3A_124, %sign3A_136 : i32
    %sign3A_138 = arith.extui %sign3A_137 : i1 to i32
    %sign3A_139 = arith.subi %sign3A_135, %sign3A_138 : i32
    %ne3A_140 = arith.cmpi ne, %sign3A_132, %sign3A_139 : i32
    %rem3A_141 = arith.remsi %add3A_123, %jit3A_124 : i32
    %ne3A_142 = arith.constant 0 : i32
    %ne3A_143 = arith.cmpi ne, %rem3A_141, %ne3A_142 : i32
    %and3A_144 = arith.andi %ne3A_140, %ne3A_143 : i1
    %sub3A_145 = arith.constant 1 : i32
    %sub3A_146 = arith.subi %div3A_125, %sub3A_145 : i32
    %select_n3A_147 = arith.select %and3A_144, %sub3A_146, %div3A_125 : i32
    %get3A_148 = arith.index_cast %select_n3A_147 : i32 to index
    %get3A_149 = memref.load %arg12[%get3A_148] : memref<16xi32, #tpu.memory_space<smem>>
    %sub3A_150 = arith.constant 1 : i32
    %sub3A_151 = arith.subi %get3A_149, %sub3A_150 : i32
    %add3A_152 = arith.constant 0 : i32
    %add3A_153 = vector.broadcast %add3A_152 : i32 to vector<16xi32>
    %add3A_154 = arith.addi %iota3A, %add3A_153 : vector<16xi32>
    %mul3A_155 = vector.broadcast %sub3A_151 : i32 to vector<16xi32>
    %mul3A_156 = arith.muli %mul3A_155, %add3A_154 : vector<16xi32>
    %shift_right_arithmetic3A = arith.constant 6 : i32
    %shift_right_arithmetic3A_157 = vector.broadcast %shift_right_arithmetic3A : i32 to vector<16xi32>
    %shift_right_arithmetic3A_158 = arith.shrsi %mul3A_156, %shift_right_arithmetic3A_157 : vector<16xi32>
    %and3A_159 = arith.constant 63 : i32
    %and3A_160 = vector.broadcast %and3A_159 : i32 to vector<16xi32>
    %and3A_161 = arith.andi %mul3A_156, %and3A_160 : vector<16xi32>
    %eq3A = arith.constant 32 : i32
    %eq3A_162 = vector.broadcast %eq3A : i32 to vector<16xi32>
    %eq3A_163 = arith.cmpi eq, %and3A_161, %eq3A_162 : vector<16xi32>
    %and3A_164 = arith.constant 1 : i32
    %and3A_165 = vector.broadcast %and3A_164 : i32 to vector<16xi32>
    %and3A_166 = arith.andi %shift_right_arithmetic3A_158, %and3A_165 : vector<16xi32>
    %eq3A_167 = arith.constant 0 : i32
    %eq3A_168 = vector.broadcast %eq3A_167 : i32 to vector<16xi32>
    %eq3A_169 = arith.cmpi eq, %and3A_166, %eq3A_168 : vector<16xi32>
    %and3A_170 = arith.andi %eq3A_163, %eq3A_169 : vector<16xi1>
    %gt3A = arith.constant 32 : i32
    %gt3A_171 = vector.broadcast %gt3A : i32 to vector<16xi32>
    %gt3A_172 = arith.cmpi sgt, %and3A_161, %gt3A_171 : vector<16xi32>
    %or3A = arith.ori %gt3A_172, %and3A_170 : vector<16xi1>
    %jit3A_173 = arith.constant 1 : i32
    %jit3A_174 = arith.constant 0 : i32
    %broadcast_in_dim3A = vector.broadcast %jit3A_173 : i32 to vector<16xi32>
    %broadcast_in_dim3A_175 = vector.broadcast %jit3A_174 : i32 to vector<16xi32>
    %select_n3A_176 = arith.select %or3A, %broadcast_in_dim3A, %broadcast_in_dim3A_175 : vector<16xi1>, vector<16xi32>
    %add3A_177 = arith.addi %shift_right_arithmetic3A_158, %select_n3A_176 : vector<16xi32>
    %sub3A_178 = arith.constant 1 : i32
    %sub3A_179 = arith.subi %get3A_149, %sub3A_178 : i32
    %add3A_180 = arith.constant 16 : i32
    %add3A_181 = vector.broadcast %add3A_180 : i32 to vector<16xi32>
    %add3A_182 = arith.addi %iota3A, %add3A_181 : vector<16xi32>
    %mul3A_183 = vector.broadcast %sub3A_179 : i32 to vector<16xi32>
    %mul3A_184 = arith.muli %mul3A_183, %add3A_182 : vector<16xi32>
    %shift_right_arithmetic3A_185 = arith.constant 6 : i32
    %shift_right_arithmetic3A_186 = vector.broadcast %shift_right_arithmetic3A_185 : i32 to vector<16xi32>
    %shift_right_arithmetic3A_187 = arith.shrsi %mul3A_184, %shift_right_arithmetic3A_186 : vector<16xi32>
    %and3A_188 = arith.constant 63 : i32
    %and3A_189 = vector.broadcast %and3A_188 : i32 to vector<16xi32>
    %and3A_190 = arith.andi %mul3A_184, %and3A_189 : vector<16xi32>
    %eq3A_191 = arith.constant 32 : i32
    %eq3A_192 = vector.broadcast %eq3A_191 : i32 to vector<16xi32>
    %eq3A_193 = arith.cmpi eq, %and3A_190, %eq3A_192 : vector<16xi32>
    %and3A_194 = arith.constant 1 : i32
    %and3A_195 = vector.broadcast %and3A_194 : i32 to vector<16xi32>
    %and3A_196 = arith.andi %shift_right_arithmetic3A_187, %and3A_195 : vector<16xi32>
    %eq3A_197 = arith.constant 0 : i32
    %eq3A_198 = vector.broadcast %eq3A_197 : i32 to vector<16xi32>
    %eq3A_199 = arith.cmpi eq, %and3A_196, %eq3A_198 : vector<16xi32>
    %and3A_200 = arith.andi %eq3A_193, %eq3A_199 : vector<16xi1>
    %gt3A_201 = arith.constant 32 : i32
    %gt3A_202 = vector.broadcast %gt3A_201 : i32 to vector<16xi32>
    %gt3A_203 = arith.cmpi sgt, %and3A_190, %gt3A_202 : vector<16xi32>
    %or3A_204 = arith.ori %gt3A_203, %and3A_200 : vector<16xi1>
    %jit3A_205 = arith.constant 1 : i32
    %jit3A_206 = arith.constant 0 : i32
    %broadcast_in_dim3A_207 = vector.broadcast %jit3A_205 : i32 to vector<16xi32>
    %broadcast_in_dim3A_208 = vector.broadcast %jit3A_206 : i32 to vector<16xi32>
    %select_n3A_209 = arith.select %or3A_204, %broadcast_in_dim3A_207, %broadcast_in_dim3A_208 : vector<16xi1>, vector<16xi32>
    %add3A_210 = arith.addi %shift_right_arithmetic3A_187, %select_n3A_209 : vector<16xi32>
    %sub3A_211 = arith.constant 1 : i32
    %sub3A_212 = arith.subi %get3A_149, %sub3A_211 : i32
    %add3A_213 = arith.constant 32 : i32
    %add3A_214 = vector.broadcast %add3A_213 : i32 to vector<16xi32>
    %add3A_215 = arith.addi %iota3A, %add3A_214 : vector<16xi32>
    %mul3A_216 = vector.broadcast %sub3A_212 : i32 to vector<16xi32>
    %mul3A_217 = arith.muli %mul3A_216, %add3A_215 : vector<16xi32>
    %shift_right_arithmetic3A_218 = arith.constant 6 : i32
    %shift_right_arithmetic3A_219 = vector.broadcast %shift_right_arithmetic3A_218 : i32 to vector<16xi32>
    %shift_right_arithmetic3A_220 = arith.shrsi %mul3A_217, %shift_right_arithmetic3A_219 : vector<16xi32>
    %and3A_221 = arith.constant 63 : i32
    %and3A_222 = vector.broadcast %and3A_221 : i32 to vector<16xi32>
    %and3A_223 = arith.andi %mul3A_217, %and3A_222 : vector<16xi32>
    %eq3A_224 = arith.constant 32 : i32
    %eq3A_225 = vector.broadcast %eq3A_224 : i32 to vector<16xi32>
    %eq3A_226 = arith.cmpi eq, %and3A_223, %eq3A_225 : vector<16xi32>
    %and3A_227 = arith.constant 1 : i32
    %and3A_228 = vector.broadcast %and3A_227 : i32 to vector<16xi32>
    %and3A_229 = arith.andi %shift_right_arithmetic3A_220, %and3A_228 : vector<16xi32>
    %eq3A_230 = arith.constant 0 : i32
    %eq3A_231 = vector.broadcast %eq3A_230 : i32 to vector<16xi32>
    %eq3A_232 = arith.cmpi eq, %and3A_229, %eq3A_231 : vector<16xi32>
    %and3A_233 = arith.andi %eq3A_226, %eq3A_232 : vector<16xi1>
    %gt3A_234 = arith.constant 32 : i32
    %gt3A_235 = vector.broadcast %gt3A_234 : i32 to vector<16xi32>
    %gt3A_236 = arith.cmpi sgt, %and3A_223, %gt3A_235 : vector<16xi32>
    %or3A_237 = arith.ori %gt3A_236, %and3A_233 : vector<16xi1>
    %jit3A_238 = arith.constant 1 : i32
    %jit3A_239 = arith.constant 0 : i32
    %broadcast_in_dim3A_240 = vector.broadcast %jit3A_238 : i32 to vector<16xi32>
    %broadcast_in_dim3A_241 = vector.broadcast %jit3A_239 : i32 to vector<16xi32>
    %select_n3A_242 = arith.select %or3A_237, %broadcast_in_dim3A_240, %broadcast_in_dim3A_241 : vector<16xi1>, vector<16xi32>
    %add3A_243 = arith.addi %shift_right_arithmetic3A_220, %select_n3A_242 : vector<16xi32>
    %sub3A_244 = arith.constant 1 : i32
    %sub3A_245 = arith.subi %get3A_149, %sub3A_244 : i32
    %add3A_246 = arith.constant 48 : i32
    %add3A_247 = vector.broadcast %add3A_246 : i32 to vector<16xi32>
    %add3A_248 = arith.addi %iota3A, %add3A_247 : vector<16xi32>
    %mul3A_249 = vector.broadcast %sub3A_245 : i32 to vector<16xi32>
    %mul3A_250 = arith.muli %mul3A_249, %add3A_248 : vector<16xi32>
    %shift_right_arithmetic3A_251 = arith.constant 6 : i32
    %shift_right_arithmetic3A_252 = vector.broadcast %shift_right_arithmetic3A_251 : i32 to vector<16xi32>
    %shift_right_arithmetic3A_253 = arith.shrsi %mul3A_250, %shift_right_arithmetic3A_252 : vector<16xi32>
    %and3A_254 = arith.constant 63 : i32
    %and3A_255 = vector.broadcast %and3A_254 : i32 to vector<16xi32>
    %and3A_256 = arith.andi %mul3A_250, %and3A_255 : vector<16xi32>
    %eq3A_257 = arith.constant 32 : i32
    %eq3A_258 = vector.broadcast %eq3A_257 : i32 to vector<16xi32>
    %eq3A_259 = arith.cmpi eq, %and3A_256, %eq3A_258 : vector<16xi32>
    %and3A_260 = arith.constant 1 : i32
    %and3A_261 = vector.broadcast %and3A_260 : i32 to vector<16xi32>
    %and3A_262 = arith.andi %shift_right_arithmetic3A_253, %and3A_261 : vector<16xi32>
    %eq3A_263 = arith.constant 0 : i32
    %eq3A_264 = vector.broadcast %eq3A_263 : i32 to vector<16xi32>
    %eq3A_265 = arith.cmpi eq, %and3A_262, %eq3A_264 : vector<16xi32>
    %and3A_266 = arith.andi %eq3A_259, %eq3A_265 : vector<16xi1>
    %gt3A_267 = arith.constant 32 : i32
    %gt3A_268 = vector.broadcast %gt3A_267 : i32 to vector<16xi32>
    %gt3A_269 = arith.cmpi sgt, %and3A_256, %gt3A_268 : vector<16xi32>
    %or3A_270 = arith.ori %gt3A_269, %and3A_266 : vector<16xi1>
    %jit3A_271 = arith.constant 1 : i32
    %jit3A_272 = arith.constant 0 : i32
    %broadcast_in_dim3A_273 = vector.broadcast %jit3A_271 : i32 to vector<16xi32>
    %broadcast_in_dim3A_274 = vector.broadcast %jit3A_272 : i32 to vector<16xi32>
    %select_n3A_275 = arith.select %or3A_270, %broadcast_in_dim3A_273, %broadcast_in_dim3A_274 : vector<16xi1>, vector<16xi32>
    %add3A_276 = arith.addi %shift_right_arithmetic3A_253, %select_n3A_275 : vector<16xi32>
    %broadcast_in_dim3A_277 = arith.constant 0 : i32
    %broadcast_in_dim3A_278 = vector.broadcast %broadcast_in_dim3A_277 : i32 to vector<16xi32>
    %gather3A = tpu.vector_load_idx %arg6[%broadcast_in_dim3A_278, %add3A_177] : memref<16x2048xf32, #tpu.memory_space<vmem>>[vector<16xi32>, vector<16xi32>], vector<16xf32>,
    %gather3A_279 = tpu.vector_load_idx %arg6[%broadcast_in_dim3A_278, %add3A_210] : memref<16x2048xf32, #tpu.memory_space<vmem>>[vector<16xi32>, vector<16xi32>], vector<16xf32>,
    %gather3A_280 = tpu.vector_load_idx %arg6[%broadcast_in_dim3A_278, %add3A_243] : memref<16x2048xf32, #tpu.memory_space<vmem>>[vector<16xi32>, vector<16xi32>], vector<16xf32>,
    %gather3A_281 = tpu.vector_load_idx %arg6[%broadcast_in_dim3A_278, %add3A_276] : memref<16x2048xf32, #tpu.memory_space<vmem>>[vector<16xi32>, vector<16xi32>], vector<16xf32>,
    %swap3A = arith.constant 0 : i32
    %swap3A_282 = arith.index_cast %swap3A : i32 to index
    %swap3A_283 = arith.constant 0 : index
    %swap3A_284 = tpu.vector_load %arg9[%swap3A_282, %swap3A_283] {strides = array<i32>} : memref<16x64xf32, #tpu.memory_space<vmem>>, vector<16xf32>,
    tpu.vector_store %arg9[%swap3A_282, %swap3A_283], %gather3A {strides = array<i32>} : memref<16x64xf32, #tpu.memory_space<vmem>>, vector<16xf32>,
    %swap3A_285 = arith.constant 0 : i32
    %swap3A_286 = arith.index_cast %swap3A_285 : i32 to index
    %swap3A_287 = arith.constant 16 : index
    %swap3A_288 = tpu.vector_load %arg9[%swap3A_286, %swap3A_287] {strides = array<i32>} : memref<16x64xf32, #tpu.memory_space<vmem>>, vector<16xf32>,
    tpu.vector_store %arg9[%swap3A_286, %swap3A_287], %gather3A_279 {strides = array<i32>} : memref<16x64xf32, #tpu.memory_space<vmem>>, vector<16xf32>,
    %swap3A_289 = arith.constant 0 : i32
    %swap3A_290 = arith.index_cast %swap3A_289 : i32 to index
    %swap3A_291 = arith.constant 32 : index
    %swap3A_292 = tpu.vector_load %arg9[%swap3A_290, %swap3A_291] {strides = array<i32>} : memref<16x64xf32, #tpu.memory_space<vmem>>, vector<16xf32>,
    tpu.vector_store %arg9[%swap3A_290, %swap3A_291], %gather3A_280 {strides = array<i32>} : memref<16x64xf32, #tpu.memory_space<vmem>>, vector<16xf32>,
    %swap3A_293 = arith.constant 0 : i32
    %swap3A_294 = arith.index_cast %swap3A_293 : i32 to index
    %swap3A_295 = arith.constant 48 : index
    %swap3A_296 = tpu.vector_load %arg9[%swap3A_294, %swap3A_295] {strides = array<i32>} : memref<16x64xf32, #tpu.memory_space<vmem>>, vector<16xf32>,
    tpu.vector_store %arg9[%swap3A_294, %swap3A_295], %gather3A_281 {strides = array<i32>} : memref<16x64xf32, #tpu.memory_space<vmem>>, vector<16xf32>,
    %broadcast_in_dim3A_297 = arith.constant 1 : i32
    %broadcast_in_dim3A_298 = vector.broadcast %broadcast_in_dim3A_297 : i32 to vector<16xi32>
    %gather3A_299 = tpu.vector_load_idx %arg6[%broadcast_in_dim3A_298, %add3A_177] : memref<16x2048xf32, #tpu.memory_space<vmem>>[vector<16xi32>, vector<16xi32>], vector<16xf32>,
    %gather3A_300 = tpu.vector_load_idx %arg6[%broadcast_in_dim3A_298, %add3A_210] : memref<16x2048xf32, #tpu.memory_space<vmem>>[vector<16xi32>, vector<16xi32>], vector<16xf32>,
    %gather3A_301 = tpu.vector_load_idx %arg6[%broadcast_in_dim3A_298, %add3A_243] : memref<16x2048xf32, #tpu.memory_space<vmem>>[vector<16xi32>, vector<16xi32>], vector<16xf32>,
    %gather3A_302 = tpu.vector_load_idx %arg6[%broadcast_in_dim3A_298, %add3A_276] : memref<16x2048xf32, #tpu.memory_space<vmem>>[vector<16xi32>, vector<16xi32>], vector<16xf32>,
    %swap3A_303 = arith.constant 1 : i32
    %swap3A_304 = arith.index_cast %swap3A_303 : i32 to index
    %swap3A_305 = arith.constant 0 : index
    %swap3A_306 = tpu.vector_load %arg9[%swap3A_304, %swap3A_305] {strides = array<i32>} : memref<16x64xf32, #tpu.memory_space<vmem>>, vector<16xf32>,
    tpu.vector_store %arg9[%swap3A_304, %swap3A_305], %gather3A_299 {strides = array<i32>} : memref<16x64xf32, #tpu.memory_space<vmem>>, vector<16xf32>,
    %swap3A_307 = arith.constant 1 : i32
    %swap3A_308 = arith.index_cast %swap3A_307 : i32 to index
    %swap3A_309 = arith.constant 16 : index
    %swap3A_310 = tpu.vector_load %arg9[%swap3A_308, %swap3A_309] {strides = array<i32>} : memref<16x64xf32, #tpu.memory_space<vmem>>, vector<16xf32>,
    tpu.vector_store %arg9[%swap3A_308, %swap3A_309], %gather3A_300 {strides = array<i32>} : memref<16x64xf32, #tpu.memory_space<vmem>>, vector<16xf32>,
    %swap3A_311 = arith.constant 1 : i32
    %swap3A_312 = arith.index_cast %swap3A_311 : i32 to index
    %swap3A_313 = arith.constant 32 : index
    %swap3A_314 = tpu.vector_load %arg9[%swap3A_312, %swap3A_313] {strides = array<i32>} : memref<16x64xf32, #tpu.memory_space<vmem>>, vector<16xf32>,
    tpu.vector_store %arg9[%swap3A_312, %swap3A_313], %gather3A_301 {strides = array<i32>} : memref<16x64xf32, #tpu.memory_space<vmem>>, vector<16xf32>,
    %swap3A_315 = arith.constant 1 : i32
    %swap3A_316 = arith.index_cast %swap3A_315 : i32 to index
    %swap3A_317 = arith.constant 48 : index
    %swap3A_318 = tpu.vector_load %arg9[%swap3A_316, %swap3A_317] {strides = array<i32>} : memref<16x64xf32, #tpu.memory_space<vmem>>, vector<16xf32>,
    tpu.vector_store %arg9[%swap3A_316, %swap3A_317], %gather3A_302 {strides = array<i32>} : memref<16x64xf32, #tpu.memory_space<vmem>>, vector<16xf32>,
    %broadcast_in_dim3A_319 = arith.constant 2 : i32
    %broadcast_in_dim3A_320 = vector.broadcast %broadcast_in_dim3A_319 : i32 to vector<16xi32>
    %gather3A_321 = tpu.vector_load_idx %arg6[%broadcast_in_dim3A_320, %add3A_177] : memref<16x2048xf32, #tpu.memory_space<vmem>>[vector<16xi32>, vector<16xi32>], vector<16xf32>,
    %gather3A_322 = tpu.vector_load_idx %arg6[%broadcast_in_dim3A_320, %add3A_210] : memref<16x2048xf32, #tpu.memory_space<vmem>>[vector<16xi32>, vector<16xi32>], vector<16xf32>,
    %gather3A_323 = tpu.vector_load_idx %arg6[%broadcast_in_dim3A_320, %add3A_243] : memref<16x2048xf32, #tpu.memory_space<vmem>>[vector<16xi32>, vector<16xi32>], vector<16xf32>,
    %gather3A_324 = tpu.vector_load_idx %arg6[%broadcast_in_dim3A_320, %add3A_276] : memref<16x2048xf32, #tpu.memory_space<vmem>>[vector<16xi32>, vector<16xi32>], vector<16xf32>,
    %swap3A_325 = arith.constant 2 : i32
    %swap3A_326 = arith.index_cast %swap3A_325 : i32 to index
    %swap3A_327 = arith.constant 0 : index
    %swap3A_328 = tpu.vector_load %arg9[%swap3A_326, %swap3A_327] {strides = array<i32>} : memref<16x64xf32, #tpu.memory_space<vmem>>, vector<16xf32>,
    tpu.vector_store %arg9[%swap3A_326, %swap3A_327], %gather3A_321 {strides = array<i32>} : memref<16x64xf32, #tpu.memory_space<vmem>>, vector<16xf32>,
    %swap3A_329 = arith.constant 2 : i32
    %swap3A_330 = arith.index_cast %swap3A_329 : i32 to index
    %swap3A_331 = arith.constant 16 : index
    %swap3A_332 = tpu.vector_load %arg9[%swap3A_330, %swap3A_331] {strides = array<i32>} : memref<16x64xf32, #tpu.memory_space<vmem>>, vector<16xf32>,
    tpu.vector_store %arg9[%swap3A_330, %swap3A_331], %gather3A_322 {strides = array<i32>} : memref<16x64xf32, #tpu.memory_space<vmem>>, vector<16xf32>,
    %swap3A_333 = arith.constant 2 : i32
    %swap3A_334 = arith.index_cast %swap3A_333 : i32 to index
    %swap3A_335 = arith.constant 32 : index
    %swap3A_336 = tpu.vector_load %arg9[%swap3A_334, %swap3A_335] {strides = array<i32>} : memref<16x64xf32, #tpu.memory_space<vmem>>, vector<16xf32>,
    tpu.vector_store %arg9[%swap3A_334, %swap3A_335], %gather3A_323 {strides = array<i32>} : memref<16x64xf32, #tpu.memory_space<vmem>>, vector<16xf32>,
    %swap3A_337 = arith.constant 2 : i32
    %swap3A_338 = arith.index_cast %swap3A_337 : i32 to index
    %swap3A_339 = arith.constant 48 : index
    %swap3A_340 = tpu.vector_load %arg9[%swap3A_338, %swap3A_339] {strides = array<i32>} : memref<16x64xf32, #tpu.memory_space<vmem>>, vector<16xf32>,
    tpu.vector_store %arg9[%swap3A_338, %swap3A_339], %gather3A_324 {strides = array<i32>} : memref<16x64xf32, #tpu.memory_space<vmem>>, vector<16xf32>,
    %broadcast_in_dim3A_341 = arith.constant 3 : i32
    %broadcast_in_dim3A_342 = vector.broadcast %broadcast_in_dim3A_341 : i32 to vector<16xi32>
    %gather3A_343 = tpu.vector_load_idx %arg6[%broadcast_in_dim3A_342, %add3A_177] : memref<16x2048xf32, #tpu.memory_space<vmem>>[vector<16xi32>, vector<16xi32>], vector<16xf32>,
    %gather3A_344 = tpu.vector_load_idx %arg6[%broadcast_in_dim3A_342, %add3A_210] : memref<16x2048xf32, #tpu.memory_space<vmem>>[vector<16xi32>, vector<16xi32>], vector<16xf32>,
    %gather3A_345 = tpu.vector_load_idx %arg6[%broadcast_in_dim3A_342, %add3A_243] : memref<16x2048xf32, #tpu.memory_space<vmem>>[vector<16xi32>, vector<16xi32>], vector<16xf32>,
    %gather3A_346 = tpu.vector_load_idx %arg6[%broadcast_in_dim3A_342, %add3A_276] : memref<16x2048xf32, #tpu.memory_space<vmem>>[vector<16xi32>, vector<16xi32>], vector<16xf32>,
    %swap3A_347 = arith.constant 3 : i32
    %swap3A_348 = arith.index_cast %swap3A_347 : i32 to index
    %swap3A_349 = arith.constant 0 : index
    %swap3A_350 = tpu.vector_load %arg9[%swap3A_348, %swap3A_349] {strides = array<i32>} : memref<16x64xf32, #tpu.memory_space<vmem>>, vector<16xf32>,
    tpu.vector_store %arg9[%swap3A_348, %swap3A_349], %gather3A_343 {strides = array<i32>} : memref<16x64xf32, #tpu.memory_space<vmem>>, vector<16xf32>,
    %swap3A_351 = arith.constant 3 : i32
    %swap3A_352 = arith.index_cast %swap3A_351 : i32 to index
    %swap3A_353 = arith.constant 16 : index
    %swap3A_354 = tpu.vector_load %arg9[%swap3A_352, %swap3A_353] {strides = array<i32>} : memref<16x64xf32, #tpu.memory_space<vmem>>, vector<16xf32>,
    tpu.vector_store %arg9[%swap3A_352, %swap3A_353], %gather3A_344 {strides = array<i32>} : memref<16x64xf32, #tpu.memory_space<vmem>>, vector<16xf32>,
    %swap3A_355 = arith.constant 3 : i32
    %swap3A_356 = arith.index_cast %swap3A_355 : i32 to index
    %swap3A_357 = arith.constant 32 : index
    %swap3A_358 = tpu.vector_load %arg9[%swap3A_356, %swap3A_357] {strides = array<i32>} : memref<16x64xf32, #tpu.memory_space<vmem>>, vector<16xf32>,
    tpu.vector_store %arg9[%swap3A_356, %swap3A_357], %gather3A_345 {strides = array<i32>} : memref<16x64xf32, #tpu.memory_space<vmem>>, vector<16xf32>,
    %swap3A_359 = arith.constant 3 : i32
    %swap3A_360 = arith.index_cast %swap3A_359 : i32 to index
    %swap3A_361 = arith.constant 48 : index
    %swap3A_362 = tpu.vector_load %arg9[%swap3A_360, %swap3A_361] {strides = array<i32>} : memref<16x64xf32, #tpu.memory_space<vmem>>, vector<16xf32>,
    tpu.vector_store %arg9[%swap3A_360, %swap3A_361], %gather3A_346 {strides = array<i32>} : memref<16x64xf32, #tpu.memory_space<vmem>>, vector<16xf32>,
    %broadcast_in_dim3A_363 = arith.constant 4 : i32
    %broadcast_in_dim3A_364 = vector.broadcast %broadcast_in_dim3A_363 : i32 to vector<16xi32>
    %gather3A_365 = tpu.vector_load_idx %arg6[%broadcast_in_dim3A_364, %add3A_177] : memref<16x2048xf32, #tpu.memory_space<vmem>>[vector<16xi32>, vector<16xi32>], vector<16xf32>,
    %gather3A_366 = tpu.vector_load_idx %arg6[%broadcast_in_dim3A_364, %add3A_210] : memref<16x2048xf32, #tpu.memory_space<vmem>>[vector<16xi32>, vector<16xi32>], vector<16xf32>,
    %gather3A_367 = tpu.vector_load_idx %arg6[%broadcast_in_dim3A_364, %add3A_243] : memref<16x2048xf32, #tpu.memory_space<vmem>>[vector<16xi32>, vector<16xi32>], vector<16xf32>,
    %gather3A_368 = tpu.vector_load_idx %arg6[%broadcast_in_dim3A_364, %add3A_276] : memref<16x2048xf32, #tpu.memory_space<vmem>>[vector<16xi32>, vector<16xi32>], vector<16xf32>,
    %swap3A_369 = arith.constant 4 : i32
    %swap3A_370 = arith.index_cast %swap3A_369 : i32 to index
    %swap3A_371 = arith.constant 0 : index
    %swap3A_372 = tpu.vector_load %arg9[%swap3A_370, %swap3A_371] {strides = array<i32>} : memref<16x64xf32, #tpu.memory_space<vmem>>, vector<16xf32>,
    tpu.vector_store %arg9[%swap3A_370, %swap3A_371], %gather3A_365 {strides = array<i32>} : memref<16x64xf32, #tpu.memory_space<vmem>>, vector<16xf32>,
    %swap3A_373 = arith.constant 4 : i32
    %swap3A_374 = arith.index_cast %swap3A_373 : i32 to index
    %swap3A_375 = arith.constant 16 : index
    %swap3A_376 = tpu.vector_load %arg9[%swap3A_374, %swap3A_375] {strides = array<i32>} : memref<16x64xf32, #tpu.memory_space<vmem>>, vector<16xf32>,
    tpu.vector_store %arg9[%swap3A_374, %swap3A_375], %gather3A_366 {strides = array<i32>} : memref<16x64xf32, #tpu.memory_space<vmem>>, vector<16xf32>,
    %swap3A_377 = arith.constant 4 : i32
    %swap3A_378 = arith.index_cast %swap3A_377 : i32 to index
    %swap3A_379 = arith.constant 32 : index
    %swap3A_380 = tpu.vector_load %arg9[%swap3A_378, %swap3A_379] {strides = array<i32>} : memref<16x64xf32, #tpu.memory_space<vmem>>, vector<16xf32>,
    tpu.vector_store %arg9[%swap3A_378, %swap3A_379], %gather3A_367 {strides = array<i32>} : memref<16x64xf32, #tpu.memory_space<vmem>>, vector<16xf32>,
    %swap3A_381 = arith.constant 4 : i32
    %swap3A_382 = arith.index_cast %swap3A_381 : i32 to index
    %swap3A_383 = arith.constant 48 : index
    %swap3A_384 = tpu.vector_load %arg9[%swap3A_382, %swap3A_383] {strides = array<i32>} : memref<16x64xf32, #tpu.memory_space<vmem>>, vector<16xf32>,
    tpu.vector_store %arg9[%swap3A_382, %swap3A_383], %gather3A_368 {strides = array<i32>} : memref<16x64xf32, #tpu.memory_space<vmem>>, vector<16xf32>,
    %broadcast_in_dim3A_385 = arith.constant 5 : i32
    %broadcast_in_dim3A_386 = vector.broadcast %broadcast_in_dim3A_385 : i32 to vector<16xi32>
    %gather3A_387 = tpu.vector_load_idx %arg6[%broadcast_in_dim3A_386, %add3A_177] : memref<16x2048xf32, #tpu.memory_space<vmem>>[vector<16xi32>, vector<16xi32>], vector<16xf32>,
    %gather3A_388 = tpu.vector_load_idx %arg6[%broadcast_in_dim3A_386, %add3A_210] : memref<16x2048xf32, #tpu.memory_space<vmem>>[vector<16xi32>, vector<16xi32>], vector<16xf32>,
    %gather3A_389 = tpu.vector_load_idx %arg6[%broadcast_in_dim3A_386, %add3A_243] : memref<16x2048xf32, #tpu.memory_space<vmem>>[vector<16xi32>, vector<16xi32>], vector<16xf32>,
    %gather3A_390 = tpu.vector_load_idx %arg6[%broadcast_in_dim3A_386, %add3A_276] : memref<16x2048xf32, #tpu.memory_space<vmem>>[vector<16xi32>, vector<16xi32>], vector<16xf32>,
    %swap3A_391 = arith.constant 5 : i32
    %swap3A_392 = arith.index_cast %swap3A_391 : i32 to index
    %swap3A_393 = arith.constant 0 : index
    %swap3A_394 = tpu.vector_load %arg9[%swap3A_392, %swap3A_393] {strides = array<i32>} : memref<16x64xf32, #tpu.memory_space<vmem>>, vector<16xf32>,
    tpu.vector_store %arg9[%swap3A_392, %swap3A_393], %gather3A_387 {strides = array<i32>} : memref<16x64xf32, #tpu.memory_space<vmem>>, vector<16xf32>,
    %swap3A_395 = arith.constant 5 : i32
    %swap3A_396 = arith.index_cast %swap3A_395 : i32 to index
    %swap3A_397 = arith.constant 16 : index
    %swap3A_398 = tpu.vector_load %arg9[%swap3A_396, %swap3A_397] {strides = array<i32>} : memref<16x64xf32, #tpu.memory_space<vmem>>, vector<16xf32>,
    tpu.vector_store %arg9[%swap3A_396, %swap3A_397], %gather3A_388 {strides = array<i32>} : memref<16x64xf32, #tpu.memory_space<vmem>>, vector<16xf32>,
    %swap3A_399 = arith.constant 5 : i32
    %swap3A_400 = arith.index_cast %swap3A_399 : i32 to index
    %swap3A_401 = arith.constant 32 : index
    %swap3A_402 = tpu.vector_load %arg9[%swap3A_400, %swap3A_401] {strides = array<i32>} : memref<16x64xf32, #tpu.memory_space<vmem>>, vector<16xf32>,
    tpu.vector_store %arg9[%swap3A_400, %swap3A_401], %gather3A_389 {strides = array<i32>} : memref<16x64xf32, #tpu.memory_space<vmem>>, vector<16xf32>,
    %swap3A_403 = arith.constant 5 : i32
    %swap3A_404 = arith.index_cast %swap3A_403 : i32 to index
    %swap3A_405 = arith.constant 48 : index
    %swap3A_406 = tpu.vector_load %arg9[%swap3A_404, %swap3A_405] {strides = array<i32>} : memref<16x64xf32, #tpu.memory_space<vmem>>, vector<16xf32>,
    tpu.vector_store %arg9[%swap3A_404, %swap3A_405], %gather3A_390 {strides = array<i32>} : memref<16x64xf32, #tpu.memory_space<vmem>>, vector<16xf32>,
    %broadcast_in_dim3A_407 = arith.constant 6 : i32
    %broadcast_in_dim3A_408 = vector.broadcast %broadcast_in_dim3A_407 : i32 to vector<16xi32>
    %gather3A_409 = tpu.vector_load_idx %arg6[%broadcast_in_dim3A_408, %add3A_177] : memref<16x2048xf32, #tpu.memory_space<vmem>>[vector<16xi32>, vector<16xi32>], vector<16xf32>,
    %gather3A_410 = tpu.vector_load_idx %arg6[%broadcast_in_dim3A_408, %add3A_210] : memref<16x2048xf32, #tpu.memory_space<vmem>>[vector<16xi32>, vector<16xi32>], vector<16xf32>,
    %gather3A_411 = tpu.vector_load_idx %arg6[%broadcast_in_dim3A_408, %add3A_243] : memref<16x2048xf32, #tpu.memory_space<vmem>>[vector<16xi32>, vector<16xi32>], vector<16xf32>,
    %gather3A_412 = tpu.vector_load_idx %arg6[%broadcast_in_dim3A_408, %add3A_276] : memref<16x2048xf32, #tpu.memory_space<vmem>>[vector<16xi32>, vector<16xi32>], vector<16xf32>,
    %swap3A_413 = arith.constant 6 : i32
    %swap3A_414 = arith.index_cast %swap3A_413 : i32 to index
    %swap3A_415 = arith.constant 0 : index
    %swap3A_416 = tpu.vector_load %arg9[%swap3A_414, %swap3A_415] {strides = array<i32>} : memref<16x64xf32, #tpu.memory_space<vmem>>, vector<16xf32>,
    tpu.vector_store %arg9[%swap3A_414, %swap3A_415], %gather3A_409 {strides = array<i32>} : memref<16x64xf32, #tpu.memory_space<vmem>>, vector<16xf32>,
    %swap3A_417 = arith.constant 6 : i32
    %swap3A_418 = arith.index_cast %swap3A_417 : i32 to index
    %swap3A_419 = arith.constant 16 : index
    %swap3A_420 = tpu.vector_load %arg9[%swap3A_418, %swap3A_419] {strides = array<i32>} : memref<16x64xf32, #tpu.memory_space<vmem>>, vector<16xf32>,
    tpu.vector_store %arg9[%swap3A_418, %swap3A_419], %gather3A_410 {strides = array<i32>} : memref<16x64xf32, #tpu.memory_space<vmem>>, vector<16xf32>,
    %swap3A_421 = arith.constant 6 : i32
    %swap3A_422 = arith.index_cast %swap3A_421 : i32 to index
    %swap3A_423 = arith.constant 32 : index
    %swap3A_424 = tpu.vector_load %arg9[%swap3A_422, %swap3A_423] {strides = array<i32>} : memref<16x64xf32, #tpu.memory_space<vmem>>, vector<16xf32>,
    tpu.vector_store %arg9[%swap3A_422, %swap3A_423], %gather3A_411 {strides = array<i32>} : memref<16x64xf32, #tpu.memory_space<vmem>>, vector<16xf32>,
    %swap3A_425 = arith.constant 6 : i32
    %swap3A_426 = arith.index_cast %swap3A_425 : i32 to index
    %swap3A_427 = arith.constant 48 : index
    %swap3A_428 = tpu.vector_load %arg9[%swap3A_426, %swap3A_427] {strides = array<i32>} : memref<16x64xf32, #tpu.memory_space<vmem>>, vector<16xf32>,
    tpu.vector_store %arg9[%swap3A_426, %swap3A_427], %gather3A_412 {strides = array<i32>} : memref<16x64xf32, #tpu.memory_space<vmem>>, vector<16xf32>,
    %broadcast_in_dim3A_429 = arith.constant 7 : i32
    %broadcast_in_dim3A_430 = vector.broadcast %broadcast_in_dim3A_429 : i32 to vector<16xi32>
    %gather3A_431 = tpu.vector_load_idx %arg6[%broadcast_in_dim3A_430, %add3A_177] : memref<16x2048xf32, #tpu.memory_space<vmem>>[vector<16xi32>, vector<16xi32>], vector<16xf32>,
    %gather3A_432 = tpu.vector_load_idx %arg6[%broadcast_in_dim3A_430, %add3A_210] : memref<16x2048xf32, #tpu.memory_space<vmem>>[vector<16xi32>, vector<16xi32>], vector<16xf32>,
    %gather3A_433 = tpu.vector_load_idx %arg6[%broadcast_in_dim3A_430, %add3A_243] : memref<16x2048xf32, #tpu.memory_space<vmem>>[vector<16xi32>, vector<16xi32>], vector<16xf32>,
    %gather3A_434 = tpu.vector_load_idx %arg6[%broadcast_in_dim3A_430, %add3A_276] : memref<16x2048xf32, #tpu.memory_space<vmem>>[vector<16xi32>, vector<16xi32>], vector<16xf32>,
    %swap3A_435 = arith.constant 7 : i32
    %swap3A_436 = arith.index_cast %swap3A_435 : i32 to index
    %swap3A_437 = arith.constant 0 : index
    %swap3A_438 = tpu.vector_load %arg9[%swap3A_436, %swap3A_437] {strides = array<i32>} : memref<16x64xf32, #tpu.memory_space<vmem>>, vector<16xf32>,
    tpu.vector_store %arg9[%swap3A_436, %swap3A_437], %gather3A_431 {strides = array<i32>} : memref<16x64xf32, #tpu.memory_space<vmem>>, vector<16xf32>,
    %swap3A_439 = arith.constant 7 : i32
    %swap3A_440 = arith.index_cast %swap3A_439 : i32 to index
    %swap3A_441 = arith.constant 16 : index
    %swap3A_442 = tpu.vector_load %arg9[%swap3A_440, %swap3A_441] {strides = array<i32>} : memref<16x64xf32, #tpu.memory_space<vmem>>, vector<16xf32>,
    tpu.vector_store %arg9[%swap3A_440, %swap3A_441], %gather3A_432 {strides = array<i32>} : memref<16x64xf32, #tpu.memory_space<vmem>>, vector<16xf32>,
    %swap3A_443 = arith.constant 7 : i32
    %swap3A_444 = arith.index_cast %swap3A_443 : i32 to index
    %swap3A_445 = arith.constant 32 : index
    %swap3A_446 = tpu.vector_load %arg9[%swap3A_444, %swap3A_445] {strides = array<i32>} : memref<16x64xf32, #tpu.memory_space<vmem>>, vector<16xf32>,
    tpu.vector_store %arg9[%swap3A_444, %swap3A_445], %gather3A_433 {strides = array<i32>} : memref<16x64xf32, #tpu.memory_space<vmem>>, vector<16xf32>,
    %swap3A_447 = arith.constant 7 : i32
    %swap3A_448 = arith.index_cast %swap3A_447 : i32 to index
    %swap3A_449 = arith.constant 48 : index
    %swap3A_450 = tpu.vector_load %arg9[%swap3A_448, %swap3A_449] {strides = array<i32>} : memref<16x64xf32, #tpu.memory_space<vmem>>, vector<16xf32>,
    tpu.vector_store %arg9[%swap3A_448, %swap3A_449], %gather3A_434 {strides = array<i32>} : memref<16x64xf32, #tpu.memory_space<vmem>>, vector<16xf32>,
    %broadcast_in_dim3A_451 = arith.constant 8 : i32
    %broadcast_in_dim3A_452 = vector.broadcast %broadcast_in_dim3A_451 : i32 to vector<16xi32>
    %gather3A_453 = tpu.vector_load_idx %arg6[%broadcast_in_dim3A_452, %add3A_177] : memref<16x2048xf32, #tpu.memory_space<vmem>>[vector<16xi32>, vector<16xi32>], vector<16xf32>,
    %gather3A_454 = tpu.vector_load_idx %arg6[%broadcast_in_dim3A_452, %add3A_210] : memref<16x2048xf32, #tpu.memory_space<vmem>>[vector<16xi32>, vector<16xi32>], vector<16xf32>,
    %gather3A_455 = tpu.vector_load_idx %arg6[%broadcast_in_dim3A_452, %add3A_243] : memref<16x2048xf32, #tpu.memory_space<vmem>>[vector<16xi32>, vector<16xi32>], vector<16xf32>,
    %gather3A_456 = tpu.vector_load_idx %arg6[%broadcast_in_dim3A_452, %add3A_276] : memref<16x2048xf32, #tpu.memory_space<vmem>>[vector<16xi32>, vector<16xi32>], vector<16xf32>,
    %swap3A_457 = arith.constant 8 : i32
    %swap3A_458 = arith.index_cast %swap3A_457 : i32 to index
    %swap3A_459 = arith.constant 0 : index
    %swap3A_460 = tpu.vector_load %arg9[%swap3A_458, %swap3A_459] {strides = array<i32>} : memref<16x64xf32, #tpu.memory_space<vmem>>, vector<16xf32>,
    tpu.vector_store %arg9[%swap3A_458, %swap3A_459], %gather3A_453 {strides = array<i32>} : memref<16x64xf32, #tpu.memory_space<vmem>>, vector<16xf32>,
    %swap3A_461 = arith.constant 8 : i32
    %swap3A_462 = arith.index_cast %swap3A_461 : i32 to index
    %swap3A_463 = arith.constant 16 : index
    %swap3A_464 = tpu.vector_load %arg9[%swap3A_462, %swap3A_463] {strides = array<i32>} : memref<16x64xf32, #tpu.memory_space<vmem>>, vector<16xf32>,
    tpu.vector_store %arg9[%swap3A_462, %swap3A_463], %gather3A_454 {strides = array<i32>} : memref<16x64xf32, #tpu.memory_space<vmem>>, vector<16xf32>,
    %swap3A_465 = arith.constant 8 : i32
    %swap3A_466 = arith.index_cast %swap3A_465 : i32 to index
    %swap3A_467 = arith.constant 32 : index
    %swap3A_468 = tpu.vector_load %arg9[%swap3A_466, %swap3A_467] {strides = array<i32>} : memref<16x64xf32, #tpu.memory_space<vmem>>, vector<16xf32>,
    tpu.vector_store %arg9[%swap3A_466, %swap3A_467], %gather3A_455 {strides = array<i32>} : memref<16x64xf32, #tpu.memory_space<vmem>>, vector<16xf32>,
    %swap3A_469 = arith.constant 8 : i32
    %swap3A_470 = arith.index_cast %swap3A_469 : i32 to index
    %swap3A_471 = arith.constant 48 : index
    %swap3A_472 = tpu.vector_load %arg9[%swap3A_470, %swap3A_471] {strides = array<i32>} : memref<16x64xf32, #tpu.memory_space<vmem>>, vector<16xf32>,
    tpu.vector_store %arg9[%swap3A_470, %swap3A_471], %gather3A_456 {strides = array<i32>} : memref<16x64xf32, #tpu.memory_space<vmem>>, vector<16xf32>,
    %broadcast_in_dim3A_473 = arith.constant 9 : i32
    %broadcast_in_dim3A_474 = vector.broadcast %broadcast_in_dim3A_473 : i32 to vector<16xi32>
    %gather3A_475 = tpu.vector_load_idx %arg6[%broadcast_in_dim3A_474, %add3A_177] : memref<16x2048xf32, #tpu.memory_space<vmem>>[vector<16xi32>, vector<16xi32>], vector<16xf32>,
    %gather3A_476 = tpu.vector_load_idx %arg6[%broadcast_in_dim3A_474, %add3A_210] : memref<16x2048xf32, #tpu.memory_space<vmem>>[vector<16xi32>, vector<16xi32>], vector<16xf32>,
    %gather3A_477 = tpu.vector_load_idx %arg6[%broadcast_in_dim3A_474, %add3A_243] : memref<16x2048xf32, #tpu.memory_space<vmem>>[vector<16xi32>, vector<16xi32>], vector<16xf32>,
    %gather3A_478 = tpu.vector_load_idx %arg6[%broadcast_in_dim3A_474, %add3A_276] : memref<16x2048xf32, #tpu.memory_space<vmem>>[vector<16xi32>, vector<16xi32>], vector<16xf32>,
    %swap3A_479 = arith.constant 9 : i32
    %swap3A_480 = arith.index_cast %swap3A_479 : i32 to index
    %swap3A_481 = arith.constant 0 : index
    %swap3A_482 = tpu.vector_load %arg9[%swap3A_480, %swap3A_481] {strides = array<i32>} : memref<16x64xf32, #tpu.memory_space<vmem>>, vector<16xf32>,
    tpu.vector_store %arg9[%swap3A_480, %swap3A_481], %gather3A_475 {strides = array<i32>} : memref<16x64xf32, #tpu.memory_space<vmem>>, vector<16xf32>,
    %swap3A_483 = arith.constant 9 : i32
    %swap3A_484 = arith.index_cast %swap3A_483 : i32 to index
    %swap3A_485 = arith.constant 16 : index
    %swap3A_486 = tpu.vector_load %arg9[%swap3A_484, %swap3A_485] {strides = array<i32>} : memref<16x64xf32, #tpu.memory_space<vmem>>, vector<16xf32>,
    tpu.vector_store %arg9[%swap3A_484, %swap3A_485], %gather3A_476 {strides = array<i32>} : memref<16x64xf32, #tpu.memory_space<vmem>>, vector<16xf32>,
    %swap3A_487 = arith.constant 9 : i32
    %swap3A_488 = arith.index_cast %swap3A_487 : i32 to index
    %swap3A_489 = arith.constant 32 : index
    %swap3A_490 = tpu.vector_load %arg9[%swap3A_488, %swap3A_489] {strides = array<i32>} : memref<16x64xf32, #tpu.memory_space<vmem>>, vector<16xf32>,
    tpu.vector_store %arg9[%swap3A_488, %swap3A_489], %gather3A_477 {strides = array<i32>} : memref<16x64xf32, #tpu.memory_space<vmem>>, vector<16xf32>,
    %swap3A_491 = arith.constant 9 : i32
    %swap3A_492 = arith.index_cast %swap3A_491 : i32 to index
    %swap3A_493 = arith.constant 48 : index
    %swap3A_494 = tpu.vector_load %arg9[%swap3A_492, %swap3A_493] {strides = array<i32>} : memref<16x64xf32, #tpu.memory_space<vmem>>, vector<16xf32>,
    tpu.vector_store %arg9[%swap3A_492, %swap3A_493], %gather3A_478 {strides = array<i32>} : memref<16x64xf32, #tpu.memory_space<vmem>>, vector<16xf32>,
    %broadcast_in_dim3A_495 = arith.constant 10 : i32
    %broadcast_in_dim3A_496 = vector.broadcast %broadcast_in_dim3A_495 : i32 to vector<16xi32>
    %gather3A_497 = tpu.vector_load_idx %arg6[%broadcast_in_dim3A_496, %add3A_177] : memref<16x2048xf32, #tpu.memory_space<vmem>>[vector<16xi32>, vector<16xi32>], vector<16xf32>,
    %gather3A_498 = tpu.vector_load_idx %arg6[%broadcast_in_dim3A_496, %add3A_210] : memref<16x2048xf32, #tpu.memory_space<vmem>>[vector<16xi32>, vector<16xi32>], vector<16xf32>,
    %gather3A_499 = tpu.vector_load_idx %arg6[%broadcast_in_dim3A_496, %add3A_243] : memref<16x2048xf32, #tpu.memory_space<vmem>>[vector<16xi32>, vector<16xi32>], vector<16xf32>,
    %gather3A_500 = tpu.vector_load_idx %arg6[%broadcast_in_dim3A_496, %add3A_276] : memref<16x2048xf32, #tpu.memory_space<vmem>>[vector<16xi32>, vector<16xi32>], vector<16xf32>,
    %swap3A_501 = arith.constant 10 : i32
    %swap3A_502 = arith.index_cast %swap3A_501 : i32 to index
    %swap3A_503 = arith.constant 0 : index
    %swap3A_504 = tpu.vector_load %arg9[%swap3A_502, %swap3A_503] {strides = array<i32>} : memref<16x64xf32, #tpu.memory_space<vmem>>, vector<16xf32>,
    tpu.vector_store %arg9[%swap3A_502, %swap3A_503], %gather3A_497 {strides = array<i32>} : memref<16x64xf32, #tpu.memory_space<vmem>>, vector<16xf32>,
    %swap3A_505 = arith.constant 10 : i32
    %swap3A_506 = arith.index_cast %swap3A_505 : i32 to index
    %swap3A_507 = arith.constant 16 : index
    %swap3A_508 = tpu.vector_load %arg9[%swap3A_506, %swap3A_507] {strides = array<i32>} : memref<16x64xf32, #tpu.memory_space<vmem>>, vector<16xf32>,
    tpu.vector_store %arg9[%swap3A_506, %swap3A_507], %gather3A_498 {strides = array<i32>} : memref<16x64xf32, #tpu.memory_space<vmem>>, vector<16xf32>,
    %swap3A_509 = arith.constant 10 : i32
    %swap3A_510 = arith.index_cast %swap3A_509 : i32 to index
    %swap3A_511 = arith.constant 32 : index
    %swap3A_512 = tpu.vector_load %arg9[%swap3A_510, %swap3A_511] {strides = array<i32>} : memref<16x64xf32, #tpu.memory_space<vmem>>, vector<16xf32>,
    tpu.vector_store %arg9[%swap3A_510, %swap3A_511], %gather3A_499 {strides = array<i32>} : memref<16x64xf32, #tpu.memory_space<vmem>>, vector<16xf32>,
    %swap3A_513 = arith.constant 10 : i32
    %swap3A_514 = arith.index_cast %swap3A_513 : i32 to index
    %swap3A_515 = arith.constant 48 : index
    %swap3A_516 = tpu.vector_load %arg9[%swap3A_514, %swap3A_515] {strides = array<i32>} : memref<16x64xf32, #tpu.memory_space<vmem>>, vector<16xf32>,
    tpu.vector_store %arg9[%swap3A_514, %swap3A_515], %gather3A_500 {strides = array<i32>} : memref<16x64xf32, #tpu.memory_space<vmem>>, vector<16xf32>,
    %broadcast_in_dim3A_517 = arith.constant 11 : i32
    %broadcast_in_dim3A_518 = vector.broadcast %broadcast_in_dim3A_517 : i32 to vector<16xi32>
    %gather3A_519 = tpu.vector_load_idx %arg6[%broadcast_in_dim3A_518, %add3A_177] : memref<16x2048xf32, #tpu.memory_space<vmem>>[vector<16xi32>, vector<16xi32>], vector<16xf32>,
    %gather3A_520 = tpu.vector_load_idx %arg6[%broadcast_in_dim3A_518, %add3A_210] : memref<16x2048xf32, #tpu.memory_space<vmem>>[vector<16xi32>, vector<16xi32>], vector<16xf32>,
    %gather3A_521 = tpu.vector_load_idx %arg6[%broadcast_in_dim3A_518, %add3A_243] : memref<16x2048xf32, #tpu.memory_space<vmem>>[vector<16xi32>, vector<16xi32>], vector<16xf32>,
    %gather3A_522 = tpu.vector_load_idx %arg6[%broadcast_in_dim3A_518, %add3A_276] : memref<16x2048xf32, #tpu.memory_space<vmem>>[vector<16xi32>, vector<16xi32>], vector<16xf32>,
    %swap3A_523 = arith.constant 11 : i32
    %swap3A_524 = arith.index_cast %swap3A_523 : i32 to index
    %swap3A_525 = arith.constant 0 : index
    %swap3A_526 = tpu.vector_load %arg9[%swap3A_524, %swap3A_525] {strides = array<i32>} : memref<16x64xf32, #tpu.memory_space<vmem>>, vector<16xf32>,
    tpu.vector_store %arg9[%swap3A_524, %swap3A_525], %gather3A_519 {strides = array<i32>} : memref<16x64xf32, #tpu.memory_space<vmem>>, vector<16xf32>,
    %swap3A_527 = arith.constant 11 : i32
    %swap3A_528 = arith.index_cast %swap3A_527 : i32 to index
    %swap3A_529 = arith.constant 16 : index
    %swap3A_530 = tpu.vector_load %arg9[%swap3A_528, %swap3A_529] {strides = array<i32>} : memref<16x64xf32, #tpu.memory_space<vmem>>, vector<16xf32>,
    tpu.vector_store %arg9[%swap3A_528, %swap3A_529], %gather3A_520 {strides = array<i32>} : memref<16x64xf32, #tpu.memory_space<vmem>>, vector<16xf32>,
    %swap3A_531 = arith.constant 11 : i32
    %swap3A_532 = arith.index_cast %swap3A_531 : i32 to index
    %swap3A_533 = arith.constant 32 : index
    %swap3A_534 = tpu.vector_load %arg9[%swap3A_532, %swap3A_533] {strides = array<i32>} : memref<16x64xf32, #tpu.memory_space<vmem>>, vector<16xf32>,
    tpu.vector_store %arg9[%swap3A_532, %swap3A_533], %gather3A_521 {strides = array<i32>} : memref<16x64xf32, #tpu.memory_space<vmem>>, vector<16xf32>,
    %swap3A_535 = arith.constant 11 : i32
    %swap3A_536 = arith.index_cast %swap3A_535 : i32 to index
    %swap3A_537 = arith.constant 48 : index
    %swap3A_538 = tpu.vector_load %arg9[%swap3A_536, %swap3A_537] {strides = array<i32>} : memref<16x64xf32, #tpu.memory_space<vmem>>, vector<16xf32>,
    tpu.vector_store %arg9[%swap3A_536, %swap3A_537], %gather3A_522 {strides = array<i32>} : memref<16x64xf32, #tpu.memory_space<vmem>>, vector<16xf32>,
    %broadcast_in_dim3A_539 = arith.constant 12 : i32
    %broadcast_in_dim3A_540 = vector.broadcast %broadcast_in_dim3A_539 : i32 to vector<16xi32>
    %gather3A_541 = tpu.vector_load_idx %arg6[%broadcast_in_dim3A_540, %add3A_177] : memref<16x2048xf32, #tpu.memory_space<vmem>>[vector<16xi32>, vector<16xi32>], vector<16xf32>,
    %gather3A_542 = tpu.vector_load_idx %arg6[%broadcast_in_dim3A_540, %add3A_210] : memref<16x2048xf32, #tpu.memory_space<vmem>>[vector<16xi32>, vector<16xi32>], vector<16xf32>,
    %gather3A_543 = tpu.vector_load_idx %arg6[%broadcast_in_dim3A_540, %add3A_243] : memref<16x2048xf32, #tpu.memory_space<vmem>>[vector<16xi32>, vector<16xi32>], vector<16xf32>,
    %gather3A_544 = tpu.vector_load_idx %arg6[%broadcast_in_dim3A_540, %add3A_276] : memref<16x2048xf32, #tpu.memory_space<vmem>>[vector<16xi32>, vector<16xi32>], vector<16xf32>,
    %swap3A_545 = arith.constant 12 : i32
    %swap3A_546 = arith.index_cast %swap3A_545 : i32 to index
    %swap3A_547 = arith.constant 0 : index
    %swap3A_548 = tpu.vector_load %arg9[%swap3A_546, %swap3A_547] {strides = array<i32>} : memref<16x64xf32, #tpu.memory_space<vmem>>, vector<16xf32>,
    tpu.vector_store %arg9[%swap3A_546, %swap3A_547], %gather3A_541 {strides = array<i32>} : memref<16x64xf32, #tpu.memory_space<vmem>>, vector<16xf32>,
    %swap3A_549 = arith.constant 12 : i32
    %swap3A_550 = arith.index_cast %swap3A_549 : i32 to index
    %swap3A_551 = arith.constant 16 : index
    %swap3A_552 = tpu.vector_load %arg9[%swap3A_550, %swap3A_551] {strides = array<i32>} : memref<16x64xf32, #tpu.memory_space<vmem>>, vector<16xf32>,
    tpu.vector_store %arg9[%swap3A_550, %swap3A_551], %gather3A_542 {strides = array<i32>} : memref<16x64xf32, #tpu.memory_space<vmem>>, vector<16xf32>,
    %swap3A_553 = arith.constant 12 : i32
    %swap3A_554 = arith.index_cast %swap3A_553 : i32 to index
    %swap3A_555 = arith.constant 32 : index
    %swap3A_556 = tpu.vector_load %arg9[%swap3A_554, %swap3A_555] {strides = array<i32>} : memref<16x64xf32, #tpu.memory_space<vmem>>, vector<16xf32>,
    tpu.vector_store %arg9[%swap3A_554, %swap3A_555], %gather3A_543 {strides = array<i32>} : memref<16x64xf32, #tpu.memory_space<vmem>>, vector<16xf32>,
    %swap3A_557 = arith.constant 12 : i32
    %swap3A_558 = arith.index_cast %swap3A_557 : i32 to index
    %swap3A_559 = arith.constant 48 : index
    %swap3A_560 = tpu.vector_load %arg9[%swap3A_558, %swap3A_559] {strides = array<i32>} : memref<16x64xf32, #tpu.memory_space<vmem>>, vector<16xf32>,
    tpu.vector_store %arg9[%swap3A_558, %swap3A_559], %gather3A_544 {strides = array<i32>} : memref<16x64xf32, #tpu.memory_space<vmem>>, vector<16xf32>,
    %broadcast_in_dim3A_561 = arith.constant 13 : i32
    %broadcast_in_dim3A_562 = vector.broadcast %broadcast_in_dim3A_561 : i32 to vector<16xi32>
    %gather3A_563 = tpu.vector_load_idx %arg6[%broadcast_in_dim3A_562, %add3A_177] : memref<16x2048xf32, #tpu.memory_space<vmem>>[vector<16xi32>, vector<16xi32>], vector<16xf32>,
    %gather3A_564 = tpu.vector_load_idx %arg6[%broadcast_in_dim3A_562, %add3A_210] : memref<16x2048xf32, #tpu.memory_space<vmem>>[vector<16xi32>, vector<16xi32>], vector<16xf32>,
    %gather3A_565 = tpu.vector_load_idx %arg6[%broadcast_in_dim3A_562, %add3A_243] : memref<16x2048xf32, #tpu.memory_space<vmem>>[vector<16xi32>, vector<16xi32>], vector<16xf32>,
    %gather3A_566 = tpu.vector_load_idx %arg6[%broadcast_in_dim3A_562, %add3A_276] : memref<16x2048xf32, #tpu.memory_space<vmem>>[vector<16xi32>, vector<16xi32>], vector<16xf32>,
    %swap3A_567 = arith.constant 13 : i32
    %swap3A_568 = arith.index_cast %swap3A_567 : i32 to index
    %swap3A_569 = arith.constant 0 : index
    %swap3A_570 = tpu.vector_load %arg9[%swap3A_568, %swap3A_569] {strides = array<i32>} : memref<16x64xf32, #tpu.memory_space<vmem>>, vector<16xf32>,
    tpu.vector_store %arg9[%swap3A_568, %swap3A_569], %gather3A_563 {strides = array<i32>} : memref<16x64xf32, #tpu.memory_space<vmem>>, vector<16xf32>,
    %swap3A_571 = arith.constant 13 : i32
    %swap3A_572 = arith.index_cast %swap3A_571 : i32 to index
    %swap3A_573 = arith.constant 16 : index
    %swap3A_574 = tpu.vector_load %arg9[%swap3A_572, %swap3A_573] {strides = array<i32>} : memref<16x64xf32, #tpu.memory_space<vmem>>, vector<16xf32>,
    tpu.vector_store %arg9[%swap3A_572, %swap3A_573], %gather3A_564 {strides = array<i32>} : memref<16x64xf32, #tpu.memory_space<vmem>>, vector<16xf32>,
    %swap3A_575 = arith.constant 13 : i32
    %swap3A_576 = arith.index_cast %swap3A_575 : i32 to index
    %swap3A_577 = arith.constant 32 : index
    %swap3A_578 = tpu.vector_load %arg9[%swap3A_576, %swap3A_577] {strides = array<i32>} : memref<16x64xf32, #tpu.memory_space<vmem>>, vector<16xf32>,
    tpu.vector_store %arg9[%swap3A_576, %swap3A_577], %gather3A_565 {strides = array<i32>} : memref<16x64xf32, #tpu.memory_space<vmem>>, vector<16xf32>,
    %swap3A_579 = arith.constant 13 : i32
    %swap3A_580 = arith.index_cast %swap3A_579 : i32 to index
    %swap3A_581 = arith.constant 48 : index
    %swap3A_582 = tpu.vector_load %arg9[%swap3A_580, %swap3A_581] {strides = array<i32>} : memref<16x64xf32, #tpu.memory_space<vmem>>, vector<16xf32>,
    tpu.vector_store %arg9[%swap3A_580, %swap3A_581], %gather3A_566 {strides = array<i32>} : memref<16x64xf32, #tpu.memory_space<vmem>>, vector<16xf32>,
    %broadcast_in_dim3A_583 = arith.constant 14 : i32
    %broadcast_in_dim3A_584 = vector.broadcast %broadcast_in_dim3A_583 : i32 to vector<16xi32>
    %gather3A_585 = tpu.vector_load_idx %arg6[%broadcast_in_dim3A_584, %add3A_177] : memref<16x2048xf32, #tpu.memory_space<vmem>>[vector<16xi32>, vector<16xi32>], vector<16xf32>,
    %gather3A_586 = tpu.vector_load_idx %arg6[%broadcast_in_dim3A_584, %add3A_210] : memref<16x2048xf32, #tpu.memory_space<vmem>>[vector<16xi32>, vector<16xi32>], vector<16xf32>,
    %gather3A_587 = tpu.vector_load_idx %arg6[%broadcast_in_dim3A_584, %add3A_243] : memref<16x2048xf32, #tpu.memory_space<vmem>>[vector<16xi32>, vector<16xi32>], vector<16xf32>,
    %gather3A_588 = tpu.vector_load_idx %arg6[%broadcast_in_dim3A_584, %add3A_276] : memref<16x2048xf32, #tpu.memory_space<vmem>>[vector<16xi32>, vector<16xi32>], vector<16xf32>,
    %swap3A_589 = arith.constant 14 : i32
    %swap3A_590 = arith.index_cast %swap3A_589 : i32 to index
    %swap3A_591 = arith.constant 0 : index
    %swap3A_592 = tpu.vector_load %arg9[%swap3A_590, %swap3A_591] {strides = array<i32>} : memref<16x64xf32, #tpu.memory_space<vmem>>, vector<16xf32>,
    tpu.vector_store %arg9[%swap3A_590, %swap3A_591], %gather3A_585 {strides = array<i32>} : memref<16x64xf32, #tpu.memory_space<vmem>>, vector<16xf32>,
    %swap3A_593 = arith.constant 14 : i32
    %swap3A_594 = arith.index_cast %swap3A_593 : i32 to index
    %swap3A_595 = arith.constant 16 : index
    %swap3A_596 = tpu.vector_load %arg9[%swap3A_594, %swap3A_595] {strides = array<i32>} : memref<16x64xf32, #tpu.memory_space<vmem>>, vector<16xf32>,
    tpu.vector_store %arg9[%swap3A_594, %swap3A_595], %gather3A_586 {strides = array<i32>} : memref<16x64xf32, #tpu.memory_space<vmem>>, vector<16xf32>,
    %swap3A_597 = arith.constant 14 : i32
    %swap3A_598 = arith.index_cast %swap3A_597 : i32 to index
    %swap3A_599 = arith.constant 32 : index
    %swap3A_600 = tpu.vector_load %arg9[%swap3A_598, %swap3A_599] {strides = array<i32>} : memref<16x64xf32, #tpu.memory_space<vmem>>, vector<16xf32>,
    tpu.vector_store %arg9[%swap3A_598, %swap3A_599], %gather3A_587 {strides = array<i32>} : memref<16x64xf32, #tpu.memory_space<vmem>>, vector<16xf32>,
    %swap3A_601 = arith.constant 14 : i32
    %swap3A_602 = arith.index_cast %swap3A_601 : i32 to index
    %swap3A_603 = arith.constant 48 : index
    %swap3A_604 = tpu.vector_load %arg9[%swap3A_602, %swap3A_603] {strides = array<i32>} : memref<16x64xf32, #tpu.memory_space<vmem>>, vector<16xf32>,
    tpu.vector_store %arg9[%swap3A_602, %swap3A_603], %gather3A_588 {strides = array<i32>} : memref<16x64xf32, #tpu.memory_space<vmem>>, vector<16xf32>,
    %broadcast_in_dim3A_605 = arith.constant 15 : i32
    %broadcast_in_dim3A_606 = vector.broadcast %broadcast_in_dim3A_605 : i32 to vector<16xi32>
    %gather3A_607 = tpu.vector_load_idx %arg6[%broadcast_in_dim3A_606, %add3A_177] : memref<16x2048xf32, #tpu.memory_space<vmem>>[vector<16xi32>, vector<16xi32>], vector<16xf32>,
    %gather3A_608 = tpu.vector_load_idx %arg6[%broadcast_in_dim3A_606, %add3A_210] : memref<16x2048xf32, #tpu.memory_space<vmem>>[vector<16xi32>, vector<16xi32>], vector<16xf32>,
    %gather3A_609 = tpu.vector_load_idx %arg6[%broadcast_in_dim3A_606, %add3A_243] : memref<16x2048xf32, #tpu.memory_space<vmem>>[vector<16xi32>, vector<16xi32>], vector<16xf32>,
    %gather3A_610 = tpu.vector_load_idx %arg6[%broadcast_in_dim3A_606, %add3A_276] : memref<16x2048xf32, #tpu.memory_space<vmem>>[vector<16xi32>, vector<16xi32>], vector<16xf32>,
    %swap3A_611 = arith.constant 15 : i32
    %swap3A_612 = arith.index_cast %swap3A_611 : i32 to index
    %swap3A_613 = arith.constant 0 : index
    %swap3A_614 = tpu.vector_load %arg9[%swap3A_612, %swap3A_613] {strides = array<i32>} : memref<16x64xf32, #tpu.memory_space<vmem>>, vector<16xf32>,
    tpu.vector_store %arg9[%swap3A_612, %swap3A_613], %gather3A_607 {strides = array<i32>} : memref<16x64xf32, #tpu.memory_space<vmem>>, vector<16xf32>,
    %swap3A_615 = arith.constant 15 : i32
    %swap3A_616 = arith.index_cast %swap3A_615 : i32 to index
    %swap3A_617 = arith.constant 16 : index
    %swap3A_618 = tpu.vector_load %arg9[%swap3A_616, %swap3A_617] {strides = array<i32>} : memref<16x64xf32, #tpu.memory_space<vmem>>, vector<16xf32>,
    tpu.vector_store %arg9[%swap3A_616, %swap3A_617], %gather3A_608 {strides = array<i32>} : memref<16x64xf32, #tpu.memory_space<vmem>>, vector<16xf32>,
    %swap3A_619 = arith.constant 15 : i32
    %swap3A_620 = arith.index_cast %swap3A_619 : i32 to index
    %swap3A_621 = arith.constant 32 : index
    %swap3A_622 = tpu.vector_load %arg9[%swap3A_620, %swap3A_621] {strides = array<i32>} : memref<16x64xf32, #tpu.memory_space<vmem>>, vector<16xf32>,
    tpu.vector_store %arg9[%swap3A_620, %swap3A_621], %gather3A_609 {strides = array<i32>} : memref<16x64xf32, #tpu.memory_space<vmem>>, vector<16xf32>,
    %swap3A_623 = arith.constant 15 : i32
    %swap3A_624 = arith.index_cast %swap3A_623 : i32 to index
    %swap3A_625 = arith.constant 48 : index
    %swap3A_626 = tpu.vector_load %arg9[%swap3A_624, %swap3A_625] {strides = array<i32>} : memref<16x64xf32, #tpu.memory_space<vmem>>, vector<16xf32>,
    tpu.vector_store %arg9[%swap3A_624, %swap3A_625], %gather3A_610 {strides = array<i32>} : memref<16x64xf32, #tpu.memory_space<vmem>>, vector<16xf32>,
    %add3A_627 = arith.constant 960 : i32
    %add3A_628 = arith.addi %add3A, %add3A_627 : i32
    %mul3A_629 = arith.constant 16 : i32
    %mul3A_630 = arith.muli %add3A_628, %mul3A_629 : i32
    %dma_start3A = arith.constant 0 : i32
    %dma_start3A_631 = tpu.memref_slice %arg4[%mul3A_630, %dma_start3A] : memref<16384x64xf32, #tpu.memory_space<hbm>> -> memref<16x64xf32, #tpu.memory_space<hbm>>
    %dma_start3A_632 = arith.constant 0 : i32
    %dma_start3A_633 = tpu.memref_slice %arg4[%mul3A_630, %dma_start3A_632] : memref<16384x64xf32, #tpu.memory_space<hbm>> -> memref<16x64xf32, #tpu.memory_space<hbm>>
    tpu.enqueue_dma source(%arg9 : memref<16x64xf32, #tpu.memory_space<vmem>>) target(%dma_start3A_633 : memref<16x64xf32, #tpu.memory_space<hbm>>) target_semaphore(%arg17 : memref<!tpu.dma_semaphore, #tpu.memory_space<semaphore_mem>>)
    %add3A_634 = arith.constant 992 : i32
    %add3A_635 = arith.addi %add3A, %add3A_634 : i32
    %jit3A_636 = arith.constant 64 : i32
    %div3A_637 = arith.divsi %add3A_635, %jit3A_636 : i32
    %sign3A_638 = arith.constant 0 : i32
    %sign3A_639 = arith.cmpi sgt, %add3A_635, %sign3A_638 : i32
    %sign3A_640 = arith.extui %sign3A_639 : i1 to i32
    %sign3A_641 = arith.constant 0 : i32
    %sign3A_642 = arith.cmpi slt, %add3A_635, %sign3A_641 : i32
    %sign3A_643 = arith.extui %sign3A_642 : i1 to i32
    %sign3A_644 = arith.subi %sign3A_640, %sign3A_643 : i32
    %sign3A_645 = arith.constant 0 : i32
    %sign3A_646 = arith.cmpi sgt, %jit3A_636, %sign3A_645 : i32
    %sign3A_647 = arith.extui %sign3A_646 : i1 to i32
    %sign3A_648 = arith.constant 0 : i32
    %sign3A_649 = arith.cmpi slt, %jit3A_636, %sign3A_648 : i32
    %sign3A_650 = arith.extui %sign3A_649 : i1 to i32
    %sign3A_651 = arith.subi %sign3A_647, %sign3A_650 : i32
    %ne3A_652 = arith.cmpi ne, %sign3A_644, %sign3A_651 : i32
    %rem3A_653 = arith.remsi %add3A_635, %jit3A_636 : i32
    %ne3A_654 = arith.constant 0 : i32
    %ne3A_655 = arith.cmpi ne, %rem3A_653, %ne3A_654 : i32
    %and3A_656 = arith.andi %ne3A_652, %ne3A_655 : i1
    %sub3A_657 = arith.constant 1 : i32
    %sub3A_658 = arith.subi %div3A_637, %sub3A_657 : i32
    %select_n3A_659 = arith.select %and3A_656, %sub3A_658, %div3A_637 : i32
    %get3A_660 = arith.index_cast %select_n3A_659 : i32 to index
    %get3A_661 = memref.load %arg13[%get3A_660] : memref<16xi32, #tpu.memory_space<smem>>
    %ge3A_662 = arith.constant 16 : i32
    %ge3A_663 = arith.cmpi sge, %get3A_661, %ge3A_662 : i32
    %convert_element_type3A_664 = arith.extui %ge3A_663 : i1 to i32
    %cond3A_665 = arith.constant 0 : i32
    %cond3A_666 = arith.cmpi ne, %convert_element_type3A_664, %cond3A_665 : i32
    scf.if %cond3A_666 {
      %dma_wait3A_1216 = arith.constant 0 : i32
      %dma_wait3A_1217 = arith.constant 0 : i32
      %dma_wait3A_1218 = tpu.memref_slice %arg2[%dma_wait3A_1216, %dma_wait3A_1217] : memref<16384x2048xf32, #tpu.memory_space<hbm>> -> memref<16x2048xf32, #tpu.memory_space<hbm>>
      %dma_wait3A_1219 = arith.constant 0 : i32
      %dma_wait3A_1220 = arith.constant 0 : i32
      %dma_wait3A_1221 = tpu.memref_slice %arg2[%dma_wait3A_1219, %dma_wait3A_1220] : memref<16384x2048xf32, #tpu.memory_space<hbm>> -> memref<16x2048xf32, #tpu.memory_space<hbm>>
      tpu.wait_dma2 semaphore(%arg15 : memref<!tpu.dma_semaphore, #tpu.memory_space<semaphore_mem>>) src(%dma_wait3A_1221 : memref<16x2048xf32, #tpu.memory_space<hbm>>) dst(%arg7 : memref<16x2048xf32, #tpu.memory_space<vmem>>)
    } else {
    }
    %not3A_667 = arith.constant true
    %not3A_668 = arith.xori %ge3A_663, %not3A_667 : i1
    %convert_element_type3A_669 = arith.extui %not3A_668 : i1 to i32
    %cond3A_670 = arith.constant 0 : i32
    %cond3A_671 = arith.cmpi ne, %convert_element_type3A_669, %cond3A_670 : i32
    scf.if %cond3A_671 {
      %while3A = arith.constant 0 : i32
      %while3A_1216 = arith.constant 0 : i32
      %while3A_1217 = arith.subi %get3A_661, %while3A_1216 : i32
      %while3A_1218 = arith.addi %while3A_1216, %while3A_1217 : i32
      %while3A_1219 = arith.constant 1 : i32
      %while3A_1220 = arith.divsi %while3A_1217, %while3A_1219 : i32
      %while3A_1221 = arith.muli %while3A_1220, %while3A_1219 : i32
      %while3A_1222 = arith.addi %while3A_1216, %while3A_1221 : i32
      %while3A_1223 = arith.constant 1 : i32
      scf.for %while3A_1225 = %while3A_1216 to %while3A_1222 step %while3A_1223  : i32 {
        %dma_wait3A_1226 = arith.constant 0 : i32
        %dma_wait3A_1227 = arith.constant 0 : i32
        %dma_wait3A_1228 = tpu.memref_slice %arg7[%dma_wait3A_1226, %dma_wait3A_1227] : memref<16x2048xf32, #tpu.memory_space<vmem>> -> memref<16x128xf32, #tpu.memory_space<vmem>>
        %dma_wait3A_1229 = arith.constant 0 : i32
        %dma_wait3A_1230 = arith.constant 0 : i32
        %dma_wait3A_1231 = tpu.memref_slice %arg2[%dma_wait3A_1229, %dma_wait3A_1230] : memref<16384x2048xf32, #tpu.memory_space<hbm>> -> memref<16x128xf32, #tpu.memory_space<hbm>>
        %dma_wait3A_1232 = arith.constant 0 : i32
        %dma_wait3A_1233 = arith.constant 0 : i32
        %dma_wait3A_1234 = tpu.memref_slice %arg7[%dma_wait3A_1232, %dma_wait3A_1233] : memref<16x2048xf32, #tpu.memory_space<vmem>> -> memref<16x128xf32, #tpu.memory_space<vmem>>
        %dma_wait3A_1235 = arith.constant 0 : i32
        %dma_wait3A_1236 = arith.constant 0 : i32
        %dma_wait3A_1237 = tpu.memref_slice %arg2[%dma_wait3A_1235, %dma_wait3A_1236] : memref<16384x2048xf32, #tpu.memory_space<hbm>> -> memref<16x128xf32, #tpu.memory_space<hbm>>
        tpu.wait_dma2 semaphore(%arg15 : memref<!tpu.dma_semaphore, #tpu.memory_space<semaphore_mem>>) src(%dma_wait3A_1237 : memref<16x128xf32, #tpu.memory_space<hbm>>) dst(%dma_wait3A_1234 : memref<16x128xf32, #tpu.memory_space<vmem>>)
      }
      %while3A_1224 = arith.constant 1 : i32
      scf.for %while3A_1225 = %while3A_1222 to %while3A_1218 step %while3A_1224  : i32 {
        %dma_wait3A_1226 = arith.constant 0 : i32
        %dma_wait3A_1227 = arith.constant 0 : i32
        %dma_wait3A_1228 = tpu.memref_slice %arg7[%dma_wait3A_1226, %dma_wait3A_1227] : memref<16x2048xf32, #tpu.memory_space<vmem>> -> memref<16x128xf32, #tpu.memory_space<vmem>>
        %dma_wait3A_1229 = arith.constant 0 : i32
        %dma_wait3A_1230 = arith.constant 0 : i32
        %dma_wait3A_1231 = tpu.memref_slice %arg2[%dma_wait3A_1229, %dma_wait3A_1230] : memref<16384x2048xf32, #tpu.memory_space<hbm>> -> memref<16x128xf32, #tpu.memory_space<hbm>>
        %dma_wait3A_1232 = arith.constant 0 : i32
        %dma_wait3A_1233 = arith.constant 0 : i32
        %dma_wait3A_1234 = tpu.memref_slice %arg7[%dma_wait3A_1232, %dma_wait3A_1233] : memref<16x2048xf32, #tpu.memory_space<vmem>> -> memref<16x128xf32, #tpu.memory_space<vmem>>
        %dma_wait3A_1235 = arith.constant 0 : i32
        %dma_wait3A_1236 = arith.constant 0 : i32
        %dma_wait3A_1237 = tpu.memref_slice %arg2[%dma_wait3A_1235, %dma_wait3A_1236] : memref<16384x2048xf32, #tpu.memory_space<hbm>> -> memref<16x128xf32, #tpu.memory_space<hbm>>
        tpu.wait_dma2 semaphore(%arg15 : memref<!tpu.dma_semaphore, #tpu.memory_space<semaphore_mem>>) src(%dma_wait3A_1237 : memref<16x128xf32, #tpu.memory_space<hbm>>) dst(%dma_wait3A_1234 : memref<16x128xf32, #tpu.memory_space<vmem>>)
      }
    } else {
    }
    %dma_wait3A_672 = arith.constant 0 : i32
    %dma_wait3A_673 = arith.constant 0 : i32
    %dma_wait3A_674 = tpu.memref_slice %arg4[%dma_wait3A_672, %dma_wait3A_673] : memref<16384x64xf32, #tpu.memory_space<hbm>> -> memref<16x64xf32, #tpu.memory_space<hbm>>
    %dma_wait3A_675 = arith.constant 0 : i32
    %dma_wait3A_676 = arith.constant 0 : i32
    %dma_wait3A_677 = tpu.memref_slice %arg4[%dma_wait3A_675, %dma_wait3A_676] : memref<16384x64xf32, #tpu.memory_space<hbm>> -> memref<16x64xf32, #tpu.memory_space<hbm>>
    tpu.wait_dma2 semaphore(%arg18 : memref<!tpu.dma_semaphore, #tpu.memory_space<semaphore_mem>>) src(%arg10 : memref<16x64xf32, #tpu.memory_space<vmem>>) dst(%dma_wait3A_677 : memref<16x64xf32, #tpu.memory_space<hbm>>)
    %add3A_678 = arith.constant 992 : i32
    %add3A_679 = arith.addi %add3A, %add3A_678 : i32
    %jit3A_680 = arith.constant 64 : i32
    %div3A_681 = arith.divsi %add3A_679, %jit3A_680 : i32
    %sign3A_682 = arith.constant 0 : i32
    %sign3A_683 = arith.cmpi sgt, %add3A_679, %sign3A_682 : i32
    %sign3A_684 = arith.extui %sign3A_683 : i1 to i32
    %sign3A_685 = arith.constant 0 : i32
    %sign3A_686 = arith.cmpi slt, %add3A_679, %sign3A_685 : i32
    %sign3A_687 = arith.extui %sign3A_686 : i1 to i32
    %sign3A_688 = arith.subi %sign3A_684, %sign3A_687 : i32
    %sign3A_689 = arith.constant 0 : i32
    %sign3A_690 = arith.cmpi sgt, %jit3A_680, %sign3A_689 : i32
    %sign3A_691 = arith.extui %sign3A_690 : i1 to i32
    %sign3A_692 = arith.constant 0 : i32
    %sign3A_693 = arith.cmpi slt, %jit3A_680, %sign3A_692 : i32
    %sign3A_694 = arith.extui %sign3A_693 : i1 to i32
    %sign3A_695 = arith.subi %sign3A_691, %sign3A_694 : i32
    %ne3A_696 = arith.cmpi ne, %sign3A_688, %sign3A_695 : i32
    %rem3A_697 = arith.remsi %add3A_679, %jit3A_680 : i32
    %ne3A_698 = arith.constant 0 : i32
    %ne3A_699 = arith.cmpi ne, %rem3A_697, %ne3A_698 : i32
    %and3A_700 = arith.andi %ne3A_696, %ne3A_699 : i1
    %sub3A_701 = arith.constant 1 : i32
    %sub3A_702 = arith.subi %div3A_681, %sub3A_701 : i32
    %select_n3A_703 = arith.select %and3A_700, %sub3A_702, %div3A_681 : i32
    %get3A_704 = arith.index_cast %select_n3A_703 : i32 to index
    %get3A_705 = memref.load %arg12[%get3A_704] : memref<16xi32, #tpu.memory_space<smem>>
    %sub3A_706 = arith.constant 1 : i32
    %sub3A_707 = arith.subi %get3A_705, %sub3A_706 : i32
    %add3A_708 = arith.constant 0 : i32
    %add3A_709 = vector.broadcast %add3A_708 : i32 to vector<16xi32>
    %add3A_710 = arith.addi %iota3A, %add3A_709 : vector<16xi32>
    %mul3A_711 = vector.broadcast %sub3A_707 : i32 to vector<16xi32>
    %mul3A_712 = arith.muli %mul3A_711, %add3A_710 : vector<16xi32>
    %shift_right_arithmetic3A_713 = arith.constant 6 : i32
    %shift_right_arithmetic3A_714 = vector.broadcast %shift_right_arithmetic3A_713 : i32 to vector<16xi32>
    %shift_right_arithmetic3A_715 = arith.shrsi %mul3A_712, %shift_right_arithmetic3A_714 : vector<16xi32>
    %and3A_716 = arith.constant 63 : i32
    %and3A_717 = vector.broadcast %and3A_716 : i32 to vector<16xi32>
    %and3A_718 = arith.andi %mul3A_712, %and3A_717 : vector<16xi32>
    %eq3A_719 = arith.constant 32 : i32
    %eq3A_720 = vector.broadcast %eq3A_719 : i32 to vector<16xi32>
    %eq3A_721 = arith.cmpi eq, %and3A_718, %eq3A_720 : vector<16xi32>
    %and3A_722 = arith.constant 1 : i32
    %and3A_723 = vector.broadcast %and3A_722 : i32 to vector<16xi32>
    %and3A_724 = arith.andi %shift_right_arithmetic3A_715, %and3A_723 : vector<16xi32>
    %eq3A_725 = arith.constant 0 : i32
    %eq3A_726 = vector.broadcast %eq3A_725 : i32 to vector<16xi32>
    %eq3A_727 = arith.cmpi eq, %and3A_724, %eq3A_726 : vector<16xi32>
    %and3A_728 = arith.andi %eq3A_721, %eq3A_727 : vector<16xi1>
    %gt3A_729 = arith.constant 32 : i32
    %gt3A_730 = vector.broadcast %gt3A_729 : i32 to vector<16xi32>
    %gt3A_731 = arith.cmpi sgt, %and3A_718, %gt3A_730 : vector<16xi32>
    %or3A_732 = arith.ori %gt3A_731, %and3A_728 : vector<16xi1>
    %jit3A_733 = arith.constant 1 : i32
    %jit3A_734 = arith.constant 0 : i32
    %broadcast_in_dim3A_735 = vector.broadcast %jit3A_733 : i32 to vector<16xi32>
    %broadcast_in_dim3A_736 = vector.broadcast %jit3A_734 : i32 to vector<16xi32>
    %select_n3A_737 = arith.select %or3A_732, %broadcast_in_dim3A_735, %broadcast_in_dim3A_736 : vector<16xi1>, vector<16xi32>
    %add3A_738 = arith.addi %shift_right_arithmetic3A_715, %select_n3A_737 : vector<16xi32>
    %sub3A_739 = arith.constant 1 : i32
    %sub3A_740 = arith.subi %get3A_705, %sub3A_739 : i32
    %add3A_741 = arith.constant 16 : i32
    %add3A_742 = vector.broadcast %add3A_741 : i32 to vector<16xi32>
    %add3A_743 = arith.addi %iota3A, %add3A_742 : vector<16xi32>
    %mul3A_744 = vector.broadcast %sub3A_740 : i32 to vector<16xi32>
    %mul3A_745 = arith.muli %mul3A_744, %add3A_743 : vector<16xi32>
    %shift_right_arithmetic3A_746 = arith.constant 6 : i32
    %shift_right_arithmetic3A_747 = vector.broadcast %shift_right_arithmetic3A_746 : i32 to vector<16xi32>
    %shift_right_arithmetic3A_748 = arith.shrsi %mul3A_745, %shift_right_arithmetic3A_747 : vector<16xi32>
    %and3A_749 = arith.constant 63 : i32
    %and3A_750 = vector.broadcast %and3A_749 : i32 to vector<16xi32>
    %and3A_751 = arith.andi %mul3A_745, %and3A_750 : vector<16xi32>
    %eq3A_752 = arith.constant 32 : i32
    %eq3A_753 = vector.broadcast %eq3A_752 : i32 to vector<16xi32>
    %eq3A_754 = arith.cmpi eq, %and3A_751, %eq3A_753 : vector<16xi32>
    %and3A_755 = arith.constant 1 : i32
    %and3A_756 = vector.broadcast %and3A_755 : i32 to vector<16xi32>
    %and3A_757 = arith.andi %shift_right_arithmetic3A_748, %and3A_756 : vector<16xi32>
    %eq3A_758 = arith.constant 0 : i32
    %eq3A_759 = vector.broadcast %eq3A_758 : i32 to vector<16xi32>
    %eq3A_760 = arith.cmpi eq, %and3A_757, %eq3A_759 : vector<16xi32>
    %and3A_761 = arith.andi %eq3A_754, %eq3A_760 : vector<16xi1>
    %gt3A_762 = arith.constant 32 : i32
    %gt3A_763 = vector.broadcast %gt3A_762 : i32 to vector<16xi32>
    %gt3A_764 = arith.cmpi sgt, %and3A_751, %gt3A_763 : vector<16xi32>
    %or3A_765 = arith.ori %gt3A_764, %and3A_761 : vector<16xi1>
    %jit3A_766 = arith.constant 1 : i32
    %jit3A_767 = arith.constant 0 : i32
    %broadcast_in_dim3A_768 = vector.broadcast %jit3A_766 : i32 to vector<16xi32>
    %broadcast_in_dim3A_769 = vector.broadcast %jit3A_767 : i32 to vector<16xi32>
    %select_n3A_770 = arith.select %or3A_765, %broadcast_in_dim3A_768, %broadcast_in_dim3A_769 : vector<16xi1>, vector<16xi32>
    %add3A_771 = arith.addi %shift_right_arithmetic3A_748, %select_n3A_770 : vector<16xi32>
    %sub3A_772 = arith.constant 1 : i32
    %sub3A_773 = arith.subi %get3A_705, %sub3A_772 : i32
    %add3A_774 = arith.constant 32 : i32
    %add3A_775 = vector.broadcast %add3A_774 : i32 to vector<16xi32>
    %add3A_776 = arith.addi %iota3A, %add3A_775 : vector<16xi32>
    %mul3A_777 = vector.broadcast %sub3A_773 : i32 to vector<16xi32>
    %mul3A_778 = arith.muli %mul3A_777, %add3A_776 : vector<16xi32>
    %shift_right_arithmetic3A_779 = arith.constant 6 : i32
    %shift_right_arithmetic3A_780 = vector.broadcast %shift_right_arithmetic3A_779 : i32 to vector<16xi32>
    %shift_right_arithmetic3A_781 = arith.shrsi %mul3A_778, %shift_right_arithmetic3A_780 : vector<16xi32>
    %and3A_782 = arith.constant 63 : i32
    %and3A_783 = vector.broadcast %and3A_782 : i32 to vector<16xi32>
    %and3A_784 = arith.andi %mul3A_778, %and3A_783 : vector<16xi32>
    %eq3A_785 = arith.constant 32 : i32
    %eq3A_786 = vector.broadcast %eq3A_785 : i32 to vector<16xi32>
    %eq3A_787 = arith.cmpi eq, %and3A_784, %eq3A_786 : vector<16xi32>
    %and3A_788 = arith.constant 1 : i32
    %and3A_789 = vector.broadcast %and3A_788 : i32 to vector<16xi32>
    %and3A_790 = arith.andi %shift_right_arithmetic3A_781, %and3A_789 : vector<16xi32>
    %eq3A_791 = arith.constant 0 : i32
    %eq3A_792 = vector.broadcast %eq3A_791 : i32 to vector<16xi32>
    %eq3A_793 = arith.cmpi eq, %and3A_790, %eq3A_792 : vector<16xi32>
    %and3A_794 = arith.andi %eq3A_787, %eq3A_793 : vector<16xi1>
    %gt3A_795 = arith.constant 32 : i32
    %gt3A_796 = vector.broadcast %gt3A_795 : i32 to vector<16xi32>
    %gt3A_797 = arith.cmpi sgt, %and3A_784, %gt3A_796 : vector<16xi32>
    %or3A_798 = arith.ori %gt3A_797, %and3A_794 : vector<16xi1>
    %jit3A_799 = arith.constant 1 : i32
    %jit3A_800 = arith.constant 0 : i32
    %broadcast_in_dim3A_801 = vector.broadcast %jit3A_799 : i32 to vector<16xi32>
    %broadcast_in_dim3A_802 = vector.broadcast %jit3A_800 : i32 to vector<16xi32>
    %select_n3A_803 = arith.select %or3A_798, %broadcast_in_dim3A_801, %broadcast_in_dim3A_802 : vector<16xi1>, vector<16xi32>
    %add3A_804 = arith.addi %shift_right_arithmetic3A_781, %select_n3A_803 : vector<16xi32>
    %sub3A_805 = arith.constant 1 : i32
    %sub3A_806 = arith.subi %get3A_705, %sub3A_805 : i32
    %add3A_807 = arith.constant 48 : i32
    %add3A_808 = vector.broadcast %add3A_807 : i32 to vector<16xi32>
    %add3A_809 = arith.addi %iota3A, %add3A_808 : vector<16xi32>
    %mul3A_810 = vector.broadcast %sub3A_806 : i32 to vector<16xi32>
    %mul3A_811 = arith.muli %mul3A_810, %add3A_809 : vector<16xi32>
    %shift_right_arithmetic3A_812 = arith.constant 6 : i32
    %shift_right_arithmetic3A_813 = vector.broadcast %shift_right_arithmetic3A_812 : i32 to vector<16xi32>
    %shift_right_arithmetic3A_814 = arith.shrsi %mul3A_811, %shift_right_arithmetic3A_813 : vector<16xi32>
    %and3A_815 = arith.constant 63 : i32
    %and3A_816 = vector.broadcast %and3A_815 : i32 to vector<16xi32>
    %and3A_817 = arith.andi %mul3A_811, %and3A_816 : vector<16xi32>
    %eq3A_818 = arith.constant 32 : i32
    %eq3A_819 = vector.broadcast %eq3A_818 : i32 to vector<16xi32>
    %eq3A_820 = arith.cmpi eq, %and3A_817, %eq3A_819 : vector<16xi32>
    %and3A_821 = arith.constant 1 : i32
    %and3A_822 = vector.broadcast %and3A_821 : i32 to vector<16xi32>
    %and3A_823 = arith.andi %shift_right_arithmetic3A_814, %and3A_822 : vector<16xi32>
    %eq3A_824 = arith.constant 0 : i32
    %eq3A_825 = vector.broadcast %eq3A_824 : i32 to vector<16xi32>
    %eq3A_826 = arith.cmpi eq, %and3A_823, %eq3A_825 : vector<16xi32>
    %and3A_827 = arith.andi %eq3A_820, %eq3A_826 : vector<16xi1>
    %gt3A_828 = arith.constant 32 : i32
    %gt3A_829 = vector.broadcast %gt3A_828 : i32 to vector<16xi32>
    %gt3A_830 = arith.cmpi sgt, %and3A_817, %gt3A_829 : vector<16xi32>
    %or3A_831 = arith.ori %gt3A_830, %and3A_827 : vector<16xi1>
    %jit3A_832 = arith.constant 1 : i32
    %jit3A_833 = arith.constant 0 : i32
    %broadcast_in_dim3A_834 = vector.broadcast %jit3A_832 : i32 to vector<16xi32>
    %broadcast_in_dim3A_835 = vector.broadcast %jit3A_833 : i32 to vector<16xi32>
    %select_n3A_836 = arith.select %or3A_831, %broadcast_in_dim3A_834, %broadcast_in_dim3A_835 : vector<16xi1>, vector<16xi32>
    %add3A_837 = arith.addi %shift_right_arithmetic3A_814, %select_n3A_836 : vector<16xi32>
    %broadcast_in_dim3A_838 = arith.constant 0 : i32
    %broadcast_in_dim3A_839 = vector.broadcast %broadcast_in_dim3A_838 : i32 to vector<16xi32>
    %gather3A_840 = tpu.vector_load_idx %arg7[%broadcast_in_dim3A_839, %add3A_738] : memref<16x2048xf32, #tpu.memory_space<vmem>>[vector<16xi32>, vector<16xi32>], vector<16xf32>,
    %gather3A_841 = tpu.vector_load_idx %arg7[%broadcast_in_dim3A_839, %add3A_771] : memref<16x2048xf32, #tpu.memory_space<vmem>>[vector<16xi32>, vector<16xi32>], vector<16xf32>,
    %gather3A_842 = tpu.vector_load_idx %arg7[%broadcast_in_dim3A_839, %add3A_804] : memref<16x2048xf32, #tpu.memory_space<vmem>>[vector<16xi32>, vector<16xi32>], vector<16xf32>,
    %gather3A_843 = tpu.vector_load_idx %arg7[%broadcast_in_dim3A_839, %add3A_837] : memref<16x2048xf32, #tpu.memory_space<vmem>>[vector<16xi32>, vector<16xi32>], vector<16xf32>,
    %swap3A_844 = arith.constant 0 : i32
    %swap3A_845 = arith.index_cast %swap3A_844 : i32 to index
    %swap3A_846 = arith.constant 0 : index
    %swap3A_847 = tpu.vector_load %arg10[%swap3A_845, %swap3A_846] {strides = array<i32>} : memref<16x64xf32, #tpu.memory_space<vmem>>, vector<16xf32>,
    tpu.vector_store %arg10[%swap3A_845, %swap3A_846], %gather3A_840 {strides = array<i32>} : memref<16x64xf32, #tpu.memory_space<vmem>>, vector<16xf32>,
    %swap3A_848 = arith.constant 0 : i32
    %swap3A_849 = arith.index_cast %swap3A_848 : i32 to index
    %swap3A_850 = arith.constant 16 : index
    %swap3A_851 = tpu.vector_load %arg10[%swap3A_849, %swap3A_850] {strides = array<i32>} : memref<16x64xf32, #tpu.memory_space<vmem>>, vector<16xf32>,
    tpu.vector_store %arg10[%swap3A_849, %swap3A_850], %gather3A_841 {strides = array<i32>} : memref<16x64xf32, #tpu.memory_space<vmem>>, vector<16xf32>,
    %swap3A_852 = arith.constant 0 : i32
    %swap3A_853 = arith.index_cast %swap3A_852 : i32 to index
    %swap3A_854 = arith.constant 32 : index
    %swap3A_855 = tpu.vector_load %arg10[%swap3A_853, %swap3A_854] {strides = array<i32>} : memref<16x64xf32, #tpu.memory_space<vmem>>, vector<16xf32>,
    tpu.vector_store %arg10[%swap3A_853, %swap3A_854], %gather3A_842 {strides = array<i32>} : memref<16x64xf32, #tpu.memory_space<vmem>>, vector<16xf32>,
    %swap3A_856 = arith.constant 0 : i32
    %swap3A_857 = arith.index_cast %swap3A_856 : i32 to index
    %swap3A_858 = arith.constant 48 : index
    %swap3A_859 = tpu.vector_load %arg10[%swap3A_857, %swap3A_858] {strides = array<i32>} : memref<16x64xf32, #tpu.memory_space<vmem>>, vector<16xf32>,
    tpu.vector_store %arg10[%swap3A_857, %swap3A_858], %gather3A_843 {strides = array<i32>} : memref<16x64xf32, #tpu.memory_space<vmem>>, vector<16xf32>,
    %broadcast_in_dim3A_860 = arith.constant 1 : i32
    %broadcast_in_dim3A_861 = vector.broadcast %broadcast_in_dim3A_860 : i32 to vector<16xi32>
    %gather3A_862 = tpu.vector_load_idx %arg7[%broadcast_in_dim3A_861, %add3A_738] : memref<16x2048xf32, #tpu.memory_space<vmem>>[vector<16xi32>, vector<16xi32>], vector<16xf32>,
    %gather3A_863 = tpu.vector_load_idx %arg7[%broadcast_in_dim3A_861, %add3A_771] : memref<16x2048xf32, #tpu.memory_space<vmem>>[vector<16xi32>, vector<16xi32>], vector<16xf32>,
    %gather3A_864 = tpu.vector_load_idx %arg7[%broadcast_in_dim3A_861, %add3A_804] : memref<16x2048xf32, #tpu.memory_space<vmem>>[vector<16xi32>, vector<16xi32>], vector<16xf32>,
    %gather3A_865 = tpu.vector_load_idx %arg7[%broadcast_in_dim3A_861, %add3A_837] : memref<16x2048xf32, #tpu.memory_space<vmem>>[vector<16xi32>, vector<16xi32>], vector<16xf32>,
    %swap3A_866 = arith.constant 1 : i32
    %swap3A_867 = arith.index_cast %swap3A_866 : i32 to index
    %swap3A_868 = arith.constant 0 : index
    %swap3A_869 = tpu.vector_load %arg10[%swap3A_867, %swap3A_868] {strides = array<i32>} : memref<16x64xf32, #tpu.memory_space<vmem>>, vector<16xf32>,
    tpu.vector_store %arg10[%swap3A_867, %swap3A_868], %gather3A_862 {strides = array<i32>} : memref<16x64xf32, #tpu.memory_space<vmem>>, vector<16xf32>,
    %swap3A_870 = arith.constant 1 : i32
    %swap3A_871 = arith.index_cast %swap3A_870 : i32 to index
    %swap3A_872 = arith.constant 16 : index
    %swap3A_873 = tpu.vector_load %arg10[%swap3A_871, %swap3A_872] {strides = array<i32>} : memref<16x64xf32, #tpu.memory_space<vmem>>, vector<16xf32>,
    tpu.vector_store %arg10[%swap3A_871, %swap3A_872], %gather3A_863 {strides = array<i32>} : memref<16x64xf32, #tpu.memory_space<vmem>>, vector<16xf32>,
    %swap3A_874 = arith.constant 1 : i32
    %swap3A_875 = arith.index_cast %swap3A_874 : i32 to index
    %swap3A_876 = arith.constant 32 : index
    %swap3A_877 = tpu.vector_load %arg10[%swap3A_875, %swap3A_876] {strides = array<i32>} : memref<16x64xf32, #tpu.memory_space<vmem>>, vector<16xf32>,
    tpu.vector_store %arg10[%swap3A_875, %swap3A_876], %gather3A_864 {strides = array<i32>} : memref<16x64xf32, #tpu.memory_space<vmem>>, vector<16xf32>,
    %swap3A_878 = arith.constant 1 : i32
    %swap3A_879 = arith.index_cast %swap3A_878 : i32 to index
    %swap3A_880 = arith.constant 48 : index
    %swap3A_881 = tpu.vector_load %arg10[%swap3A_879, %swap3A_880] {strides = array<i32>} : memref<16x64xf32, #tpu.memory_space<vmem>>, vector<16xf32>,
    tpu.vector_store %arg10[%swap3A_879, %swap3A_880], %gather3A_865 {strides = array<i32>} : memref<16x64xf32, #tpu.memory_space<vmem>>, vector<16xf32>,
    %broadcast_in_dim3A_882 = arith.constant 2 : i32
    %broadcast_in_dim3A_883 = vector.broadcast %broadcast_in_dim3A_882 : i32 to vector<16xi32>
    %gather3A_884 = tpu.vector_load_idx %arg7[%broadcast_in_dim3A_883, %add3A_738] : memref<16x2048xf32, #tpu.memory_space<vmem>>[vector<16xi32>, vector<16xi32>], vector<16xf32>,
    %gather3A_885 = tpu.vector_load_idx %arg7[%broadcast_in_dim3A_883, %add3A_771] : memref<16x2048xf32, #tpu.memory_space<vmem>>[vector<16xi32>, vector<16xi32>], vector<16xf32>,
    %gather3A_886 = tpu.vector_load_idx %arg7[%broadcast_in_dim3A_883, %add3A_804] : memref<16x2048xf32, #tpu.memory_space<vmem>>[vector<16xi32>, vector<16xi32>], vector<16xf32>,
    %gather3A_887 = tpu.vector_load_idx %arg7[%broadcast_in_dim3A_883, %add3A_837] : memref<16x2048xf32, #tpu.memory_space<vmem>>[vector<16xi32>, vector<16xi32>], vector<16xf32>,
    %swap3A_888 = arith.constant 2 : i32
    %swap3A_889 = arith.index_cast %swap3A_888 : i32 to index
    %swap3A_890 = arith.constant 0 : index
    %swap3A_891 = tpu.vector_load %arg10[%swap3A_889, %swap3A_890] {strides = array<i32>} : memref<16x64xf32, #tpu.memory_space<vmem>>, vector<16xf32>,
    tpu.vector_store %arg10[%swap3A_889, %swap3A_890], %gather3A_884 {strides = array<i32>} : memref<16x64xf32, #tpu.memory_space<vmem>>, vector<16xf32>,
    %swap3A_892 = arith.constant 2 : i32
    %swap3A_893 = arith.index_cast %swap3A_892 : i32 to index
    %swap3A_894 = arith.constant 16 : index
    %swap3A_895 = tpu.vector_load %arg10[%swap3A_893, %swap3A_894] {strides = array<i32>} : memref<16x64xf32, #tpu.memory_space<vmem>>, vector<16xf32>,
    tpu.vector_store %arg10[%swap3A_893, %swap3A_894], %gather3A_885 {strides = array<i32>} : memref<16x64xf32, #tpu.memory_space<vmem>>, vector<16xf32>,
    %swap3A_896 = arith.constant 2 : i32
    %swap3A_897 = arith.index_cast %swap3A_896 : i32 to index
    %swap3A_898 = arith.constant 32 : index
    %swap3A_899 = tpu.vector_load %arg10[%swap3A_897, %swap3A_898] {strides = array<i32>} : memref<16x64xf32, #tpu.memory_space<vmem>>, vector<16xf32>,
    tpu.vector_store %arg10[%swap3A_897, %swap3A_898], %gather3A_886 {strides = array<i32>} : memref<16x64xf32, #tpu.memory_space<vmem>>, vector<16xf32>,
    %swap3A_900 = arith.constant 2 : i32
    %swap3A_901 = arith.index_cast %swap3A_900 : i32 to index
    %swap3A_902 = arith.constant 48 : index
    %swap3A_903 = tpu.vector_load %arg10[%swap3A_901, %swap3A_902] {strides = array<i32>} : memref<16x64xf32, #tpu.memory_space<vmem>>, vector<16xf32>,
    tpu.vector_store %arg10[%swap3A_901, %swap3A_902], %gather3A_887 {strides = array<i32>} : memref<16x64xf32, #tpu.memory_space<vmem>>, vector<16xf32>,
    %broadcast_in_dim3A_904 = arith.constant 3 : i32
    %broadcast_in_dim3A_905 = vector.broadcast %broadcast_in_dim3A_904 : i32 to vector<16xi32>
    %gather3A_906 = tpu.vector_load_idx %arg7[%broadcast_in_dim3A_905, %add3A_738] : memref<16x2048xf32, #tpu.memory_space<vmem>>[vector<16xi32>, vector<16xi32>], vector<16xf32>,
    %gather3A_907 = tpu.vector_load_idx %arg7[%broadcast_in_dim3A_905, %add3A_771] : memref<16x2048xf32, #tpu.memory_space<vmem>>[vector<16xi32>, vector<16xi32>], vector<16xf32>,
    %gather3A_908 = tpu.vector_load_idx %arg7[%broadcast_in_dim3A_905, %add3A_804] : memref<16x2048xf32, #tpu.memory_space<vmem>>[vector<16xi32>, vector<16xi32>], vector<16xf32>,
    %gather3A_909 = tpu.vector_load_idx %arg7[%broadcast_in_dim3A_905, %add3A_837] : memref<16x2048xf32, #tpu.memory_space<vmem>>[vector<16xi32>, vector<16xi32>], vector<16xf32>,
    %swap3A_910 = arith.constant 3 : i32
    %swap3A_911 = arith.index_cast %swap3A_910 : i32 to index
    %swap3A_912 = arith.constant 0 : index
    %swap3A_913 = tpu.vector_load %arg10[%swap3A_911, %swap3A_912] {strides = array<i32>} : memref<16x64xf32, #tpu.memory_space<vmem>>, vector<16xf32>,
    tpu.vector_store %arg10[%swap3A_911, %swap3A_912], %gather3A_906 {strides = array<i32>} : memref<16x64xf32, #tpu.memory_space<vmem>>, vector<16xf32>,
    %swap3A_914 = arith.constant 3 : i32
    %swap3A_915 = arith.index_cast %swap3A_914 : i32 to index
    %swap3A_916 = arith.constant 16 : index
    %swap3A_917 = tpu.vector_load %arg10[%swap3A_915, %swap3A_916] {strides = array<i32>} : memref<16x64xf32, #tpu.memory_space<vmem>>, vector<16xf32>,
    tpu.vector_store %arg10[%swap3A_915, %swap3A_916], %gather3A_907 {strides = array<i32>} : memref<16x64xf32, #tpu.memory_space<vmem>>, vector<16xf32>,
    %swap3A_918 = arith.constant 3 : i32
    %swap3A_919 = arith.index_cast %swap3A_918 : i32 to index
    %swap3A_920 = arith.constant 32 : index
    %swap3A_921 = tpu.vector_load %arg10[%swap3A_919, %swap3A_920] {strides = array<i32>} : memref<16x64xf32, #tpu.memory_space<vmem>>, vector<16xf32>,
    tpu.vector_store %arg10[%swap3A_919, %swap3A_920], %gather3A_908 {strides = array<i32>} : memref<16x64xf32, #tpu.memory_space<vmem>>, vector<16xf32>,
    %swap3A_922 = arith.constant 3 : i32
    %swap3A_923 = arith.index_cast %swap3A_922 : i32 to index
    %swap3A_924 = arith.constant 48 : index
    %swap3A_925 = tpu.vector_load %arg10[%swap3A_923, %swap3A_924] {strides = array<i32>} : memref<16x64xf32, #tpu.memory_space<vmem>>, vector<16xf32>,
    tpu.vector_store %arg10[%swap3A_923, %swap3A_924], %gather3A_909 {strides = array<i32>} : memref<16x64xf32, #tpu.memory_space<vmem>>, vector<16xf32>,
    %broadcast_in_dim3A_926 = arith.constant 4 : i32
    %broadcast_in_dim3A_927 = vector.broadcast %broadcast_in_dim3A_926 : i32 to vector<16xi32>
    %gather3A_928 = tpu.vector_load_idx %arg7[%broadcast_in_dim3A_927, %add3A_738] : memref<16x2048xf32, #tpu.memory_space<vmem>>[vector<16xi32>, vector<16xi32>], vector<16xf32>,
    %gather3A_929 = tpu.vector_load_idx %arg7[%broadcast_in_dim3A_927, %add3A_771] : memref<16x2048xf32, #tpu.memory_space<vmem>>[vector<16xi32>, vector<16xi32>], vector<16xf32>,
    %gather3A_930 = tpu.vector_load_idx %arg7[%broadcast_in_dim3A_927, %add3A_804] : memref<16x2048xf32, #tpu.memory_space<vmem>>[vector<16xi32>, vector<16xi32>], vector<16xf32>,
    %gather3A_931 = tpu.vector_load_idx %arg7[%broadcast_in_dim3A_927, %add3A_837] : memref<16x2048xf32, #tpu.memory_space<vmem>>[vector<16xi32>, vector<16xi32>], vector<16xf32>,
    %swap3A_932 = arith.constant 4 : i32
    %swap3A_933 = arith.index_cast %swap3A_932 : i32 to index
    %swap3A_934 = arith.constant 0 : index
    %swap3A_935 = tpu.vector_load %arg10[%swap3A_933, %swap3A_934] {strides = array<i32>} : memref<16x64xf32, #tpu.memory_space<vmem>>, vector<16xf32>,
    tpu.vector_store %arg10[%swap3A_933, %swap3A_934], %gather3A_928 {strides = array<i32>} : memref<16x64xf32, #tpu.memory_space<vmem>>, vector<16xf32>,
    %swap3A_936 = arith.constant 4 : i32
    %swap3A_937 = arith.index_cast %swap3A_936 : i32 to index
    %swap3A_938 = arith.constant 16 : index
    %swap3A_939 = tpu.vector_load %arg10[%swap3A_937, %swap3A_938] {strides = array<i32>} : memref<16x64xf32, #tpu.memory_space<vmem>>, vector<16xf32>,
    tpu.vector_store %arg10[%swap3A_937, %swap3A_938], %gather3A_929 {strides = array<i32>} : memref<16x64xf32, #tpu.memory_space<vmem>>, vector<16xf32>,
    %swap3A_940 = arith.constant 4 : i32
    %swap3A_941 = arith.index_cast %swap3A_940 : i32 to index
    %swap3A_942 = arith.constant 32 : index
    %swap3A_943 = tpu.vector_load %arg10[%swap3A_941, %swap3A_942] {strides = array<i32>} : memref<16x64xf32, #tpu.memory_space<vmem>>, vector<16xf32>,
    tpu.vector_store %arg10[%swap3A_941, %swap3A_942], %gather3A_930 {strides = array<i32>} : memref<16x64xf32, #tpu.memory_space<vmem>>, vector<16xf32>,
    %swap3A_944 = arith.constant 4 : i32
    %swap3A_945 = arith.index_cast %swap3A_944 : i32 to index
    %swap3A_946 = arith.constant 48 : index
    %swap3A_947 = tpu.vector_load %arg10[%swap3A_945, %swap3A_946] {strides = array<i32>} : memref<16x64xf32, #tpu.memory_space<vmem>>, vector<16xf32>,
    tpu.vector_store %arg10[%swap3A_945, %swap3A_946], %gather3A_931 {strides = array<i32>} : memref<16x64xf32, #tpu.memory_space<vmem>>, vector<16xf32>,
    %broadcast_in_dim3A_948 = arith.constant 5 : i32
    %broadcast_in_dim3A_949 = vector.broadcast %broadcast_in_dim3A_948 : i32 to vector<16xi32>
    %gather3A_950 = tpu.vector_load_idx %arg7[%broadcast_in_dim3A_949, %add3A_738] : memref<16x2048xf32, #tpu.memory_space<vmem>>[vector<16xi32>, vector<16xi32>], vector<16xf32>,
    %gather3A_951 = tpu.vector_load_idx %arg7[%broadcast_in_dim3A_949, %add3A_771] : memref<16x2048xf32, #tpu.memory_space<vmem>>[vector<16xi32>, vector<16xi32>], vector<16xf32>,
    %gather3A_952 = tpu.vector_load_idx %arg7[%broadcast_in_dim3A_949, %add3A_804] : memref<16x2048xf32, #tpu.memory_space<vmem>>[vector<16xi32>, vector<16xi32>], vector<16xf32>,
    %gather3A_953 = tpu.vector_load_idx %arg7[%broadcast_in_dim3A_949, %add3A_837] : memref<16x2048xf32, #tpu.memory_space<vmem>>[vector<16xi32>, vector<16xi32>], vector<16xf32>,
    %swap3A_954 = arith.constant 5 : i32
    %swap3A_955 = arith.index_cast %swap3A_954 : i32 to index
    %swap3A_956 = arith.constant 0 : index
    %swap3A_957 = tpu.vector_load %arg10[%swap3A_955, %swap3A_956] {strides = array<i32>} : memref<16x64xf32, #tpu.memory_space<vmem>>, vector<16xf32>,
    tpu.vector_store %arg10[%swap3A_955, %swap3A_956], %gather3A_950 {strides = array<i32>} : memref<16x64xf32, #tpu.memory_space<vmem>>, vector<16xf32>,
    %swap3A_958 = arith.constant 5 : i32
    %swap3A_959 = arith.index_cast %swap3A_958 : i32 to index
    %swap3A_960 = arith.constant 16 : index
    %swap3A_961 = tpu.vector_load %arg10[%swap3A_959, %swap3A_960] {strides = array<i32>} : memref<16x64xf32, #tpu.memory_space<vmem>>, vector<16xf32>,
    tpu.vector_store %arg10[%swap3A_959, %swap3A_960], %gather3A_951 {strides = array<i32>} : memref<16x64xf32, #tpu.memory_space<vmem>>, vector<16xf32>,
    %swap3A_962 = arith.constant 5 : i32
    %swap3A_963 = arith.index_cast %swap3A_962 : i32 to index
    %swap3A_964 = arith.constant 32 : index
    %swap3A_965 = tpu.vector_load %arg10[%swap3A_963, %swap3A_964] {strides = array<i32>} : memref<16x64xf32, #tpu.memory_space<vmem>>, vector<16xf32>,
    tpu.vector_store %arg10[%swap3A_963, %swap3A_964], %gather3A_952 {strides = array<i32>} : memref<16x64xf32, #tpu.memory_space<vmem>>, vector<16xf32>,
    %swap3A_966 = arith.constant 5 : i32
    %swap3A_967 = arith.index_cast %swap3A_966 : i32 to index
    %swap3A_968 = arith.constant 48 : index
    %swap3A_969 = tpu.vector_load %arg10[%swap3A_967, %swap3A_968] {strides = array<i32>} : memref<16x64xf32, #tpu.memory_space<vmem>>, vector<16xf32>,
    tpu.vector_store %arg10[%swap3A_967, %swap3A_968], %gather3A_953 {strides = array<i32>} : memref<16x64xf32, #tpu.memory_space<vmem>>, vector<16xf32>,
    %broadcast_in_dim3A_970 = arith.constant 6 : i32
    %broadcast_in_dim3A_971 = vector.broadcast %broadcast_in_dim3A_970 : i32 to vector<16xi32>
    %gather3A_972 = tpu.vector_load_idx %arg7[%broadcast_in_dim3A_971, %add3A_738] : memref<16x2048xf32, #tpu.memory_space<vmem>>[vector<16xi32>, vector<16xi32>], vector<16xf32>,
    %gather3A_973 = tpu.vector_load_idx %arg7[%broadcast_in_dim3A_971, %add3A_771] : memref<16x2048xf32, #tpu.memory_space<vmem>>[vector<16xi32>, vector<16xi32>], vector<16xf32>,
    %gather3A_974 = tpu.vector_load_idx %arg7[%broadcast_in_dim3A_971, %add3A_804] : memref<16x2048xf32, #tpu.memory_space<vmem>>[vector<16xi32>, vector<16xi32>], vector<16xf32>,
    %gather3A_975 = tpu.vector_load_idx %arg7[%broadcast_in_dim3A_971, %add3A_837] : memref<16x2048xf32, #tpu.memory_space<vmem>>[vector<16xi32>, vector<16xi32>], vector<16xf32>,
    %swap3A_976 = arith.constant 6 : i32
    %swap3A_977 = arith.index_cast %swap3A_976 : i32 to index
    %swap3A_978 = arith.constant 0 : index
    %swap3A_979 = tpu.vector_load %arg10[%swap3A_977, %swap3A_978] {strides = array<i32>} : memref<16x64xf32, #tpu.memory_space<vmem>>, vector<16xf32>,
    tpu.vector_store %arg10[%swap3A_977, %swap3A_978], %gather3A_972 {strides = array<i32>} : memref<16x64xf32, #tpu.memory_space<vmem>>, vector<16xf32>,
    %swap3A_980 = arith.constant 6 : i32
    %swap3A_981 = arith.index_cast %swap3A_980 : i32 to index
    %swap3A_982 = arith.constant 16 : index
    %swap3A_983 = tpu.vector_load %arg10[%swap3A_981, %swap3A_982] {strides = array<i32>} : memref<16x64xf32, #tpu.memory_space<vmem>>, vector<16xf32>,
    tpu.vector_store %arg10[%swap3A_981, %swap3A_982], %gather3A_973 {strides = array<i32>} : memref<16x64xf32, #tpu.memory_space<vmem>>, vector<16xf32>,
    %swap3A_984 = arith.constant 6 : i32
    %swap3A_985 = arith.index_cast %swap3A_984 : i32 to index
    %swap3A_986 = arith.constant 32 : index
    %swap3A_987 = tpu.vector_load %arg10[%swap3A_985, %swap3A_986] {strides = array<i32>} : memref<16x64xf32, #tpu.memory_space<vmem>>, vector<16xf32>,
    tpu.vector_store %arg10[%swap3A_985, %swap3A_986], %gather3A_974 {strides = array<i32>} : memref<16x64xf32, #tpu.memory_space<vmem>>, vector<16xf32>,
    %swap3A_988 = arith.constant 6 : i32
    %swap3A_989 = arith.index_cast %swap3A_988 : i32 to index
    %swap3A_990 = arith.constant 48 : index
    %swap3A_991 = tpu.vector_load %arg10[%swap3A_989, %swap3A_990] {strides = array<i32>} : memref<16x64xf32, #tpu.memory_space<vmem>>, vector<16xf32>,
    tpu.vector_store %arg10[%swap3A_989, %swap3A_990], %gather3A_975 {strides = array<i32>} : memref<16x64xf32, #tpu.memory_space<vmem>>, vector<16xf32>,
    %broadcast_in_dim3A_992 = arith.constant 7 : i32
    %broadcast_in_dim3A_993 = vector.broadcast %broadcast_in_dim3A_992 : i32 to vector<16xi32>
    %gather3A_994 = tpu.vector_load_idx %arg7[%broadcast_in_dim3A_993, %add3A_738] : memref<16x2048xf32, #tpu.memory_space<vmem>>[vector<16xi32>, vector<16xi32>], vector<16xf32>,
    %gather3A_995 = tpu.vector_load_idx %arg7[%broadcast_in_dim3A_993, %add3A_771] : memref<16x2048xf32, #tpu.memory_space<vmem>>[vector<16xi32>, vector<16xi32>], vector<16xf32>,
    %gather3A_996 = tpu.vector_load_idx %arg7[%broadcast_in_dim3A_993, %add3A_804] : memref<16x2048xf32, #tpu.memory_space<vmem>>[vector<16xi32>, vector<16xi32>], vector<16xf32>,
    %gather3A_997 = tpu.vector_load_idx %arg7[%broadcast_in_dim3A_993, %add3A_837] : memref<16x2048xf32, #tpu.memory_space<vmem>>[vector<16xi32>, vector<16xi32>], vector<16xf32>,
    %swap3A_998 = arith.constant 7 : i32
    %swap3A_999 = arith.index_cast %swap3A_998 : i32 to index
    %swap3A_1000 = arith.constant 0 : index
    %swap3A_1001 = tpu.vector_load %arg10[%swap3A_999, %swap3A_1000] {strides = array<i32>} : memref<16x64xf32, #tpu.memory_space<vmem>>, vector<16xf32>,
    tpu.vector_store %arg10[%swap3A_999, %swap3A_1000], %gather3A_994 {strides = array<i32>} : memref<16x64xf32, #tpu.memory_space<vmem>>, vector<16xf32>,
    %swap3A_1002 = arith.constant 7 : i32
    %swap3A_1003 = arith.index_cast %swap3A_1002 : i32 to index
    %swap3A_1004 = arith.constant 16 : index
    %swap3A_1005 = tpu.vector_load %arg10[%swap3A_1003, %swap3A_1004] {strides = array<i32>} : memref<16x64xf32, #tpu.memory_space<vmem>>, vector<16xf32>,
    tpu.vector_store %arg10[%swap3A_1003, %swap3A_1004], %gather3A_995 {strides = array<i32>} : memref<16x64xf32, #tpu.memory_space<vmem>>, vector<16xf32>,
    %swap3A_1006 = arith.constant 7 : i32
    %swap3A_1007 = arith.index_cast %swap3A_1006 : i32 to index
    %swap3A_1008 = arith.constant 32 : index
    %swap3A_1009 = tpu.vector_load %arg10[%swap3A_1007, %swap3A_1008] {strides = array<i32>} : memref<16x64xf32, #tpu.memory_space<vmem>>, vector<16xf32>,
    tpu.vector_store %arg10[%swap3A_1007, %swap3A_1008], %gather3A_996 {strides = array<i32>} : memref<16x64xf32, #tpu.memory_space<vmem>>, vector<16xf32>,
    %swap3A_1010 = arith.constant 7 : i32
    %swap3A_1011 = arith.index_cast %swap3A_1010 : i32 to index
    %swap3A_1012 = arith.constant 48 : index
    %swap3A_1013 = tpu.vector_load %arg10[%swap3A_1011, %swap3A_1012] {strides = array<i32>} : memref<16x64xf32, #tpu.memory_space<vmem>>, vector<16xf32>,
    tpu.vector_store %arg10[%swap3A_1011, %swap3A_1012], %gather3A_997 {strides = array<i32>} : memref<16x64xf32, #tpu.memory_space<vmem>>, vector<16xf32>,
    %broadcast_in_dim3A_1014 = arith.constant 8 : i32
    %broadcast_in_dim3A_1015 = vector.broadcast %broadcast_in_dim3A_1014 : i32 to vector<16xi32>
    %gather3A_1016 = tpu.vector_load_idx %arg7[%broadcast_in_dim3A_1015, %add3A_738] : memref<16x2048xf32, #tpu.memory_space<vmem>>[vector<16xi32>, vector<16xi32>], vector<16xf32>,
    %gather3A_1017 = tpu.vector_load_idx %arg7[%broadcast_in_dim3A_1015, %add3A_771] : memref<16x2048xf32, #tpu.memory_space<vmem>>[vector<16xi32>, vector<16xi32>], vector<16xf32>,
    %gather3A_1018 = tpu.vector_load_idx %arg7[%broadcast_in_dim3A_1015, %add3A_804] : memref<16x2048xf32, #tpu.memory_space<vmem>>[vector<16xi32>, vector<16xi32>], vector<16xf32>,
    %gather3A_1019 = tpu.vector_load_idx %arg7[%broadcast_in_dim3A_1015, %add3A_837] : memref<16x2048xf32, #tpu.memory_space<vmem>>[vector<16xi32>, vector<16xi32>], vector<16xf32>,
    %swap3A_1020 = arith.constant 8 : i32
    %swap3A_1021 = arith.index_cast %swap3A_1020 : i32 to index
    %swap3A_1022 = arith.constant 0 : index
    %swap3A_1023 = tpu.vector_load %arg10[%swap3A_1021, %swap3A_1022] {strides = array<i32>} : memref<16x64xf32, #tpu.memory_space<vmem>>, vector<16xf32>,
    tpu.vector_store %arg10[%swap3A_1021, %swap3A_1022], %gather3A_1016 {strides = array<i32>} : memref<16x64xf32, #tpu.memory_space<vmem>>, vector<16xf32>,
    %swap3A_1024 = arith.constant 8 : i32
    %swap3A_1025 = arith.index_cast %swap3A_1024 : i32 to index
    %swap3A_1026 = arith.constant 16 : index
    %swap3A_1027 = tpu.vector_load %arg10[%swap3A_1025, %swap3A_1026] {strides = array<i32>} : memref<16x64xf32, #tpu.memory_space<vmem>>, vector<16xf32>,
    tpu.vector_store %arg10[%swap3A_1025, %swap3A_1026], %gather3A_1017 {strides = array<i32>} : memref<16x64xf32, #tpu.memory_space<vmem>>, vector<16xf32>,
    %swap3A_1028 = arith.constant 8 : i32
    %swap3A_1029 = arith.index_cast %swap3A_1028 : i32 to index
    %swap3A_1030 = arith.constant 32 : index
    %swap3A_1031 = tpu.vector_load %arg10[%swap3A_1029, %swap3A_1030] {strides = array<i32>} : memref<16x64xf32, #tpu.memory_space<vmem>>, vector<16xf32>,
    tpu.vector_store %arg10[%swap3A_1029, %swap3A_1030], %gather3A_1018 {strides = array<i32>} : memref<16x64xf32, #tpu.memory_space<vmem>>, vector<16xf32>,
    %swap3A_1032 = arith.constant 8 : i32
    %swap3A_1033 = arith.index_cast %swap3A_1032 : i32 to index
    %swap3A_1034 = arith.constant 48 : index
    %swap3A_1035 = tpu.vector_load %arg10[%swap3A_1033, %swap3A_1034] {strides = array<i32>} : memref<16x64xf32, #tpu.memory_space<vmem>>, vector<16xf32>,
    tpu.vector_store %arg10[%swap3A_1033, %swap3A_1034], %gather3A_1019 {strides = array<i32>} : memref<16x64xf32, #tpu.memory_space<vmem>>, vector<16xf32>,
    %broadcast_in_dim3A_1036 = arith.constant 9 : i32
    %broadcast_in_dim3A_1037 = vector.broadcast %broadcast_in_dim3A_1036 : i32 to vector<16xi32>
    %gather3A_1038 = tpu.vector_load_idx %arg7[%broadcast_in_dim3A_1037, %add3A_738] : memref<16x2048xf32, #tpu.memory_space<vmem>>[vector<16xi32>, vector<16xi32>], vector<16xf32>,
    %gather3A_1039 = tpu.vector_load_idx %arg7[%broadcast_in_dim3A_1037, %add3A_771] : memref<16x2048xf32, #tpu.memory_space<vmem>>[vector<16xi32>, vector<16xi32>], vector<16xf32>,
    %gather3A_1040 = tpu.vector_load_idx %arg7[%broadcast_in_dim3A_1037, %add3A_804] : memref<16x2048xf32, #tpu.memory_space<vmem>>[vector<16xi32>, vector<16xi32>], vector<16xf32>,
    %gather3A_1041 = tpu.vector_load_idx %arg7[%broadcast_in_dim3A_1037, %add3A_837] : memref<16x2048xf32, #tpu.memory_space<vmem>>[vector<16xi32>, vector<16xi32>], vector<16xf32>,
    %swap3A_1042 = arith.constant 9 : i32
    %swap3A_1043 = arith.index_cast %swap3A_1042 : i32 to index
    %swap3A_1044 = arith.constant 0 : index
    %swap3A_1045 = tpu.vector_load %arg10[%swap3A_1043, %swap3A_1044] {strides = array<i32>} : memref<16x64xf32, #tpu.memory_space<vmem>>, vector<16xf32>,
    tpu.vector_store %arg10[%swap3A_1043, %swap3A_1044], %gather3A_1038 {strides = array<i32>} : memref<16x64xf32, #tpu.memory_space<vmem>>, vector<16xf32>,
    %swap3A_1046 = arith.constant 9 : i32
    %swap3A_1047 = arith.index_cast %swap3A_1046 : i32 to index
    %swap3A_1048 = arith.constant 16 : index
    %swap3A_1049 = tpu.vector_load %arg10[%swap3A_1047, %swap3A_1048] {strides = array<i32>} : memref<16x64xf32, #tpu.memory_space<vmem>>, vector<16xf32>,
    tpu.vector_store %arg10[%swap3A_1047, %swap3A_1048], %gather3A_1039 {strides = array<i32>} : memref<16x64xf32, #tpu.memory_space<vmem>>, vector<16xf32>,
    %swap3A_1050 = arith.constant 9 : i32
    %swap3A_1051 = arith.index_cast %swap3A_1050 : i32 to index
    %swap3A_1052 = arith.constant 32 : index
    %swap3A_1053 = tpu.vector_load %arg10[%swap3A_1051, %swap3A_1052] {strides = array<i32>} : memref<16x64xf32, #tpu.memory_space<vmem>>, vector<16xf32>,
    tpu.vector_store %arg10[%swap3A_1051, %swap3A_1052], %gather3A_1040 {strides = array<i32>} : memref<16x64xf32, #tpu.memory_space<vmem>>, vector<16xf32>,
    %swap3A_1054 = arith.constant 9 : i32
    %swap3A_1055 = arith.index_cast %swap3A_1054 : i32 to index
    %swap3A_1056 = arith.constant 48 : index
    %swap3A_1057 = tpu.vector_load %arg10[%swap3A_1055, %swap3A_1056] {strides = array<i32>} : memref<16x64xf32, #tpu.memory_space<vmem>>, vector<16xf32>,
    tpu.vector_store %arg10[%swap3A_1055, %swap3A_1056], %gather3A_1041 {strides = array<i32>} : memref<16x64xf32, #tpu.memory_space<vmem>>, vector<16xf32>,
    %broadcast_in_dim3A_1058 = arith.constant 10 : i32
    %broadcast_in_dim3A_1059 = vector.broadcast %broadcast_in_dim3A_1058 : i32 to vector<16xi32>
    %gather3A_1060 = tpu.vector_load_idx %arg7[%broadcast_in_dim3A_1059, %add3A_738] : memref<16x2048xf32, #tpu.memory_space<vmem>>[vector<16xi32>, vector<16xi32>], vector<16xf32>,
    %gather3A_1061 = tpu.vector_load_idx %arg7[%broadcast_in_dim3A_1059, %add3A_771] : memref<16x2048xf32, #tpu.memory_space<vmem>>[vector<16xi32>, vector<16xi32>], vector<16xf32>,
    %gather3A_1062 = tpu.vector_load_idx %arg7[%broadcast_in_dim3A_1059, %add3A_804] : memref<16x2048xf32, #tpu.memory_space<vmem>>[vector<16xi32>, vector<16xi32>], vector<16xf32>,
    %gather3A_1063 = tpu.vector_load_idx %arg7[%broadcast_in_dim3A_1059, %add3A_837] : memref<16x2048xf32, #tpu.memory_space<vmem>>[vector<16xi32>, vector<16xi32>], vector<16xf32>,
    %swap3A_1064 = arith.constant 10 : i32
    %swap3A_1065 = arith.index_cast %swap3A_1064 : i32 to index
    %swap3A_1066 = arith.constant 0 : index
    %swap3A_1067 = tpu.vector_load %arg10[%swap3A_1065, %swap3A_1066] {strides = array<i32>} : memref<16x64xf32, #tpu.memory_space<vmem>>, vector<16xf32>,
    tpu.vector_store %arg10[%swap3A_1065, %swap3A_1066], %gather3A_1060 {strides = array<i32>} : memref<16x64xf32, #tpu.memory_space<vmem>>, vector<16xf32>,
    %swap3A_1068 = arith.constant 10 : i32
    %swap3A_1069 = arith.index_cast %swap3A_1068 : i32 to index
    %swap3A_1070 = arith.constant 16 : index
    %swap3A_1071 = tpu.vector_load %arg10[%swap3A_1069, %swap3A_1070] {strides = array<i32>} : memref<16x64xf32, #tpu.memory_space<vmem>>, vector<16xf32>,
    tpu.vector_store %arg10[%swap3A_1069, %swap3A_1070], %gather3A_1061 {strides = array<i32>} : memref<16x64xf32, #tpu.memory_space<vmem>>, vector<16xf32>,
    %swap3A_1072 = arith.constant 10 : i32
    %swap3A_1073 = arith.index_cast %swap3A_1072 : i32 to index
    %swap3A_1074 = arith.constant 32 : index
    %swap3A_1075 = tpu.vector_load %arg10[%swap3A_1073, %swap3A_1074] {strides = array<i32>} : memref<16x64xf32, #tpu.memory_space<vmem>>, vector<16xf32>,
    tpu.vector_store %arg10[%swap3A_1073, %swap3A_1074], %gather3A_1062 {strides = array<i32>} : memref<16x64xf32, #tpu.memory_space<vmem>>, vector<16xf32>,
    %swap3A_1076 = arith.constant 10 : i32
    %swap3A_1077 = arith.index_cast %swap3A_1076 : i32 to index
    %swap3A_1078 = arith.constant 48 : index
    %swap3A_1079 = tpu.vector_load %arg10[%swap3A_1077, %swap3A_1078] {strides = array<i32>} : memref<16x64xf32, #tpu.memory_space<vmem>>, vector<16xf32>,
    tpu.vector_store %arg10[%swap3A_1077, %swap3A_1078], %gather3A_1063 {strides = array<i32>} : memref<16x64xf32, #tpu.memory_space<vmem>>, vector<16xf32>,
    %broadcast_in_dim3A_1080 = arith.constant 11 : i32
    %broadcast_in_dim3A_1081 = vector.broadcast %broadcast_in_dim3A_1080 : i32 to vector<16xi32>
    %gather3A_1082 = tpu.vector_load_idx %arg7[%broadcast_in_dim3A_1081, %add3A_738] : memref<16x2048xf32, #tpu.memory_space<vmem>>[vector<16xi32>, vector<16xi32>], vector<16xf32>,
    %gather3A_1083 = tpu.vector_load_idx %arg7[%broadcast_in_dim3A_1081, %add3A_771] : memref<16x2048xf32, #tpu.memory_space<vmem>>[vector<16xi32>, vector<16xi32>], vector<16xf32>,
    %gather3A_1084 = tpu.vector_load_idx %arg7[%broadcast_in_dim3A_1081, %add3A_804] : memref<16x2048xf32, #tpu.memory_space<vmem>>[vector<16xi32>, vector<16xi32>], vector<16xf32>,
    %gather3A_1085 = tpu.vector_load_idx %arg7[%broadcast_in_dim3A_1081, %add3A_837] : memref<16x2048xf32, #tpu.memory_space<vmem>>[vector<16xi32>, vector<16xi32>], vector<16xf32>,
    %swap3A_1086 = arith.constant 11 : i32
    %swap3A_1087 = arith.index_cast %swap3A_1086 : i32 to index
    %swap3A_1088 = arith.constant 0 : index
    %swap3A_1089 = tpu.vector_load %arg10[%swap3A_1087, %swap3A_1088] {strides = array<i32>} : memref<16x64xf32, #tpu.memory_space<vmem>>, vector<16xf32>,
    tpu.vector_store %arg10[%swap3A_1087, %swap3A_1088], %gather3A_1082 {strides = array<i32>} : memref<16x64xf32, #tpu.memory_space<vmem>>, vector<16xf32>,
    %swap3A_1090 = arith.constant 11 : i32
    %swap3A_1091 = arith.index_cast %swap3A_1090 : i32 to index
    %swap3A_1092 = arith.constant 16 : index
    %swap3A_1093 = tpu.vector_load %arg10[%swap3A_1091, %swap3A_1092] {strides = array<i32>} : memref<16x64xf32, #tpu.memory_space<vmem>>, vector<16xf32>,
    tpu.vector_store %arg10[%swap3A_1091, %swap3A_1092], %gather3A_1083 {strides = array<i32>} : memref<16x64xf32, #tpu.memory_space<vmem>>, vector<16xf32>,
    %swap3A_1094 = arith.constant 11 : i32
    %swap3A_1095 = arith.index_cast %swap3A_1094 : i32 to index
    %swap3A_1096 = arith.constant 32 : index
    %swap3A_1097 = tpu.vector_load %arg10[%swap3A_1095, %swap3A_1096] {strides = array<i32>} : memref<16x64xf32, #tpu.memory_space<vmem>>, vector<16xf32>,
    tpu.vector_store %arg10[%swap3A_1095, %swap3A_1096], %gather3A_1084 {strides = array<i32>} : memref<16x64xf32, #tpu.memory_space<vmem>>, vector<16xf32>,
    %swap3A_1098 = arith.constant 11 : i32
    %swap3A_1099 = arith.index_cast %swap3A_1098 : i32 to index
    %swap3A_1100 = arith.constant 48 : index
    %swap3A_1101 = tpu.vector_load %arg10[%swap3A_1099, %swap3A_1100] {strides = array<i32>} : memref<16x64xf32, #tpu.memory_space<vmem>>, vector<16xf32>,
    tpu.vector_store %arg10[%swap3A_1099, %swap3A_1100], %gather3A_1085 {strides = array<i32>} : memref<16x64xf32, #tpu.memory_space<vmem>>, vector<16xf32>,
    %broadcast_in_dim3A_1102 = arith.constant 12 : i32
    %broadcast_in_dim3A_1103 = vector.broadcast %broadcast_in_dim3A_1102 : i32 to vector<16xi32>
    %gather3A_1104 = tpu.vector_load_idx %arg7[%broadcast_in_dim3A_1103, %add3A_738] : memref<16x2048xf32, #tpu.memory_space<vmem>>[vector<16xi32>, vector<16xi32>], vector<16xf32>,
    %gather3A_1105 = tpu.vector_load_idx %arg7[%broadcast_in_dim3A_1103, %add3A_771] : memref<16x2048xf32, #tpu.memory_space<vmem>>[vector<16xi32>, vector<16xi32>], vector<16xf32>,
    %gather3A_1106 = tpu.vector_load_idx %arg7[%broadcast_in_dim3A_1103, %add3A_804] : memref<16x2048xf32, #tpu.memory_space<vmem>>[vector<16xi32>, vector<16xi32>], vector<16xf32>,
    %gather3A_1107 = tpu.vector_load_idx %arg7[%broadcast_in_dim3A_1103, %add3A_837] : memref<16x2048xf32, #tpu.memory_space<vmem>>[vector<16xi32>, vector<16xi32>], vector<16xf32>,
    %swap3A_1108 = arith.constant 12 : i32
    %swap3A_1109 = arith.index_cast %swap3A_1108 : i32 to index
    %swap3A_1110 = arith.constant 0 : index
    %swap3A_1111 = tpu.vector_load %arg10[%swap3A_1109, %swap3A_1110] {strides = array<i32>} : memref<16x64xf32, #tpu.memory_space<vmem>>, vector<16xf32>,
    tpu.vector_store %arg10[%swap3A_1109, %swap3A_1110], %gather3A_1104 {strides = array<i32>} : memref<16x64xf32, #tpu.memory_space<vmem>>, vector<16xf32>,
    %swap3A_1112 = arith.constant 12 : i32
    %swap3A_1113 = arith.index_cast %swap3A_1112 : i32 to index
    %swap3A_1114 = arith.constant 16 : index
    %swap3A_1115 = tpu.vector_load %arg10[%swap3A_1113, %swap3A_1114] {strides = array<i32>} : memref<16x64xf32, #tpu.memory_space<vmem>>, vector<16xf32>,
    tpu.vector_store %arg10[%swap3A_1113, %swap3A_1114], %gather3A_1105 {strides = array<i32>} : memref<16x64xf32, #tpu.memory_space<vmem>>, vector<16xf32>,
    %swap3A_1116 = arith.constant 12 : i32
    %swap3A_1117 = arith.index_cast %swap3A_1116 : i32 to index
    %swap3A_1118 = arith.constant 32 : index
    %swap3A_1119 = tpu.vector_load %arg10[%swap3A_1117, %swap3A_1118] {strides = array<i32>} : memref<16x64xf32, #tpu.memory_space<vmem>>, vector<16xf32>,
    tpu.vector_store %arg10[%swap3A_1117, %swap3A_1118], %gather3A_1106 {strides = array<i32>} : memref<16x64xf32, #tpu.memory_space<vmem>>, vector<16xf32>,
    %swap3A_1120 = arith.constant 12 : i32
    %swap3A_1121 = arith.index_cast %swap3A_1120 : i32 to index
    %swap3A_1122 = arith.constant 48 : index
    %swap3A_1123 = tpu.vector_load %arg10[%swap3A_1121, %swap3A_1122] {strides = array<i32>} : memref<16x64xf32, #tpu.memory_space<vmem>>, vector<16xf32>,
    tpu.vector_store %arg10[%swap3A_1121, %swap3A_1122], %gather3A_1107 {strides = array<i32>} : memref<16x64xf32, #tpu.memory_space<vmem>>, vector<16xf32>,
    %broadcast_in_dim3A_1124 = arith.constant 13 : i32
    %broadcast_in_dim3A_1125 = vector.broadcast %broadcast_in_dim3A_1124 : i32 to vector<16xi32>
    %gather3A_1126 = tpu.vector_load_idx %arg7[%broadcast_in_dim3A_1125, %add3A_738] : memref<16x2048xf32, #tpu.memory_space<vmem>>[vector<16xi32>, vector<16xi32>], vector<16xf32>,
    %gather3A_1127 = tpu.vector_load_idx %arg7[%broadcast_in_dim3A_1125, %add3A_771] : memref<16x2048xf32, #tpu.memory_space<vmem>>[vector<16xi32>, vector<16xi32>], vector<16xf32>,
    %gather3A_1128 = tpu.vector_load_idx %arg7[%broadcast_in_dim3A_1125, %add3A_804] : memref<16x2048xf32, #tpu.memory_space<vmem>>[vector<16xi32>, vector<16xi32>], vector<16xf32>,
    %gather3A_1129 = tpu.vector_load_idx %arg7[%broadcast_in_dim3A_1125, %add3A_837] : memref<16x2048xf32, #tpu.memory_space<vmem>>[vector<16xi32>, vector<16xi32>], vector<16xf32>,
    %swap3A_1130 = arith.constant 13 : i32
    %swap3A_1131 = arith.index_cast %swap3A_1130 : i32 to index
    %swap3A_1132 = arith.constant 0 : index
    %swap3A_1133 = tpu.vector_load %arg10[%swap3A_1131, %swap3A_1132] {strides = array<i32>} : memref<16x64xf32, #tpu.memory_space<vmem>>, vector<16xf32>,
    tpu.vector_store %arg10[%swap3A_1131, %swap3A_1132], %gather3A_1126 {strides = array<i32>} : memref<16x64xf32, #tpu.memory_space<vmem>>, vector<16xf32>,
    %swap3A_1134 = arith.constant 13 : i32
    %swap3A_1135 = arith.index_cast %swap3A_1134 : i32 to index
    %swap3A_1136 = arith.constant 16 : index
    %swap3A_1137 = tpu.vector_load %arg10[%swap3A_1135, %swap3A_1136] {strides = array<i32>} : memref<16x64xf32, #tpu.memory_space<vmem>>, vector<16xf32>,
    tpu.vector_store %arg10[%swap3A_1135, %swap3A_1136], %gather3A_1127 {strides = array<i32>} : memref<16x64xf32, #tpu.memory_space<vmem>>, vector<16xf32>,
    %swap3A_1138 = arith.constant 13 : i32
    %swap3A_1139 = arith.index_cast %swap3A_1138 : i32 to index
    %swap3A_1140 = arith.constant 32 : index
    %swap3A_1141 = tpu.vector_load %arg10[%swap3A_1139, %swap3A_1140] {strides = array<i32>} : memref<16x64xf32, #tpu.memory_space<vmem>>, vector<16xf32>,
    tpu.vector_store %arg10[%swap3A_1139, %swap3A_1140], %gather3A_1128 {strides = array<i32>} : memref<16x64xf32, #tpu.memory_space<vmem>>, vector<16xf32>,
    %swap3A_1142 = arith.constant 13 : i32
    %swap3A_1143 = arith.index_cast %swap3A_1142 : i32 to index
    %swap3A_1144 = arith.constant 48 : index
    %swap3A_1145 = tpu.vector_load %arg10[%swap3A_1143, %swap3A_1144] {strides = array<i32>} : memref<16x64xf32, #tpu.memory_space<vmem>>, vector<16xf32>,
    tpu.vector_store %arg10[%swap3A_1143, %swap3A_1144], %gather3A_1129 {strides = array<i32>} : memref<16x64xf32, #tpu.memory_space<vmem>>, vector<16xf32>,
    %broadcast_in_dim3A_1146 = arith.constant 14 : i32
    %broadcast_in_dim3A_1147 = vector.broadcast %broadcast_in_dim3A_1146 : i32 to vector<16xi32>
    %gather3A_1148 = tpu.vector_load_idx %arg7[%broadcast_in_dim3A_1147, %add3A_738] : memref<16x2048xf32, #tpu.memory_space<vmem>>[vector<16xi32>, vector<16xi32>], vector<16xf32>,
    %gather3A_1149 = tpu.vector_load_idx %arg7[%broadcast_in_dim3A_1147, %add3A_771] : memref<16x2048xf32, #tpu.memory_space<vmem>>[vector<16xi32>, vector<16xi32>], vector<16xf32>,
    %gather3A_1150 = tpu.vector_load_idx %arg7[%broadcast_in_dim3A_1147, %add3A_804] : memref<16x2048xf32, #tpu.memory_space<vmem>>[vector<16xi32>, vector<16xi32>], vector<16xf32>,
    %gather3A_1151 = tpu.vector_load_idx %arg7[%broadcast_in_dim3A_1147, %add3A_837] : memref<16x2048xf32, #tpu.memory_space<vmem>>[vector<16xi32>, vector<16xi32>], vector<16xf32>,
    %swap3A_1152 = arith.constant 14 : i32
    %swap3A_1153 = arith.index_cast %swap3A_1152 : i32 to index
    %swap3A_1154 = arith.constant 0 : index
    %swap3A_1155 = tpu.vector_load %arg10[%swap3A_1153, %swap3A_1154] {strides = array<i32>} : memref<16x64xf32, #tpu.memory_space<vmem>>, vector<16xf32>,
    tpu.vector_store %arg10[%swap3A_1153, %swap3A_1154], %gather3A_1148 {strides = array<i32>} : memref<16x64xf32, #tpu.memory_space<vmem>>, vector<16xf32>,
    %swap3A_1156 = arith.constant 14 : i32
    %swap3A_1157 = arith.index_cast %swap3A_1156 : i32 to index
    %swap3A_1158 = arith.constant 16 : index
    %swap3A_1159 = tpu.vector_load %arg10[%swap3A_1157, %swap3A_1158] {strides = array<i32>} : memref<16x64xf32, #tpu.memory_space<vmem>>, vector<16xf32>,
    tpu.vector_store %arg10[%swap3A_1157, %swap3A_1158], %gather3A_1149 {strides = array<i32>} : memref<16x64xf32, #tpu.memory_space<vmem>>, vector<16xf32>,
    %swap3A_1160 = arith.constant 14 : i32
    %swap3A_1161 = arith.index_cast %swap3A_1160 : i32 to index
    %swap3A_1162 = arith.constant 32 : index
    %swap3A_1163 = tpu.vector_load %arg10[%swap3A_1161, %swap3A_1162] {strides = array<i32>} : memref<16x64xf32, #tpu.memory_space<vmem>>, vector<16xf32>,
    tpu.vector_store %arg10[%swap3A_1161, %swap3A_1162], %gather3A_1150 {strides = array<i32>} : memref<16x64xf32, #tpu.memory_space<vmem>>, vector<16xf32>,
    %swap3A_1164 = arith.constant 14 : i32
    %swap3A_1165 = arith.index_cast %swap3A_1164 : i32 to index
    %swap3A_1166 = arith.constant 48 : index
    %swap3A_1167 = tpu.vector_load %arg10[%swap3A_1165, %swap3A_1166] {strides = array<i32>} : memref<16x64xf32, #tpu.memory_space<vmem>>, vector<16xf32>,
    tpu.vector_store %arg10[%swap3A_1165, %swap3A_1166], %gather3A_1151 {strides = array<i32>} : memref<16x64xf32, #tpu.memory_space<vmem>>, vector<16xf32>,
    %broadcast_in_dim3A_1168 = arith.constant 15 : i32
    %broadcast_in_dim3A_1169 = vector.broadcast %broadcast_in_dim3A_1168 : i32 to vector<16xi32>
    %gather3A_1170 = tpu.vector_load_idx %arg7[%broadcast_in_dim3A_1169, %add3A_738] : memref<16x2048xf32, #tpu.memory_space<vmem>>[vector<16xi32>, vector<16xi32>], vector<16xf32>,
    %gather3A_1171 = tpu.vector_load_idx %arg7[%broadcast_in_dim3A_1169, %add3A_771] : memref<16x2048xf32, #tpu.memory_space<vmem>>[vector<16xi32>, vector<16xi32>], vector<16xf32>,
    %gather3A_1172 = tpu.vector_load_idx %arg7[%broadcast_in_dim3A_1169, %add3A_804] : memref<16x2048xf32, #tpu.memory_space<vmem>>[vector<16xi32>, vector<16xi32>], vector<16xf32>,
    %gather3A_1173 = tpu.vector_load_idx %arg7[%broadcast_in_dim3A_1169, %add3A_837] : memref<16x2048xf32, #tpu.memory_space<vmem>>[vector<16xi32>, vector<16xi32>], vector<16xf32>,
    %swap3A_1174 = arith.constant 15 : i32
    %swap3A_1175 = arith.index_cast %swap3A_1174 : i32 to index
    %swap3A_1176 = arith.constant 0 : index
    %swap3A_1177 = tpu.vector_load %arg10[%swap3A_1175, %swap3A_1176] {strides = array<i32>} : memref<16x64xf32, #tpu.memory_space<vmem>>, vector<16xf32>,
    tpu.vector_store %arg10[%swap3A_1175, %swap3A_1176], %gather3A_1170 {strides = array<i32>} : memref<16x64xf32, #tpu.memory_space<vmem>>, vector<16xf32>,
    %swap3A_1178 = arith.constant 15 : i32
    %swap3A_1179 = arith.index_cast %swap3A_1178 : i32 to index
    %swap3A_1180 = arith.constant 16 : index
    %swap3A_1181 = tpu.vector_load %arg10[%swap3A_1179, %swap3A_1180] {strides = array<i32>} : memref<16x64xf32, #tpu.memory_space<vmem>>, vector<16xf32>,
    tpu.vector_store %arg10[%swap3A_1179, %swap3A_1180], %gather3A_1171 {strides = array<i32>} : memref<16x64xf32, #tpu.memory_space<vmem>>, vector<16xf32>,
    %swap3A_1182 = arith.constant 15 : i32
    %swap3A_1183 = arith.index_cast %swap3A_1182 : i32 to index
    %swap3A_1184 = arith.constant 32 : index
    %swap3A_1185 = tpu.vector_load %arg10[%swap3A_1183, %swap3A_1184] {strides = array<i32>} : memref<16x64xf32, #tpu.memory_space<vmem>>, vector<16xf32>,
    tpu.vector_store %arg10[%swap3A_1183, %swap3A_1184], %gather3A_1172 {strides = array<i32>} : memref<16x64xf32, #tpu.memory_space<vmem>>, vector<16xf32>,
    %swap3A_1186 = arith.constant 15 : i32
    %swap3A_1187 = arith.index_cast %swap3A_1186 : i32 to index
    %swap3A_1188 = arith.constant 48 : index
    %swap3A_1189 = tpu.vector_load %arg10[%swap3A_1187, %swap3A_1188] {strides = array<i32>} : memref<16x64xf32, #tpu.memory_space<vmem>>, vector<16xf32>,
    tpu.vector_store %arg10[%swap3A_1187, %swap3A_1188], %gather3A_1173 {strides = array<i32>} : memref<16x64xf32, #tpu.memory_space<vmem>>, vector<16xf32>,
    %add3A_1190 = arith.constant 992 : i32
    %add3A_1191 = arith.addi %add3A, %add3A_1190 : i32
    %mul3A_1192 = arith.constant 16 : i32
    %mul3A_1193 = arith.muli %add3A_1191, %mul3A_1192 : i32
    %dma_start3A_1194 = arith.constant 0 : i32
    %dma_start3A_1195 = tpu.memref_slice %arg4[%mul3A_1193, %dma_start3A_1194] : memref<16384x64xf32, #tpu.memory_space<hbm>> -> memref<16x64xf32, #tpu.memory_space<hbm>>
    %dma_start3A_1196 = arith.constant 0 : i32
    %dma_start3A_1197 = tpu.memref_slice %arg4[%mul3A_1193, %dma_start3A_1196] : memref<16384x64xf32, #tpu.memory_space<hbm>> -> memref<16x64xf32, #tpu.memory_space<hbm>>
    tpu.enqueue_dma source(%arg10 : memref<16x64xf32, #tpu.memory_space<vmem>>) target(%dma_start3A_1197 : memref<16x64xf32, #tpu.memory_space<hbm>>) target_semaphore(%arg18 : memref<!tpu.dma_semaphore, #tpu.memory_space<semaphore_mem>>)
    %dma_wait3A_1198 = arith.constant 0 : i32
    %dma_wait3A_1199 = arith.constant 0 : i32
    %dma_wait3A_1200 = tpu.memref_slice %arg4[%dma_wait3A_1198, %dma_wait3A_1199] : memref<16384x64xf32, #tpu.memory_space<hbm>> -> memref<16x64xf32, #tpu.memory_space<hbm>>
    %dma_wait3A_1201 = arith.constant 0 : i32
    %dma_wait3A_1202 = arith.constant 0 : i32
    %dma_wait3A_1203 = tpu.memref_slice %arg4[%dma_wait3A_1201, %dma_wait3A_1202] : memref<16384x64xf32, #tpu.memory_space<hbm>> -> memref<16x64xf32, #tpu.memory_space<hbm>>
    tpu.wait_dma2 semaphore(%arg19 : memref<!tpu.dma_semaphore, #tpu.memory_space<semaphore_mem>>) src(%arg11 : memref<16x64xf32, #tpu.memory_space<vmem>>) dst(%dma_wait3A_1203 : memref<16x64xf32, #tpu.memory_space<hbm>>)
    %dma_wait3A_1204 = arith.constant 0 : i32
    %dma_wait3A_1205 = arith.constant 0 : i32
    %dma_wait3A_1206 = tpu.memref_slice %arg4[%dma_wait3A_1204, %dma_wait3A_1205] : memref<16384x64xf32, #tpu.memory_space<hbm>> -> memref<16x64xf32, #tpu.memory_space<hbm>>
    %dma_wait3A_1207 = arith.constant 0 : i32
    %dma_wait3A_1208 = arith.constant 0 : i32
    %dma_wait3A_1209 = tpu.memref_slice %arg4[%dma_wait3A_1207, %dma_wait3A_1208] : memref<16384x64xf32, #tpu.memory_space<hbm>> -> memref<16x64xf32, #tpu.memory_space<hbm>>
    tpu.wait_dma2 semaphore(%arg17 : memref<!tpu.dma_semaphore, #tpu.memory_space<semaphore_mem>>) src(%arg9 : memref<16x64xf32, #tpu.memory_space<vmem>>) dst(%dma_wait3A_1209 : memref<16x64xf32, #tpu.memory_space<hbm>>)
    %dma_wait3A_1210 = arith.constant 0 : i32
    %dma_wait3A_1211 = arith.constant 0 : i32
    %dma_wait3A_1212 = tpu.memref_slice %arg4[%dma_wait3A_1210, %dma_wait3A_1211] : memref<16384x64xf32, #tpu.memory_space<hbm>> -> memref<16x64xf32, #tpu.memory_space<hbm>>
    %dma_wait3A_1213 = arith.constant 0 : i32
    %dma_wait3A_1214 = arith.constant 0 : i32
    %dma_wait3A_1215 = tpu.memref_slice %arg4[%dma_wait3A_1213, %dma_wait3A_1214] : memref<16384x64xf32, #tpu.memory_space<hbm>> -> memref<16x64xf32, #tpu.memory_space<hbm>>
    tpu.wait_dma2 semaphore(%arg18 : memref<!tpu.dma_semaphore, #tpu.memory_space<semaphore_mem>>) src(%arg10 : memref<16x64xf32, #tpu.memory_space<vmem>>) dst(%dma_wait3A_1215 : memref<16x64xf32, #tpu.memory_space<hbm>>)
    return
  }
}

</mosaic_0001>

<sc_bundles>
// kernel: kernel.3.cloned.1.call-start
scs
__scs_entry_jumppad:
0x0: {  	(pc) =	sbr.rel $0x88, $3  }
0x1: {  	(tag) =	ssettag $0x0;
	lr =	simm.s32 $0x1  }
0x2: {  	[smem:$0x3F9F] =	sst lr;
	_ =	strace $0xD0000000  }
0x3: {  	_ = 	snop  }
0x4: {  	_ = 	snop  }
0x5: {  	_ = 	snop  }
0x6: {  	_ = 	snop  }
0x7: {  	_ = 	snop  }
__scs_overlays_trampoline_lowered:
0x8: {  	[smem:$0x3FAE] =	sst s0  }
0x9: {  	[smem:$0x3FAF] =	sst s1  }
0xa: {  	[smem:$0x3FB0] =	sst s2  }
0xb: {  	[smem:$0x3FB1] =	sst s3  }
0xc: {  	[smem:$0x3FB2] =	sst s4  }
0xd: {  	[smem:$0x3FB3] =	sst s5  }
0xe: {  	[smem:$0x3FB4] =	sst s6  }
0xf: {  	[smem:$0x3FB5] =	sst s7  }
0x10: {  	[smem:$0x3FB6] =	sst s8  }
0x11: {  	[smem:$0x3FB7] =	sst s9;
	s0 =	simm.s32 @!p0 $0x0  }
0x12: {  	s1 =	sld [smem:$0x3F9D];
	s0 =	simm.s32 @p0 $0x1  }
0x13: {  	[smem:$0x3FB8] =	sst s0;
	s0 =	simm.s32 @!p1 $0x0  }
0x14: {  	s2 =	sld [smem:$0x3F9C];
	s0 =	simm.s32 @p1 $0x1  }
0x15: {  	[smem:$0x3FB9] =	sst s0;
	s0 =	simm.s32 @!p2 $0x0  }
0x16: {  	s3 =	sld [smem:$0x3FDB];
	s0 =	simm.s32 @p2 $0x1  }
0x17: {  	s4 =	simm.s32 $0x1BF5;
	[smem:$0x3FBB] =	sst s0  }
0x18: {  	s0 =	sld [smem:$0x3F9E];
	_ =	swait.ge [sflag:s4], $0x0  }
0x19: {  	s7 =	sld [smem:$0x3F9F]  }
0x1a: {  	s8 =	sadd.s32 $0xFFFFE003, lr  }
0x1b: {  	s9 =	sadd.s32 $0xFFFFFEF7, lr;
	s5 =	simm.s32 $0xFFFFFFFF;
	p2 =	slt.u32 s8, $0xFFFFF086  }
0x1c: {  	p1 =	slt.u32 s9, $0xF7A;
	s5 =	simm.s32 @!p2 $0x0  }
0x1d: {  	s5 =	simm.s32 @p1 $0x1;
	p0 =	seq.s32 s7, s2  }
0x1e: {  	s7 =	smul.u32 @!p0 $0xF7A, s2;
	p2 =	seq.s32 @!p0 s5, $0x0  }
0x1f: {  	s9 =	smul.u32 $0xF7A, s1;
	s8 =	simm.s32 @!p0 $0x1BF5;
	p2 =	por !p2, p0  }
0x20: {  	[sflag:s8] =	ssyncset.s32 @!p0 $0xFFFFF086;
	s6 =	sadd.s32 @!p0 s3, s7;
	s7 =	simm.s32 @!p0 $0x108  }
0x21: {  	s3 =	sadd.s32 s3, s9;
	s6 =	sadd.s32 @!p0 $0x88, s6;
	s7 =	simm.s32 @p2 $0x1082  }
0x22: {  	[simem:s7], [sflag:s8] =	dma.local @!p0 [hbm:s6], $0xF7A  }
0x23: {  	s9 =	sor.u32 $0xD0000000, s2;
	s6 =	simm.s32 $0x108;
	_ =	swait.ge @!p0 [sflag:s8], $0x0  }
0x24: {  	s3 =	sadd.s32 $0x88, s3;
	s6 =	simm.s32 @!p1 $0x1082;
	[sflag:s4] =	ssyncset.s32 $0xFFFFF086  }
0x25: {  	[simem:s6], [sflag:s4] =	dma.local [hbm:s3], $0xF7A  }
0x26: {  	[smem:$0x3F9F] =	sst s1;
	(tag) =	ssettag s2;
	_ =	strace s9  }
0x27: {  	s1 =	sld [smem:$0x3FAF]  }
0x28: {  	s2 =	sld [smem:$0x3FB0]  }
0x29: {  	s4 =	sld [smem:$0x3FB2]  }
0x2a: {  	p0 =	seq.s32 s5, $0x0;
	s5 =	sld [smem:$0x3FB3]  }
0x2b: {  	s6 =	sld [smem:$0x3FB4]  }
0x2c: {  	s7 =	sld [smem:$0x3FB5]  }
0x2d: {  	s3 =	simm.s32 $0x108;
	s8 =	sld [smem:$0x3FB6]  }
0x2e: {  	s3 =	simm.s32 @!p0 $0x1082;
	s9 =	sld [smem:$0x3FB7]  }
0x2f: {  	lr =	sadd.s32 s0, s3;
	s0 =	sld [smem:$0x3FAE]  }
0x30: {  	s3 =	sld [smem:$0x3FB1]  }
0x31: {  	[smem:$0x3FBA] =	sst s10  }
0x32: {  	s10 =	sld [smem:$0x3FB8];
	_ =	sdelay $0x3  }
0x33: {  	p0 =	seq.s32 s10, $0x1;
	s10 =	sld [smem:$0x3FBA];
	_ =	sdelay $0x3  }
0x34: {  	[smem:$0x3FBA] =	sst s10  }
0x35: {  	s10 =	sld [smem:$0x3FB9];
	_ =	sdelay $0x3  }
0x36: {  	p1 =	seq.s32 s10, $0x1;
	s10 =	sld [smem:$0x3FBA];
	_ =	sdelay $0x3  }
0x37: {  	[smem:$0x3FBA] =	sst s10  }
0x38: {  	s10 =	sld [smem:$0x3FBB]  }
0x39: {  	_ = 	snop;
	(pc) =	sbr.ind lr, $3  }
0x3a: {  	_ = 	snop  }
0x3b: {  	_ = 	snop  }
0x3c: {  	p2 =	seq.s32 s10, $0x1;
	s10 =	sld [smem:$0x3FBA]  }
0x3d: {  	_ =	shalt  }
0x3e: {  	_ =	shalt  }
0x3f: {  	_ =	shalt  }
0x40: {  	_ =	shalt  }
0x41: {  	_ =	shalt  }
0x42: {  	_ =	shalt  }
0x43: {  	_ =	shalt  }
0x44: {  	_ =	shalt  }
0x45: {  	_ =	shalt  }
0x46: {  	_ =	shalt  }
0x47: {  	_ =	shalt  }
0x48: {  	_ =	shalt  }
0x49: {  	_ =	shalt  }
0x4a: {  	_ =	shalt  }
0x4b: {  	_ =	shalt  }
0x4c: {  	_ =	shalt  }
0x4d: {  	_ =	shalt  }
0x4e: {  	_ =	shalt  }
0x4f: {  	_ =	shalt  }
0x50: {  	_ =	shalt  }
0x51: {  	_ =	shalt  }
0x52: {  	_ =	shalt  }
0x53: {  	_ =	shalt  }
0x54: {  	_ =	shalt  }
0x55: {  	_ =	shalt  }
0x56: {  	_ =	shalt  }
0x57: {  	_ =	shalt  }
0x58: {  	_ =	shalt  }
0x59: {  	_ =	shalt  }
0x5a: {  	_ =	shalt  }
0x5b: {  	_ =	shalt  }
0x5c: {  	_ =	shalt  }
0x5d: {  	_ =	shalt  }
0x5e: {  	_ =	shalt  }
0x5f: {  	_ =	shalt  }
0x60: {  	_ =	shalt  }
0x61: {  	_ =	shalt  }
0x62: {  	_ =	shalt  }
0x63: {  	_ =	shalt  }
0x64: {  	_ =	shalt  }
0x65: {  	_ =	shalt  }
0x66: {  	_ =	shalt  }
0x67: {  	_ =	shalt  }
0x68: {  	_ =	shalt  }
0x69: {  	_ =	shalt  }
0x6a: {  	_ =	shalt  }
0x6b: {  	_ =	shalt  }
0x6c: {  	_ =	shalt  }
0x6d: {  	_ =	shalt  }
0x6e: {  	_ =	shalt  }
0x6f: {  	_ =	shalt  }
0x70: {  	_ =	shalt  }
0x71: {  	_ =	shalt  }
0x72: {  	_ =	shalt  }
0x73: {  	_ =	shalt  }
0x74: {  	_ =	shalt  }
0x75: {  	_ =	shalt  }
0x76: {  	_ =	shalt  }
0x77: {  	_ =	shalt  }
0x78: {  	_ =	shalt  }
0x79: {  	_ =	shalt  }
0x7a: {  	_ =	shalt  }
0x7b: {  	_ =	shalt  }
0x7c: {  	_ =	shalt  }
0x7d: {  	_ =	shalt  }
0x7e: {  	_ =	shalt  }
0x7f: {  	_ =	shalt  }
0x80: {  	_ =	shalt  }
0x81: {  	_ =	shalt  }
0x82: {  	_ =	shalt  }
0x83: {  	_ =	shalt  }
0x84: {  	_ =	shalt  }
0x85: {  	_ =	shalt  }
0x86: {  	_ =	shalt  }
0x87: {  	_ =	shalt  }
.Lfunc_end0:
.L_simem_size_0:
called_computation_lowered:
.L_overlay_start_0:
0x88: {  	s2 =	sld [smem:$0x3FD9]  }
0x89: {  	s3 =	sld [smem:$0x3FFE];
	_ =	sdelay $0x1  }
0x8a: {  	s1 =	srdreg.scid  }
0x8b: {  	s0 =	sand.u32 $0x1, s1  }
0x8c: {  	s17 =	sshll.u32 s0, $0xA;
	s2 =	sadd.s32 s3, s2  }
0x8d: {  	s2 =	sadd.s32 s2, s17  }
0x8e: {  	[smem:$0x3FC6] =	sst s2  }
0x8f: {  	_ = 	snop  }
0x90: {  	s2 =	sld [smem:$0x3FC9]  }
0x91: {  	s18 =	sld [smem:$0x3FC8];
	(tm) =	ssettm $0x1  }
0x92: {  	s4 =	sld [smem:$0x3FFB];
	_ =	sdelay $0x3  }
0x93: {  	_ =	strace s4  }
0x94: {  	s4 =	sld [smem:$0x3FFC];
	_ =	sdelay $0x3  }
0x95: {  	_ =	strace s4  }
0x96: {  	s4 =	sld [smem:$0x3FFD];
	_ =	sdelay $0x3  }
0x97: {  	_ =	strace s4  }
0x98: {  	_ =	strace $0x8FFFFFFF  }
0x99: {  	s19 =	sld [smem:$0x3FDB];
	_ =	sdelay $0x1  }
0x9a: {  	s5 =	simm.s32 $_scs_section_size  }
0x9b: {  	s6 =	simm.s32 $_size__tile_overlayer_lowered;
	s7 =	simm.s32 $_tile_overlayer_lowered  }
0x9c: {  	s22 =	simm.s32 $0x1BFF;
	s21 =	sshll.u32 s7, $0x1;
	s4 =	sadd.s32 s5, s19  }
0x9d: {  	s8 =	simm.s32 $0x0;
	s20 =	sshll.u32 s6, $0x1;
	s6 =	sadd.s32 s21, s4  }
0x9e: {  	[timem:s8], [sflag:s22] =	dma.local [hbm:s6], s20  }
0x9f: {  	_ =	swait.ge [sflag:s22], s20  }
0xa0: {  	s5 =	ssub.s32 $0x0, s20;
	[sflag:s22] =	ssyncset.done $0x0  }
0xa1: {  	[sflag:s22] =	ssyncadd.s32 s5;
	_ =	sdelay $0x1  }
0xa2: {  	s23 =	simm.s32 $0x1B8B  }
0xa3: {  	_ =	swait.ge [sflag:s23], $0x1  }
0xa4: {  	[sflag:s23] =	ssyncset.done $0x0  }
0xa5: {  	s25 =	simm.s32 $0x1B8E;
	s24 =	sld [smem:$0x3FFE];
	[sflag:s23] =	ssyncadd.s32 $0xFFFFFFFF  }
0xa6: {  	s26 =	simm.s32 $execute0_lowered;
	[smem:$0x3FD2] =	sst s25  }
0xa7: {  	s6 =	sshll.u32 s26, $0x1;
	_ =	strace $0x80000046;
	[dreg:$0x1] =	wrdreg $0xFFFFFFFF  }
0xa8: {  	s28 =	simm.s32 $_size_execute0_lowered;
	s4 =	sadd.s32 s4, s6;
	[dreg:$0x0] =	wrdreg $0x0  }
0xa9: {  	s6 =	sshll.u32 s28, $0x1;
	[dreg:$0x2] =	wrdreg s4  }
0xaa: {  	[dreg:$0x3] =	wrdreg s6  }
0xab: {  	[dreg:$0x4] =	wrdreg $0xC0  }
0xac: {  	_ =	task [dreg:s8], $0x5FFFF  }
0xad: {  	[dreg:$0x1] =	wrdreg $0xFFFFFFFF  }
0xae: {  	[dreg:$0x0] =	wrdreg $0x60  }
0xaf: {  	[dreg:$0x2] =	wrdreg s2  }
0xb0: {  	[dreg:$0x3] =	wrdreg s18  }
0xb1: {  	[dreg:$0x4] =	wrdreg s24  }
0xb2: {  	[dreg:$0x5] =	wrdreg $0x9  }
0xb3: {  	_ =	task.clear_ibuf [dreg:s8], $0x6FFFF;
	_ =	strace $0x90000046  }
0xb4: {  	s29 =	simm.s32 $0x9;
	_ =	strace $0x80000048  }
0xb5: {  	_ =	swait.ge [sflag:s29], $0x1  }
0xb6: {  	[sflag:s29] =	ssyncadd.s32 $0xFFFFFFFF  }
0xb7: {  	_ =	strace $0x90000048  }
0xb8: {  	_ =	sfence  }
0xb9: {  	s30 =	sld [smem:$0x0];
	_ =	sdelay $0x2  }
0xba: {  	s31 =	sshll.u32 s1, $0xD;
	s1 =	sshrl.u32 s1, $0x2  }
0xbb: {  	s3 =	sand.u32 $0x4000, s31;
	s1 =	sadd.s32 s1, s30  }
0xbc: {  	s0 =	sor.u32 s3, s0;
	s1 =	sshll.u32 s1, $0x11  }
0xbd: {  	s0 =	sor.u32 s1, s0  }
0xbe: {  	s0 =	sadd.s32 $0x8F2B, s0  }
0xbf: {  	[sflag:s0] =	ssyncadd.remote.s32 $0x1  }
0xc0: {  	_ =	sfence.sel $0xFFFF  }
0xc1: {  	[dreg:$0x0] =	wrdreg $0xFFFFFFFF;
	(pc) =	sbr.abs _section_cstart, $3  }
0xc2: {  	[dreg:$0x1] =	wrdreg $0xFFFFFFFF  }
0xc3: {  	_ =	task.clear_ibuf [dreg:s8], $0x2FFFF;
	_ =	strace $0x9FFFFFFF  }
0xc4: {  	(tm) =	ssettm $0x7FFFFFFF  }
0xc5: {  	_ =	shalt  }
tec
execute0_lowered:
.L_overlay_start_1:
0x0: {  	(tag) =	ssettag $0x1  }
0x1: {  	s1 =	rddreg [dreg:$0x0]  }
0x2: {  	s0 =	rddreg [dreg:$0x2];
	s2 =	srdreg.scid  }
0x3: {  	s9 =	stileid.u32;
	s4 =	simm.s32 $0x0;
	s28 =	simm.s32 $0x4  }
0x4: {  	s29 =	simm.s32 $0x5;
	s31 =	simm.s32 $0x0;
	s2 =	sand.u32 $0x1, s2  }
0x5: {  	s3 =	sshll.u32 s9, $0x1;
	[smem:$0x7FF] =	sst s4;
	s6 =	sadd.s32 $0x400, s0  }
0x6: {  	s20 =	sshll.u32 s9, $0x10;
	s23 =	sshll.u32 s9, $0xD;
	s5 =	sor.u32 s2, s3  }
0x7: {  	_ =	strace $0x80000047;
	s16 =	ssub.s32 $0x2, s2;
	s8 =	sshll.u32 s2, $0xF  }
0x8: {  	s2 =	sshll.u32 s2, $0xC;
	s7 =	sshll.u32 s5, $0xC;
	s17 =	sshrl.u32 s16, $0x1  }
0x9: {  	s19 =	sshll.u32 s5, $0x8;
	s21 =	sor.u32 s8, s20;
	s20 =	simm.s32 $0x8080  }
0xa: {  	s7 =	sadd.s32 s1, s7;
	s0 =	ssub.s32 s16, s17;
	s3 =	sadd.s32 s19, s6  }
0xb: {  	s22 =	sshrl.u32 s21, $0x3;
	[dreg:$0x4] =	wrdreg s7;
	s18 =	sadd.s32 $0x20000, s7  }
0xc: {  	s19 =	simm.s32 $0x1;
	s10 =	sadd.s32 $0x3C000, s3;
	[dreg:$0x5] =	wrdreg s18  }
0xd: {  	s3 =	sadd.s32 $0x3E000, s3;
	s0 =	smax.u32 s0, $0x1;
	[dreg:$0x6] =	wrdreg s10  }
0xe: {  	s7 =	sadd.s32 s23, s1;
	s23 =	simm.s32 $0x2;
	[dreg:$0x7] =	wrdreg s3  }
0xf: {  	[dreg:$0x8] =	wrdreg s0;
	s3 =	sor.u32 $0x100000, s21;
	s0 =	sadd.s32 s22, s1  }
0x10: {  	s2 =	sadd.s32 s2, s7;
	s18 =	simm.s32 $0x80;
	s21 =	simm.s32 $0x10080  }
.Ltmp0:
0x11: {  	[dreg:$0x9] =	wrdreg s0;
	s25 =	sadd.s32 $0x40000, s2;
	(pc) =	sbr.rel .LBB2_1-.Ltmp0, $4  }
0x12: {  	s22 =	simm.s32 $0x18080;
	s26 =	sadd.s32 $0x60000, s2;
	[dreg:$0xb] =	wrdreg s25  }
0x13: {  	s24 =	sshrl.u32 s3, $0x3;
	s30 =	sadd.s32 $0x80000, s2;
	[dreg:$0xc] =	wrdreg s26  }
0x14: {  	v0 =	vlaneseq.u32;
	v1 =	vimm.s32 $0x0;
	s0 =	sadd.s32 s24, s1;
	[dreg:$0xd] =	wrdreg s30;
	s24 =	simm.s32 $0x18880  }
0x15: {  	v2 =	vor.u32 $0x10, v0;
	v3 =	vor.u32 $0x20, v0;
	v4 =	vor.u32 $0x30, v0;
	s25 =	simm.s32 $0x3;
	s26 =	simm.s32 $0x19080;
	[dreg:$0xa] =	wrdreg s0  }
.LBB2_62:
0x16: {  	_ =	swait.ge [sflag:s23], $0x8000  }
0x17: {  	[sflag:s23] =	ssyncset.done $0x0  }
0x18: {  	[sflag:s23] =	ssyncadd.s32 $0xFFFF8000  }
.LBB2_52:
0x19: {  	_ =	swait.ge [sflag:s29], $0x800  }
0x1a: {  	[sflag:s29] =	ssyncset.done $0x0  }
0x1b: {  	[sflag:s29] =	ssyncadd.s32 $0xFFFFF800  }
0x1c: {  	s0 =	sld [smem:$0xF];
	_ =	sdelay $0x2  }
0x1d: {  	s0 =	sadd.s32 $0xFFFFFFFF, s0  }
0x1e: {  	v5 =	vmul.u32 s0, v0;
	v9 =	vmul.u32 s0, v4  }
0x1f: {  	v8 =	vmul.u32 s0, v2  }
0x20: {  	v6 =	vand.u32 $0x3F, v5;
	v7 =	vand.u32 $0x7F, v5;
	v46 =	vand.u32 $0x3F, v9  }
0x21: {  	v13 =	vand.u32 $0x7F, v9;
	v5 =	vshra.s32 v5, $0x6;
	v9 =	vshra.s32 v9, $0x6  }
0x22: {  	vm0 =	veq.s32 v7, $0x20;
	vm1 =	vgt.u32 v6, $0x20;
	v6 =	vand.u32 $0x3F, v8  }
0x23: {  	v7 =	vand.u32 $0x7F, v8;
	vm14 =	veq.s32 v13, $0x20;
	vm3 =	vgt.u32 v46, $0x20  }
0x24: {  	vm0 =	vmor vm1, vm0;
	vm10 =	veq.s32 v7, $0x20;
	vm2 =	vgt.u32 v6, $0x20  }
0x25: {  	v6 =	vmul.u32 s0, v3;
	vm15 =	vmor vm3, vm14;
	vm11 =	vmor vm2, vm10  }
0x26: {  	v7 =	vsel vm0, $0x1, v1;
	v48 =	vsel vm15, $0x1, v1;
	v10 =	vsel vm11, $0x1, v1  }
0x27: {  	v11 =	vand.u32 $0x3F, v6;
	v12 =	vand.u32 $0x7F, v6;
	v5 =	vadd.s32 v7, v5  }
0x28: {  	v7 =	vshra.s32 v8, $0x6;
	vm12 =	veq.s32 v12, $0x20;
	vm13 =	vgt.u32 v11, $0x20  }
0x29: {  	v6 =	vshra.s32 v6, $0x6;
	v7 =	vadd.s32 v10, v7;
	vm0 =	vmor vm13, vm12  }
0x2a: {  	v9 =	vadd.s32 v48, v9;
	v10 =	vshll.u32 v7, $0x3;
	v47 =	vsel vm0, $0x1, v1  }
0x2b: {  	v8 =	vadd.s32 v47, v6;
	v6 =	vand.u32 $0x7F, v5;
	v5 =	vshll.u32 v5, $0x3  }
0x2c: {  	v7 =	vand.u32 $0x7F, v7;
	v10 =	vand.u32 $0xFFFFFC00, v10;
	v5 =	vand.u32 $0xFFFFFC00, v5  }
0x2d: {  	v6 =	vor.u32 v6, v5;
	v5 =	vor.u32 v7, v10;
	v7 =	vshll.u32 v8, $0x3  }
0x2e: {  	v49 =	vshll.u32 v9, $0x3;
	v8 =	vand.u32 $0x7F, v8;
	v7 =	vand.u32 $0xFFFFFC00, v7  }
0x2f: {  	v50 =	vand.u32 $0x7F, v9;
	v51 =	vand.u32 $0xFFFFFC00, v49;
	v7 =	vor.u32 v8, v7  }
0x30: {  	v8 =	vor.u32 v50, v51;
	_ =	sdelay $0x1  }
0x31: {  	v52 =	vld.idx.msk [tilespmem:v6+s20+$0x0], $0xffff  }
0x32: {  	v53 =	vld.idx.msk [tilespmem:v5+s20+$0x0], $0xffff  }
0x33: {  	v54 =	vld.idx.msk [tilespmem:v7+s20+$0x0], $0xffff  }
0x34: {  	v55 =	vld.idx.msk [tilespmem:v8+s20+$0x0], $0xffff  }
0x35: {  	v56 =	vor.u32 $0x80, v6  }
0x36: {  	v57 =	vor.u32 $0x80, v5;
	[tilespmem:$0x18880] =	vst v52  }
0x37: {  	v58 =	vor.u32 $0x80, v7;
	[tilespmem:$0x18890] =	vst v53  }
0x38: {  	v59 =	vor.u32 $0x80, v8;
	[tilespmem:$0x188A0] =	vst v54  }
0x39: {  	[tilespmem:$0x188B0] =	vst v55  }
0x3a: {  	v12 =	vld.idx.msk [tilespmem:v56+s20+$0x0], $0xffff  }
0x3b: {  	v9 =	vld.idx.msk [tilespmem:v57+s20+$0x0], $0xffff  }
0x3c: {  	v10 =	vld.idx.msk [tilespmem:v58+s20+$0x0], $0xffff  }
0x3d: {  	v11 =	vld.idx.msk [tilespmem:v59+s20+$0x0], $0xffff  }
0x3e: {  	v60 =	vor.u32 $0x100, v6  }
0x3f: {  	v61 =	vor.u32 $0x100, v5;
	[tilespmem:$0x18900] =	vst v12  }
0x40: {  	v62 =	vor.u32 $0x100, v7;
	[tilespmem:$0x18910] =	vst v9  }
0x41: {  	v63 =	vor.u32 $0x100, v8;
	[tilespmem:$0x18920] =	vst v10  }
0x42: {  	[tilespmem:$0x18930] =	vst v11  }
0x43: {  	v11 =	vld.idx.msk [tilespmem:v60+s20+$0x0], $0xffff  }
0x44: {  	v12 =	vld.idx.msk [tilespmem:v61+s20+$0x0], $0xffff  }
0x45: {  	v9 =	vld.idx.msk [tilespmem:v62+s20+$0x0], $0xffff  }
0x46: {  	v10 =	vld.idx.msk [tilespmem:v63+s20+$0x0], $0xffff  }
0x47: {  	v16 =	vor.u32 $0x180, v6  }
0x48: {  	v17 =	vor.u32 $0x180, v5;
	[tilespmem:$0x18980] =	vst v11  }
0x49: {  	v18 =	vor.u32 $0x180, v7;
	[tilespmem:$0x18990] =	vst v12  }
0x4a: {  	v19 =	vor.u32 $0x180, v8;
	[tilespmem:$0x189A0] =	vst v9  }
0x4b: {  	[tilespmem:$0x189B0] =	vst v10  }
0x4c: {  	v10 =	vld.idx.msk [tilespmem:v16+s20+$0x0], $0xffff  }
0x4d: {  	v11 =	vld.idx.msk [tilespmem:v17+s20+$0x0], $0xffff  }
0x4e: {  	v12 =	vld.idx.msk [tilespmem:v18+s20+$0x0], $0xffff  }
0x4f: {  	v9 =	vld.idx.msk [tilespmem:v19+s20+$0x0], $0xffff  }
0x50: {  	v20 =	vor.u32 $0x200, v6  }
0x51: {  	v21 =	vor.u32 $0x200, v5;
	[tilespmem:$0x18A00] =	vst v10  }
0x52: {  	v22 =	vor.u32 $0x200, v7;
	[tilespmem:$0x18A10] =	vst v11  }
0x53: {  	v23 =	vor.u32 $0x200, v8;
	[tilespmem:$0x18A20] =	vst v12  }
0x54: {  	[tilespmem:$0x18A30] =	vst v9  }
0x55: {  	v9 =	vld.idx.msk [tilespmem:v20+s20+$0x0], $0xffff  }
0x56: {  	v10 =	vld.idx.msk [tilespmem:v21+s20+$0x0], $0xffff  }
0x57: {  	v11 =	vld.idx.msk [tilespmem:v22+s20+$0x0], $0xffff  }
0x58: {  	v12 =	vld.idx.msk [tilespmem:v23+s20+$0x0], $0xffff  }
0x59: {  	v24 =	vor.u32 $0x280, v6  }
0x5a: {  	v25 =	vor.u32 $0x280, v5;
	[tilespmem:$0x18A80] =	vst v9  }
0x5b: {  	v26 =	vor.u32 $0x280, v7;
	[tilespmem:$0x18A90] =	vst v10  }
0x5c: {  	v27 =	vor.u32 $0x280, v8;
	[tilespmem:$0x18AA0] =	vst v11  }
0x5d: {  	[tilespmem:$0x18AB0] =	vst v12  }
0x5e: {  	v12 =	vld.idx.msk [tilespmem:v24+s20+$0x0], $0xffff  }
0x5f: {  	v9 =	vld.idx.msk [tilespmem:v25+s20+$0x0], $0xffff  }
0x60: {  	v10 =	vld.idx.msk [tilespmem:v26+s20+$0x0], $0xffff  }
0x61: {  	v11 =	vld.idx.msk [tilespmem:v27+s20+$0x0], $0xffff  }
0x62: {  	v28 =	vor.u32 $0x300, v6  }
0x63: {  	v29 =	vor.u32 $0x300, v5;
	[tilespmem:$0x18B00] =	vst v12  }
0x64: {  	v30 =	vor.u32 $0x300, v7;
	[tilespmem:$0x18B10] =	vst v9  }
0x65: {  	v31 =	vor.u32 $0x300, v8;
	[tilespmem:$0x18B20] =	vst v10  }
0x66: {  	[tilespmem:$0x18B30] =	vst v11  }
0x67: {  	v11 =	vld.idx.msk [tilespmem:v28+s20+$0x0], $0xffff  }
0x68: {  	v12 =	vld.idx.msk [tilespmem:v29+s20+$0x0], $0xffff  }
0x69: {  	v9 =	vld.idx.msk [tilespmem:v30+s20+$0x0], $0xffff  }
0x6a: {  	v10 =	vld.idx.msk [tilespmem:v31+s20+$0x0], $0xffff  }
0x6b: {  	v32 =	vor.u32 $0x380, v6  }
0x6c: {  	v33 =	vor.u32 $0x380, v5;
	[tilespmem:$0x18B80] =	vst v11  }
0x6d: {  	v34 =	vor.u32 $0x380, v7;
	[tilespmem:$0x18B90] =	vst v12  }
0x6e: {  	v35 =	vor.u32 $0x380, v8;
	[tilespmem:$0x18BA0] =	vst v9  }
0x6f: {  	[tilespmem:$0x18BB0] =	vst v10  }
0x70: {  	v10 =	vld.idx.msk [tilespmem:v32+s20+$0x0], $0xffff  }
0x71: {  	v11 =	vld.idx.msk [tilespmem:v33+s20+$0x0], $0xffff  }
0x72: {  	v12 =	vld.idx.msk [tilespmem:v34+s20+$0x0], $0xffff  }
0x73: {  	v9 =	vld.idx.msk [tilespmem:v35+s20+$0x0], $0xffff  }
0x74: {  	v36 =	vadd.s32 $0x4000, v6  }
0x75: {  	v37 =	vadd.s32 $0x4000, v5;
	[tilespmem:$0x18C00] =	vst v10  }
0x76: {  	v38 =	vadd.s32 $0x4000, v7;
	[tilespmem:$0x18C10] =	vst v11  }
0x77: {  	v39 =	vadd.s32 $0x4000, v8;
	[tilespmem:$0x18C20] =	vst v12  }
0x78: {  	[tilespmem:$0x18C30] =	vst v9  }
0x79: {  	v9 =	vld.idx.msk [tilespmem:v36+s20+$0x0], $0xffff  }
0x7a: {  	v10 =	vld.idx.msk [tilespmem:v37+s20+$0x0], $0xffff  }
0x7b: {  	v11 =	vld.idx.msk [tilespmem:v38+s20+$0x0], $0xffff  }
0x7c: {  	v12 =	vld.idx.msk [tilespmem:v39+s20+$0x0], $0xffff  }
0x7d: {  	v40 =	vadd.s32 $0x4080, v6  }
0x7e: {  	v41 =	vadd.s32 $0x4080, v5;
	[tilespmem:$0x18C80] =	vst v9  }
0x7f: {  	v42 =	vadd.s32 $0x4080, v7;
	[tilespmem:$0x18C90] =	vst v10  }
0x80: {  	v43 =	vadd.s32 $0x4080, v8;
	[tilespmem:$0x18CA0] =	vst v11  }
0x81: {  	[tilespmem:$0x18CB0] =	vst v12  }
0x82: {  	v12 =	vld.idx.msk [tilespmem:v40+s20+$0x0], $0xffff  }
0x83: {  	v9 =	vld.idx.msk [tilespmem:v41+s20+$0x0], $0xffff  }
0x84: {  	v10 =	vld.idx.msk [tilespmem:v42+s20+$0x0], $0xffff  }
0x85: {  	v11 =	vld.idx.msk [tilespmem:v43+s20+$0x0], $0xffff  }
0x86: {  	v44 =	vadd.s32 $0x4100, v6  }
0x87: {  	v45 =	vadd.s32 $0x4100, v5;
	[tilespmem:$0x18D00] =	vst v12  }
0x88: {  	v46 =	vadd.s32 $0x4100, v7;
	[tilespmem:$0x18D10] =	vst v9  }
0x89: {  	v47 =	vadd.s32 $0x4100, v8;
	[tilespmem:$0x18D20] =	vst v10  }
0x8a: {  	[tilespmem:$0x18D30] =	vst v11  }
0x8b: {  	v11 =	vld.idx.msk [tilespmem:v44+s20+$0x0], $0xffff  }
0x8c: {  	v12 =	vld.idx.msk [tilespmem:v45+s20+$0x0], $0xffff  }
0x8d: {  	v9 =	vld.idx.msk [tilespmem:v46+s20+$0x0], $0xffff  }
0x8e: {  	v10 =	vld.idx.msk [tilespmem:v47+s20+$0x0], $0xffff  }
0x8f: {  	v48 =	vadd.s32 $0x4180, v6  }
0x90: {  	v49 =	vadd.s32 $0x4180, v5;
	[tilespmem:$0x18D80] =	vst v11  }
0x91: {  	v50 =	vadd.s32 $0x4180, v7;
	[tilespmem:$0x18D90] =	vst v12  }
0x92: {  	v51 =	vadd.s32 $0x4180, v8;
	[tilespmem:$0x18DA0] =	vst v9  }
0x93: {  	[tilespmem:$0x18DB0] =	vst v10  }
0x94: {  	v10 =	vld.idx.msk [tilespmem:v48+s20+$0x0], $0xffff  }
0x95: {  	v11 =	vld.idx.msk [tilespmem:v49+s20+$0x0], $0xffff  }
0x96: {  	v12 =	vld.idx.msk [tilespmem:v50+s20+$0x0], $0xffff  }
0x97: {  	v9 =	vld.idx.msk [tilespmem:v51+s20+$0x0], $0xffff  }
0x98: {  	v52 =	vadd.s32 $0x4200, v6  }
0x99: {  	v53 =	vadd.s32 $0x4200, v5;
	[tilespmem:$0x18E00] =	vst v10  }
0x9a: {  	v54 =	vadd.s32 $0x4200, v7;
	[tilespmem:$0x18E10] =	vst v11  }
0x9b: {  	v55 =	vadd.s32 $0x4200, v8;
	[tilespmem:$0x18E20] =	vst v12  }
0x9c: {  	[tilespmem:$0x18E30] =	vst v9  }
0x9d: {  	v9 =	vld.idx.msk [tilespmem:v52+s20+$0x0], $0xffff  }
0x9e: {  	v10 =	vld.idx.msk [tilespmem:v53+s20+$0x0], $0xffff  }
0x9f: {  	v11 =	vld.idx.msk [tilespmem:v54+s20+$0x0], $0xffff  }
0xa0: {  	v12 =	vld.idx.msk [tilespmem:v55+s20+$0x0], $0xffff  }
0xa1: {  	v56 =	vadd.s32 $0x4280, v6  }
0xa2: {  	v57 =	vadd.s32 $0x4280, v5;
	[tilespmem:$0x18E80] =	vst v9  }
0xa3: {  	v58 =	vadd.s32 $0x4280, v7;
	[tilespmem:$0x18E90] =	vst v10  }
0xa4: {  	v59 =	vadd.s32 $0x4280, v8;
	[tilespmem:$0x18EA0] =	vst v11  }
0xa5: {  	[tilespmem:$0x18EB0] =	vst v12  }
0xa6: {  	v12 =	vld.idx.msk [tilespmem:v56+s20+$0x0], $0xffff  }
0xa7: {  	v9 =	vld.idx.msk [tilespmem:v57+s20+$0x0], $0xffff  }
0xa8: {  	v10 =	vld.idx.msk [tilespmem:v58+s20+$0x0], $0xffff  }
0xa9: {  	v11 =	vld.idx.msk [tilespmem:v59+s20+$0x0], $0xffff  }
0xaa: {  	v60 =	vadd.s32 $0x4300, v6  }
0xab: {  	v61 =	vadd.s32 $0x4300, v5;
	[tilespmem:$0x18F00] =	vst v12  }
0xac: {  	v62 =	vadd.s32 $0x4300, v7;
	[tilespmem:$0x18F10] =	vst v9  }
0xad: {  	v63 =	vadd.s32 $0x4300, v8;
	[tilespmem:$0x18F20] =	vst v10  }
0xae: {  	[tilespmem:$0x18F30] =	vst v11  }
0xaf: {  	v11 =	vld.idx.msk [tilespmem:v60+s20+$0x0], $0xffff  }
0xb0: {  	v12 =	vld.idx.msk [tilespmem:v61+s20+$0x0], $0xffff  }
0xb1: {  	v9 =	vld.idx.msk [tilespmem:v62+s20+$0x0], $0xffff  }
0xb2: {  	v10 =	vld.idx.msk [tilespmem:v63+s20+$0x0], $0xffff  }
0xb3: {  	v6 =	vadd.s32 $0x4380, v6  }
0xb4: {  	v5 =	vadd.s32 $0x4380, v5;
	[tilespmem:$0x18F80] =	vst v11  }
0xb5: {  	v7 =	vadd.s32 $0x4380, v7;
	[tilespmem:$0x18F90] =	vst v12  }
0xb6: {  	v8 =	vadd.s32 $0x4380, v8;
	[tilespmem:$0x18FA0] =	vst v9  }
0xb7: {  	[tilespmem:$0x18FB0] =	vst v10  }
0xb8: {  	v6 =	vld.idx.msk [tilespmem:v6+s20+$0x0], $0xffff  }
0xb9: {  	v5 =	vld.idx.msk [tilespmem:v5+s20+$0x0], $0xffff  }
0xba: {  	v7 =	vld.idx.msk [tilespmem:v7+s20+$0x0], $0xffff  }
0xbb: {  	v8 =	vld.idx.msk [tilespmem:v8+s20+$0x0], $0xffff;
	_ =	sdelay $0x1  }
0xbc: {  	[tilespmem:$0x19000] =	vst v6  }
0xbd: {  	[tilespmem:$0x19010] =	vst v5  }
0xbe: {  	[tilespmem:$0x19020] =	vst v7  }
0xbf: {  	s17 =	simm.s32 $0x6;
	s16 =	rddreg [dreg:$0x7];
	[tilespmem:$0x19030] =	vst v8  }
0xc0: {  	[hbm4b:s16+s4] =	stream.linear.scatter [tilespmem:s24], [sflag:$0x5], $0x800, $0x38;
	[tilespmem:$0x19880] =	vst v63  }
0xc1: {  	_ =	swait.ge [sflag:s17], $0x800  }
0xc2: {  	[sflag:s17] =	ssyncset.done $0x0  }
0xc3: {  	[sflag:s17] =	ssyncadd.s32 $0xFFFFF800  }
0xc4: {  	_ =	swait.ge [sflag:s28], $0x800  }
0xc5: {  	[sflag:s28] =	ssyncset.done $0x0  }
0xc6: {  	[sflag:s28] =	ssyncadd.s32 $0xFFFFF800  }
0xc7: {  	_ =	swait.ge [sflag:s29], $0x800  }
0xc8: {  	s31 =	sadd.s32 $0x1, s31;
	s30 =	rddreg [dreg:$0x8]  }
0xc9: {  	p0 =	sne.s32 s31, s30  }
.Ltmp1:
0xca: {  	_ = 	snop;
	(pc) =	sbr.rel @!p0 .LBB2_53-.Ltmp1, $3  }
0xcb: {  	_ =	sdelay $0x1  }
0xcc: {  	[sflag:s29] =	ssyncset.done $0x0  }
0xcd: {  	[sflag:s29] =	ssyncadd.s32 $0xFFFFF800  }
.LBB2_1:
0xce: {  	s0 =	rddreg [dreg:$0x1];
	s12 =	simm.s32 $0x7  }
0xcf: {  	[tilespmem:s4], [sflag:$0x7] =	stream.linear.gather [hbm4b:s0+s4], $0x80, $0x38;
	[tilespmem:$0x19880] =	vst v63  }
0xd0: {  	_ =	swait.ge [sflag:s12], $0x80  }
0xd1: {  	[sflag:s12] =	ssyncset.done $0x0  }
0xd2: {  	[sflag:s12] =	ssyncadd.s32 $0xFFFFFF80  }
0xd3: {  	v5 =	vld [tilespmem:$0x0];
	_ =	sdelay $0x3  }
0xd4: {  	v6 =	vmov s4  }
0xd5: {  	vm0 =	veq.s32 v6, v0;
	v5 =	vxor.u32 $0x80000000, v5  }
0xd6: {  	v6 =	vnsel vm0, $0x80000000, v5  }
0xd7: {  	(xrf0) =	vmax.scan.msk.u32 $0xffff, v6;
	_ =	sdelay $0x5  }
0xd8: {  	v6, _, _ =	vpop (xrf0)  }
0xd9: {  	(v2sf) =	vpush v6, $0xF  }
0xda: {  	s13 =	simm.s32 $0x1  }
0xdb: {  	v6 =	vmov s13  }
0xdc: {  	vm12 =	veq.s32 v6, v0  }
0xdd: {  	v6 =	vnsel vm12, $0x80000000, v5  }
0xde: {  	(xrf0) =	vmax.scan.msk.u32 $0xffff, v6;
	_ =	sdelay $0x5  }
0xdf: {  	s14 =	simm.s32 $0x2;
	v6, _, _ =	vpop (xrf0)  }
0xe0: {  	(v2sf) =	vpush v6, $0xF;
	v6 =	vmov s14  }
0xe1: {  	vm13 =	veq.s32 v6, v0  }
0xe2: {  	v6 =	vnsel vm13, $0x80000000, v5  }
0xe3: {  	(xrf0) =	vmax.scan.msk.u32 $0xffff, v6;
	s2 =	spop (v2sf)  }
0xe4: {  	s3 =	sxor.u32 $0x80000000, s2  }
0xe5: {  	s7 =	sshra.s32 s3, $0x1F  }
0xe6: {  	s15 =	sxor.u32 s7, s3  }
0xe7: {  	s0 =	ssub.s32 s15, s7  }
0xe8: {  	(drf) =	sdiv.u32 s18, s0  }
0xe9: {  	v6, _, _ =	vpop (xrf0)  }
0xea: {  	(v2sf) =	vpush v6, $0xF;
	_ =	sdelay $0x3  }
0xeb: {  	s30 =	simm.s32 $0x3  }
0xec: {  	v6 =	vmov s30  }
0xed: {  	vm14 =	veq.s32 v6, v0;
	s8 =	spop (v2sf)  }
0xee: {  	v6 =	vnsel vm14, $0x80000000, v5;
	s0 =	sxor.u32 $0x80000000, s8;
	s9 =	spop (drf)  }
0xef: {  	(xrf0) =	vmax.scan.msk.u32 $0xffff, v6;
	s10 =	sshra.s32 s0, $0x1F;
	s9 =	sxor.u32 s7, s9  }
0xf0: {  	s11 =	sxor.u32 s10, s0;
	s7 =	ssub.s32 s9, s7  }
0xf1: {  	s16 =	ssub.s32 s11, s10;
	s11 =	simm.s32 $0x4;
	s17 =	smul.u32 s3, s7  }
0xf2: {  	p0 =	sgt.s32 s2, $0xFFFFFFFF;
	p1 =	slt.s32 s3, $0x1;
	(drf) =	sdiv.u32 s18, s16;
	v6 =	vmov s11  }
0xf3: {  	p0 =	por p0, p1;
	p6 =	sne.s32 s17, $0x80  }
0xf4: {  	p0 =	por !p6, !p0  }
0xf5: {  	s9 =	simm.s32 $0x1;
	vm15 =	veq.s32 v6, v0;
	v6, _, _ =	vpop (xrf0);
	p0 =	por !p0, !p0  }
0xf6: {  	s13 =	spop (v2sf);
	(v2sf) =	vpush v6, $0xF;
	s9 =	simm.s32 @!p0 $0x0  }
0xf7: {  	s9 =	ssub.s32 s7, s9  }
0xf8: {  	p0 =	slt.s32 s3, $0x80;
	s2 =	sadd.s32 $0x1, s9  }
0xf9: {  	s12 =	sxor.u32 $0x80000000, s13;
	s2 =	simm.s32 @!p0 $0x1  }
0xfa: {  	p1 =	sgt.s32 s8, $0xFFFFFFFF;
	s16 =	sshra.s32 s12, $0x1F;
	s14 =	smul.u32 s3, s2  }
0xfb: {  	p2 =	slt.s32 s0, $0x1;
	s17 =	sxor.u32 s16, s12;
	s15 =	spop (drf)  }
0xfc: {  	v7 =	vnsel vm15, $0x80000000, v5;
	s7 =	ssub.s32 s17, s16;
	s9 =	simm.s32 $0x0;
	s30 =	smul.u32 $0x3F, s14  }
0xfd: {  	(xrf0) =	vmax.scan.msk.u32 $0xffff, v7;
	(drf) =	sdiv.u32 s18, s7;
	s7 =	simm.s32 $0x80;
	s3 =	sxor.u32 s10, s15  }
0xfe: {  	s15 =	simm.s32 $0x5;
	s10 =	ssub.s32 s3, s10;
	s11 =	sadd.s32 $0xFFFFFFC1, s30  }
0xff: {  	s8 =	smul.u32 s0, s10;
	s3 =	sand.u32 $0x3F, s11;
	s2 =	sand.u32 $0x7F, s11  }
.LBB2_2:
0x100: {  	p0 =	sne.s32 s15, $0xF;
	p3 =	seq.s32 s2, $0x20;
	p4 =	sgt.u32 s3, $0x20  }
0x101: {  	s2 =	smov.u32 s13;
	s3 =	smov.u32 s12;
	s17 =	smov.u32 s16  }
0x102: {  	p1 =	por p1, p2;
	p2 =	sne.s32 s8, $0x80;
	s8 =	sshra.s32 s11, $0x6  }
0x103: {  	s11 =	simm.s32 $0x1;
	v6, _, _ =	vpop (xrf0);
	p3 =	por p4, p3;
	p1 =	por !p2, !p1  }
0x104: {  	(v2sf) =	vpush v6, $0xF;
	s11 =	simm.s32 @!p3 $0x0;
	p2 =	por !p1, !p1;
	p1 =	slt.s32 s0, $0x80  }
0x105: {  	s13 =	spop (v2sf);
	s8 =	sadd.s32 s11, s8;
	s11 =	simm.s32 $0x1  }
0x106: {  	s11 =	simm.s32 @!p2 $0x0;
	s8 =	sshra.s32 s8, $0x7;
	s12 =	sxor.u32 $0x80000000, s13  }
0x107: {  	s10 =	ssub.s32 s10, s11;
	[smem:s9] =	sst s14;
	s8 =	sadd.s32 $0x1, s8  }
0x108: {  	v6 =	vmov s15;
	s11 =	spop (drf);
	s10 =	sadd.s32 $0x1, s10;
	[smem:s7] =	sst s8  }
0x109: {  	vm0 =	veq.s32 v6, v0;
	s16 =	sshra.s32 s12, $0x1F;
	s10 =	simm.s32 @!p1 $0x1  }
0x10a: {  	v6 =	vnsel vm0, $0x80000000, v5;
	s9 =	sadd.s32 $0x1, s9;
	s14 =	smul.u32 s0, s10;
	s0 =	smov.u32 s3  }
.Ltmp2:
0x10b: {  	s7 =	sadd.s32 $0x1, s7;
	s3 =	sxor.u32 s16, s12;
	(xrf0) =	vmax.scan.msk.u32 $0xffff, v6;
	(pc) =	sbr.rel @p0 .LBB2_2-.Ltmp2, $4  }
0x10c: {  	s8 =	sxor.u32 s17, s11;
	s3 =	ssub.s32 s3, s16;
	s11 =	smul.u32 $0x3F, s14  }
0x10d: {  	p1 =	sgt.s32 s2, $0xFFFFFFFF;
	s10 =	ssub.s32 s8, s17;
	(drf) =	sdiv.u32 s18, s3  }
0x10e: {  	p2 =	slt.s32 s0, $0x1;
	s8 =	smul.u32 s0, s10;
	s11 =	sadd.s32 $0xFFFFFFC1, s11  }
0x10f: {  	s15 =	sadd.s32 $0x1, s15;
	s3 =	sand.u32 $0x3F, s11;
	s2 =	sand.u32 $0x7F, s11  }
0x110: {  	_ = 	snop  }
0x111: {  	v5, _, _ =	vpop (xrf0)  }
0x112: {  	(v2sf) =	vpush v5, $0xF  }
0x113: {  	p0 =	por p1, p2;
	p4 =	sne.s32 s8, $0x80  }
0x114: {  	p0 =	por !p4, !p0  }
0x115: {  	s8 =	simm.s32 $0x1;
	p0 =	por !p0, !p0  }
0x116: {  	p5 =	seq.s32 s2, $0x20;
	p6 =	sgt.u32 s3, $0x20;
	s8 =	simm.s32 @!p0 $0x0  }
0x117: {  	s30 =	sshra.s32 s11, $0x6;
	p1 =	slt.s32 s0, $0x80;
	s17 =	ssub.s32 s10, s8  }
0x118: {  	p0 =	por p6, p5;
	s10 =	spop (v2sf);
	s3 =	sadd.s32 $0x1, s17  }
0x119: {  	s8 =	simm.s32 $0x1;
	s15 =	sxor.u32 $0x80000000, s10;
	s3 =	simm.s32 @!p1 $0x1  }
0x11a: {  	s8 =	simm.s32 @!p0 $0x0;
	s11 =	sshra.s32 s15, $0x1F;
	s3 =	smul.u32 s0, s3  }
0x11b: {  	s2 =	sadd.s32 s8, s30;
	s30 =	spop (drf);
	s17 =	sxor.u32 s11, s15  }
0x11c: {  	s0 =	sxor.u32 s16, s30;
	s8 =	ssub.s32 s17, s11;
	s17 =	smul.u32 $0x3F, s3  }
0x11d: {  	[smem:s9] =	sst s14;
	(drf) =	sdiv.u32 s18, s8;
	s8 =	ssub.s32 s0, s16  }
0x11e: {  	p3 =	sgt.s32 s13, $0xFFFFFFFF;
	p4 =	slt.s32 s12, $0x1;
	s0 =	smul.u32 s12, s8  }
0x11f: {  	p0 =	por p3, p4;
	p4 =	sgt.s32 s10, $0xFFFFFFFF;
	p1 =	slt.s32 s12, $0x80  }
0x120: {  	s16 =	simm.s32 $0x1;
	s13 =	sadd.s32 $0xFFFFFFC1, s17;
	p5 =	sne.s32 s0, $0x80  }
0x121: {  	s14 =	sand.u32 $0x3F, s13;
	p0 =	por !p5, !p0;
	s17 =	spop (v2sf)  }
0x122: {  	s30 =	sand.u32 $0x7F, s13;
	p0 =	por !p0, !p0;
	s0 =	sxor.u32 $0x80000000, s17  }
0x123: {  	p6 =	seq.s32 s30, $0x20;
	s16 =	simm.s32 @!p0 $0x0;
	s30 =	sshra.s32 s0, $0x1F  }
0x124: {  	p3 =	sgt.u32 s14, $0x20;
	s8 =	ssub.s32 s8, s16;
	s14 =	sxor.u32 s30, s0  }
0x125: {  	s2 =	sshra.s32 s2, $0x7;
	s8 =	sadd.s32 $0x1, s8;
	s14 =	ssub.s32 s14, s30  }
0x126: {  	s2 =	sadd.s32 $0x1, s2;
	s8 =	simm.s32 @!p1 $0x1;
	(drf) =	sdiv.u32 s18, s14  }
0x127: {  	[smem:s7] =	sst s2;
	s13 =	sshra.s32 s13, $0x6;
	s8 =	smul.u32 s12, s8  }
0x128: {  	p5 =	slt.s32 s15, $0x1;
	p0 =	por p3, p6;
	s14 =	simm.s32 $0x1  }
0x129: {  	p1 =	por p4, p5;
	s12 =	smul.u32 $0x3F, s8;
	s14 =	simm.s32 @!p0 $0x0  }
0x12a: {  	s16 =	sadd.s32 s14, s13;
	s13 =	spop (drf);
	s14 =	sadd.s32 $0x1, s9  }
0x12b: {  	s2 =	sshra.s32 s16, $0x7;
	s16 =	sadd.s32 $0x1, s7;
	[smem:s14] =	sst s3  }
0x12c: {  	s3 =	sxor.u32 s11, s13;
	s9 =	sadd.s32 $0x1, s14;
	s2 =	sadd.s32 $0x1, s2  }
0x12d: {  	[smem:s16] =	sst s2;
	s2 =	ssub.s32 s3, s11;
	s3 =	sadd.s32 $0xFFFFFFC1, s12  }
0x12e: {  	s7 =	sadd.s32 $0x1, s16;
	s13 =	smul.u32 s15, s2;
	s16 =	sand.u32 $0x7F, s3  }
0x12f: {  	s14 =	sand.u32 $0x3F, s3;
	p6 =	seq.s32 s16, $0x20;
	s12 =	spop (drf)  }
0x130: {  	p3 =	sgt.u32 s14, $0x20;
	p4 =	sne.s32 s13, $0x80;
	s13 =	sxor.u32 s30, s12  }
0x131: {  	s11 =	simm.s32 $0x1;
	p0 =	por p3, p6;
	s10 =	ssub.s32 s13, s30  }
0x132: {  	p3 =	sgt.s32 s17, $0xFFFFFFFF;
	p1 =	por !p4, !p1;
	s14 =	smul.u32 s0, s10  }
0x133: {  	p4 =	slt.s32 s0, $0x1;
	p1 =	por !p1, !p1;
	s12 =	simm.s32 $0x1  }
0x134: {  	p5 =	por p3, p4;
	s12 =	simm.s32 @!p1 $0x0;
	p6 =	sne.s32 s14, $0x80  }
0x135: {  	s3 =	sshra.s32 s3, $0x6;
	s2 =	ssub.s32 s2, s12;
	p1 =	por !p6, !p5  }
0x136: {  	p3 =	slt.s32 s15, $0x80;
	s2 =	sadd.s32 $0x1, s2;
	p1 =	por !p1, !p1  }
0x137: {  	s12 =	simm.s32 $0x1;
	s2 =	simm.s32 @!p3 $0x1;
	s11 =	simm.s32 @!p1 $0x0  }
0x138: {  	s12 =	simm.s32 @!p0 $0x0;
	s2 =	smul.u32 s15, s2;
	s10 =	ssub.s32 s10, s11  }
0x139: {  	p0 =	slt.s32 s0, $0x80;
	s3 =	sadd.s32 s12, s3;
	s10 =	sadd.s32 $0x1, s10  }
0x13a: {  	s3 =	sshra.s32 s3, $0x7;
	s16 =	smul.u32 $0x3F, s2;
	s10 =	simm.s32 @!p0 $0x1  }
0x13b: {  	[smem:s9] =	sst s8;
	s3 =	sadd.s32 $0x1, s3;
	s0 =	smul.u32 s0, s10  }
0x13c: {  	s9 =	sadd.s32 $0x1, s9;
	[smem:s7] =	sst s3;
	s17 =	sadd.s32 $0xFFFFFFC1, s16  }
0x13d: {  	s3 =	sadd.s32 $0x1, s7;
	s11 =	sand.u32 $0x7F, s17;
	s12 =	smul.u32 $0x3F, s0  }
0x13e: {  	s30 =	sand.u32 $0x3F, s17;
	s7 =	sshra.s32 s17, $0x6;
	p3 =	seq.s32 s11, $0x20  }
0x13f: {  	p4 =	sgt.u32 s30, $0x20;
	s10 =	simm.s32 $0x1;
	s13 =	sadd.s32 $0xFFFFFFC1, s12  }
0x140: {  	p0 =	por p4, p3;
	s11 =	sand.u32 $0x3F, s13;
	s14 =	sand.u32 $0x7F, s13  }
0x141: {  	s10 =	simm.s32 @!p0 $0x0;
	p5 =	seq.s32 s14, $0x20;
	p6 =	sgt.u32 s11, $0x20  }
0x142: {  	s7 =	sadd.s32 s10, s7;
	s10 =	simm.s32 $0x1;
	p0 =	por p6, p5  }
0x143: {  	s7 =	sshra.s32 s7, $0x7;
	s8 =	sshra.s32 s13, $0x6;
	s10 =	simm.s32 @!p0 $0x0  }
0x144: {  	[smem:s9] =	sst s2;
	s15 =	sadd.s32 $0x1, s7;
	s16 =	sadd.s32 s10, s8  }
0x145: {  	s17 =	sadd.s32 $0x1, s9;
	[smem:s3] =	sst s15;
	s7 =	sshra.s32 s16, $0x7  }
0x146: {  	s3 =	sadd.s32 $0x1, s3;
	[smem:s17] =	sst s0;
	s30 =	sadd.s32 $0x1, s7  }
0x147: {  	[smem:s3] =	sst s30  }
0x148: {  	s0 =	sld [smem:$0x80];
	_ =	sdelay $0x2  }
0x149: {  	p0 =	sgt.s32 s0, $0xF  }
.Ltmp3:
0x14a: {  	_ = 	snop;
	(pc) =	sbr.rel @!p0 .LBB2_4-.Ltmp3, $1  }
0x14b: {  	_ =	sdelay $0x3  }
.Ltmp4:
0x14c: {  	(pc) =	sbr.rel .LBB2_10-.Ltmp4, $4  }
0x14d: {  	s0 =	rddreg [dreg:$0x4]  }
0x14e: {  	[tilespmem:s18], [sflag:$0x1] =	stream.linear.gather [hbm4b:s0+s4], $0x8000, $0x38;
	[tilespmem:$0x19880] =	vst v63  }
0x14f: {  	s30 =	rddreg [dreg:$0x5]  }
0x150: {  	[tilespmem:s20], [sflag:$0x2] =	stream.linear.gather [hbm4b:s30+s4], $0x8000, $0x38;
	[tilespmem:$0x19880] =	vst v63  }
.LBB2_4:
0x151: {  	p0 =	sgt.s32 s0, $0x0  }
.Ltmp5:
0x152: {  	_ = 	snop;
	(pc) =	sbr.rel @!p0 .LBB2_10-.Ltmp5, $2  }
0x153: {  	_ =	sdelay $0x2  }
0x154: {  	s2 =	simm.s32 $0x80  }
0x155: {  	p0 =	sne.s32 s0, $0x1  }
.Ltmp6:
0x156: {  	_ = 	snop;
	(pc) =	sbr.rel @!p0 .LBB2_7-.Ltmp6, $4  }
0x157: {  	_ = 	snop  }
0x158: {  	s8 =	rddreg [dreg:$0x9];
	s3 =	sadd.s32 $0xFFFFFFFF, s0;
	s9 =	simm.s32 $0x4080  }
0x159: {  	[tilespmem:s2], [sflag:$0x1] =	stream.linear.gather [hbm4b:s8+s4], $0x400, $0x38;
	[tilespmem:$0x19880] =	vst v63  }
0x15a: {  	s7 =	sadd.s32 $0x80, s8;
	s2 =	sadd.s32 $0x800, s8;
	s8 =	simm.s32 $0x480  }
.LBB2_6:
0x15b: {  	[tilespmem:s9], [sflag:$0x1] =	stream.linear.gather [hbm4b:s2+s4], $0x400, $0x38;
	[tilespmem:$0x19880] =	vst v63  }
0x15c: {  	p1 =	sne.s32 s3, $0x1  }
.Ltmp7:
0x15d: {  	s3 =	sadd.s32 $0xFFFFFFFF, s3;
	(pc) =	sbr.rel @p1 .LBB2_6-.Ltmp7, $4  }
0x15e: {  	s2 =	smov.u32 s7  }
0x15f: {  	s7 =	sadd.s32 $0x80, s7  }
0x160: {  	[tilespmem:s8], [sflag:$0x1] =	stream.linear.gather [hbm4b:s2+s4], $0x400, $0x38;
	[tilespmem:$0x19880] =	vst v63  }
0x161: {  	s9 =	sadd.s32 $0x4000, s8;
	s2 =	sadd.s32 $0x800, s2;
	s8 =	sadd.s32 $0x400, s8  }
.LBB2_7:
0x162: {  	[tilespmem:s9], [sflag:$0x1] =	stream.linear.gather [hbm4b:s2+s4], $0x400, $0x38;
	[tilespmem:$0x19880] =	vst v63  }
.Ltmp8:
0x163: {  	_ = 	snop;
	(pc) =	sbr.rel @!p0 .LBB2_9-.Ltmp8, $4  }
0x164: {  	s30 =	simm.s32 $0x8080  }
0x165: {  	s7 =	rddreg [dreg:$0xa];
	s0 =	sadd.s32 $0xFFFFFFFF, s0;
	s8 =	simm.s32 $0xC080  }
0x166: {  	[tilespmem:s30], [sflag:$0x2] =	stream.linear.gather [hbm4b:s7+s4], $0x400, $0x38;
	[tilespmem:$0x19880] =	vst v63  }
0x167: {  	s3 =	sadd.s32 $0x80, s7;
	s2 =	sadd.s32 $0x800, s7;
	s7 =	simm.s32 $0x8480  }
.LBB2_8:
0x168: {  	[tilespmem:s8], [sflag:$0x2] =	stream.linear.gather [hbm4b:s2+s4], $0x400, $0x38;
	[tilespmem:$0x19880] =	vst v63  }
0x169: {  	p0 =	sne.s32 s0, $0x1  }
.Ltmp9:
0x16a: {  	s0 =	sadd.s32 $0xFFFFFFFF, s0;
	(pc) =	sbr.rel @p0 .LBB2_8-.Ltmp9, $4  }
0x16b: {  	s2 =	smov.u32 s3  }
0x16c: {  	s3 =	sadd.s32 $0x80, s3  }
0x16d: {  	[tilespmem:s7], [sflag:$0x2] =	stream.linear.gather [hbm4b:s2+s4], $0x400, $0x38;
	[tilespmem:$0x19880] =	vst v63  }
0x16e: {  	s8 =	sadd.s32 $0x4000, s7;
	s2 =	sadd.s32 $0x800, s2;
	s7 =	sadd.s32 $0x400, s7  }
.LBB2_9:
0x16f: {  	[tilespmem:s8], [sflag:$0x2] =	stream.linear.gather [hbm4b:s2+s4], $0x400, $0x38;
	[tilespmem:$0x19880] =	vst v63  }
.LBB2_10:
.Ltmp10:
0x170: {  	(pc) =	sbr.rel .LBB2_11-.Ltmp10, $4  }
0x171: {  	_ = 	snop  }
0x172: {  	s16 =	rddreg [dreg:$0xd]  }
0x173: {  	s15 =	rddreg [dreg:$0xc]  }
0x174: {  	s0 =	simm.s32 $0x0;
	s14 =	rddreg [dreg:$0xb]  }
.LBB2_60:
0x175: {  	_ =	swait.ge [sflag:s25], $0x8000  }
0x176: {  	[sflag:s25] =	ssyncset.done $0x0  }
0x177: {  	[sflag:s25] =	ssyncadd.s32 $0xFFFF8000  }
.LBB2_41:
0x178: {  	s2 =	simm.s32 @!p0 $0x6  }
0x179: {  	_ =	swait.ge @!p0 [sflag:s2], $0x800  }
0x17a: {  	[sflag:s2] =	ssyncset.done @!p0 $0x0  }
0x17b: {  	[sflag:s2] =	ssyncadd.s32 @!p0 $0xFFFFF800  }
0x17c: {  	s2 =	sld [smem:s12+$0x0];
	_ =	sdelay $0x2  }
0x17d: {  	s2 =	sadd.s32 $0xFFFFFFFF, s2  }
0x17e: {  	v5 =	vmul.u32 s2, v0;
	v9 =	vmul.u32 s2, v4  }
0x17f: {  	v8 =	vmul.u32 s2, v2  }
0x180: {  	v6 =	vand.u32 $0x3F, v5;
	v7 =	vand.u32 $0x7F, v5;
	v46 =	vand.u32 $0x3F, v9  }
0x181: {  	v13 =	vand.u32 $0x7F, v9;
	v5 =	vshra.s32 v5, $0x6;
	v9 =	vshra.s32 v9, $0x6  }
0x182: {  	vm0 =	veq.s32 v7, $0x20;
	vm1 =	vgt.u32 v6, $0x20;
	v6 =	vand.u32 $0x3F, v8  }
0x183: {  	v7 =	vand.u32 $0x7F, v8;
	vm14 =	veq.s32 v13, $0x20;
	vm3 =	vgt.u32 v46, $0x20  }
0x184: {  	vm0 =	vmor vm1, vm0;
	vm10 =	veq.s32 v7, $0x20;
	vm2 =	vgt.u32 v6, $0x20  }
0x185: {  	v6 =	vmul.u32 s2, v3;
	vm15 =	vmor vm3, vm14;
	vm11 =	vmor vm2, vm10  }
0x186: {  	v7 =	vsel vm0, $0x1, v1;
	v48 =	vsel vm15, $0x1, v1;
	v10 =	vsel vm11, $0x1, v1  }
0x187: {  	v11 =	vand.u32 $0x3F, v6;
	v12 =	vand.u32 $0x7F, v6;
	v5 =	vadd.s32 v7, v5  }
0x188: {  	v7 =	vshra.s32 v8, $0x6;
	vm12 =	veq.s32 v12, $0x20;
	vm13 =	vgt.u32 v11, $0x20  }
0x189: {  	v6 =	vshra.s32 v6, $0x6;
	v7 =	vadd.s32 v10, v7;
	vm0 =	vmor vm13, vm12  }
0x18a: {  	v9 =	vadd.s32 v48, v9;
	v10 =	vshll.u32 v7, $0x3;
	v47 =	vsel vm0, $0x1, v1  }
0x18b: {  	v8 =	vadd.s32 v47, v6;
	v6 =	vand.u32 $0x7F, v5;
	v5 =	vshll.u32 v5, $0x3  }
0x18c: {  	v7 =	vand.u32 $0x7F, v7;
	v10 =	vand.u32 $0xFFFFFC00, v10;
	v5 =	vand.u32 $0xFFFFFC00, v5  }
0x18d: {  	v6 =	vor.u32 v6, v5;
	v5 =	vor.u32 v7, v10;
	v7 =	vshll.u32 v8, $0x3  }
0x18e: {  	v49 =	vshll.u32 v9, $0x3;
	v8 =	vand.u32 $0x7F, v8;
	v7 =	vand.u32 $0xFFFFFC00, v7  }
0x18f: {  	v50 =	vand.u32 $0x7F, v9;
	v51 =	vand.u32 $0xFFFFFC00, v49;
	v7 =	vor.u32 v8, v7  }
0x190: {  	v8 =	vor.u32 v50, v51;
	_ =	sdelay $0x1  }
0x191: {  	v52 =	vld.idx.msk [tilespmem:v6+s21+$0x0], $0xffff  }
0x192: {  	v53 =	vld.idx.msk [tilespmem:v5+s21+$0x0], $0xffff  }
0x193: {  	v54 =	vld.idx.msk [tilespmem:v7+s21+$0x0], $0xffff  }
0x194: {  	v55 =	vld.idx.msk [tilespmem:v8+s21+$0x0], $0xffff  }
0x195: {  	v56 =	vor.u32 $0x80, v6  }
0x196: {  	v57 =	vor.u32 $0x80, v5;
	[tilespmem:$0x19080] =	vst v52  }
0x197: {  	v58 =	vor.u32 $0x80, v7;
	[tilespmem:$0x19090] =	vst v53  }
0x198: {  	v59 =	vor.u32 $0x80, v8;
	[tilespmem:$0x190A0] =	vst v54  }
0x199: {  	[tilespmem:$0x190B0] =	vst v55  }
0x19a: {  	v12 =	vld.idx.msk [tilespmem:v56+s21+$0x0], $0xffff  }
0x19b: {  	v9 =	vld.idx.msk [tilespmem:v57+s21+$0x0], $0xffff  }
0x19c: {  	v10 =	vld.idx.msk [tilespmem:v58+s21+$0x0], $0xffff  }
0x19d: {  	v11 =	vld.idx.msk [tilespmem:v59+s21+$0x0], $0xffff  }
0x19e: {  	v60 =	vor.u32 $0x100, v6  }
0x19f: {  	v61 =	vor.u32 $0x100, v5;
	[tilespmem:$0x19100] =	vst v12  }
0x1a0: {  	v62 =	vor.u32 $0x100, v7;
	[tilespmem:$0x19110] =	vst v9  }
0x1a1: {  	v63 =	vor.u32 $0x100, v8;
	[tilespmem:$0x19120] =	vst v10  }
0x1a2: {  	[tilespmem:$0x19130] =	vst v11  }
0x1a3: {  	v11 =	vld.idx.msk [tilespmem:v60+s21+$0x0], $0xffff  }
0x1a4: {  	v12 =	vld.idx.msk [tilespmem:v61+s21+$0x0], $0xffff  }
0x1a5: {  	v9 =	vld.idx.msk [tilespmem:v62+s21+$0x0], $0xffff  }
0x1a6: {  	v10 =	vld.idx.msk [tilespmem:v63+s21+$0x0], $0xffff  }
0x1a7: {  	v16 =	vor.u32 $0x180, v6  }
0x1a8: {  	v17 =	vor.u32 $0x180, v5;
	[tilespmem:$0x19180] =	vst v11  }
0x1a9: {  	v18 =	vor.u32 $0x180, v7;
	[tilespmem:$0x19190] =	vst v12  }
0x1aa: {  	v19 =	vor.u32 $0x180, v8;
	[tilespmem:$0x191A0] =	vst v9  }
0x1ab: {  	[tilespmem:$0x191B0] =	vst v10  }
0x1ac: {  	v10 =	vld.idx.msk [tilespmem:v16+s21+$0x0], $0xffff  }
0x1ad: {  	v11 =	vld.idx.msk [tilespmem:v17+s21+$0x0], $0xffff  }
0x1ae: {  	v12 =	vld.idx.msk [tilespmem:v18+s21+$0x0], $0xffff  }
0x1af: {  	v9 =	vld.idx.msk [tilespmem:v19+s21+$0x0], $0xffff  }
0x1b0: {  	v20 =	vor.u32 $0x200, v6  }
0x1b1: {  	v21 =	vor.u32 $0x200, v5;
	[tilespmem:$0x19200] =	vst v10  }
0x1b2: {  	v22 =	vor.u32 $0x200, v7;
	[tilespmem:$0x19210] =	vst v11  }
0x1b3: {  	v23 =	vor.u32 $0x200, v8;
	[tilespmem:$0x19220] =	vst v12  }
0x1b4: {  	[tilespmem:$0x19230] =	vst v9  }
0x1b5: {  	v9 =	vld.idx.msk [tilespmem:v20+s21+$0x0], $0xffff  }
0x1b6: {  	v10 =	vld.idx.msk [tilespmem:v21+s21+$0x0], $0xffff  }
0x1b7: {  	v11 =	vld.idx.msk [tilespmem:v22+s21+$0x0], $0xffff  }
0x1b8: {  	v12 =	vld.idx.msk [tilespmem:v23+s21+$0x0], $0xffff  }
0x1b9: {  	v24 =	vor.u32 $0x280, v6  }
0x1ba: {  	v25 =	vor.u32 $0x280, v5;
	[tilespmem:$0x19280] =	vst v9  }
0x1bb: {  	v26 =	vor.u32 $0x280, v7;
	[tilespmem:$0x19290] =	vst v10  }
0x1bc: {  	v27 =	vor.u32 $0x280, v8;
	[tilespmem:$0x192A0] =	vst v11  }
0x1bd: {  	[tilespmem:$0x192B0] =	vst v12  }
0x1be: {  	v12 =	vld.idx.msk [tilespmem:v24+s21+$0x0], $0xffff  }
0x1bf: {  	v9 =	vld.idx.msk [tilespmem:v25+s21+$0x0], $0xffff  }
0x1c0: {  	v10 =	vld.idx.msk [tilespmem:v26+s21+$0x0], $0xffff  }
0x1c1: {  	v11 =	vld.idx.msk [tilespmem:v27+s21+$0x0], $0xffff  }
0x1c2: {  	v28 =	vor.u32 $0x300, v6  }
0x1c3: {  	v29 =	vor.u32 $0x300, v5;
	[tilespmem:$0x19300] =	vst v12  }
0x1c4: {  	v30 =	vor.u32 $0x300, v7;
	[tilespmem:$0x19310] =	vst v9  }
0x1c5: {  	v31 =	vor.u32 $0x300, v8;
	[tilespmem:$0x19320] =	vst v10  }
0x1c6: {  	[tilespmem:$0x19330] =	vst v11  }
0x1c7: {  	v11 =	vld.idx.msk [tilespmem:v28+s21+$0x0], $0xffff  }
0x1c8: {  	v12 =	vld.idx.msk [tilespmem:v29+s21+$0x0], $0xffff  }
0x1c9: {  	v9 =	vld.idx.msk [tilespmem:v30+s21+$0x0], $0xffff  }
0x1ca: {  	v10 =	vld.idx.msk [tilespmem:v31+s21+$0x0], $0xffff  }
0x1cb: {  	v32 =	vor.u32 $0x380, v6  }
0x1cc: {  	v33 =	vor.u32 $0x380, v5;
	[tilespmem:$0x19380] =	vst v11  }
0x1cd: {  	v34 =	vor.u32 $0x380, v7;
	[tilespmem:$0x19390] =	vst v12  }
0x1ce: {  	v35 =	vor.u32 $0x380, v8;
	[tilespmem:$0x193A0] =	vst v9  }
0x1cf: {  	[tilespmem:$0x193B0] =	vst v10  }
0x1d0: {  	v10 =	vld.idx.msk [tilespmem:v32+s21+$0x0], $0xffff  }
0x1d1: {  	v11 =	vld.idx.msk [tilespmem:v33+s21+$0x0], $0xffff  }
0x1d2: {  	v12 =	vld.idx.msk [tilespmem:v34+s21+$0x0], $0xffff  }
0x1d3: {  	v9 =	vld.idx.msk [tilespmem:v35+s21+$0x0], $0xffff  }
0x1d4: {  	v36 =	vadd.s32 $0x4000, v6  }
0x1d5: {  	v37 =	vadd.s32 $0x4000, v5;
	[tilespmem:$0x19400] =	vst v10  }
0x1d6: {  	v38 =	vadd.s32 $0x4000, v7;
	[tilespmem:$0x19410] =	vst v11  }
0x1d7: {  	v39 =	vadd.s32 $0x4000, v8;
	[tilespmem:$0x19420] =	vst v12  }
0x1d8: {  	[tilespmem:$0x19430] =	vst v9  }
0x1d9: {  	v9 =	vld.idx.msk [tilespmem:v36+s21+$0x0], $0xffff  }
0x1da: {  	v10 =	vld.idx.msk [tilespmem:v37+s21+$0x0], $0xffff  }
0x1db: {  	v11 =	vld.idx.msk [tilespmem:v38+s21+$0x0], $0xffff  }
0x1dc: {  	v12 =	vld.idx.msk [tilespmem:v39+s21+$0x0], $0xffff  }
0x1dd: {  	v40 =	vadd.s32 $0x4080, v6  }
0x1de: {  	v41 =	vadd.s32 $0x4080, v5;
	[tilespmem:$0x19480] =	vst v9  }
0x1df: {  	v42 =	vadd.s32 $0x4080, v7;
	[tilespmem:$0x19490] =	vst v10  }
0x1e0: {  	v43 =	vadd.s32 $0x4080, v8;
	[tilespmem:$0x194A0] =	vst v11  }
0x1e1: {  	[tilespmem:$0x194B0] =	vst v12  }
0x1e2: {  	v12 =	vld.idx.msk [tilespmem:v40+s21+$0x0], $0xffff  }
0x1e3: {  	v9 =	vld.idx.msk [tilespmem:v41+s21+$0x0], $0xffff  }
0x1e4: {  	v10 =	vld.idx.msk [tilespmem:v42+s21+$0x0], $0xffff  }
0x1e5: {  	v11 =	vld.idx.msk [tilespmem:v43+s21+$0x0], $0xffff  }
0x1e6: {  	v44 =	vadd.s32 $0x4100, v6  }
0x1e7: {  	v45 =	vadd.s32 $0x4100, v5;
	[tilespmem:$0x19500] =	vst v12  }
0x1e8: {  	v46 =	vadd.s32 $0x4100, v7;
	[tilespmem:$0x19510] =	vst v9  }
0x1e9: {  	v47 =	vadd.s32 $0x4100, v8;
	[tilespmem:$0x19520] =	vst v10  }
0x1ea: {  	[tilespmem:$0x19530] =	vst v11  }
0x1eb: {  	v11 =	vld.idx.msk [tilespmem:v44+s21+$0x0], $0xffff  }
0x1ec: {  	v12 =	vld.idx.msk [tilespmem:v45+s21+$0x0], $0xffff  }
0x1ed: {  	v9 =	vld.idx.msk [tilespmem:v46+s21+$0x0], $0xffff  }
0x1ee: {  	v10 =	vld.idx.msk [tilespmem:v47+s21+$0x0], $0xffff  }
0x1ef: {  	v48 =	vadd.s32 $0x4180, v6  }
0x1f0: {  	v49 =	vadd.s32 $0x4180, v5;
	[tilespmem:$0x19580] =	vst v11  }
0x1f1: {  	v50 =	vadd.s32 $0x4180, v7;
	[tilespmem:$0x19590] =	vst v12  }
0x1f2: {  	v51 =	vadd.s32 $0x4180, v8;
	[tilespmem:$0x195A0] =	vst v9  }
0x1f3: {  	[tilespmem:$0x195B0] =	vst v10  }
0x1f4: {  	v10 =	vld.idx.msk [tilespmem:v48+s21+$0x0], $0xffff  }
0x1f5: {  	v11 =	vld.idx.msk [tilespmem:v49+s21+$0x0], $0xffff  }
0x1f6: {  	v12 =	vld.idx.msk [tilespmem:v50+s21+$0x0], $0xffff  }
0x1f7: {  	v9 =	vld.idx.msk [tilespmem:v51+s21+$0x0], $0xffff  }
0x1f8: {  	v52 =	vadd.s32 $0x4200, v6  }
0x1f9: {  	v53 =	vadd.s32 $0x4200, v5;
	[tilespmem:$0x19600] =	vst v10  }
0x1fa: {  	v54 =	vadd.s32 $0x4200, v7;
	[tilespmem:$0x19610] =	vst v11  }
0x1fb: {  	v55 =	vadd.s32 $0x4200, v8;
	[tilespmem:$0x19620] =	vst v12  }
0x1fc: {  	[tilespmem:$0x19630] =	vst v9  }
0x1fd: {  	v9 =	vld.idx.msk [tilespmem:v52+s21+$0x0], $0xffff  }
0x1fe: {  	v10 =	vld.idx.msk [tilespmem:v53+s21+$0x0], $0xffff  }
0x1ff: {  	v11 =	vld.idx.msk [tilespmem:v54+s21+$0x0], $0xffff  }
0x200: {  	v12 =	vld.idx.msk [tilespmem:v55+s21+$0x0], $0xffff  }
0x201: {  	v56 =	vadd.s32 $0x4280, v6  }
0x202: {  	v57 =	vadd.s32 $0x4280, v5;
	[tilespmem:$0x19680] =	vst v9  }
0x203: {  	v58 =	vadd.s32 $0x4280, v7;
	[tilespmem:$0x19690] =	vst v10  }
0x204: {  	v59 =	vadd.s32 $0x4280, v8;
	[tilespmem:$0x196A0] =	vst v11  }
0x205: {  	[tilespmem:$0x196B0] =	vst v12  }
0x206: {  	v12 =	vld.idx.msk [tilespmem:v56+s21+$0x0], $0xffff  }
0x207: {  	v9 =	vld.idx.msk [tilespmem:v57+s21+$0x0], $0xffff  }
0x208: {  	v10 =	vld.idx.msk [tilespmem:v58+s21+$0x0], $0xffff  }
0x209: {  	v11 =	vld.idx.msk [tilespmem:v59+s21+$0x0], $0xffff  }
0x20a: {  	v60 =	vadd.s32 $0x4300, v6  }
0x20b: {  	v61 =	vadd.s32 $0x4300, v5;
	[tilespmem:$0x19700] =	vst v12  }
0x20c: {  	v62 =	vadd.s32 $0x4300, v7;
	[tilespmem:$0x19710] =	vst v9  }
0x20d: {  	v63 =	vadd.s32 $0x4300, v8;
	[tilespmem:$0x19720] =	vst v10  }
0x20e: {  	[tilespmem:$0x19730] =	vst v11  }
0x20f: {  	v11 =	vld.idx.msk [tilespmem:v60+s21+$0x0], $0xffff  }
0x210: {  	v12 =	vld.idx.msk [tilespmem:v61+s21+$0x0], $0xffff  }
0x211: {  	v9 =	vld.idx.msk [tilespmem:v62+s21+$0x0], $0xffff  }
0x212: {  	v10 =	vld.idx.msk [tilespmem:v63+s21+$0x0], $0xffff  }
0x213: {  	v6 =	vadd.s32 $0x4380, v6  }
0x214: {  	v5 =	vadd.s32 $0x4380, v5;
	[tilespmem:$0x19780] =	vst v11  }
0x215: {  	v7 =	vadd.s32 $0x4380, v7;
	[tilespmem:$0x19790] =	vst v12  }
0x216: {  	v8 =	vadd.s32 $0x4380, v8;
	[tilespmem:$0x197A0] =	vst v9  }
0x217: {  	[tilespmem:$0x197B0] =	vst v10  }
0x218: {  	v6 =	vld.idx.msk [tilespmem:v6+s21+$0x0], $0xffff  }
0x219: {  	v5 =	vld.idx.msk [tilespmem:v5+s21+$0x0], $0xffff  }
0x21a: {  	v7 =	vld.idx.msk [tilespmem:v7+s21+$0x0], $0xffff  }
0x21b: {  	s0 =	sadd.s32 $0x1, s0;
	v8 =	vld.idx.msk [tilespmem:v8+s21+$0x0], $0xffff  }
0x21c: {  	p0 =	sne.s32 s0, $0xA  }
.Ltmp11:
0x21d: {  	[tilespmem:$0x19800] =	vst v6;
	(pc) =	sbr.rel @!p0 .LBB2_42-.Ltmp11, $4  }
0x21e: {  	[tilespmem:$0x19810] =	vst v5  }
0x21f: {  	s30 =	sshll.u32 s7, $0x8;
	s14 =	sadd.s32 $0x60000, s14;
	[tilespmem:$0x19820] =	vst v7  }
0x220: {  	s15 =	sadd.s32 $0x60000, s15;
	s16 =	sadd.s32 $0x60000, s16;
	s2 =	sadd.s32 s6, s30;
	[tilespmem:$0x19830] =	vst v8  }
0x221: {  	[hbm4b:s2+s4] =	stream.linear.scatter [tilespmem:s26], [sflag:$0x6], $0x800, $0x38;
	[tilespmem:$0x19880] =	vst v63  }
.LBB2_11:
0x222: {  	s13 =	smul.u32 $0x60, s0;
	_ =	sdelay $0x1  }
0x223: {  	s3 =	sadd.s32 $0x40, s13  }
0x224: {  	s12 =	sshrl.u32 s3, $0x6  }
0x225: {  	s2 =	sld [smem:s12+$0x80];
	_ =	sdelay $0x2  }
0x226: {  	p0 =	sgt.s32 s2, $0xF  }
.Ltmp12:
0x227: {  	_ = 	snop;
	(pc) =	sbr.rel @!p0 .LBB2_12-.Ltmp12, $2  }
0x228: {  	_ =	sdelay $0x2  }
0x229: {  	s7 =	sor.u32 s5, s3  }
.Ltmp13:
0x22a: {  	(pc) =	sbr.rel .LBB2_16-.Ltmp13, $4  }
0x22b: {  	_ = 	snop  }
0x22c: {  	s2 =	sshll.u32 s7, $0xC  }
0x22d: {  	s2 =	sadd.s32 s1, s2  }
0x22e: {  	[tilespmem:s21], [sflag:$0x3] =	stream.linear.gather [hbm4b:s2+s4], $0x8000, $0x38;
	[tilespmem:$0x19880] =	vst v63  }
.LBB2_12:
0x22f: {  	p0 =	sgt.s32 s2, $0x0  }
.Ltmp14:
0x230: {  	_ = 	snop;
	(pc) =	sbr.rel @!p0 .LBB2_16-.Ltmp14, $2  }
0x231: {  	_ =	sdelay $0x2  }
0x232: {  	s3 =	simm.s32 $0x10080  }
0x233: {  	p0 =	sne.s32 s2, $0x1  }
.Ltmp15:
0x234: {  	_ = 	snop;
	(pc) =	sbr.rel @!p0 .LBB2_15-.Ltmp15, $4  }
0x235: {  	_ = 	snop  }
0x236: {  	[tilespmem:s3], [sflag:$0x3] =	stream.linear.gather [hbm4b:s14+s4], $0x400, $0x38;
	[tilespmem:$0x19880] =	vst v63  }
0x237: {  	s8 =	sadd.s32 $0xFFFFFFFF, s2;
	s3 =	sadd.s32 $0x80, s14  }
0x238: {  	s2 =	sadd.s32 $0x800, s14;
	s10 =	simm.s32 $0x14080;
	s9 =	simm.s32 $0x10480  }
.LBB2_14:
0x239: {  	[tilespmem:s10], [sflag:$0x3] =	stream.linear.gather [hbm4b:s2+s4], $0x400, $0x38;
	[tilespmem:$0x19880] =	vst v63  }
0x23a: {  	p0 =	sne.s32 s8, $0x1  }
.Ltmp16:
0x23b: {  	s8 =	sadd.s32 $0xFFFFFFFF, s8;
	(pc) =	sbr.rel @p0 .LBB2_14-.Ltmp16, $4  }
0x23c: {  	s2 =	smov.u32 s3  }
0x23d: {  	s3 =	sadd.s32 $0x80, s3  }
0x23e: {  	[tilespmem:s9], [sflag:$0x3] =	stream.linear.gather [hbm4b:s2+s4], $0x400, $0x38;
	[tilespmem:$0x19880] =	vst v63  }
0x23f: {  	s10 =	sadd.s32 $0x4000, s9;
	s2 =	sadd.s32 $0x800, s2;
	s9 =	sadd.s32 $0x400, s9  }
.LBB2_15:
0x240: {  	[tilespmem:s10], [sflag:$0x3] =	stream.linear.gather [hbm4b:s2+s4], $0x400, $0x38;
	[tilespmem:$0x19880] =	vst v63  }
.LBB2_16:
0x241: {  	s9 =	sshrl.u32 s13, $0x6  }
0x242: {  	s2 =	sld [smem:s9+$0x80];
	_ =	sdelay $0x2  }
0x243: {  	p0 =	sgt.s32 s2, $0xF  }
.Ltmp17:
0x244: {  	_ = 	snop;
	(pc) =	sbr.rel @!p0 .LBB2_17-.Ltmp17, $1  }
0x245: {  	_ =	sdelay $0x3  }
.Ltmp18:
0x246: {  	(pc) =	sbr.rel .LBB2_21-.Ltmp18, $4  }
0x247: {  	_ = 	snop  }
0x248: {  	_ =	swait.ge [sflag:s19], $0x8000  }
0x249: {  	[sflag:s19] =	ssyncset.done $0x0  }
0x24a: {  	[sflag:s19] =	ssyncadd.s32 $0xFFFF8000  }
.LBB2_17:
0x24b: {  	p0 =	sgt.s32 s2, $0x0  }
.Ltmp19:
0x24c: {  	_ = 	snop;
	(pc) =	sbr.rel @!p0 .LBB2_21-.Ltmp19, $1  }
0x24d: {  	_ =	sdelay $0x3  }
0x24e: {  	p0 =	sne.s32 s2, $0x1  }
.Ltmp20:
0x24f: {  	_ = 	snop;
	(pc) =	sbr.rel @!p0 .LBB2_20-.Ltmp20, $3  }
0x250: {  	_ =	sdelay $0x1  }
0x251: {  	_ =	swait.ge [sflag:s19], $0x800  }
0x252: {  	s2 =	sadd.s32 $0xFFFFFFFF, s2;
	[sflag:s19] =	ssyncset.done $0x0  }
.LBB2_19:
0x253: {  	p0 =	sne.s32 s2, $0x1;
	s2 =	sadd.s32 $0xFFFFFFFF, s2;
	[sflag:s19] =	ssyncadd.s32 $0xFFFFF800  }
.Ltmp21:
0x254: {  	(pc) =	sbr.rel @p0 .LBB2_19-.Ltmp21, $3  }
0x255: {  	_ =	sdelay $0x1  }
0x256: {  	_ =	swait.ge [sflag:s19], $0x800  }
0x257: {  	[sflag:s19] =	ssyncset.done $0x0  }
.LBB2_20:
0x258: {  	[sflag:s19] =	ssyncadd.s32 $0xFFFFF800  }
.LBB2_21:
0x259: {  	p0 =	seq.s32 s0, $0x0  }
0x25a: {  	s2 =	simm.s32 @!p0 $0x4  }
0x25b: {  	_ =	swait.ge @!p0 [sflag:s2], $0x800  }
0x25c: {  	[sflag:s2] =	ssyncset.done @!p0 $0x0  }
0x25d: {  	[sflag:s2] =	ssyncadd.s32 @!p0 $0xFFFFF800  }
0x25e: {  	s2 =	sld [smem:s9+$0x0];
	_ =	sdelay $0x2  }
0x25f: {  	s2 =	sadd.s32 $0xFFFFFFFF, s2  }
0x260: {  	v5 =	vmul.u32 s2, v0;
	v9 =	vmul.u32 s2, v4  }
0x261: {  	v8 =	vmul.u32 s2, v2  }
0x262: {  	v6 =	vand.u32 $0x3F, v5;
	v7 =	vand.u32 $0x7F, v5;
	v46 =	vand.u32 $0x3F, v9  }
0x263: {  	v13 =	vand.u32 $0x7F, v9;
	v5 =	vshra.s32 v5, $0x6;
	v9 =	vshra.s32 v9, $0x6  }
0x264: {  	vm0 =	veq.s32 v7, $0x20;
	vm1 =	vgt.u32 v6, $0x20;
	v6 =	vand.u32 $0x3F, v8  }
0x265: {  	v7 =	vand.u32 $0x7F, v8;
	vm14 =	veq.s32 v13, $0x20;
	vm3 =	vgt.u32 v46, $0x20  }
0x266: {  	vm0 =	vmor vm1, vm0;
	vm10 =	veq.s32 v7, $0x20;
	vm2 =	vgt.u32 v6, $0x20  }
0x267: {  	v6 =	vmul.u32 s2, v3;
	vm15 =	vmor vm3, vm14;
	vm11 =	vmor vm2, vm10  }
0x268: {  	v7 =	vsel vm0, $0x1, v1;
	v48 =	vsel vm15, $0x1, v1;
	v10 =	vsel vm11, $0x1, v1  }
0x269: {  	v11 =	vand.u32 $0x3F, v6;
	v12 =	vand.u32 $0x7F, v6;
	v5 =	vadd.s32 v7, v5  }
0x26a: {  	v7 =	vshra.s32 v8, $0x6;
	vm12 =	veq.s32 v12, $0x20;
	vm13 =	vgt.u32 v11, $0x20  }
0x26b: {  	v6 =	vshra.s32 v6, $0x6;
	v7 =	vadd.s32 v10, v7;
	vm0 =	vmor vm13, vm12  }
0x26c: {  	v9 =	vadd.s32 v48, v9;
	v10 =	vshll.u32 v7, $0x3;
	v47 =	vsel vm0, $0x1, v1  }
0x26d: {  	v8 =	vadd.s32 v47, v6;
	v6 =	vand.u32 $0x7F, v5;
	v5 =	vshll.u32 v5, $0x3  }
0x26e: {  	v7 =	vand.u32 $0x7F, v7;
	v10 =	vand.u32 $0xFFFFFC00, v10;
	v5 =	vand.u32 $0xFFFFFC00, v5  }
0x26f: {  	v6 =	vor.u32 v6, v5;
	v5 =	vor.u32 v7, v10;
	v7 =	vshll.u32 v8, $0x3  }
0x270: {  	v49 =	vshll.u32 v9, $0x3;
	v8 =	vand.u32 $0x7F, v8;
	v7 =	vand.u32 $0xFFFFFC00, v7  }
0x271: {  	v50 =	vand.u32 $0x7F, v9;
	v51 =	vand.u32 $0xFFFFFC00, v49;
	v7 =	vor.u32 v8, v7  }
0x272: {  	v8 =	vor.u32 v50, v51;
	_ =	sdelay $0x1  }
0x273: {  	v52 =	vld.idx.msk [tilespmem:v6+s18+$0x0], $0xffff  }
0x274: {  	v53 =	vld.idx.msk [tilespmem:v5+s18+$0x0], $0xffff  }
0x275: {  	v54 =	vld.idx.msk [tilespmem:v7+s18+$0x0], $0xffff  }
0x276: {  	v55 =	vld.idx.msk [tilespmem:v8+s18+$0x0], $0xffff  }
0x277: {  	v56 =	vor.u32 $0x80, v6  }
0x278: {  	v57 =	vor.u32 $0x80, v5;
	[tilespmem:$0x18080] =	vst v52  }
0x279: {  	v58 =	vor.u32 $0x80, v7;
	[tilespmem:$0x18090] =	vst v53  }
0x27a: {  	v59 =	vor.u32 $0x80, v8;
	[tilespmem:$0x180A0] =	vst v54  }
0x27b: {  	[tilespmem:$0x180B0] =	vst v55  }
0x27c: {  	v12 =	vld.idx.msk [tilespmem:v56+s18+$0x0], $0xffff  }
0x27d: {  	v9 =	vld.idx.msk [tilespmem:v57+s18+$0x0], $0xffff  }
0x27e: {  	v10 =	vld.idx.msk [tilespmem:v58+s18+$0x0], $0xffff  }
0x27f: {  	v11 =	vld.idx.msk [tilespmem:v59+s18+$0x0], $0xffff  }
0x280: {  	v60 =	vor.u32 $0x100, v6  }
0x281: {  	v61 =	vor.u32 $0x100, v5;
	[tilespmem:$0x18100] =	vst v12  }
0x282: {  	v62 =	vor.u32 $0x100, v7;
	[tilespmem:$0x18110] =	vst v9  }
0x283: {  	v63 =	vor.u32 $0x100, v8;
	[tilespmem:$0x18120] =	vst v10  }
0x284: {  	[tilespmem:$0x18130] =	vst v11  }
0x285: {  	v11 =	vld.idx.msk [tilespmem:v60+s18+$0x0], $0xffff  }
0x286: {  	v12 =	vld.idx.msk [tilespmem:v61+s18+$0x0], $0xffff  }
0x287: {  	v9 =	vld.idx.msk [tilespmem:v62+s18+$0x0], $0xffff  }
0x288: {  	v10 =	vld.idx.msk [tilespmem:v63+s18+$0x0], $0xffff  }
0x289: {  	v16 =	vor.u32 $0x180, v6  }
0x28a: {  	v17 =	vor.u32 $0x180, v5;
	[tilespmem:$0x18180] =	vst v11  }
0x28b: {  	v18 =	vor.u32 $0x180, v7;
	[tilespmem:$0x18190] =	vst v12  }
0x28c: {  	v19 =	vor.u32 $0x180, v8;
	[tilespmem:$0x181A0] =	vst v9  }
0x28d: {  	[tilespmem:$0x181B0] =	vst v10  }
0x28e: {  	v10 =	vld.idx.msk [tilespmem:v16+s18+$0x0], $0xffff  }
0x28f: {  	v11 =	vld.idx.msk [tilespmem:v17+s18+$0x0], $0xffff  }
0x290: {  	v12 =	vld.idx.msk [tilespmem:v18+s18+$0x0], $0xffff  }
0x291: {  	v9 =	vld.idx.msk [tilespmem:v19+s18+$0x0], $0xffff  }
0x292: {  	v20 =	vor.u32 $0x200, v6  }
0x293: {  	v21 =	vor.u32 $0x200, v5;
	[tilespmem:$0x18200] =	vst v10  }
0x294: {  	v22 =	vor.u32 $0x200, v7;
	[tilespmem:$0x18210] =	vst v11  }
0x295: {  	v23 =	vor.u32 $0x200, v8;
	[tilespmem:$0x18220] =	vst v12  }
0x296: {  	[tilespmem:$0x18230] =	vst v9  }
0x297: {  	v9 =	vld.idx.msk [tilespmem:v20+s18+$0x0], $0xffff  }
0x298: {  	v10 =	vld.idx.msk [tilespmem:v21+s18+$0x0], $0xffff  }
0x299: {  	v11 =	vld.idx.msk [tilespmem:v22+s18+$0x0], $0xffff  }
0x29a: {  	v12 =	vld.idx.msk [tilespmem:v23+s18+$0x0], $0xffff  }
0x29b: {  	v24 =	vor.u32 $0x280, v6  }
0x29c: {  	v25 =	vor.u32 $0x280, v5;
	[tilespmem:$0x18280] =	vst v9  }
0x29d: {  	v26 =	vor.u32 $0x280, v7;
	[tilespmem:$0x18290] =	vst v10  }
0x29e: {  	v27 =	vor.u32 $0x280, v8;
	[tilespmem:$0x182A0] =	vst v11  }
0x29f: {  	[tilespmem:$0x182B0] =	vst v12  }
0x2a0: {  	v12 =	vld.idx.msk [tilespmem:v24+s18+$0x0], $0xffff  }
0x2a1: {  	v9 =	vld.idx.msk [tilespmem:v25+s18+$0x0], $0xffff  }
0x2a2: {  	v10 =	vld.idx.msk [tilespmem:v26+s18+$0x0], $0xffff  }
0x2a3: {  	v11 =	vld.idx.msk [tilespmem:v27+s18+$0x0], $0xffff  }
0x2a4: {  	v28 =	vor.u32 $0x300, v6  }
0x2a5: {  	v29 =	vor.u32 $0x300, v5;
	[tilespmem:$0x18300] =	vst v12  }
0x2a6: {  	v30 =	vor.u32 $0x300, v7;
	[tilespmem:$0x18310] =	vst v9  }
0x2a7: {  	v31 =	vor.u32 $0x300, v8;
	[tilespmem:$0x18320] =	vst v10  }
0x2a8: {  	[tilespmem:$0x18330] =	vst v11  }
0x2a9: {  	v11 =	vld.idx.msk [tilespmem:v28+s18+$0x0], $0xffff  }
0x2aa: {  	v12 =	vld.idx.msk [tilespmem:v29+s18+$0x0], $0xffff  }
0x2ab: {  	v9 =	vld.idx.msk [tilespmem:v30+s18+$0x0], $0xffff  }
0x2ac: {  	v10 =	vld.idx.msk [tilespmem:v31+s18+$0x0], $0xffff  }
0x2ad: {  	v32 =	vor.u32 $0x380, v6  }
0x2ae: {  	v33 =	vor.u32 $0x380, v5;
	[tilespmem:$0x18380] =	vst v11  }
0x2af: {  	v34 =	vor.u32 $0x380, v7;
	[tilespmem:$0x18390] =	vst v12  }
0x2b0: {  	v35 =	vor.u32 $0x380, v8;
	[tilespmem:$0x183A0] =	vst v9  }
0x2b1: {  	[tilespmem:$0x183B0] =	vst v10  }
0x2b2: {  	v10 =	vld.idx.msk [tilespmem:v32+s18+$0x0], $0xffff  }
0x2b3: {  	v11 =	vld.idx.msk [tilespmem:v33+s18+$0x0], $0xffff  }
0x2b4: {  	v12 =	vld.idx.msk [tilespmem:v34+s18+$0x0], $0xffff  }
0x2b5: {  	v9 =	vld.idx.msk [tilespmem:v35+s18+$0x0], $0xffff  }
0x2b6: {  	v36 =	vadd.s32 $0x4000, v6  }
0x2b7: {  	v37 =	vadd.s32 $0x4000, v5;
	[tilespmem:$0x18400] =	vst v10  }
0x2b8: {  	v38 =	vadd.s32 $0x4000, v7;
	[tilespmem:$0x18410] =	vst v11  }
0x2b9: {  	v39 =	vadd.s32 $0x4000, v8;
	[tilespmem:$0x18420] =	vst v12  }
0x2ba: {  	[tilespmem:$0x18430] =	vst v9  }
0x2bb: {  	v9 =	vld.idx.msk [tilespmem:v36+s18+$0x0], $0xffff  }
0x2bc: {  	v10 =	vld.idx.msk [tilespmem:v37+s18+$0x0], $0xffff  }
0x2bd: {  	v11 =	vld.idx.msk [tilespmem:v38+s18+$0x0], $0xffff  }
0x2be: {  	v12 =	vld.idx.msk [tilespmem:v39+s18+$0x0], $0xffff  }
0x2bf: {  	v40 =	vadd.s32 $0x4080, v6  }
0x2c0: {  	v41 =	vadd.s32 $0x4080, v5;
	[tilespmem:$0x18480] =	vst v9  }
0x2c1: {  	v42 =	vadd.s32 $0x4080, v7;
	[tilespmem:$0x18490] =	vst v10  }
0x2c2: {  	v43 =	vadd.s32 $0x4080, v8;
	[tilespmem:$0x184A0] =	vst v11  }
0x2c3: {  	[tilespmem:$0x184B0] =	vst v12  }
0x2c4: {  	v12 =	vld.idx.msk [tilespmem:v40+s18+$0x0], $0xffff  }
0x2c5: {  	v9 =	vld.idx.msk [tilespmem:v41+s18+$0x0], $0xffff  }
0x2c6: {  	v10 =	vld.idx.msk [tilespmem:v42+s18+$0x0], $0xffff  }
0x2c7: {  	v11 =	vld.idx.msk [tilespmem:v43+s18+$0x0], $0xffff  }
0x2c8: {  	v44 =	vadd.s32 $0x4100, v6  }
0x2c9: {  	v45 =	vadd.s32 $0x4100, v5;
	[tilespmem:$0x18500] =	vst v12  }
0x2ca: {  	v46 =	vadd.s32 $0x4100, v7;
	[tilespmem:$0x18510] =	vst v9  }
0x2cb: {  	v47 =	vadd.s32 $0x4100, v8;
	[tilespmem:$0x18520] =	vst v10  }
0x2cc: {  	[tilespmem:$0x18530] =	vst v11  }
0x2cd: {  	v11 =	vld.idx.msk [tilespmem:v44+s18+$0x0], $0xffff  }
0x2ce: {  	v12 =	vld.idx.msk [tilespmem:v45+s18+$0x0], $0xffff  }
0x2cf: {  	v9 =	vld.idx.msk [tilespmem:v46+s18+$0x0], $0xffff  }
0x2d0: {  	v10 =	vld.idx.msk [tilespmem:v47+s18+$0x0], $0xffff  }
0x2d1: {  	v48 =	vadd.s32 $0x4180, v6  }
0x2d2: {  	v49 =	vadd.s32 $0x4180, v5;
	[tilespmem:$0x18580] =	vst v11  }
0x2d3: {  	v50 =	vadd.s32 $0x4180, v7;
	[tilespmem:$0x18590] =	vst v12  }
0x2d4: {  	v51 =	vadd.s32 $0x4180, v8;
	[tilespmem:$0x185A0] =	vst v9  }
0x2d5: {  	[tilespmem:$0x185B0] =	vst v10  }
0x2d6: {  	v10 =	vld.idx.msk [tilespmem:v48+s18+$0x0], $0xffff  }
0x2d7: {  	v11 =	vld.idx.msk [tilespmem:v49+s18+$0x0], $0xffff  }
0x2d8: {  	v12 =	vld.idx.msk [tilespmem:v50+s18+$0x0], $0xffff  }
0x2d9: {  	v9 =	vld.idx.msk [tilespmem:v51+s18+$0x0], $0xffff  }
0x2da: {  	v52 =	vadd.s32 $0x4200, v6  }
0x2db: {  	v53 =	vadd.s32 $0x4200, v5;
	[tilespmem:$0x18600] =	vst v10  }
0x2dc: {  	v54 =	vadd.s32 $0x4200, v7;
	[tilespmem:$0x18610] =	vst v11  }
0x2dd: {  	v55 =	vadd.s32 $0x4200, v8;
	[tilespmem:$0x18620] =	vst v12  }
0x2de: {  	[tilespmem:$0x18630] =	vst v9  }
0x2df: {  	v9 =	vld.idx.msk [tilespmem:v52+s18+$0x0], $0xffff  }
0x2e0: {  	v10 =	vld.idx.msk [tilespmem:v53+s18+$0x0], $0xffff  }
0x2e1: {  	v11 =	vld.idx.msk [tilespmem:v54+s18+$0x0], $0xffff  }
0x2e2: {  	v12 =	vld.idx.msk [tilespmem:v55+s18+$0x0], $0xffff  }
0x2e3: {  	v56 =	vadd.s32 $0x4280, v6  }
0x2e4: {  	v57 =	vadd.s32 $0x4280, v5;
	[tilespmem:$0x18680] =	vst v9  }
0x2e5: {  	v58 =	vadd.s32 $0x4280, v7;
	[tilespmem:$0x18690] =	vst v10  }
0x2e6: {  	v59 =	vadd.s32 $0x4280, v8;
	[tilespmem:$0x186A0] =	vst v11  }
0x2e7: {  	[tilespmem:$0x186B0] =	vst v12  }
0x2e8: {  	v12 =	vld.idx.msk [tilespmem:v56+s18+$0x0], $0xffff  }
0x2e9: {  	v9 =	vld.idx.msk [tilespmem:v57+s18+$0x0], $0xffff  }
0x2ea: {  	v10 =	vld.idx.msk [tilespmem:v58+s18+$0x0], $0xffff  }
0x2eb: {  	v11 =	vld.idx.msk [tilespmem:v59+s18+$0x0], $0xffff  }
0x2ec: {  	v60 =	vadd.s32 $0x4300, v6  }
0x2ed: {  	v61 =	vadd.s32 $0x4300, v5;
	[tilespmem:$0x18700] =	vst v12  }
0x2ee: {  	v62 =	vadd.s32 $0x4300, v7;
	[tilespmem:$0x18710] =	vst v9  }
0x2ef: {  	v63 =	vadd.s32 $0x4300, v8;
	[tilespmem:$0x18720] =	vst v10  }
0x2f0: {  	[tilespmem:$0x18730] =	vst v11  }
0x2f1: {  	v11 =	vld.idx.msk [tilespmem:v60+s18+$0x0], $0xffff  }
0x2f2: {  	v12 =	vld.idx.msk [tilespmem:v61+s18+$0x0], $0xffff  }
0x2f3: {  	v9 =	vld.idx.msk [tilespmem:v62+s18+$0x0], $0xffff  }
0x2f4: {  	v10 =	vld.idx.msk [tilespmem:v63+s18+$0x0], $0xffff  }
0x2f5: {  	v6 =	vadd.s32 $0x4380, v6  }
0x2f6: {  	v5 =	vadd.s32 $0x4380, v5;
	[tilespmem:$0x18780] =	vst v11  }
0x2f7: {  	v7 =	vadd.s32 $0x4380, v7;
	[tilespmem:$0x18790] =	vst v12  }
0x2f8: {  	v8 =	vadd.s32 $0x4380, v8;
	[tilespmem:$0x187A0] =	vst v9  }
0x2f9: {  	s3 =	sadd.s32 $0x60, s13;
	[tilespmem:$0x187B0] =	vst v10  }
0x2fa: {  	s8 =	sshrl.u32 s3, $0x6;
	v6 =	vld.idx.msk [tilespmem:v6+s18+$0x0], $0xffff  }
0x2fb: {  	s2 =	sld [smem:s8+$0x80];
	v5 =	vld.idx.msk [tilespmem:v5+s18+$0x0], $0xffff  }
0x2fc: {  	v7 =	vld.idx.msk [tilespmem:v7+s18+$0x0], $0xffff  }
0x2fd: {  	v8 =	vld.idx.msk [tilespmem:v8+s18+$0x0], $0xffff  }
0x2fe: {  	p1 =	sgt.s32 s2, $0xF  }
.Ltmp22:
0x2ff: {  	[tilespmem:$0x18800] =	vst v6;
	(pc) =	sbr.rel @!p1 .LBB2_22-.Ltmp22, $4  }
0x300: {  	s11 =	sor.u32 s5, s13;
	[tilespmem:$0x18810] =	vst v5  }
0x301: {  	s17 =	sshll.u32 s11, $0x8;
	[tilespmem:$0x18820] =	vst v7  }
0x302: {  	s30 =	sadd.s32 s6, s17;
	[tilespmem:$0x18830] =	vst v8  }
0x303: {  	[hbm4b:s30+s4] =	stream.linear.scatter [tilespmem:s22], [sflag:$0x4], $0x800, $0x38;
	[tilespmem:$0x19880] =	vst v63  }
.Ltmp23:
0x304: {  	(pc) =	sbr.rel .LBB2_26-.Ltmp23, $4  }
0x305: {  	s2 =	sor.u32 s5, s3  }
0x306: {  	s2 =	sshll.u32 s2, $0xC  }
0x307: {  	s2 =	sadd.s32 s1, s2  }
0x308: {  	[tilespmem:s18], [sflag:$0x1] =	stream.linear.gather [hbm4b:s2+s4], $0x8000, $0x38;
	[tilespmem:$0x19880] =	vst v63  }
.LBB2_22:
0x309: {  	p1 =	sgt.s32 s2, $0x0  }
.Ltmp24:
0x30a: {  	_ = 	snop;
	(pc) =	sbr.rel @!p1 .LBB2_26-.Ltmp24, $2  }
0x30b: {  	_ =	sdelay $0x2  }
0x30c: {  	s3 =	simm.s32 $0x80  }
0x30d: {  	p1 =	sne.s32 s2, $0x1  }
.Ltmp25:
0x30e: {  	_ = 	snop;
	(pc) =	sbr.rel @!p1 .LBB2_25-.Ltmp25, $4  }
0x30f: {  	_ = 	snop  }
0x310: {  	[tilespmem:s3], [sflag:$0x1] =	stream.linear.gather [hbm4b:s15+s4], $0x400, $0x38;
	[tilespmem:$0x19880] =	vst v63  }
0x311: {  	s8 =	sadd.s32 $0xFFFFFFFF, s2;
	s3 =	sadd.s32 $0x80, s15  }
0x312: {  	s2 =	sadd.s32 $0x800, s15;
	s10 =	simm.s32 $0x4080;
	s9 =	simm.s32 $0x480  }
.LBB2_24:
0x313: {  	[tilespmem:s10], [sflag:$0x1] =	stream.linear.gather [hbm4b:s2+s4], $0x400, $0x38;
	[tilespmem:$0x19880] =	vst v63  }
0x314: {  	p1 =	sne.s32 s8, $0x1  }
.Ltmp26:
0x315: {  	s8 =	sadd.s32 $0xFFFFFFFF, s8;
	(pc) =	sbr.rel @p1 .LBB2_24-.Ltmp26, $4  }
0x316: {  	s2 =	smov.u32 s3  }
0x317: {  	s3 =	sadd.s32 $0x80, s3  }
0x318: {  	[tilespmem:s9], [sflag:$0x1] =	stream.linear.gather [hbm4b:s2+s4], $0x400, $0x38;
	[tilespmem:$0x19880] =	vst v63  }
0x319: {  	s10 =	sadd.s32 $0x4000, s9;
	s2 =	sadd.s32 $0x800, s2;
	s9 =	sadd.s32 $0x400, s9  }
.LBB2_25:
0x31a: {  	[tilespmem:s10], [sflag:$0x1] =	stream.linear.gather [hbm4b:s2+s4], $0x400, $0x38;
	[tilespmem:$0x19880] =	vst v63  }
.LBB2_26:
0x31b: {  	s9 =	sadd.s32 $0x20, s13  }
0x31c: {  	s10 =	sshrl.u32 s9, $0x6  }
0x31d: {  	s2 =	sld [smem:s10+$0x80];
	_ =	sdelay $0x2  }
0x31e: {  	p1 =	sgt.s32 s2, $0xF  }
.Ltmp27:
0x31f: {  	_ = 	snop;
	(pc) =	sbr.rel @!p1 .LBB2_27-.Ltmp27, $1  }
0x320: {  	_ =	sdelay $0x3  }
.Ltmp28:
0x321: {  	(pc) =	sbr.rel .LBB2_31-.Ltmp28, $4  }
0x322: {  	_ = 	snop  }
0x323: {  	_ =	swait.ge [sflag:s23], $0x8000  }
0x324: {  	[sflag:s23] =	ssyncset.done $0x0  }
0x325: {  	[sflag:s23] =	ssyncadd.s32 $0xFFFF8000  }
.LBB2_27:
0x326: {  	p1 =	sgt.s32 s2, $0x0  }
.Ltmp29:
0x327: {  	_ = 	snop;
	(pc) =	sbr.rel @!p1 .LBB2_31-.Ltmp29, $1  }
0x328: {  	_ =	sdelay $0x3  }
0x329: {  	p1 =	sne.s32 s2, $0x1  }
.Ltmp30:
0x32a: {  	_ = 	snop;
	(pc) =	sbr.rel @!p1 .LBB2_30-.Ltmp30, $3  }
0x32b: {  	_ =	sdelay $0x1  }
0x32c: {  	_ =	swait.ge [sflag:s23], $0x800  }
0x32d: {  	s2 =	sadd.s32 $0xFFFFFFFF, s2;
	[sflag:s23] =	ssyncset.done $0x0  }
.LBB2_29:
0x32e: {  	p1 =	sne.s32 s2, $0x1;
	s2 =	sadd.s32 $0xFFFFFFFF, s2;
	[sflag:s23] =	ssyncadd.s32 $0xFFFFF800  }
.Ltmp31:
0x32f: {  	(pc) =	sbr.rel @p1 .LBB2_29-.Ltmp31, $3  }
0x330: {  	_ =	sdelay $0x1  }
0x331: {  	_ =	swait.ge [sflag:s23], $0x800  }
0x332: {  	[sflag:s23] =	ssyncset.done $0x0  }
.LBB2_30:
0x333: {  	[sflag:s23] =	ssyncadd.s32 $0xFFFFF800  }
.LBB2_31:
0x334: {  	s2 =	simm.s32 @!p0 $0x5  }
0x335: {  	_ =	swait.ge @!p0 [sflag:s2], $0x800  }
0x336: {  	[sflag:s2] =	ssyncset.done @!p0 $0x0  }
0x337: {  	[sflag:s2] =	ssyncadd.s32 @!p0 $0xFFFFF800  }
0x338: {  	s2 =	sld [smem:s10+$0x0];
	_ =	sdelay $0x2  }
0x339: {  	s2 =	sadd.s32 $0xFFFFFFFF, s2  }
0x33a: {  	v5 =	vmul.u32 s2, v0;
	v9 =	vmul.u32 s2, v4  }
0x33b: {  	v8 =	vmul.u32 s2, v2  }
0x33c: {  	v6 =	vand.u32 $0x3F, v5;
	v7 =	vand.u32 $0x7F, v5;
	v46 =	vand.u32 $0x3F, v9  }
0x33d: {  	v13 =	vand.u32 $0x7F, v9;
	v5 =	vshra.s32 v5, $0x6;
	v9 =	vshra.s32 v9, $0x6  }
0x33e: {  	vm0 =	veq.s32 v7, $0x20;
	vm1 =	vgt.u32 v6, $0x20;
	v6 =	vand.u32 $0x3F, v8  }
0x33f: {  	v7 =	vand.u32 $0x7F, v8;
	vm14 =	veq.s32 v13, $0x20;
	vm3 =	vgt.u32 v46, $0x20  }
0x340: {  	vm0 =	vmor vm1, vm0;
	vm10 =	veq.s32 v7, $0x20;
	vm2 =	vgt.u32 v6, $0x20  }
0x341: {  	v6 =	vmul.u32 s2, v3;
	vm15 =	vmor vm3, vm14;
	vm11 =	vmor vm2, vm10  }
0x342: {  	v7 =	vsel vm0, $0x1, v1;
	v48 =	vsel vm15, $0x1, v1;
	v10 =	vsel vm11, $0x1, v1  }
0x343: {  	v11 =	vand.u32 $0x3F, v6;
	v12 =	vand.u32 $0x7F, v6;
	v5 =	vadd.s32 v7, v5  }
0x344: {  	v7 =	vshra.s32 v8, $0x6;
	vm12 =	veq.s32 v12, $0x20;
	vm13 =	vgt.u32 v11, $0x20  }
0x345: {  	v6 =	vshra.s32 v6, $0x6;
	v7 =	vadd.s32 v10, v7;
	vm0 =	vmor vm13, vm12  }
0x346: {  	v9 =	vadd.s32 v48, v9;
	v10 =	vshll.u32 v7, $0x3;
	v47 =	vsel vm0, $0x1, v1  }
0x347: {  	v8 =	vadd.s32 v47, v6;
	v6 =	vand.u32 $0x7F, v5;
	v5 =	vshll.u32 v5, $0x3  }
0x348: {  	v7 =	vand.u32 $0x7F, v7;
	v10 =	vand.u32 $0xFFFFFC00, v10;
	v5 =	vand.u32 $0xFFFFFC00, v5  }
0x349: {  	v6 =	vor.u32 v6, v5;
	v5 =	vor.u32 v7, v10;
	v7 =	vshll.u32 v8, $0x3  }
0x34a: {  	v49 =	vshll.u32 v9, $0x3;
	v8 =	vand.u32 $0x7F, v8;
	v7 =	vand.u32 $0xFFFFFC00, v7  }
0x34b: {  	v50 =	vand.u32 $0x7F, v9;
	v51 =	vand.u32 $0xFFFFFC00, v49;
	v7 =	vor.u32 v8, v7  }
0x34c: {  	v8 =	vor.u32 v50, v51;
	_ =	sdelay $0x1  }
0x34d: {  	v52 =	vld.idx.msk [tilespmem:v6+s20+$0x0], $0xffff  }
0x34e: {  	v53 =	vld.idx.msk [tilespmem:v5+s20+$0x0], $0xffff  }
0x34f: {  	v54 =	vld.idx.msk [tilespmem:v7+s20+$0x0], $0xffff  }
0x350: {  	v55 =	vld.idx.msk [tilespmem:v8+s20+$0x0], $0xffff  }
0x351: {  	v56 =	vor.u32 $0x80, v6  }
0x352: {  	v57 =	vor.u32 $0x80, v5;
	[tilespmem:$0x18880] =	vst v52  }
0x353: {  	v58 =	vor.u32 $0x80, v7;
	[tilespmem:$0x18890] =	vst v53  }
0x354: {  	v59 =	vor.u32 $0x80, v8;
	[tilespmem:$0x188A0] =	vst v54  }
0x355: {  	[tilespmem:$0x188B0] =	vst v55  }
0x356: {  	v12 =	vld.idx.msk [tilespmem:v56+s20+$0x0], $0xffff  }
0x357: {  	v9 =	vld.idx.msk [tilespmem:v57+s20+$0x0], $0xffff  }
0x358: {  	v10 =	vld.idx.msk [tilespmem:v58+s20+$0x0], $0xffff  }
0x359: {  	v11 =	vld.idx.msk [tilespmem:v59+s20+$0x0], $0xffff  }
0x35a: {  	v60 =	vor.u32 $0x100, v6  }
0x35b: {  	v61 =	vor.u32 $0x100, v5;
	[tilespmem:$0x18900] =	vst v12  }
0x35c: {  	v62 =	vor.u32 $0x100, v7;
	[tilespmem:$0x18910] =	vst v9  }
0x35d: {  	v63 =	vor.u32 $0x100, v8;
	[tilespmem:$0x18920] =	vst v10  }
0x35e: {  	[tilespmem:$0x18930] =	vst v11  }
0x35f: {  	v11 =	vld.idx.msk [tilespmem:v60+s20+$0x0], $0xffff  }
0x360: {  	v12 =	vld.idx.msk [tilespmem:v61+s20+$0x0], $0xffff  }
0x361: {  	v9 =	vld.idx.msk [tilespmem:v62+s20+$0x0], $0xffff  }
0x362: {  	v10 =	vld.idx.msk [tilespmem:v63+s20+$0x0], $0xffff  }
0x363: {  	v16 =	vor.u32 $0x180, v6  }
0x364: {  	v17 =	vor.u32 $0x180, v5;
	[tilespmem:$0x18980] =	vst v11  }
0x365: {  	v18 =	vor.u32 $0x180, v7;
	[tilespmem:$0x18990] =	vst v12  }
0x366: {  	v19 =	vor.u32 $0x180, v8;
	[tilespmem:$0x189A0] =	vst v9  }
0x367: {  	[tilespmem:$0x189B0] =	vst v10  }
0x368: {  	v10 =	vld.idx.msk [tilespmem:v16+s20+$0x0], $0xffff  }
0x369: {  	v11 =	vld.idx.msk [tilespmem:v17+s20+$0x0], $0xffff  }
0x36a: {  	v12 =	vld.idx.msk [tilespmem:v18+s20+$0x0], $0xffff  }
0x36b: {  	v9 =	vld.idx.msk [tilespmem:v19+s20+$0x0], $0xffff  }
0x36c: {  	v20 =	vor.u32 $0x200, v6  }
0x36d: {  	v21 =	vor.u32 $0x200, v5;
	[tilespmem:$0x18A00] =	vst v10  }
0x36e: {  	v22 =	vor.u32 $0x200, v7;
	[tilespmem:$0x18A10] =	vst v11  }
0x36f: {  	v23 =	vor.u32 $0x200, v8;
	[tilespmem:$0x18A20] =	vst v12  }
0x370: {  	[tilespmem:$0x18A30] =	vst v9  }
0x371: {  	v9 =	vld.idx.msk [tilespmem:v20+s20+$0x0], $0xffff  }
0x372: {  	v10 =	vld.idx.msk [tilespmem:v21+s20+$0x0], $0xffff  }
0x373: {  	v11 =	vld.idx.msk [tilespmem:v22+s20+$0x0], $0xffff  }
0x374: {  	v12 =	vld.idx.msk [tilespmem:v23+s20+$0x0], $0xffff  }
0x375: {  	v24 =	vor.u32 $0x280, v6  }
0x376: {  	v25 =	vor.u32 $0x280, v5;
	[tilespmem:$0x18A80] =	vst v9  }
0x377: {  	v26 =	vor.u32 $0x280, v7;
	[tilespmem:$0x18A90] =	vst v10  }
0x378: {  	v27 =	vor.u32 $0x280, v8;
	[tilespmem:$0x18AA0] =	vst v11  }
0x379: {  	[tilespmem:$0x18AB0] =	vst v12  }
0x37a: {  	v12 =	vld.idx.msk [tilespmem:v24+s20+$0x0], $0xffff  }
0x37b: {  	v9 =	vld.idx.msk [tilespmem:v25+s20+$0x0], $0xffff  }
0x37c: {  	v10 =	vld.idx.msk [tilespmem:v26+s20+$0x0], $0xffff  }
0x37d: {  	v11 =	vld.idx.msk [tilespmem:v27+s20+$0x0], $0xffff  }
0x37e: {  	v28 =	vor.u32 $0x300, v6  }
0x37f: {  	v29 =	vor.u32 $0x300, v5;
	[tilespmem:$0x18B00] =	vst v12  }
0x380: {  	v30 =	vor.u32 $0x300, v7;
	[tilespmem:$0x18B10] =	vst v9  }
0x381: {  	v31 =	vor.u32 $0x300, v8;
	[tilespmem:$0x18B20] =	vst v10  }
0x382: {  	[tilespmem:$0x18B30] =	vst v11  }
0x383: {  	v11 =	vld.idx.msk [tilespmem:v28+s20+$0x0], $0xffff  }
0x384: {  	v12 =	vld.idx.msk [tilespmem:v29+s20+$0x0], $0xffff  }
0x385: {  	v9 =	vld.idx.msk [tilespmem:v30+s20+$0x0], $0xffff  }
0x386: {  	v10 =	vld.idx.msk [tilespmem:v31+s20+$0x0], $0xffff  }
0x387: {  	v32 =	vor.u32 $0x380, v6  }
0x388: {  	v33 =	vor.u32 $0x380, v5;
	[tilespmem:$0x18B80] =	vst v11  }
0x389: {  	v34 =	vor.u32 $0x380, v7;
	[tilespmem:$0x18B90] =	vst v12  }
0x38a: {  	v35 =	vor.u32 $0x380, v8;
	[tilespmem:$0x18BA0] =	vst v9  }
0x38b: {  	[tilespmem:$0x18BB0] =	vst v10  }
0x38c: {  	v10 =	vld.idx.msk [tilespmem:v32+s20+$0x0], $0xffff  }
0x38d: {  	v11 =	vld.idx.msk [tilespmem:v33+s20+$0x0], $0xffff  }
0x38e: {  	v12 =	vld.idx.msk [tilespmem:v34+s20+$0x0], $0xffff  }
0x38f: {  	v9 =	vld.idx.msk [tilespmem:v35+s20+$0x0], $0xffff  }
0x390: {  	v36 =	vadd.s32 $0x4000, v6  }
0x391: {  	v37 =	vadd.s32 $0x4000, v5;
	[tilespmem:$0x18C00] =	vst v10  }
0x392: {  	v38 =	vadd.s32 $0x4000, v7;
	[tilespmem:$0x18C10] =	vst v11  }
0x393: {  	v39 =	vadd.s32 $0x4000, v8;
	[tilespmem:$0x18C20] =	vst v12  }
0x394: {  	[tilespmem:$0x18C30] =	vst v9  }
0x395: {  	v9 =	vld.idx.msk [tilespmem:v36+s20+$0x0], $0xffff  }
0x396: {  	v10 =	vld.idx.msk [tilespmem:v37+s20+$0x0], $0xffff  }
0x397: {  	v11 =	vld.idx.msk [tilespmem:v38+s20+$0x0], $0xffff  }
0x398: {  	v12 =	vld.idx.msk [tilespmem:v39+s20+$0x0], $0xffff  }
0x399: {  	v40 =	vadd.s32 $0x4080, v6  }
0x39a: {  	v41 =	vadd.s32 $0x4080, v5;
	[tilespmem:$0x18C80] =	vst v9  }
0x39b: {  	v42 =	vadd.s32 $0x4080, v7;
	[tilespmem:$0x18C90] =	vst v10  }
0x39c: {  	v43 =	vadd.s32 $0x4080, v8;
	[tilespmem:$0x18CA0] =	vst v11  }
0x39d: {  	[tilespmem:$0x18CB0] =	vst v12  }
0x39e: {  	v12 =	vld.idx.msk [tilespmem:v40+s20+$0x0], $0xffff  }
0x39f: {  	v9 =	vld.idx.msk [tilespmem:v41+s20+$0x0], $0xffff  }
0x3a0: {  	v10 =	vld.idx.msk [tilespmem:v42+s20+$0x0], $0xffff  }
0x3a1: {  	v11 =	vld.idx.msk [tilespmem:v43+s20+$0x0], $0xffff  }
0x3a2: {  	v44 =	vadd.s32 $0x4100, v6  }
0x3a3: {  	v45 =	vadd.s32 $0x4100, v5;
	[tilespmem:$0x18D00] =	vst v12  }
0x3a4: {  	v46 =	vadd.s32 $0x4100, v7;
	[tilespmem:$0x18D10] =	vst v9  }
0x3a5: {  	v47 =	vadd.s32 $0x4100, v8;
	[tilespmem:$0x18D20] =	vst v10  }
0x3a6: {  	[tilespmem:$0x18D30] =	vst v11  }
0x3a7: {  	v11 =	vld.idx.msk [tilespmem:v44+s20+$0x0], $0xffff  }
0x3a8: {  	v12 =	vld.idx.msk [tilespmem:v45+s20+$0x0], $0xffff  }
0x3a9: {  	v9 =	vld.idx.msk [tilespmem:v46+s20+$0x0], $0xffff  }
0x3aa: {  	v10 =	vld.idx.msk [tilespmem:v47+s20+$0x0], $0xffff  }
0x3ab: {  	v48 =	vadd.s32 $0x4180, v6  }
0x3ac: {  	v49 =	vadd.s32 $0x4180, v5;
	[tilespmem:$0x18D80] =	vst v11  }
0x3ad: {  	v50 =	vadd.s32 $0x4180, v7;
	[tilespmem:$0x18D90] =	vst v12  }
0x3ae: {  	v51 =	vadd.s32 $0x4180, v8;
	[tilespmem:$0x18DA0] =	vst v9  }
0x3af: {  	[tilespmem:$0x18DB0] =	vst v10  }
0x3b0: {  	v10 =	vld.idx.msk [tilespmem:v48+s20+$0x0], $0xffff  }
0x3b1: {  	v11 =	vld.idx.msk [tilespmem:v49+s20+$0x0], $0xffff  }
0x3b2: {  	v12 =	vld.idx.msk [tilespmem:v50+s20+$0x0], $0xffff  }
0x3b3: {  	v9 =	vld.idx.msk [tilespmem:v51+s20+$0x0], $0xffff  }
0x3b4: {  	v52 =	vadd.s32 $0x4200, v6  }
0x3b5: {  	v53 =	vadd.s32 $0x4200, v5;
	[tilespmem:$0x18E00] =	vst v10  }
0x3b6: {  	v54 =	vadd.s32 $0x4200, v7;
	[tilespmem:$0x18E10] =	vst v11  }
0x3b7: {  	v55 =	vadd.s32 $0x4200, v8;
	[tilespmem:$0x18E20] =	vst v12  }
0x3b8: {  	[tilespmem:$0x18E30] =	vst v9  }
0x3b9: {  	v9 =	vld.idx.msk [tilespmem:v52+s20+$0x0], $0xffff  }
0x3ba: {  	v10 =	vld.idx.msk [tilespmem:v53+s20+$0x0], $0xffff  }
0x3bb: {  	v11 =	vld.idx.msk [tilespmem:v54+s20+$0x0], $0xffff  }
0x3bc: {  	v12 =	vld.idx.msk [tilespmem:v55+s20+$0x0], $0xffff  }
0x3bd: {  	v56 =	vadd.s32 $0x4280, v6  }
0x3be: {  	v57 =	vadd.s32 $0x4280, v5;
	[tilespmem:$0x18E80] =	vst v9  }
0x3bf: {  	v58 =	vadd.s32 $0x4280, v7;
	[tilespmem:$0x18E90] =	vst v10  }
0x3c0: {  	v59 =	vadd.s32 $0x4280, v8;
	[tilespmem:$0x18EA0] =	vst v11  }
0x3c1: {  	[tilespmem:$0x18EB0] =	vst v12  }
0x3c2: {  	v12 =	vld.idx.msk [tilespmem:v56+s20+$0x0], $0xffff  }
0x3c3: {  	v9 =	vld.idx.msk [tilespmem:v57+s20+$0x0], $0xffff  }
0x3c4: {  	v10 =	vld.idx.msk [tilespmem:v58+s20+$0x0], $0xffff  }
0x3c5: {  	v11 =	vld.idx.msk [tilespmem:v59+s20+$0x0], $0xffff  }
0x3c6: {  	v60 =	vadd.s32 $0x4300, v6  }
0x3c7: {  	v61 =	vadd.s32 $0x4300, v5;
	[tilespmem:$0x18F00] =	vst v12  }
0x3c8: {  	v62 =	vadd.s32 $0x4300, v7;
	[tilespmem:$0x18F10] =	vst v9  }
0x3c9: {  	v63 =	vadd.s32 $0x4300, v8;
	[tilespmem:$0x18F20] =	vst v10  }
0x3ca: {  	[tilespmem:$0x18F30] =	vst v11  }
0x3cb: {  	v11 =	vld.idx.msk [tilespmem:v60+s20+$0x0], $0xffff  }
0x3cc: {  	v12 =	vld.idx.msk [tilespmem:v61+s20+$0x0], $0xffff  }
0x3cd: {  	v9 =	vld.idx.msk [tilespmem:v62+s20+$0x0], $0xffff  }
0x3ce: {  	v10 =	vld.idx.msk [tilespmem:v63+s20+$0x0], $0xffff  }
0x3cf: {  	v6 =	vadd.s32 $0x4380, v6  }
0x3d0: {  	v5 =	vadd.s32 $0x4380, v5;
	[tilespmem:$0x18F80] =	vst v11  }
0x3d1: {  	v7 =	vadd.s32 $0x4380, v7;
	[tilespmem:$0x18F90] =	vst v12  }
0x3d2: {  	v8 =	vadd.s32 $0x4380, v8;
	[tilespmem:$0x18FA0] =	vst v9  }
0x3d3: {  	s3 =	sadd.s32 $0x80, s13;
	[tilespmem:$0x18FB0] =	vst v10  }
0x3d4: {  	s8 =	sshrl.u32 s3, $0x6;
	v6 =	vld.idx.msk [tilespmem:v6+s20+$0x0], $0xffff  }
0x3d5: {  	s2 =	sld [smem:s8+$0x80];
	v5 =	vld.idx.msk [tilespmem:v5+s20+$0x0], $0xffff  }
0x3d6: {  	v7 =	vld.idx.msk [tilespmem:v7+s20+$0x0], $0xffff  }
0x3d7: {  	v8 =	vld.idx.msk [tilespmem:v8+s20+$0x0], $0xffff  }
0x3d8: {  	p1 =	sgt.s32 s2, $0xF  }
.Ltmp32:
0x3d9: {  	[tilespmem:$0x19000] =	vst v6;
	(pc) =	sbr.rel @!p1 .LBB2_32-.Ltmp32, $4  }
0x3da: {  	s17 =	sor.u32 s5, s9;
	[tilespmem:$0x19010] =	vst v5  }
0x3db: {  	s9 =	sshll.u32 s17, $0x8;
	[tilespmem:$0x19020] =	vst v7  }
0x3dc: {  	s30 =	sadd.s32 s6, s9;
	[tilespmem:$0x19030] =	vst v8  }
0x3dd: {  	[hbm4b:s30+s4] =	stream.linear.scatter [tilespmem:s24], [sflag:$0x5], $0x800, $0x38;
	[tilespmem:$0x19880] =	vst v63  }
.Ltmp33:
0x3de: {  	(pc) =	sbr.rel .LBB2_36-.Ltmp33, $4  }
0x3df: {  	s2 =	sor.u32 s5, s3  }
0x3e0: {  	s2 =	sshll.u32 s2, $0xC  }
0x3e1: {  	s2 =	sadd.s32 s1, s2  }
0x3e2: {  	[tilespmem:s20], [sflag:$0x2] =	stream.linear.gather [hbm4b:s2+s4], $0x8000, $0x38;
	[tilespmem:$0x19880] =	vst v63  }
.LBB2_32:
0x3e3: {  	p1 =	sgt.s32 s2, $0x0  }
.Ltmp34:
0x3e4: {  	_ = 	snop;
	(pc) =	sbr.rel @!p1 .LBB2_36-.Ltmp34, $2  }
0x3e5: {  	_ =	sdelay $0x2  }
0x3e6: {  	s3 =	simm.s32 $0x8080  }
0x3e7: {  	p1 =	sne.s32 s2, $0x1  }
.Ltmp35:
0x3e8: {  	_ = 	snop;
	(pc) =	sbr.rel @!p1 .LBB2_35-.Ltmp35, $4  }
0x3e9: {  	_ = 	snop  }
0x3ea: {  	[tilespmem:s3], [sflag:$0x2] =	stream.linear.gather [hbm4b:s16+s4], $0x400, $0x38;
	[tilespmem:$0x19880] =	vst v63  }
0x3eb: {  	s8 =	sadd.s32 $0xFFFFFFFF, s2;
	s3 =	sadd.s32 $0x80, s16  }
0x3ec: {  	s2 =	sadd.s32 $0x800, s16;
	s10 =	simm.s32 $0xC080;
	s9 =	simm.s32 $0x8480  }
.LBB2_34:
0x3ed: {  	[tilespmem:s10], [sflag:$0x2] =	stream.linear.gather [hbm4b:s2+s4], $0x400, $0x38;
	[tilespmem:$0x19880] =	vst v63  }
0x3ee: {  	p1 =	sne.s32 s8, $0x1  }
.Ltmp36:
0x3ef: {  	s8 =	sadd.s32 $0xFFFFFFFF, s8;
	(pc) =	sbr.rel @p1 .LBB2_34-.Ltmp36, $4  }
0x3f0: {  	s2 =	smov.u32 s3  }
0x3f1: {  	s3 =	sadd.s32 $0x80, s3  }
0x3f2: {  	[tilespmem:s9], [sflag:$0x2] =	stream.linear.gather [hbm4b:s2+s4], $0x400, $0x38;
	[tilespmem:$0x19880] =	vst v63  }
0x3f3: {  	s10 =	sadd.s32 $0x4000, s9;
	s2 =	sadd.s32 $0x800, s2;
	s9 =	sadd.s32 $0x400, s9  }
.LBB2_35:
0x3f4: {  	[tilespmem:s10], [sflag:$0x2] =	stream.linear.gather [hbm4b:s2+s4], $0x400, $0x38;
	[tilespmem:$0x19880] =	vst v63  }
.LBB2_36:
0x3f5: {  	s2 =	sld [smem:s12+$0x80];
	_ =	sdelay $0x2  }
0x3f6: {  	p1 =	sgt.s32 s2, $0xF  }
.Ltmp37:
0x3f7: {  	_ = 	snop;
	(pc) =	sbr.rel @p1 .LBB2_60-.Ltmp37, $1  }
0x3f8: {  	_ =	sdelay $0x3  }
0x3f9: {  	p1 =	sgt.s32 s2, $0x0  }
.Ltmp38:
0x3fa: {  	_ = 	snop;
	(pc) =	sbr.rel @!p1 .LBB2_41-.Ltmp38, $1  }
0x3fb: {  	_ =	sdelay $0x3  }
0x3fc: {  	p1 =	sne.s32 s2, $0x1  }
.Ltmp39:
0x3fd: {  	_ = 	snop;
	(pc) =	sbr.rel @!p1 .LBB2_40-.Ltmp39, $3  }
0x3fe: {  	_ =	sdelay $0x1  }
0x3ff: {  	_ =	swait.ge [sflag:s25], $0x800  }
0x400: {  	s2 =	sadd.s32 $0xFFFFFFFF, s2;
	[sflag:s25] =	ssyncset.done $0x0  }
.LBB2_39:
0x401: {  	p1 =	sne.s32 s2, $0x1;
	s2 =	sadd.s32 $0xFFFFFFFF, s2;
	[sflag:s25] =	ssyncadd.s32 $0xFFFFF800  }
.Ltmp40:
0x402: {  	(pc) =	sbr.rel @p1 .LBB2_39-.Ltmp40, $3  }
0x403: {  	_ =	sdelay $0x1  }
0x404: {  	_ =	swait.ge [sflag:s25], $0x800  }
0x405: {  	[sflag:s25] =	ssyncset.done $0x0  }
.LBB2_40:
.Ltmp41:
0x406: {  	(pc) =	sbr.rel .LBB2_41-.Ltmp41, $2  }
0x407: {  	_ =	sdelay $0x2  }
0x408: {  	[sflag:s25] =	ssyncadd.s32 $0xFFFFF800  }
.LBB2_42:
0x409: {  	s0 =	sld [smem:$0x8F];
	_ =	sdelay $0x2  }
0x40a: {  	p1 =	sgt.s32 s0, $0xF  }
.Ltmp42:
0x40b: {  	_ = 	snop;
	(pc) =	sbr.rel @p1 .LBB2_61-.Ltmp42, $2  }
0x40c: {  	_ =	sdelay $0x2  }
0x40d: {  	p0 =	sgt.s32 s0, $0x0  }
.Ltmp43:
0x40e: {  	(pc) =	sbr.rel @!p0 .LBB2_47-.Ltmp43, $1  }
0x40f: {  	_ =	sdelay $0x3  }
0x410: {  	p2 =	sne.s32 s0, $0x1  }
.Ltmp44:
0x411: {  	_ = 	snop;
	(pc) =	sbr.rel @!p2 .LBB2_46-.Ltmp44, $3  }
0x412: {  	_ =	sdelay $0x1  }
0x413: {  	_ =	swait.ge [sflag:s19], $0x800  }
0x414: {  	s2 =	sadd.s32 $0xFFFFFFFF, s0;
	[sflag:s19] =	ssyncset.done $0x0  }
.LBB2_45:
0x415: {  	p2 =	sne.s32 s2, $0x1;
	s2 =	sadd.s32 $0xFFFFFFFF, s2;
	[sflag:s19] =	ssyncadd.s32 $0xFFFFF800  }
.Ltmp45:
0x416: {  	(pc) =	sbr.rel @p2 .LBB2_45-.Ltmp45, $3  }
0x417: {  	_ =	sdelay $0x1  }
0x418: {  	_ =	swait.ge [sflag:s19], $0x800  }
0x419: {  	[sflag:s19] =	ssyncset.done $0x0  }
.LBB2_46:
.Ltmp46:
0x41a: {  	(pc) =	sbr.rel .LBB2_47-.Ltmp46, $2  }
0x41b: {  	_ =	sdelay $0x2  }
0x41c: {  	[sflag:s19] =	ssyncadd.s32 $0xFFFFF800  }
.LBB2_61:
0x41d: {  	_ =	swait.ge [sflag:s19], $0x8000  }
0x41e: {  	[sflag:s19] =	ssyncset.done $0x0  }
0x41f: {  	[sflag:s19] =	ssyncadd.s32 $0xFFFF8000  }
.LBB2_47:
0x420: {  	_ =	swait.ge [sflag:s28], $0x800  }
0x421: {  	[sflag:s28] =	ssyncset.done $0x0  }
0x422: {  	[sflag:s28] =	ssyncadd.s32 $0xFFFFF800  }
0x423: {  	s2 =	sld [smem:$0xF];
	_ =	sdelay $0x2  }
0x424: {  	s2 =	sadd.s32 $0xFFFFFFFF, s2  }
0x425: {  	v5 =	vmul.u32 s2, v0;
	v9 =	vmul.u32 s2, v4  }
0x426: {  	v8 =	vmul.u32 s2, v2  }
0x427: {  	v6 =	vand.u32 $0x3F, v5;
	v7 =	vand.u32 $0x7F, v5;
	v46 =	vand.u32 $0x3F, v9  }
0x428: {  	v13 =	vand.u32 $0x7F, v9;
	v5 =	vshra.s32 v5, $0x6;
	v9 =	vshra.s32 v9, $0x6  }
0x429: {  	vm0 =	veq.s32 v7, $0x20;
	vm1 =	vgt.u32 v6, $0x20;
	v6 =	vand.u32 $0x3F, v8  }
0x42a: {  	v7 =	vand.u32 $0x7F, v8;
	vm14 =	veq.s32 v13, $0x20;
	vm3 =	vgt.u32 v46, $0x20  }
0x42b: {  	vm0 =	vmor vm1, vm0;
	vm10 =	veq.s32 v7, $0x20;
	vm2 =	vgt.u32 v6, $0x20  }
0x42c: {  	v6 =	vmul.u32 s2, v3;
	vm15 =	vmor vm3, vm14;
	vm11 =	vmor vm2, vm10  }
0x42d: {  	v7 =	vsel vm0, $0x1, v1;
	v48 =	vsel vm15, $0x1, v1;
	v10 =	vsel vm11, $0x1, v1  }
0x42e: {  	v11 =	vand.u32 $0x3F, v6;
	v12 =	vand.u32 $0x7F, v6;
	v5 =	vadd.s32 v7, v5  }
0x42f: {  	v7 =	vshra.s32 v8, $0x6;
	vm12 =	veq.s32 v12, $0x20;
	vm13 =	vgt.u32 v11, $0x20  }
0x430: {  	v6 =	vshra.s32 v6, $0x6;
	v7 =	vadd.s32 v10, v7;
	vm0 =	vmor vm13, vm12  }
0x431: {  	v9 =	vadd.s32 v48, v9;
	v10 =	vshll.u32 v7, $0x3;
	v47 =	vsel vm0, $0x1, v1  }
0x432: {  	v8 =	vadd.s32 v47, v6;
	v6 =	vand.u32 $0x7F, v5;
	v5 =	vshll.u32 v5, $0x3  }
0x433: {  	v7 =	vand.u32 $0x7F, v7;
	v10 =	vand.u32 $0xFFFFFC00, v10;
	v5 =	vand.u32 $0xFFFFFC00, v5  }
0x434: {  	v6 =	vor.u32 v6, v5;
	v5 =	vor.u32 v7, v10;
	v7 =	vshll.u32 v8, $0x3  }
0x435: {  	v49 =	vshll.u32 v9, $0x3;
	v8 =	vand.u32 $0x7F, v8;
	v7 =	vand.u32 $0xFFFFFC00, v7  }
0x436: {  	v50 =	vand.u32 $0x7F, v9;
	v51 =	vand.u32 $0xFFFFFC00, v49;
	v7 =	vor.u32 v8, v7  }
0x437: {  	v8 =	vor.u32 v50, v51;
	_ =	sdelay $0x1  }
0x438: {  	v52 =	vld.idx.msk [tilespmem:v6+s18+$0x0], $0xffff  }
0x439: {  	v53 =	vld.idx.msk [tilespmem:v5+s18+$0x0], $0xffff  }
0x43a: {  	v54 =	vld.idx.msk [tilespmem:v7+s18+$0x0], $0xffff  }
0x43b: {  	v55 =	vld.idx.msk [tilespmem:v8+s18+$0x0], $0xffff  }
0x43c: {  	v56 =	vor.u32 $0x80, v6  }
0x43d: {  	v57 =	vor.u32 $0x80, v5;
	[tilespmem:$0x18080] =	vst v52  }
0x43e: {  	v58 =	vor.u32 $0x80, v7;
	[tilespmem:$0x18090] =	vst v53  }
0x43f: {  	v59 =	vor.u32 $0x80, v8;
	[tilespmem:$0x180A0] =	vst v54  }
0x440: {  	[tilespmem:$0x180B0] =	vst v55  }
0x441: {  	v12 =	vld.idx.msk [tilespmem:v56+s18+$0x0], $0xffff  }
0x442: {  	v9 =	vld.idx.msk [tilespmem:v57+s18+$0x0], $0xffff  }
0x443: {  	v10 =	vld.idx.msk [tilespmem:v58+s18+$0x0], $0xffff  }
0x444: {  	v11 =	vld.idx.msk [tilespmem:v59+s18+$0x0], $0xffff  }
0x445: {  	v60 =	vor.u32 $0x100, v6  }
0x446: {  	v61 =	vor.u32 $0x100, v5;
	[tilespmem:$0x18100] =	vst v12  }
0x447: {  	v62 =	vor.u32 $0x100, v7;
	[tilespmem:$0x18110] =	vst v9  }
0x448: {  	v63 =	vor.u32 $0x100, v8;
	[tilespmem:$0x18120] =	vst v10  }
0x449: {  	[tilespmem:$0x18130] =	vst v11  }
0x44a: {  	v11 =	vld.idx.msk [tilespmem:v60+s18+$0x0], $0xffff  }
0x44b: {  	v12 =	vld.idx.msk [tilespmem:v61+s18+$0x0], $0xffff  }
0x44c: {  	v9 =	vld.idx.msk [tilespmem:v62+s18+$0x0], $0xffff  }
0x44d: {  	v10 =	vld.idx.msk [tilespmem:v63+s18+$0x0], $0xffff  }
0x44e: {  	v16 =	vor.u32 $0x180, v6  }
0x44f: {  	v17 =	vor.u32 $0x180, v5;
	[tilespmem:$0x18180] =	vst v11  }
0x450: {  	v18 =	vor.u32 $0x180, v7;
	[tilespmem:$0x18190] =	vst v12  }
0x451: {  	v19 =	vor.u32 $0x180, v8;
	[tilespmem:$0x181A0] =	vst v9  }
0x452: {  	[tilespmem:$0x181B0] =	vst v10  }
0x453: {  	v10 =	vld.idx.msk [tilespmem:v16+s18+$0x0], $0xffff  }
0x454: {  	v11 =	vld.idx.msk [tilespmem:v17+s18+$0x0], $0xffff  }
0x455: {  	v12 =	vld.idx.msk [tilespmem:v18+s18+$0x0], $0xffff  }
0x456: {  	v9 =	vld.idx.msk [tilespmem:v19+s18+$0x0], $0xffff  }
0x457: {  	v20 =	vor.u32 $0x200, v6  }
0x458: {  	v21 =	vor.u32 $0x200, v5;
	[tilespmem:$0x18200] =	vst v10  }
0x459: {  	v22 =	vor.u32 $0x200, v7;
	[tilespmem:$0x18210] =	vst v11  }
0x45a: {  	v23 =	vor.u32 $0x200, v8;
	[tilespmem:$0x18220] =	vst v12  }
0x45b: {  	[tilespmem:$0x18230] =	vst v9  }
0x45c: {  	v9 =	vld.idx.msk [tilespmem:v20+s18+$0x0], $0xffff  }
0x45d: {  	v10 =	vld.idx.msk [tilespmem:v21+s18+$0x0], $0xffff  }
0x45e: {  	v11 =	vld.idx.msk [tilespmem:v22+s18+$0x0], $0xffff  }
0x45f: {  	v12 =	vld.idx.msk [tilespmem:v23+s18+$0x0], $0xffff  }
0x460: {  	v24 =	vor.u32 $0x280, v6  }
0x461: {  	v25 =	vor.u32 $0x280, v5;
	[tilespmem:$0x18280] =	vst v9  }
0x462: {  	v26 =	vor.u32 $0x280, v7;
	[tilespmem:$0x18290] =	vst v10  }
0x463: {  	v27 =	vor.u32 $0x280, v8;
	[tilespmem:$0x182A0] =	vst v11  }
0x464: {  	[tilespmem:$0x182B0] =	vst v12  }
0x465: {  	v12 =	vld.idx.msk [tilespmem:v24+s18+$0x0], $0xffff  }
0x466: {  	v9 =	vld.idx.msk [tilespmem:v25+s18+$0x0], $0xffff  }
0x467: {  	v10 =	vld.idx.msk [tilespmem:v26+s18+$0x0], $0xffff  }
0x468: {  	v11 =	vld.idx.msk [tilespmem:v27+s18+$0x0], $0xffff  }
0x469: {  	v28 =	vor.u32 $0x300, v6  }
0x46a: {  	v29 =	vor.u32 $0x300, v5;
	[tilespmem:$0x18300] =	vst v12  }
0x46b: {  	v30 =	vor.u32 $0x300, v7;
	[tilespmem:$0x18310] =	vst v9  }
0x46c: {  	v31 =	vor.u32 $0x300, v8;
	[tilespmem:$0x18320] =	vst v10  }
0x46d: {  	[tilespmem:$0x18330] =	vst v11  }
0x46e: {  	v11 =	vld.idx.msk [tilespmem:v28+s18+$0x0], $0xffff  }
0x46f: {  	v12 =	vld.idx.msk [tilespmem:v29+s18+$0x0], $0xffff  }
0x470: {  	v9 =	vld.idx.msk [tilespmem:v30+s18+$0x0], $0xffff  }
0x471: {  	v10 =	vld.idx.msk [tilespmem:v31+s18+$0x0], $0xffff  }
0x472: {  	v32 =	vor.u32 $0x380, v6  }
0x473: {  	v33 =	vor.u32 $0x380, v5;
	[tilespmem:$0x18380] =	vst v11  }
0x474: {  	v34 =	vor.u32 $0x380, v7;
	[tilespmem:$0x18390] =	vst v12  }
0x475: {  	v35 =	vor.u32 $0x380, v8;
	[tilespmem:$0x183A0] =	vst v9  }
0x476: {  	[tilespmem:$0x183B0] =	vst v10  }
0x477: {  	v10 =	vld.idx.msk [tilespmem:v32+s18+$0x0], $0xffff  }
0x478: {  	v11 =	vld.idx.msk [tilespmem:v33+s18+$0x0], $0xffff  }
0x479: {  	v12 =	vld.idx.msk [tilespmem:v34+s18+$0x0], $0xffff  }
0x47a: {  	v9 =	vld.idx.msk [tilespmem:v35+s18+$0x0], $0xffff  }
0x47b: {  	v36 =	vadd.s32 $0x4000, v6  }
0x47c: {  	v37 =	vadd.s32 $0x4000, v5;
	[tilespmem:$0x18400] =	vst v10  }
0x47d: {  	v38 =	vadd.s32 $0x4000, v7;
	[tilespmem:$0x18410] =	vst v11  }
0x47e: {  	v39 =	vadd.s32 $0x4000, v8;
	[tilespmem:$0x18420] =	vst v12  }
0x47f: {  	[tilespmem:$0x18430] =	vst v9  }
0x480: {  	v9 =	vld.idx.msk [tilespmem:v36+s18+$0x0], $0xffff  }
0x481: {  	v10 =	vld.idx.msk [tilespmem:v37+s18+$0x0], $0xffff  }
0x482: {  	v11 =	vld.idx.msk [tilespmem:v38+s18+$0x0], $0xffff  }
0x483: {  	v12 =	vld.idx.msk [tilespmem:v39+s18+$0x0], $0xffff  }
0x484: {  	v40 =	vadd.s32 $0x4080, v6  }
0x485: {  	v41 =	vadd.s32 $0x4080, v5;
	[tilespmem:$0x18480] =	vst v9  }
0x486: {  	v42 =	vadd.s32 $0x4080, v7;
	[tilespmem:$0x18490] =	vst v10  }
0x487: {  	v43 =	vadd.s32 $0x4080, v8;
	[tilespmem:$0x184A0] =	vst v11  }
0x488: {  	[tilespmem:$0x184B0] =	vst v12  }
0x489: {  	v12 =	vld.idx.msk [tilespmem:v40+s18+$0x0], $0xffff  }
0x48a: {  	v9 =	vld.idx.msk [tilespmem:v41+s18+$0x0], $0xffff  }
0x48b: {  	v10 =	vld.idx.msk [tilespmem:v42+s18+$0x0], $0xffff  }
0x48c: {  	v11 =	vld.idx.msk [tilespmem:v43+s18+$0x0], $0xffff  }
0x48d: {  	v44 =	vadd.s32 $0x4100, v6  }
0x48e: {  	v45 =	vadd.s32 $0x4100, v5;
	[tilespmem:$0x18500] =	vst v12  }
0x48f: {  	v46 =	vadd.s32 $0x4100, v7;
	[tilespmem:$0x18510] =	vst v9  }
0x490: {  	v47 =	vadd.s32 $0x4100, v8;
	[tilespmem:$0x18520] =	vst v10  }
0x491: {  	[tilespmem:$0x18530] =	vst v11  }
0x492: {  	v11 =	vld.idx.msk [tilespmem:v44+s18+$0x0], $0xffff  }
0x493: {  	v12 =	vld.idx.msk [tilespmem:v45+s18+$0x0], $0xffff  }
0x494: {  	v9 =	vld.idx.msk [tilespmem:v46+s18+$0x0], $0xffff  }
0x495: {  	v10 =	vld.idx.msk [tilespmem:v47+s18+$0x0], $0xffff  }
0x496: {  	v48 =	vadd.s32 $0x4180, v6  }
0x497: {  	v49 =	vadd.s32 $0x4180, v5;
	[tilespmem:$0x18580] =	vst v11  }
0x498: {  	v50 =	vadd.s32 $0x4180, v7;
	[tilespmem:$0x18590] =	vst v12  }
0x499: {  	v51 =	vadd.s32 $0x4180, v8;
	[tilespmem:$0x185A0] =	vst v9  }
0x49a: {  	[tilespmem:$0x185B0] =	vst v10  }
0x49b: {  	v10 =	vld.idx.msk [tilespmem:v48+s18+$0x0], $0xffff  }
0x49c: {  	v11 =	vld.idx.msk [tilespmem:v49+s18+$0x0], $0xffff  }
0x49d: {  	v12 =	vld.idx.msk [tilespmem:v50+s18+$0x0], $0xffff  }
0x49e: {  	v9 =	vld.idx.msk [tilespmem:v51+s18+$0x0], $0xffff  }
0x49f: {  	v52 =	vadd.s32 $0x4200, v6  }
0x4a0: {  	v53 =	vadd.s32 $0x4200, v5;
	[tilespmem:$0x18600] =	vst v10  }
0x4a1: {  	v54 =	vadd.s32 $0x4200, v7;
	[tilespmem:$0x18610] =	vst v11  }
0x4a2: {  	v55 =	vadd.s32 $0x4200, v8;
	[tilespmem:$0x18620] =	vst v12  }
0x4a3: {  	[tilespmem:$0x18630] =	vst v9  }
0x4a4: {  	v9 =	vld.idx.msk [tilespmem:v52+s18+$0x0], $0xffff  }
0x4a5: {  	v10 =	vld.idx.msk [tilespmem:v53+s18+$0x0], $0xffff  }
0x4a6: {  	v11 =	vld.idx.msk [tilespmem:v54+s18+$0x0], $0xffff  }
0x4a7: {  	v12 =	vld.idx.msk [tilespmem:v55+s18+$0x0], $0xffff  }
0x4a8: {  	v56 =	vadd.s32 $0x4280, v6  }
0x4a9: {  	v57 =	vadd.s32 $0x4280, v5;
	[tilespmem:$0x18680] =	vst v9  }
0x4aa: {  	v58 =	vadd.s32 $0x4280, v7;
	[tilespmem:$0x18690] =	vst v10  }
0x4ab: {  	v59 =	vadd.s32 $0x4280, v8;
	[tilespmem:$0x186A0] =	vst v11  }
0x4ac: {  	[tilespmem:$0x186B0] =	vst v12  }
0x4ad: {  	v12 =	vld.idx.msk [tilespmem:v56+s18+$0x0], $0xffff  }
0x4ae: {  	v9 =	vld.idx.msk [tilespmem:v57+s18+$0x0], $0xffff  }
0x4af: {  	v10 =	vld.idx.msk [tilespmem:v58+s18+$0x0], $0xffff  }
0x4b0: {  	v11 =	vld.idx.msk [tilespmem:v59+s18+$0x0], $0xffff  }
0x4b1: {  	v60 =	vadd.s32 $0x4300, v6  }
0x4b2: {  	v61 =	vadd.s32 $0x4300, v5;
	[tilespmem:$0x18700] =	vst v12  }
0x4b3: {  	v62 =	vadd.s32 $0x4300, v7;
	[tilespmem:$0x18710] =	vst v9  }
0x4b4: {  	v63 =	vadd.s32 $0x4300, v8;
	[tilespmem:$0x18720] =	vst v10  }
0x4b5: {  	[tilespmem:$0x18730] =	vst v11  }
0x4b6: {  	v11 =	vld.idx.msk [tilespmem:v60+s18+$0x0], $0xffff  }
0x4b7: {  	v12 =	vld.idx.msk [tilespmem:v61+s18+$0x0], $0xffff  }
0x4b8: {  	v9 =	vld.idx.msk [tilespmem:v62+s18+$0x0], $0xffff  }
0x4b9: {  	v10 =	vld.idx.msk [tilespmem:v63+s18+$0x0], $0xffff  }
0x4ba: {  	v6 =	vadd.s32 $0x4380, v6  }
0x4bb: {  	v5 =	vadd.s32 $0x4380, v5;
	[tilespmem:$0x18780] =	vst v11  }
0x4bc: {  	v7 =	vadd.s32 $0x4380, v7;
	[tilespmem:$0x18790] =	vst v12  }
0x4bd: {  	v8 =	vadd.s32 $0x4380, v8;
	[tilespmem:$0x187A0] =	vst v9  }
0x4be: {  	[tilespmem:$0x187B0] =	vst v10  }
0x4bf: {  	v6 =	vld.idx.msk [tilespmem:v6+s18+$0x0], $0xffff  }
0x4c0: {  	v5 =	vld.idx.msk [tilespmem:v5+s18+$0x0], $0xffff  }
0x4c1: {  	v7 =	vld.idx.msk [tilespmem:v7+s18+$0x0], $0xffff  }
0x4c2: {  	v8 =	vld.idx.msk [tilespmem:v8+s18+$0x0], $0xffff;
	_ =	sdelay $0x1  }
.Ltmp47:
0x4c3: {  	[tilespmem:$0x18800] =	vst v6;
	(pc) =	sbr.rel @p1 .LBB2_62-.Ltmp47, $4  }
0x4c4: {  	[tilespmem:$0x18810] =	vst v5  }
0x4c5: {  	[tilespmem:$0x18820] =	vst v7  }
0x4c6: {  	s30 =	rddreg [dreg:$0x6];
	[tilespmem:$0x18830] =	vst v8  }
0x4c7: {  	[hbm4b:s30+s4] =	stream.linear.scatter [tilespmem:s22], [sflag:$0x4], $0x800, $0x38;
	[tilespmem:$0x19880] =	vst v63  }
.Ltmp48:
0x4c8: {  	(pc) =	sbr.rel @!p0 .LBB2_52-.Ltmp48, $1  }
0x4c9: {  	_ =	sdelay $0x3  }
0x4ca: {  	p0 =	sne.s32 s0, $0x1  }
.Ltmp49:
0x4cb: {  	_ = 	snop;
	(pc) =	sbr.rel @!p0 .LBB2_51-.Ltmp49, $3  }
0x4cc: {  	_ =	sdelay $0x1  }
0x4cd: {  	_ =	swait.ge [sflag:s23], $0x800  }
0x4ce: {  	s0 =	sadd.s32 $0xFFFFFFFF, s0;
	[sflag:s23] =	ssyncset.done $0x0  }
.LBB2_50:
0x4cf: {  	p0 =	sne.s32 s0, $0x1;
	s0 =	sadd.s32 $0xFFFFFFFF, s0;
	[sflag:s23] =	ssyncadd.s32 $0xFFFFF800  }
.Ltmp50:
0x4d0: {  	(pc) =	sbr.rel @p0 .LBB2_50-.Ltmp50, $3  }
0x4d1: {  	_ =	sdelay $0x1  }
0x4d2: {  	_ =	swait.ge [sflag:s23], $0x800  }
0x4d3: {  	[sflag:s23] =	ssyncset.done $0x0  }
.LBB2_51:
.Ltmp51:
0x4d4: {  	(pc) =	sbr.rel .LBB2_52-.Ltmp51, $2  }
0x4d5: {  	_ =	sdelay $0x2  }
0x4d6: {  	[sflag:s23] =	ssyncadd.s32 $0xFFFFF800  }
.LBB2_53:
0x4d7: {  	_ =	sfence.sel $0x180000  }
0x4d8: {  	[bflag:$0x0] =	sbarrier.arrive $0xFFFF  }
0x4d9: {  	_ =	strace $0x90000047  }
0x4da: {  	s0 =	stileid.u32;
	[bflag:$0x2] =	sbarrier.arrive $0xFFFF  }
0x4db: {  	p0 =	sne.s32 s0, $0x0;
	s0 =	rddreg [dreg:$0x3]  }
0x4dc: {  	s0 =	sadd.s32 @!p0 $0x100000, s0  }
0x4dd: {  	[sflag:s0] =	ssyncadd.tile.s32 @!p0 $0x1;
	_ =	shalt  }
.Lfunc_end2:
_tile_overlayer_lowered:
.L_overlay_start_2:
0x4de: {  	(tag) =	ssettag $0x2  }
0x4df: {  	s0 =	rddreg [dreg:$0x0];
	s2 =	stileid.u32  }
0x4e0: {  	s1 =	rddreg [dreg:$0x1];
	p0 =	sne.s32 s2, $0x0  }
0x4e1: {  	s3 =	rddreg [dreg:$0x2];
	[bflag:$0x3] =	sbarrier.arrive $0xFFFF;
	s2 =	simm.s32 @!p0 $0x1C07  }
0x4e2: {  	[timem:s3], [sflag:s2] =	dma.local @!p0 [hbm:s0], s1  }
0x4e3: {  	s0 =	simm.s32 @!p0 $0x7  }
0x4e4: {  	_ =	swait.ge @!p0 [sflag:s0], s1  }
0x4e5: {  	s1 =	ssub.s32 @!p0 $0x0, s1;
	[sflag:s0] =	ssyncset.done @!p0 $0x0  }
0x4e6: {  	[sflag:s0] =	ssyncadd.s32 @!p0 s1  }
0x4e7: {  	[bflag:$0x3] =	sbarrier.arrive $0xFFFF  }
0x4e8: {  	_ =	shalt  }

</sc_bundles>
